<compile_context>
chip_gen: v7x
topology: tpu7x:2x2x1
jax: 0.10.2.dev20260603
libtpu: 0.0.44.dev20260713+nightly
codegen_flags: <defaults>
</compile_context>

<pallas_src>
import functools

import jax
import jax.numpy as jnp
from jax import lax
from jax.experimental import pallas as pl
from jax.experimental.pallas import tpu as pltpu
from jax.experimental.pallas import tpu_sc as plsc

NC = 2
NS = 16
L = 16

C = 40
NPHASE = 8
NCHUNK = 64
EPT = C * NCHUNK * NPHASE
E_PAD = NS * EPT
ACC_ROWS = 10240


def _sc_aggregate(x, src, dst, n_nodes, d_feat):
  rows_per_tile = ACC_ROWS // NS

  mesh = plsc.VectorSubcoreMesh(
      core_axis_name="c", subcore_axis_name="s", num_cores=NC)

  @functools.partial(
      pl.kernel,
      mesh=mesh,
      out_type=(
          jax.ShapeDtypeStruct((ACC_ROWS, d_feat), jnp.float32),
          jax.ShapeDtypeStruct((ACC_ROWS, d_feat), jnp.float32),
      ),
      scratch_types=[
          pltpu.VMEM((NCHUNK, C), jnp.int32),
          pltpu.VMEM((NCHUNK, C), jnp.int32),
          pltpu.VMEM((C, d_feat), jnp.float32),
          pltpu.VMEM((C, d_feat), jnp.float32),
          pltpu.VMEM((C, d_feat), jnp.float32),
          pltpu.VMEM((C, d_feat), jnp.float32),
          pltpu.VMEM_SHARED((ACC_ROWS, d_feat), jnp.float32),
          [pltpu.SemaphoreType.DMA] * 4,
          [pltpu.SemaphoreType.DMA] * 4,
      ],
  )
  def k(x_hbm, src_hbm, dst_hbm, sums_hbm, cnts_hbm,
        src_v, dst_v, rows0, rows1, rows2, rows3, acc_sh, gsems, ssems):
    cid = lax.axis_index("c")
    sid = lax.axis_index("s")
    abase = sid * rows_per_tile

    def fill_rows0(val):
      @pl.loop(0, C)
      def _(r):
        for cc in range(d_feat // L):
          rows0[r, pl.ds(cc * L, L)] = jnp.full((L,), val, jnp.float32)

    def zero_acc():
      nfull = rows_per_tile // C
      for b in range(nfull):
        pltpu.sync_copy(rows0, acc_sh.at[pl.ds(abase + b * C, C)])
      rem = rows_per_tile - nfull * C
      if rem:
        pltpu.sync_copy(rows0.at[pl.ds(0, rem)],
                        acc_sh.at[pl.ds(abase + nfull * C, rem)])

    fill_rows0(0.0)
    zero_acc()

    plsc.subcore_barrier()

    bufs = (rows0, rows1, rows2, rows3)

    def gather_start(cix, b):
      pltpu.async_copy(x_hbm.at[src_v.at[cix]], bufs[b], gsems[b])

    def gather_wait(cix, b):
      pltpu.make_async_copy(x_hbm.at[src_v.at[cix]], bufs[b], gsems[b]).wait()

    def scatter_start(cix, b):
      pltpu.async_copy(bufs[b], acc_sh.at[dst_v.at[cix]], ssems[b], add=True)

    def scatter_wait(cix, b):
      pltpu.make_async_copy(
          bufs[b], acc_sh.at[dst_v.at[cix]], ssems[b]).wait()

    @pl.when(cid == 0)
    def _():
      for p in range(NPHASE):
        pltpu.sync_copy(dst_hbm.at[sid * NPHASE + p], dst_v)
        pltpu.sync_copy(src_hbm.at[sid * NPHASE + p], src_v)

        gather_start(0, 0)
        gather_start(1, 1)
        gather_start(2, 2)

        @pl.loop(0, NCHUNK, step=4)
        def _(j):
          for b in range(4):
            cix = j + b
            b3 = (b + 3) % 4
            nxt = cix + 3

            @pl.when(nxt < NCHUNK)
            def _():
              @pl.when(cix >= 1)
              def _():
                scatter_wait(cix - 1, b3)

              gather_start(nxt, b3)

            gather_wait(cix, b)
            scatter_start(cix, b)

        for b in range(4):
          cix = NCHUNK - 4 + b
          scatter_wait(cix, cix % 4)

      plsc.subcore_barrier()
      pltpu.sync_copy(acc_sh.at[pl.ds(abase, rows_per_tile)],
                      sums_hbm.at[pl.ds(abase, rows_per_tile)])

    @pl.when(cid == 1)
    def _():
      fill_rows0(1.0)
      for p in range(NPHASE):
        pltpu.sync_copy(dst_hbm.at[sid * NPHASE + p], dst_v)

        @pl.loop(0, NCHUNK)
        def _(j):
          pltpu.sync_copy(rows0, acc_sh.at[dst_v.at[j]], add=True)

      plsc.subcore_barrier()
      pltpu.sync_copy(acc_sh.at[pl.ds(abase, rows_per_tile)],
                      cnts_hbm.at[pl.ds(abase, rows_per_tile)])

  return k(x, src, dst)


def _finalize(agg, n_nodes, d_feat):
  rb = 1000
  grid = n_nodes // rb

  def body(s_ref, c_ref, o_ref):
    cnt = c_ref[:, 0:1]
    o_ref[...] = s_ref[...] / jnp.maximum(cnt, 1.0)

  return pl.pallas_call(
      body,
      grid=(grid,),
      in_specs=[pl.BlockSpec((rb, d_feat), lambda i: (i, 0)),
                pl.BlockSpec((rb, d_feat), lambda i: (i, 0))],
      out_specs=pl.BlockSpec((rb, d_feat), lambda i: (i, 0)),
      out_shape=jax.ShapeDtypeStruct((n_nodes, d_feat), jnp.float32),
  )(*agg)


@jax.jit
def kernel(x, edge_index):
  n_nodes, d_feat = x.shape
  n_edges = edge_index.shape[1]

  ei = edge_index.astype(jnp.int32)
  pad = E_PAD - n_edges
  src = jnp.concatenate([ei[0], jnp.zeros((pad,), jnp.int32)])
  dst = jnp.concatenate([ei[1], jnp.full((pad,), n_nodes, jnp.int32)])
  src = src.reshape(NS * NPHASE, NCHUNK, C)
  dst = dst.reshape(NS * NPHASE, NCHUNK, C)

  agg = _sc_aggregate(x, src, dst, n_nodes, d_feat)
  return _finalize(agg, n_nodes, d_feat)

# --- scband reference (transcript-rebuilt; emitter-appended) ---
"""Pipeline reference for scband-message-passing-72610717106528 (READ-ONLY COPY).

The authoritative reference and input builder live on the scoring server;
editing this copy changes nothing except your own understanding.
"""

import jax, jax.numpy as jnp
import numpy as np

N_NODES = 10000
N_EDGES = 320000
D_FEAT = 128

def setup_inputs(seed: int = 0) -> dict:
    key = jax.random.key(seed)
    k1, k2 = jax.random.split(key)
    x = jax.random.normal(k1, (N_NODES, D_FEAT), dtype=jnp.float32)
    edge_index = jax.random.randint(k2, (2, N_EDGES), 0, N_NODES, dtype=jnp.int64 if jax.config.jax_enable_x64 else jnp.int32).astype(jnp.int32)
    return {"x": x, "edge_index": edge_index}

def reference(x, edge_index):
    # MessagePassing with aggr='mean':
    # gather source features, segment-sum over target idx, divide by clamped counts
    edge_index = edge_index.astype(jnp.int32)
    source_node_idx = edge_index[0]
    target_node_idx = edge_index[1]
    N = x.shape[0]
    x_j = jnp.take(x, source_node_idx, axis=0)  # messages = x_j (default message fn)
    seg_sum = jax.ops.segment_sum(x_j, target_node_idx, num_segments=N)
    ones = jnp.ones((x_j.shape[0], 1), dtype=x.dtype)
    seg_cnt = jax.ops.segment_sum(ones, target_node_idx, num_segments=N)
    out = seg_sum / jnp.maximum(seg_cnt, jnp.ones_like(seg_cnt))
    return out

if __name__ == "__main__":
    import jax
    _d = setup_inputs()
    print(jax.jit(kernel)(*tuple(_d.values())))

</pallas_src>

<mosaic_0001>
#map = affine_map<(d0, d1) -> (0, 0)>
#map1 = affine_map<(d0, d1) -> (0, 0, 0)>
module attributes {stable_mosaic.version = 14 : i64} {
  func.func @k(%arg0: i32, %arg1: i32, %arg2: memref<10000x128xf32, #tpu.memory_space<hbm>>, %arg3: memref<128x64x40xi32, #tpu.memory_space<hbm>>, %arg4: memref<128x64x40xi32, #tpu.memory_space<hbm>>, %arg5: memref<10240x128xf32, #tpu.memory_space<hbm>>, %arg6: memref<10240x128xf32, #tpu.memory_space<hbm>>, %arg7: memref<64x40xi32, #tpu.memory_space<vmem>>, %arg8: memref<64x40xi32, #tpu.memory_space<vmem>>, %arg9: memref<40x128xf32, #tpu.memory_space<vmem>>, %arg10: memref<40x128xf32, #tpu.memory_space<vmem>>, %arg11: memref<40x128xf32, #tpu.memory_space<vmem>>, %arg12: memref<40x128xf32, #tpu.memory_space<vmem>>, %arg13: memref<10240x128xf32, #tpu.memory_space<vmem_shared>>, %arg14: memref<!tpu.dma_semaphore, #tpu.memory_space<semaphore_mem>>, %arg15: memref<!tpu.dma_semaphore, #tpu.memory_space<semaphore_mem>>, %arg16: memref<!tpu.dma_semaphore, #tpu.memory_space<semaphore_mem>>, %arg17: memref<!tpu.dma_semaphore, #tpu.memory_space<semaphore_mem>>, %arg18: memref<!tpu.dma_semaphore, #tpu.memory_space<semaphore_mem>>, %arg19: memref<!tpu.dma_semaphore, #tpu.memory_space<semaphore_mem>>, %arg20: memref<!tpu.dma_semaphore, #tpu.memory_space<semaphore_mem>>, %arg21: memref<!tpu.dma_semaphore, #tpu.memory_space<semaphore_mem>>) attributes {dimension_semantics = [#tpu.dimension_semantics<core_parallel>, #tpu.dimension_semantics<subcore_parallel>], iteration_bounds = array<i64: 2, 16>, scalar_prefetch = 0 : i64, scratch_operands = 15 : i64, tpu.core_type = #tpu.core_type<sc_vector_subcore>, window_params = [{transform_indices = #map}, {transform_indices = #map1}, {transform_indices = #map1}, {transform_indices = #map}, {transform_indices = #map}]} {
    %mul3A = arith.constant 640 : i32
    %mul3A_0 = arith.muli %arg1, %mul3A : i32
    %scan3A = arith.constant 0 : i32
    %scan3A_1 = arith.constant 40 : i32
    %scan3A_2 = arith.addi %scan3A, %scan3A_1 : i32
    %scan3A_3 = arith.constant 1 : i32
    scf.for %scan3A_43 = %scan3A to %scan3A_2 step %scan3A_3  : i32 {
      %mul3A_44 = arith.constant 1 : i32
      %mul3A_45 = arith.muli %scan3A_43, %mul3A_44 : i32
      %add3A_46 = arith.constant 0 : i32
      %add3A_47 = arith.addi %add3A_46, %mul3A_45 : i32
      %broadcast_in_dim3A = arith.constant 0.000000e+00 : f32
      %broadcast_in_dim3A_48 = vector.broadcast %broadcast_in_dim3A : f32 to vector<16xf32>
      %swap3A = arith.index_cast %add3A_47 : i32 to index
      %swap3A_49 = arith.constant 0 : index
      %swap3A_50 = tpu.vector_load %arg9[%swap3A, %swap3A_49] {strides = array<i32>} : memref<40x128xf32, #tpu.memory_space<vmem>>, vector<1x16xf32>,
      %swap3A_51 = vector.shape_cast %swap3A_50 : vector<1x16xf32> to vector<16xf32>
      %swap3A_52 = vector.shape_cast %broadcast_in_dim3A_48 : vector<16xf32> to vector<1x16xf32>
      tpu.vector_store %arg9[%swap3A, %swap3A_49], %swap3A_52 {strides = array<i32>} : memref<40x128xf32, #tpu.memory_space<vmem>>, vector<1x16xf32>,
      %broadcast_in_dim3A_53 = arith.constant 0.000000e+00 : f32
      %broadcast_in_dim3A_54 = vector.broadcast %broadcast_in_dim3A_53 : f32 to vector<16xf32>
      %swap3A_55 = arith.index_cast %add3A_47 : i32 to index
      %swap3A_56 = arith.constant 16 : index
      %swap3A_57 = tpu.vector_load %arg9[%swap3A_55, %swap3A_56] {strides = array<i32>} : memref<40x128xf32, #tpu.memory_space<vmem>>, vector<1x16xf32>,
      %swap3A_58 = vector.shape_cast %swap3A_57 : vector<1x16xf32> to vector<16xf32>
      %swap3A_59 = vector.shape_cast %broadcast_in_dim3A_54 : vector<16xf32> to vector<1x16xf32>
      tpu.vector_store %arg9[%swap3A_55, %swap3A_56], %swap3A_59 {strides = array<i32>} : memref<40x128xf32, #tpu.memory_space<vmem>>, vector<1x16xf32>,
      %broadcast_in_dim3A_60 = arith.constant 0.000000e+00 : f32
      %broadcast_in_dim3A_61 = vector.broadcast %broadcast_in_dim3A_60 : f32 to vector<16xf32>
      %swap3A_62 = arith.index_cast %add3A_47 : i32 to index
      %swap3A_63 = arith.constant 32 : index
      %swap3A_64 = tpu.vector_load %arg9[%swap3A_62, %swap3A_63] {strides = array<i32>} : memref<40x128xf32, #tpu.memory_space<vmem>>, vector<1x16xf32>,
      %swap3A_65 = vector.shape_cast %swap3A_64 : vector<1x16xf32> to vector<16xf32>
      %swap3A_66 = vector.shape_cast %broadcast_in_dim3A_61 : vector<16xf32> to vector<1x16xf32>
      tpu.vector_store %arg9[%swap3A_62, %swap3A_63], %swap3A_66 {strides = array<i32>} : memref<40x128xf32, #tpu.memory_space<vmem>>, vector<1x16xf32>,
      %broadcast_in_dim3A_67 = arith.constant 0.000000e+00 : f32
      %broadcast_in_dim3A_68 = vector.broadcast %broadcast_in_dim3A_67 : f32 to vector<16xf32>
      %swap3A_69 = arith.index_cast %add3A_47 : i32 to index
      %swap3A_70 = arith.constant 48 : index
      %swap3A_71 = tpu.vector_load %arg9[%swap3A_69, %swap3A_70] {strides = array<i32>} : memref<40x128xf32, #tpu.memory_space<vmem>>, vector<1x16xf32>,
      %swap3A_72 = vector.shape_cast %swap3A_71 : vector<1x16xf32> to vector<16xf32>
      %swap3A_73 = vector.shape_cast %broadcast_in_dim3A_68 : vector<16xf32> to vector<1x16xf32>
      tpu.vector_store %arg9[%swap3A_69, %swap3A_70], %swap3A_73 {strides = array<i32>} : memref<40x128xf32, #tpu.memory_space<vmem>>, vector<1x16xf32>,
      %broadcast_in_dim3A_74 = arith.constant 0.000000e+00 : f32
      %broadcast_in_dim3A_75 = vector.broadcast %broadcast_in_dim3A_74 : f32 to vector<16xf32>
      %swap3A_76 = arith.index_cast %add3A_47 : i32 to index
      %swap3A_77 = arith.constant 64 : index
      %swap3A_78 = tpu.vector_load %arg9[%swap3A_76, %swap3A_77] {strides = array<i32>} : memref<40x128xf32, #tpu.memory_space<vmem>>, vector<1x16xf32>,
      %swap3A_79 = vector.shape_cast %swap3A_78 : vector<1x16xf32> to vector<16xf32>
      %swap3A_80 = vector.shape_cast %broadcast_in_dim3A_75 : vector<16xf32> to vector<1x16xf32>
      tpu.vector_store %arg9[%swap3A_76, %swap3A_77], %swap3A_80 {strides = array<i32>} : memref<40x128xf32, #tpu.memory_space<vmem>>, vector<1x16xf32>,
      %broadcast_in_dim3A_81 = arith.constant 0.000000e+00 : f32
      %broadcast_in_dim3A_82 = vector.broadcast %broadcast_in_dim3A_81 : f32 to vector<16xf32>
      %swap3A_83 = arith.index_cast %add3A_47 : i32 to index
      %swap3A_84 = arith.constant 80 : index
      %swap3A_85 = tpu.vector_load %arg9[%swap3A_83, %swap3A_84] {strides = array<i32>} : memref<40x128xf32, #tpu.memory_space<vmem>>, vector<1x16xf32>,
      %swap3A_86 = vector.shape_cast %swap3A_85 : vector<1x16xf32> to vector<16xf32>
      %swap3A_87 = vector.shape_cast %broadcast_in_dim3A_82 : vector<16xf32> to vector<1x16xf32>
      tpu.vector_store %arg9[%swap3A_83, %swap3A_84], %swap3A_87 {strides = array<i32>} : memref<40x128xf32, #tpu.memory_space<vmem>>, vector<1x16xf32>,
      %broadcast_in_dim3A_88 = arith.constant 0.000000e+00 : f32
      %broadcast_in_dim3A_89 = vector.broadcast %broadcast_in_dim3A_88 : f32 to vector<16xf32>
      %swap3A_90 = arith.index_cast %add3A_47 : i32 to index
      %swap3A_91 = arith.constant 96 : index
      %swap3A_92 = tpu.vector_load %arg9[%swap3A_90, %swap3A_91] {strides = array<i32>} : memref<40x128xf32, #tpu.memory_space<vmem>>, vector<1x16xf32>,
      %swap3A_93 = vector.shape_cast %swap3A_92 : vector<1x16xf32> to vector<16xf32>
      %swap3A_94 = vector.shape_cast %broadcast_in_dim3A_89 : vector<16xf32> to vector<1x16xf32>
      tpu.vector_store %arg9[%swap3A_90, %swap3A_91], %swap3A_94 {strides = array<i32>} : memref<40x128xf32, #tpu.memory_space<vmem>>, vector<1x16xf32>,
      %broadcast_in_dim3A_95 = arith.constant 0.000000e+00 : f32
      %broadcast_in_dim3A_96 = vector.broadcast %broadcast_in_dim3A_95 : f32 to vector<16xf32>
      %swap3A_97 = arith.index_cast %add3A_47 : i32 to index
      %swap3A_98 = arith.constant 112 : index
      %swap3A_99 = tpu.vector_load %arg9[%swap3A_97, %swap3A_98] {strides = array<i32>} : memref<40x128xf32, #tpu.memory_space<vmem>>, vector<1x16xf32>,
      %swap3A_100 = vector.shape_cast %swap3A_99 : vector<1x16xf32> to vector<16xf32>
      %swap3A_101 = vector.shape_cast %broadcast_in_dim3A_96 : vector<16xf32> to vector<1x16xf32>
      tpu.vector_store %arg9[%swap3A_97, %swap3A_98], %swap3A_101 {strides = array<i32>} : memref<40x128xf32, #tpu.memory_space<vmem>>, vector<1x16xf32>,
    }
    %scan3A_4 = arith.constant 40 : i32
    %add3A = arith.constant 0 : i32
    %add3A_5 = arith.addi %mul3A_0, %add3A : i32
    "tpu.region"() ({
      %run_scoped3A = tpu.sem_alloc : memref<!tpu.dma_semaphore, #tpu.memory_space<semaphore_mem>>
      %dma_start3A = arith.constant 0 : i32
      %dma_start3A_43 = tpu.memref_slice %arg13[%add3A_5, %dma_start3A] : memref<10240x128xf32, #tpu.memory_space<vmem_shared>> -> memref<40x128xf32, #tpu.memory_space<vmem_shared>>
      %dma_start3A_44 = arith.constant 0 : i32
      %dma_start3A_45 = tpu.memref_slice %arg13[%add3A_5, %dma_start3A_44] : memref<10240x128xf32, #tpu.memory_space<vmem_shared>> -> memref<40x128xf32, #tpu.memory_space<vmem_shared>>
      tpu.enqueue_dma source(%arg9 : memref<40x128xf32, #tpu.memory_space<vmem>>) target(%dma_start3A_45 : memref<40x128xf32, #tpu.memory_space<vmem_shared>>) target_semaphore(%run_scoped3A : memref<!tpu.dma_semaphore, #tpu.memory_space<semaphore_mem>>)
      %dma_wait3A = arith.constant 0 : i32
      %dma_wait3A_46 = tpu.memref_slice %arg13[%add3A_5, %dma_wait3A] : memref<10240x128xf32, #tpu.memory_space<vmem_shared>> -> memref<40x128xf32, #tpu.memory_space<vmem_shared>>
      %dma_wait3A_47 = arith.constant 0 : i32
      %dma_wait3A_48 = tpu.memref_slice %arg13[%add3A_5, %dma_wait3A_47] : memref<10240x128xf32, #tpu.memory_space<vmem_shared>> -> memref<40x128xf32, #tpu.memory_space<vmem_shared>>
      tpu.wait_dma2 semaphore(%run_scoped3A : memref<!tpu.dma_semaphore, #tpu.memory_space<semaphore_mem>>) src(%arg9 : memref<40x128xf32, #tpu.memory_space<vmem>>) dst(%dma_wait3A_48 : memref<40x128xf32, #tpu.memory_space<vmem_shared>>)
      tpu.yield
    }) : () -> ()
    %add3A_6 = arith.constant 40 : i32
    %add3A_7 = arith.addi %mul3A_0, %add3A_6 : i32
    "tpu.region"() ({
      %run_scoped3A = tpu.sem_alloc : memref<!tpu.dma_semaphore, #tpu.memory_space<semaphore_mem>>
      %dma_start3A = arith.constant 0 : i32
      %dma_start3A_43 = tpu.memref_slice %arg13[%add3A_7, %dma_start3A] : memref<10240x128xf32, #tpu.memory_space<vmem_shared>> -> memref<40x128xf32, #tpu.memory_space<vmem_shared>>
      %dma_start3A_44 = arith.constant 0 : i32
      %dma_start3A_45 = tpu.memref_slice %arg13[%add3A_7, %dma_start3A_44] : memref<10240x128xf32, #tpu.memory_space<vmem_shared>> -> memref<40x128xf32, #tpu.memory_space<vmem_shared>>
      tpu.enqueue_dma source(%arg9 : memref<40x128xf32, #tpu.memory_space<vmem>>) target(%dma_start3A_45 : memref<40x128xf32, #tpu.memory_space<vmem_shared>>) target_semaphore(%run_scoped3A : memref<!tpu.dma_semaphore, #tpu.memory_space<semaphore_mem>>)
      %dma_wait3A = arith.constant 0 : i32
      %dma_wait3A_46 = tpu.memref_slice %arg13[%add3A_7, %dma_wait3A] : memref<10240x128xf32, #tpu.memory_space<vmem_shared>> -> memref<40x128xf32, #tpu.memory_space<vmem_shared>>
      %dma_wait3A_47 = arith.constant 0 : i32
      %dma_wait3A_48 = tpu.memref_slice %arg13[%add3A_7, %dma_wait3A_47] : memref<10240x128xf32, #tpu.memory_space<vmem_shared>> -> memref<40x128xf32, #tpu.memory_space<vmem_shared>>
      tpu.wait_dma2 semaphore(%run_scoped3A : memref<!tpu.dma_semaphore, #tpu.memory_space<semaphore_mem>>) src(%arg9 : memref<40x128xf32, #tpu.memory_space<vmem>>) dst(%dma_wait3A_48 : memref<40x128xf32, #tpu.memory_space<vmem_shared>>)
      tpu.yield
    }) : () -> ()
    %add3A_8 = arith.constant 80 : i32
    %add3A_9 = arith.addi %mul3A_0, %add3A_8 : i32
    "tpu.region"() ({
      %run_scoped3A = tpu.sem_alloc : memref<!tpu.dma_semaphore, #tpu.memory_space<semaphore_mem>>
      %dma_start3A = arith.constant 0 : i32
      %dma_start3A_43 = tpu.memref_slice %arg13[%add3A_9, %dma_start3A] : memref<10240x128xf32, #tpu.memory_space<vmem_shared>> -> memref<40x128xf32, #tpu.memory_space<vmem_shared>>
      %dma_start3A_44 = arith.constant 0 : i32
      %dma_start3A_45 = tpu.memref_slice %arg13[%add3A_9, %dma_start3A_44] : memref<10240x128xf32, #tpu.memory_space<vmem_shared>> -> memref<40x128xf32, #tpu.memory_space<vmem_shared>>
      tpu.enqueue_dma source(%arg9 : memref<40x128xf32, #tpu.memory_space<vmem>>) target(%dma_start3A_45 : memref<40x128xf32, #tpu.memory_space<vmem_shared>>) target_semaphore(%run_scoped3A : memref<!tpu.dma_semaphore, #tpu.memory_space<semaphore_mem>>)
      %dma_wait3A = arith.constant 0 : i32
      %dma_wait3A_46 = tpu.memref_slice %arg13[%add3A_9, %dma_wait3A] : memref<10240x128xf32, #tpu.memory_space<vmem_shared>> -> memref<40x128xf32, #tpu.memory_space<vmem_shared>>
      %dma_wait3A_47 = arith.constant 0 : i32
      %dma_wait3A_48 = tpu.memref_slice %arg13[%add3A_9, %dma_wait3A_47] : memref<10240x128xf32, #tpu.memory_space<vmem_shared>> -> memref<40x128xf32, #tpu.memory_space<vmem_shared>>
      tpu.wait_dma2 semaphore(%run_scoped3A : memref<!tpu.dma_semaphore, #tpu.memory_space<semaphore_mem>>) src(%arg9 : memref<40x128xf32, #tpu.memory_space<vmem>>) dst(%dma_wait3A_48 : memref<40x128xf32, #tpu.memory_space<vmem_shared>>)
      tpu.yield
    }) : () -> ()
    %add3A_10 = arith.constant 120 : i32
    %add3A_11 = arith.addi %mul3A_0, %add3A_10 : i32
    "tpu.region"() ({
      %run_scoped3A = tpu.sem_alloc : memref<!tpu.dma_semaphore, #tpu.memory_space<semaphore_mem>>
      %dma_start3A = arith.constant 0 : i32
      %dma_start3A_43 = tpu.memref_slice %arg13[%add3A_11, %dma_start3A] : memref<10240x128xf32, #tpu.memory_space<vmem_shared>> -> memref<40x128xf32, #tpu.memory_space<vmem_shared>>
      %dma_start3A_44 = arith.constant 0 : i32
      %dma_start3A_45 = tpu.memref_slice %arg13[%add3A_11, %dma_start3A_44] : memref<10240x128xf32, #tpu.memory_space<vmem_shared>> -> memref<40x128xf32, #tpu.memory_space<vmem_shared>>
      tpu.enqueue_dma source(%arg9 : memref<40x128xf32, #tpu.memory_space<vmem>>) target(%dma_start3A_45 : memref<40x128xf32, #tpu.memory_space<vmem_shared>>) target_semaphore(%run_scoped3A : memref<!tpu.dma_semaphore, #tpu.memory_space<semaphore_mem>>)
      %dma_wait3A = arith.constant 0 : i32
      %dma_wait3A_46 = tpu.memref_slice %arg13[%add3A_11, %dma_wait3A] : memref<10240x128xf32, #tpu.memory_space<vmem_shared>> -> memref<40x128xf32, #tpu.memory_space<vmem_shared>>
      %dma_wait3A_47 = arith.constant 0 : i32
      %dma_wait3A_48 = tpu.memref_slice %arg13[%add3A_11, %dma_wait3A_47] : memref<10240x128xf32, #tpu.memory_space<vmem_shared>> -> memref<40x128xf32, #tpu.memory_space<vmem_shared>>
      tpu.wait_dma2 semaphore(%run_scoped3A : memref<!tpu.dma_semaphore, #tpu.memory_space<semaphore_mem>>) src(%arg9 : memref<40x128xf32, #tpu.memory_space<vmem>>) dst(%dma_wait3A_48 : memref<40x128xf32, #tpu.memory_space<vmem_shared>>)
      tpu.yield
    }) : () -> ()
    %add3A_12 = arith.constant 160 : i32
    %add3A_13 = arith.addi %mul3A_0, %add3A_12 : i32
    "tpu.region"() ({
      %run_scoped3A = tpu.sem_alloc : memref<!tpu.dma_semaphore, #tpu.memory_space<semaphore_mem>>
      %dma_start3A = arith.constant 0 : i32
      %dma_start3A_43 = tpu.memref_slice %arg13[%add3A_13, %dma_start3A] : memref<10240x128xf32, #tpu.memory_space<vmem_shared>> -> memref<40x128xf32, #tpu.memory_space<vmem_shared>>
      %dma_start3A_44 = arith.constant 0 : i32
      %dma_start3A_45 = tpu.memref_slice %arg13[%add3A_13, %dma_start3A_44] : memref<10240x128xf32, #tpu.memory_space<vmem_shared>> -> memref<40x128xf32, #tpu.memory_space<vmem_shared>>
      tpu.enqueue_dma source(%arg9 : memref<40x128xf32, #tpu.memory_space<vmem>>) target(%dma_start3A_45 : memref<40x128xf32, #tpu.memory_space<vmem_shared>>) target_semaphore(%run_scoped3A : memref<!tpu.dma_semaphore, #tpu.memory_space<semaphore_mem>>)
      %dma_wait3A = arith.constant 0 : i32
      %dma_wait3A_46 = tpu.memref_slice %arg13[%add3A_13, %dma_wait3A] : memref<10240x128xf32, #tpu.memory_space<vmem_shared>> -> memref<40x128xf32, #tpu.memory_space<vmem_shared>>
      %dma_wait3A_47 = arith.constant 0 : i32
      %dma_wait3A_48 = tpu.memref_slice %arg13[%add3A_13, %dma_wait3A_47] : memref<10240x128xf32, #tpu.memory_space<vmem_shared>> -> memref<40x128xf32, #tpu.memory_space<vmem_shared>>
      tpu.wait_dma2 semaphore(%run_scoped3A : memref<!tpu.dma_semaphore, #tpu.memory_space<semaphore_mem>>) src(%arg9 : memref<40x128xf32, #tpu.memory_space<vmem>>) dst(%dma_wait3A_48 : memref<40x128xf32, #tpu.memory_space<vmem_shared>>)
      tpu.yield
    }) : () -> ()
    %add3A_14 = arith.constant 200 : i32
    %add3A_15 = arith.addi %mul3A_0, %add3A_14 : i32
    "tpu.region"() ({
      %run_scoped3A = tpu.sem_alloc : memref<!tpu.dma_semaphore, #tpu.memory_space<semaphore_mem>>
      %dma_start3A = arith.constant 0 : i32
      %dma_start3A_43 = tpu.memref_slice %arg13[%add3A_15, %dma_start3A] : memref<10240x128xf32, #tpu.memory_space<vmem_shared>> -> memref<40x128xf32, #tpu.memory_space<vmem_shared>>
      %dma_start3A_44 = arith.constant 0 : i32
      %dma_start3A_45 = tpu.memref_slice %arg13[%add3A_15, %dma_start3A_44] : memref<10240x128xf32, #tpu.memory_space<vmem_shared>> -> memref<40x128xf32, #tpu.memory_space<vmem_shared>>
      tpu.enqueue_dma source(%arg9 : memref<40x128xf32, #tpu.memory_space<vmem>>) target(%dma_start3A_45 : memref<40x128xf32, #tpu.memory_space<vmem_shared>>) target_semaphore(%run_scoped3A : memref<!tpu.dma_semaphore, #tpu.memory_space<semaphore_mem>>)
      %dma_wait3A = arith.constant 0 : i32
      %dma_wait3A_46 = tpu.memref_slice %arg13[%add3A_15, %dma_wait3A] : memref<10240x128xf32, #tpu.memory_space<vmem_shared>> -> memref<40x128xf32, #tpu.memory_space<vmem_shared>>
      %dma_wait3A_47 = arith.constant 0 : i32
      %dma_wait3A_48 = tpu.memref_slice %arg13[%add3A_15, %dma_wait3A_47] : memref<10240x128xf32, #tpu.memory_space<vmem_shared>> -> memref<40x128xf32, #tpu.memory_space<vmem_shared>>
      tpu.wait_dma2 semaphore(%run_scoped3A : memref<!tpu.dma_semaphore, #tpu.memory_space<semaphore_mem>>) src(%arg9 : memref<40x128xf32, #tpu.memory_space<vmem>>) dst(%dma_wait3A_48 : memref<40x128xf32, #tpu.memory_space<vmem_shared>>)
      tpu.yield
    }) : () -> ()
    %add3A_16 = arith.constant 240 : i32
    %add3A_17 = arith.addi %mul3A_0, %add3A_16 : i32
    "tpu.region"() ({
      %run_scoped3A = tpu.sem_alloc : memref<!tpu.dma_semaphore, #tpu.memory_space<semaphore_mem>>
      %dma_start3A = arith.constant 0 : i32
      %dma_start3A_43 = tpu.memref_slice %arg13[%add3A_17, %dma_start3A] : memref<10240x128xf32, #tpu.memory_space<vmem_shared>> -> memref<40x128xf32, #tpu.memory_space<vmem_shared>>
      %dma_start3A_44 = arith.constant 0 : i32
      %dma_start3A_45 = tpu.memref_slice %arg13[%add3A_17, %dma_start3A_44] : memref<10240x128xf32, #tpu.memory_space<vmem_shared>> -> memref<40x128xf32, #tpu.memory_space<vmem_shared>>
      tpu.enqueue_dma source(%arg9 : memref<40x128xf32, #tpu.memory_space<vmem>>) target(%dma_start3A_45 : memref<40x128xf32, #tpu.memory_space<vmem_shared>>) target_semaphore(%run_scoped3A : memref<!tpu.dma_semaphore, #tpu.memory_space<semaphore_mem>>)
      %dma_wait3A = arith.constant 0 : i32
      %dma_wait3A_46 = tpu.memref_slice %arg13[%add3A_17, %dma_wait3A] : memref<10240x128xf32, #tpu.memory_space<vmem_shared>> -> memref<40x128xf32, #tpu.memory_space<vmem_shared>>
      %dma_wait3A_47 = arith.constant 0 : i32
      %dma_wait3A_48 = tpu.memref_slice %arg13[%add3A_17, %dma_wait3A_47] : memref<10240x128xf32, #tpu.memory_space<vmem_shared>> -> memref<40x128xf32, #tpu.memory_space<vmem_shared>>
      tpu.wait_dma2 semaphore(%run_scoped3A : memref<!tpu.dma_semaphore, #tpu.memory_space<semaphore_mem>>) src(%arg9 : memref<40x128xf32, #tpu.memory_space<vmem>>) dst(%dma_wait3A_48 : memref<40x128xf32, #tpu.memory_space<vmem_shared>>)
      tpu.yield
    }) : () -> ()
    %add3A_18 = arith.constant 280 : i32
    %add3A_19 = arith.addi %mul3A_0, %add3A_18 : i32
    "tpu.region"() ({
      %run_scoped3A = tpu.sem_alloc : memref<!tpu.dma_semaphore, #tpu.memory_space<semaphore_mem>>
      %dma_start3A = arith.constant 0 : i32
      %dma_start3A_43 = tpu.memref_slice %arg13[%add3A_19, %dma_start3A] : memref<10240x128xf32, #tpu.memory_space<vmem_shared>> -> memref<40x128xf32, #tpu.memory_space<vmem_shared>>
      %dma_start3A_44 = arith.constant 0 : i32
      %dma_start3A_45 = tpu.memref_slice %arg13[%add3A_19, %dma_start3A_44] : memref<10240x128xf32, #tpu.memory_space<vmem_shared>> -> memref<40x128xf32, #tpu.memory_space<vmem_shared>>
      tpu.enqueue_dma source(%arg9 : memref<40x128xf32, #tpu.memory_space<vmem>>) target(%dma_start3A_45 : memref<40x128xf32, #tpu.memory_space<vmem_shared>>) target_semaphore(%run_scoped3A : memref<!tpu.dma_semaphore, #tpu.memory_space<semaphore_mem>>)
      %dma_wait3A = arith.constant 0 : i32
      %dma_wait3A_46 = tpu.memref_slice %arg13[%add3A_19, %dma_wait3A] : memref<10240x128xf32, #tpu.memory_space<vmem_shared>> -> memref<40x128xf32, #tpu.memory_space<vmem_shared>>
      %dma_wait3A_47 = arith.constant 0 : i32
      %dma_wait3A_48 = tpu.memref_slice %arg13[%add3A_19, %dma_wait3A_47] : memref<10240x128xf32, #tpu.memory_space<vmem_shared>> -> memref<40x128xf32, #tpu.memory_space<vmem_shared>>
      tpu.wait_dma2 semaphore(%run_scoped3A : memref<!tpu.dma_semaphore, #tpu.memory_space<semaphore_mem>>) src(%arg9 : memref<40x128xf32, #tpu.memory_space<vmem>>) dst(%dma_wait3A_48 : memref<40x128xf32, #tpu.memory_space<vmem_shared>>)
      tpu.yield
    }) : () -> ()
    %add3A_20 = arith.constant 320 : i32
    %add3A_21 = arith.addi %mul3A_0, %add3A_20 : i32
    "tpu.region"() ({
      %run_scoped3A = tpu.sem_alloc : memref<!tpu.dma_semaphore, #tpu.memory_space<semaphore_mem>>
      %dma_start3A = arith.constant 0 : i32
      %dma_start3A_43 = tpu.memref_slice %arg13[%add3A_21, %dma_start3A] : memref<10240x128xf32, #tpu.memory_space<vmem_shared>> -> memref<40x128xf32, #tpu.memory_space<vmem_shared>>
      %dma_start3A_44 = arith.constant 0 : i32
      %dma_start3A_45 = tpu.memref_slice %arg13[%add3A_21, %dma_start3A_44] : memref<10240x128xf32, #tpu.memory_space<vmem_shared>> -> memref<40x128xf32, #tpu.memory_space<vmem_shared>>
      tpu.enqueue_dma source(%arg9 : memref<40x128xf32, #tpu.memory_space<vmem>>) target(%dma_start3A_45 : memref<40x128xf32, #tpu.memory_space<vmem_shared>>) target_semaphore(%run_scoped3A : memref<!tpu.dma_semaphore, #tpu.memory_space<semaphore_mem>>)
      %dma_wait3A = arith.constant 0 : i32
      %dma_wait3A_46 = tpu.memref_slice %arg13[%add3A_21, %dma_wait3A] : memref<10240x128xf32, #tpu.memory_space<vmem_shared>> -> memref<40x128xf32, #tpu.memory_space<vmem_shared>>
      %dma_wait3A_47 = arith.constant 0 : i32
      %dma_wait3A_48 = tpu.memref_slice %arg13[%add3A_21, %dma_wait3A_47] : memref<10240x128xf32, #tpu.memory_space<vmem_shared>> -> memref<40x128xf32, #tpu.memory_space<vmem_shared>>
      tpu.wait_dma2 semaphore(%run_scoped3A : memref<!tpu.dma_semaphore, #tpu.memory_space<semaphore_mem>>) src(%arg9 : memref<40x128xf32, #tpu.memory_space<vmem>>) dst(%dma_wait3A_48 : memref<40x128xf32, #tpu.memory_space<vmem_shared>>)
      tpu.yield
    }) : () -> ()
    %add3A_22 = arith.constant 360 : i32
    %add3A_23 = arith.addi %mul3A_0, %add3A_22 : i32
    "tpu.region"() ({
      %run_scoped3A = tpu.sem_alloc : memref<!tpu.dma_semaphore, #tpu.memory_space<semaphore_mem>>
      %dma_start3A = arith.constant 0 : i32
      %dma_start3A_43 = tpu.memref_slice %arg13[%add3A_23, %dma_start3A] : memref<10240x128xf32, #tpu.memory_space<vmem_shared>> -> memref<40x128xf32, #tpu.memory_space<vmem_shared>>
      %dma_start3A_44 = arith.constant 0 : i32
      %dma_start3A_45 = tpu.memref_slice %arg13[%add3A_23, %dma_start3A_44] : memref<10240x128xf32, #tpu.memory_space<vmem_shared>> -> memref<40x128xf32, #tpu.memory_space<vmem_shared>>
      tpu.enqueue_dma source(%arg9 : memref<40x128xf32, #tpu.memory_space<vmem>>) target(%dma_start3A_45 : memref<40x128xf32, #tpu.memory_space<vmem_shared>>) target_semaphore(%run_scoped3A : memref<!tpu.dma_semaphore, #tpu.memory_space<semaphore_mem>>)
      %dma_wait3A = arith.constant 0 : i32
      %dma_wait3A_46 = tpu.memref_slice %arg13[%add3A_23, %dma_wait3A] : memref<10240x128xf32, #tpu.memory_space<vmem_shared>> -> memref<40x128xf32, #tpu.memory_space<vmem_shared>>
      %dma_wait3A_47 = arith.constant 0 : i32
      %dma_wait3A_48 = tpu.memref_slice %arg13[%add3A_23, %dma_wait3A_47] : memref<10240x128xf32, #tpu.memory_space<vmem_shared>> -> memref<40x128xf32, #tpu.memory_space<vmem_shared>>
      tpu.wait_dma2 semaphore(%run_scoped3A : memref<!tpu.dma_semaphore, #tpu.memory_space<semaphore_mem>>) src(%arg9 : memref<40x128xf32, #tpu.memory_space<vmem>>) dst(%dma_wait3A_48 : memref<40x128xf32, #tpu.memory_space<vmem_shared>>)
      tpu.yield
    }) : () -> ()
    %add3A_24 = arith.constant 400 : i32
    %add3A_25 = arith.addi %mul3A_0, %add3A_24 : i32
    "tpu.region"() ({
      %run_scoped3A = tpu.sem_alloc : memref<!tpu.dma_semaphore, #tpu.memory_space<semaphore_mem>>
      %dma_start3A = arith.constant 0 : i32
      %dma_start3A_43 = tpu.memref_slice %arg13[%add3A_25, %dma_start3A] : memref<10240x128xf32, #tpu.memory_space<vmem_shared>> -> memref<40x128xf32, #tpu.memory_space<vmem_shared>>
      %dma_start3A_44 = arith.constant 0 : i32
      %dma_start3A_45 = tpu.memref_slice %arg13[%add3A_25, %dma_start3A_44] : memref<10240x128xf32, #tpu.memory_space<vmem_shared>> -> memref<40x128xf32, #tpu.memory_space<vmem_shared>>
      tpu.enqueue_dma source(%arg9 : memref<40x128xf32, #tpu.memory_space<vmem>>) target(%dma_start3A_45 : memref<40x128xf32, #tpu.memory_space<vmem_shared>>) target_semaphore(%run_scoped3A : memref<!tpu.dma_semaphore, #tpu.memory_space<semaphore_mem>>)
      %dma_wait3A = arith.constant 0 : i32
      %dma_wait3A_46 = tpu.memref_slice %arg13[%add3A_25, %dma_wait3A] : memref<10240x128xf32, #tpu.memory_space<vmem_shared>> -> memref<40x128xf32, #tpu.memory_space<vmem_shared>>
      %dma_wait3A_47 = arith.constant 0 : i32
      %dma_wait3A_48 = tpu.memref_slice %arg13[%add3A_25, %dma_wait3A_47] : memref<10240x128xf32, #tpu.memory_space<vmem_shared>> -> memref<40x128xf32, #tpu.memory_space<vmem_shared>>
      tpu.wait_dma2 semaphore(%run_scoped3A : memref<!tpu.dma_semaphore, #tpu.memory_space<semaphore_mem>>) src(%arg9 : memref<40x128xf32, #tpu.memory_space<vmem>>) dst(%dma_wait3A_48 : memref<40x128xf32, #tpu.memory_space<vmem_shared>>)
      tpu.yield
    }) : () -> ()
    %add3A_26 = arith.constant 440 : i32
    %add3A_27 = arith.addi %mul3A_0, %add3A_26 : i32
    "tpu.region"() ({
      %run_scoped3A = tpu.sem_alloc : memref<!tpu.dma_semaphore, #tpu.memory_space<semaphore_mem>>
      %dma_start3A = arith.constant 0 : i32
      %dma_start3A_43 = tpu.memref_slice %arg13[%add3A_27, %dma_start3A] : memref<10240x128xf32, #tpu.memory_space<vmem_shared>> -> memref<40x128xf32, #tpu.memory_space<vmem_shared>>
      %dma_start3A_44 = arith.constant 0 : i32
      %dma_start3A_45 = tpu.memref_slice %arg13[%add3A_27, %dma_start3A_44] : memref<10240x128xf32, #tpu.memory_space<vmem_shared>> -> memref<40x128xf32, #tpu.memory_space<vmem_shared>>
      tpu.enqueue_dma source(%arg9 : memref<40x128xf32, #tpu.memory_space<vmem>>) target(%dma_start3A_45 : memref<40x128xf32, #tpu.memory_space<vmem_shared>>) target_semaphore(%run_scoped3A : memref<!tpu.dma_semaphore, #tpu.memory_space<semaphore_mem>>)
      %dma_wait3A = arith.constant 0 : i32
      %dma_wait3A_46 = tpu.memref_slice %arg13[%add3A_27, %dma_wait3A] : memref<10240x128xf32, #tpu.memory_space<vmem_shared>> -> memref<40x128xf32, #tpu.memory_space<vmem_shared>>
      %dma_wait3A_47 = arith.constant 0 : i32
      %dma_wait3A_48 = tpu.memref_slice %arg13[%add3A_27, %dma_wait3A_47] : memref<10240x128xf32, #tpu.memory_space<vmem_shared>> -> memref<40x128xf32, #tpu.memory_space<vmem_shared>>
      tpu.wait_dma2 semaphore(%run_scoped3A : memref<!tpu.dma_semaphore, #tpu.memory_space<semaphore_mem>>) src(%arg9 : memref<40x128xf32, #tpu.memory_space<vmem>>) dst(%dma_wait3A_48 : memref<40x128xf32, #tpu.memory_space<vmem_shared>>)
      tpu.yield
    }) : () -> ()
    %add3A_28 = arith.constant 480 : i32
    %add3A_29 = arith.addi %mul3A_0, %add3A_28 : i32
    "tpu.region"() ({
      %run_scoped3A = tpu.sem_alloc : memref<!tpu.dma_semaphore, #tpu.memory_space<semaphore_mem>>
      %dma_start3A = arith.constant 0 : i32
      %dma_start3A_43 = tpu.memref_slice %arg13[%add3A_29, %dma_start3A] : memref<10240x128xf32, #tpu.memory_space<vmem_shared>> -> memref<40x128xf32, #tpu.memory_space<vmem_shared>>
      %dma_start3A_44 = arith.constant 0 : i32
      %dma_start3A_45 = tpu.memref_slice %arg13[%add3A_29, %dma_start3A_44] : memref<10240x128xf32, #tpu.memory_space<vmem_shared>> -> memref<40x128xf32, #tpu.memory_space<vmem_shared>>
      tpu.enqueue_dma source(%arg9 : memref<40x128xf32, #tpu.memory_space<vmem>>) target(%dma_start3A_45 : memref<40x128xf32, #tpu.memory_space<vmem_shared>>) target_semaphore(%run_scoped3A : memref<!tpu.dma_semaphore, #tpu.memory_space<semaphore_mem>>)
      %dma_wait3A = arith.constant 0 : i32
      %dma_wait3A_46 = tpu.memref_slice %arg13[%add3A_29, %dma_wait3A] : memref<10240x128xf32, #tpu.memory_space<vmem_shared>> -> memref<40x128xf32, #tpu.memory_space<vmem_shared>>
      %dma_wait3A_47 = arith.constant 0 : i32
      %dma_wait3A_48 = tpu.memref_slice %arg13[%add3A_29, %dma_wait3A_47] : memref<10240x128xf32, #tpu.memory_space<vmem_shared>> -> memref<40x128xf32, #tpu.memory_space<vmem_shared>>
      tpu.wait_dma2 semaphore(%run_scoped3A : memref<!tpu.dma_semaphore, #tpu.memory_space<semaphore_mem>>) src(%arg9 : memref<40x128xf32, #tpu.memory_space<vmem>>) dst(%dma_wait3A_48 : memref<40x128xf32, #tpu.memory_space<vmem_shared>>)
      tpu.yield
    }) : () -> ()
    %add3A_30 = arith.constant 520 : i32
    %add3A_31 = arith.addi %mul3A_0, %add3A_30 : i32
    "tpu.region"() ({
      %run_scoped3A = tpu.sem_alloc : memref<!tpu.dma_semaphore, #tpu.memory_space<semaphore_mem>>
      %dma_start3A = arith.constant 0 : i32
      %dma_start3A_43 = tpu.memref_slice %arg13[%add3A_31, %dma_start3A] : memref<10240x128xf32, #tpu.memory_space<vmem_shared>> -> memref<40x128xf32, #tpu.memory_space<vmem_shared>>
      %dma_start3A_44 = arith.constant 0 : i32
      %dma_start3A_45 = tpu.memref_slice %arg13[%add3A_31, %dma_start3A_44] : memref<10240x128xf32, #tpu.memory_space<vmem_shared>> -> memref<40x128xf32, #tpu.memory_space<vmem_shared>>
      tpu.enqueue_dma source(%arg9 : memref<40x128xf32, #tpu.memory_space<vmem>>) target(%dma_start3A_45 : memref<40x128xf32, #tpu.memory_space<vmem_shared>>) target_semaphore(%run_scoped3A : memref<!tpu.dma_semaphore, #tpu.memory_space<semaphore_mem>>)
      %dma_wait3A = arith.constant 0 : i32
      %dma_wait3A_46 = tpu.memref_slice %arg13[%add3A_31, %dma_wait3A] : memref<10240x128xf32, #tpu.memory_space<vmem_shared>> -> memref<40x128xf32, #tpu.memory_space<vmem_shared>>
      %dma_wait3A_47 = arith.constant 0 : i32
      %dma_wait3A_48 = tpu.memref_slice %arg13[%add3A_31, %dma_wait3A_47] : memref<10240x128xf32, #tpu.memory_space<vmem_shared>> -> memref<40x128xf32, #tpu.memory_space<vmem_shared>>
      tpu.wait_dma2 semaphore(%run_scoped3A : memref<!tpu.dma_semaphore, #tpu.memory_space<semaphore_mem>>) src(%arg9 : memref<40x128xf32, #tpu.memory_space<vmem>>) dst(%dma_wait3A_48 : memref<40x128xf32, #tpu.memory_space<vmem_shared>>)
      tpu.yield
    }) : () -> ()
    %add3A_32 = arith.constant 560 : i32
    %add3A_33 = arith.addi %mul3A_0, %add3A_32 : i32
    "tpu.region"() ({
      %run_scoped3A = tpu.sem_alloc : memref<!tpu.dma_semaphore, #tpu.memory_space<semaphore_mem>>
      %dma_start3A = arith.constant 0 : i32
      %dma_start3A_43 = tpu.memref_slice %arg13[%add3A_33, %dma_start3A] : memref<10240x128xf32, #tpu.memory_space<vmem_shared>> -> memref<40x128xf32, #tpu.memory_space<vmem_shared>>
      %dma_start3A_44 = arith.constant 0 : i32
      %dma_start3A_45 = tpu.memref_slice %arg13[%add3A_33, %dma_start3A_44] : memref<10240x128xf32, #tpu.memory_space<vmem_shared>> -> memref<40x128xf32, #tpu.memory_space<vmem_shared>>
      tpu.enqueue_dma source(%arg9 : memref<40x128xf32, #tpu.memory_space<vmem>>) target(%dma_start3A_45 : memref<40x128xf32, #tpu.memory_space<vmem_shared>>) target_semaphore(%run_scoped3A : memref<!tpu.dma_semaphore, #tpu.memory_space<semaphore_mem>>)
      %dma_wait3A = arith.constant 0 : i32
      %dma_wait3A_46 = tpu.memref_slice %arg13[%add3A_33, %dma_wait3A] : memref<10240x128xf32, #tpu.memory_space<vmem_shared>> -> memref<40x128xf32, #tpu.memory_space<vmem_shared>>
      %dma_wait3A_47 = arith.constant 0 : i32
      %dma_wait3A_48 = tpu.memref_slice %arg13[%add3A_33, %dma_wait3A_47] : memref<10240x128xf32, #tpu.memory_space<vmem_shared>> -> memref<40x128xf32, #tpu.memory_space<vmem_shared>>
      tpu.wait_dma2 semaphore(%run_scoped3A : memref<!tpu.dma_semaphore, #tpu.memory_space<semaphore_mem>>) src(%arg9 : memref<40x128xf32, #tpu.memory_space<vmem>>) dst(%dma_wait3A_48 : memref<40x128xf32, #tpu.memory_space<vmem_shared>>)
      tpu.yield
    }) : () -> ()
    %add3A_34 = arith.constant 600 : i32
    %add3A_35 = arith.addi %mul3A_0, %add3A_34 : i32
    "tpu.region"() ({
      %run_scoped3A = tpu.sem_alloc : memref<!tpu.dma_semaphore, #tpu.memory_space<semaphore_mem>>
      %dma_start3A = arith.constant 0 : i32
      %dma_start3A_43 = tpu.memref_slice %arg13[%add3A_35, %dma_start3A] : memref<10240x128xf32, #tpu.memory_space<vmem_shared>> -> memref<40x128xf32, #tpu.memory_space<vmem_shared>>
      %dma_start3A_44 = arith.constant 0 : i32
      %dma_start3A_45 = tpu.memref_slice %arg13[%add3A_35, %dma_start3A_44] : memref<10240x128xf32, #tpu.memory_space<vmem_shared>> -> memref<40x128xf32, #tpu.memory_space<vmem_shared>>
      tpu.enqueue_dma source(%arg9 : memref<40x128xf32, #tpu.memory_space<vmem>>) target(%dma_start3A_45 : memref<40x128xf32, #tpu.memory_space<vmem_shared>>) target_semaphore(%run_scoped3A : memref<!tpu.dma_semaphore, #tpu.memory_space<semaphore_mem>>)
      %dma_wait3A = arith.constant 0 : i32
      %dma_wait3A_46 = tpu.memref_slice %arg13[%add3A_35, %dma_wait3A] : memref<10240x128xf32, #tpu.memory_space<vmem_shared>> -> memref<40x128xf32, #tpu.memory_space<vmem_shared>>
      %dma_wait3A_47 = arith.constant 0 : i32
      %dma_wait3A_48 = tpu.memref_slice %arg13[%add3A_35, %dma_wait3A_47] : memref<10240x128xf32, #tpu.memory_space<vmem_shared>> -> memref<40x128xf32, #tpu.memory_space<vmem_shared>>
      tpu.wait_dma2 semaphore(%run_scoped3A : memref<!tpu.dma_semaphore, #tpu.memory_space<semaphore_mem>>) src(%arg9 : memref<40x128xf32, #tpu.memory_space<vmem>>) dst(%dma_wait3A_48 : memref<40x128xf32, #tpu.memory_space<vmem_shared>>)
      tpu.yield
    }) : () -> ()
    %barrier3A = arith.constant 0 : index
    tpu.barrier barrier_id(%barrier3A)
    %eq3A = arith.constant 0 : i32
    %eq3A_36 = arith.cmpi eq, %arg0, %eq3A : i32
    %convert_element_type3A = arith.extui %eq3A_36 : i1 to i32
    %cond3A = arith.constant 0 : i32
    %cond3A_37 = arith.cmpi ne, %convert_element_type3A, %cond3A : i32
    scf.if %cond3A_37 {
      %mul3A_43 = arith.constant 8 : i32
      %mul3A_44 = arith.muli %arg1, %mul3A_43 : i32
      %add3A_45 = arith.constant 0 : i32
      %add3A_46 = arith.addi %mul3A_44, %add3A_45 : i32
      "tpu.region"() ({
        %run_scoped3A = tpu.sem_alloc : memref<!tpu.dma_semaphore, #tpu.memory_space<semaphore_mem>>
        %dma_start3A_538 = arith.constant 0 : i32
        %dma_start3A_539 = arith.constant 0 : i32
        %dma_start3A_540 = tpu.memref_slice %arg4[%add3A_46, %dma_start3A_538, %dma_start3A_539] : memref<128x64x40xi32, #tpu.memory_space<hbm>> -> memref<1x64x40xi32, #tpu.memory_space<hbm>>
        %dma_start3A_541 = tpu.memref_squeeze %dma_start3A_540 : memref<1x64x40xi32, #tpu.memory_space<hbm>> -> memref<64x40xi32, #tpu.memory_space<hbm>>
        %dma_start3A_542 = arith.constant 0 : i32
        %dma_start3A_543 = arith.constant 0 : i32
        %dma_start3A_544 = tpu.memref_slice %arg4[%add3A_46, %dma_start3A_542, %dma_start3A_543] : memref<128x64x40xi32, #tpu.memory_space<hbm>> -> memref<1x64x40xi32, #tpu.memory_space<hbm>>
        %dma_start3A_545 = tpu.memref_squeeze %dma_start3A_544 : memref<1x64x40xi32, #tpu.memory_space<hbm>> -> memref<64x40xi32, #tpu.memory_space<hbm>>
        tpu.enqueue_dma source(%dma_start3A_545 : memref<64x40xi32, #tpu.memory_space<hbm>>) target(%arg8 : memref<64x40xi32, #tpu.memory_space<vmem>>) target_semaphore(%run_scoped3A : memref<!tpu.dma_semaphore, #tpu.memory_space<semaphore_mem>>)
        %dma_wait3A_546 = arith.constant 0 : i32
        %dma_wait3A_547 = arith.constant 0 : i32
        %dma_wait3A_548 = tpu.memref_slice %arg4[%add3A_46, %dma_wait3A_546, %dma_wait3A_547] : memref<128x64x40xi32, #tpu.memory_space<hbm>> -> memref<1x64x40xi32, #tpu.memory_space<hbm>>
        %dma_wait3A_549 = tpu.memref_squeeze %dma_wait3A_548 : memref<1x64x40xi32, #tpu.memory_space<hbm>> -> memref<64x40xi32, #tpu.memory_space<hbm>>
        %dma_wait3A_550 = arith.constant 0 : i32
        %dma_wait3A_551 = arith.constant 0 : i32
        %dma_wait3A_552 = tpu.memref_slice %arg4[%add3A_46, %dma_wait3A_550, %dma_wait3A_551] : memref<128x64x40xi32, #tpu.memory_space<hbm>> -> memref<1x64x40xi32, #tpu.memory_space<hbm>>
        %dma_wait3A_553 = tpu.memref_squeeze %dma_wait3A_552 : memref<1x64x40xi32, #tpu.memory_space<hbm>> -> memref<64x40xi32, #tpu.memory_space<hbm>>
        tpu.wait_dma2 semaphore(%run_scoped3A : memref<!tpu.dma_semaphore, #tpu.memory_space<semaphore_mem>>) src(%dma_wait3A_553 : memref<64x40xi32, #tpu.memory_space<hbm>>) dst(%arg8 : memref<64x40xi32, #tpu.memory_space<vmem>>)
        tpu.yield
      }) : () -> ()
      %mul3A_47 = arith.constant 8 : i32
      %mul3A_48 = arith.muli %arg1, %mul3A_47 : i32
      %add3A_49 = arith.constant 0 : i32
      %add3A_50 = arith.addi %mul3A_48, %add3A_49 : i32
      "tpu.region"() ({
        %run_scoped3A = tpu.sem_alloc : memref<!tpu.dma_semaphore, #tpu.memory_space<semaphore_mem>>
        %dma_start3A_538 = arith.constant 0 : i32
        %dma_start3A_539 = arith.constant 0 : i32
        %dma_start3A_540 = tpu.memref_slice %arg3[%add3A_50, %dma_start3A_538, %dma_start3A_539] : memref<128x64x40xi32, #tpu.memory_space<hbm>> -> memref<1x64x40xi32, #tpu.memory_space<hbm>>
        %dma_start3A_541 = tpu.memref_squeeze %dma_start3A_540 : memref<1x64x40xi32, #tpu.memory_space<hbm>> -> memref<64x40xi32, #tpu.memory_space<hbm>>
        %dma_start3A_542 = arith.constant 0 : i32
        %dma_start3A_543 = arith.constant 0 : i32
        %dma_start3A_544 = tpu.memref_slice %arg3[%add3A_50, %dma_start3A_542, %dma_start3A_543] : memref<128x64x40xi32, #tpu.memory_space<hbm>> -> memref<1x64x40xi32, #tpu.memory_space<hbm>>
        %dma_start3A_545 = tpu.memref_squeeze %dma_start3A_544 : memref<1x64x40xi32, #tpu.memory_space<hbm>> -> memref<64x40xi32, #tpu.memory_space<hbm>>
        tpu.enqueue_dma source(%dma_start3A_545 : memref<64x40xi32, #tpu.memory_space<hbm>>) target(%arg7 : memref<64x40xi32, #tpu.memory_space<vmem>>) target_semaphore(%run_scoped3A : memref<!tpu.dma_semaphore, #tpu.memory_space<semaphore_mem>>)
        %dma_wait3A_546 = arith.constant 0 : i32
        %dma_wait3A_547 = arith.constant 0 : i32
        %dma_wait3A_548 = tpu.memref_slice %arg3[%add3A_50, %dma_wait3A_546, %dma_wait3A_547] : memref<128x64x40xi32, #tpu.memory_space<hbm>> -> memref<1x64x40xi32, #tpu.memory_space<hbm>>
        %dma_wait3A_549 = tpu.memref_squeeze %dma_wait3A_548 : memref<1x64x40xi32, #tpu.memory_space<hbm>> -> memref<64x40xi32, #tpu.memory_space<hbm>>
        %dma_wait3A_550 = arith.constant 0 : i32
        %dma_wait3A_551 = arith.constant 0 : i32
        %dma_wait3A_552 = tpu.memref_slice %arg3[%add3A_50, %dma_wait3A_550, %dma_wait3A_551] : memref<128x64x40xi32, #tpu.memory_space<hbm>> -> memref<1x64x40xi32, #tpu.memory_space<hbm>>
        %dma_wait3A_553 = tpu.memref_squeeze %dma_wait3A_552 : memref<1x64x40xi32, #tpu.memory_space<hbm>> -> memref<64x40xi32, #tpu.memory_space<hbm>>
        tpu.wait_dma2 semaphore(%run_scoped3A : memref<!tpu.dma_semaphore, #tpu.memory_space<semaphore_mem>>) src(%dma_wait3A_553 : memref<64x40xi32, #tpu.memory_space<hbm>>) dst(%arg7 : memref<64x40xi32, #tpu.memory_space<vmem>>)
        tpu.yield
      }) : () -> ()
      %dma_start3A = arith.constant 0 : i32
      %dma_start3A_51 = arith.constant 0 : i32
      %dma_start3A_52 = tpu.memref_slice %arg7[%dma_start3A, %dma_start3A_51] : memref<64x40xi32, #tpu.memory_space<vmem>> -> memref<1x40xi32, #tpu.memory_space<vmem>>
      %dma_start3A_53 = tpu.memref_squeeze %dma_start3A_52 : memref<1x40xi32, #tpu.memory_space<vmem>> -> memref<40xi32, #tpu.memory_space<vmem>>
      %dma_start3A_54 = arith.constant 0 : i32
      %dma_start3A_55 = arith.constant 0 : i32
      %dma_start3A_56 = tpu.memref_slice %arg2[%dma_start3A_54, %dma_start3A_55] : memref<10000x128xf32, #tpu.memory_space<hbm>> -> memref<10000x128xf32, #tpu.memory_space<hbm>>
      tpu.enqueue_indirect_dma source(%dma_start3A_56 : memref<10000x128xf32, #tpu.memory_space<hbm>>) target(%arg9 : memref<40x128xf32, #tpu.memory_space<vmem>>) offsets(%dma_start3A_53 : memref<40xi32, #tpu.memory_space<vmem>>) semaphore(%arg14 : memref<!tpu.dma_semaphore, #tpu.memory_space<semaphore_mem>>)
      %dma_start3A_57 = arith.constant 1 : i32
      %dma_start3A_58 = arith.constant 0 : i32
      %dma_start3A_59 = tpu.memref_slice %arg7[%dma_start3A_57, %dma_start3A_58] : memref<64x40xi32, #tpu.memory_space<vmem>> -> memref<1x40xi32, #tpu.memory_space<vmem>>
      %dma_start3A_60 = tpu.memref_squeeze %dma_start3A_59 : memref<1x40xi32, #tpu.memory_space<vmem>> -> memref<40xi32, #tpu.memory_space<vmem>>
      %dma_start3A_61 = arith.constant 0 : i32
      %dma_start3A_62 = arith.constant 0 : i32
      %dma_start3A_63 = tpu.memref_slice %arg2[%dma_start3A_61, %dma_start3A_62] : memref<10000x128xf32, #tpu.memory_space<hbm>> -> memref<10000x128xf32, #tpu.memory_space<hbm>>
      tpu.enqueue_indirect_dma source(%dma_start3A_63 : memref<10000x128xf32, #tpu.memory_space<hbm>>) target(%arg10 : memref<40x128xf32, #tpu.memory_space<vmem>>) offsets(%dma_start3A_60 : memref<40xi32, #tpu.memory_space<vmem>>) semaphore(%arg15 : memref<!tpu.dma_semaphore, #tpu.memory_space<semaphore_mem>>)
      %dma_start3A_64 = arith.constant 2 : i32
      %dma_start3A_65 = arith.constant 0 : i32
      %dma_start3A_66 = tpu.memref_slice %arg7[%dma_start3A_64, %dma_start3A_65] : memref<64x40xi32, #tpu.memory_space<vmem>> -> memref<1x40xi32, #tpu.memory_space<vmem>>
      %dma_start3A_67 = tpu.memref_squeeze %dma_start3A_66 : memref<1x40xi32, #tpu.memory_space<vmem>> -> memref<40xi32, #tpu.memory_space<vmem>>
      %dma_start3A_68 = arith.constant 0 : i32
      %dma_start3A_69 = arith.constant 0 : i32
      %dma_start3A_70 = tpu.memref_slice %arg2[%dma_start3A_68, %dma_start3A_69] : memref<10000x128xf32, #tpu.memory_space<hbm>> -> memref<10000x128xf32, #tpu.memory_space<hbm>>
      tpu.enqueue_indirect_dma source(%dma_start3A_70 : memref<10000x128xf32, #tpu.memory_space<hbm>>) target(%arg11 : memref<40x128xf32, #tpu.memory_space<vmem>>) offsets(%dma_start3A_67 : memref<40xi32, #tpu.memory_space<vmem>>) semaphore(%arg16 : memref<!tpu.dma_semaphore, #tpu.memory_space<semaphore_mem>>)
      %scan3A_71 = arith.constant 0 : i32
      %scan3A_72 = arith.constant 16 : i32
      %scan3A_73 = arith.addi %scan3A_71, %scan3A_72 : i32
      %scan3A_74 = arith.constant 1 : i32
      scf.for %scan3A_538 = %scan3A_71 to %scan3A_73 step %scan3A_74  : i32 {
        %mul3A_539 = arith.constant 4 : i32
        %mul3A_540 = arith.muli %scan3A_538, %mul3A_539 : i32
        %add3A_541 = arith.constant 0 : i32
        %add3A_542 = arith.addi %add3A_541, %mul3A_540 : i32
        %add3A_543 = arith.constant 0 : i32
        %add3A_544 = arith.addi %add3A_542, %add3A_543 : i32
        %add3A_545 = arith.constant 3 : i32
        %add3A_546 = arith.addi %add3A_544, %add3A_545 : i32
        %lt3A = arith.constant 64 : i32
        %lt3A_547 = arith.cmpi slt, %add3A_546, %lt3A : i32
        %convert_element_type3A_548 = arith.extui %lt3A_547 : i1 to i32
        %cond3A_549 = arith.constant 0 : i32
        %cond3A_550 = arith.cmpi ne, %convert_element_type3A_548, %cond3A_549 : i32
        scf.if %cond3A_550 {
          %ge3A = arith.constant 1 : i32
          %ge3A_626 = arith.cmpi sge, %add3A_544, %ge3A : i32
          %convert_element_type3A_627 = arith.extui %ge3A_626 : i1 to i32
          %cond3A_628 = arith.constant 0 : i32
          %cond3A_629 = arith.cmpi ne, %convert_element_type3A_627, %cond3A_628 : i32
          scf.if %cond3A_629 {
            %sub3A = arith.constant 1 : i32
            %sub3A_636 = arith.subi %add3A_544, %sub3A : i32
            %dma_wait3A_637 = arith.constant 0 : i32
            %dma_wait3A_638 = tpu.memref_slice %arg8[%sub3A_636, %dma_wait3A_637] : memref<64x40xi32, #tpu.memory_space<vmem>> -> memref<1x40xi32, #tpu.memory_space<vmem>>
            %dma_wait3A_639 = tpu.memref_squeeze %dma_wait3A_638 : memref<1x40xi32, #tpu.memory_space<vmem>> -> memref<40xi32, #tpu.memory_space<vmem>>
            %dma_wait3A_640 = arith.constant 0 : i32
            %dma_wait3A_641 = arith.constant 0 : i32
            %dma_wait3A_642 = tpu.memref_slice %arg13[%dma_wait3A_640, %dma_wait3A_641] : memref<10240x128xf32, #tpu.memory_space<vmem_shared>> -> memref<10240x128xf32, #tpu.memory_space<vmem_shared>>
            tpu.wait_indirect_dma semaphore(%arg21 : memref<!tpu.dma_semaphore, #tpu.memory_space<semaphore_mem>>) src(%arg12 : memref<40x128xf32, #tpu.memory_space<vmem>>) dst(%dma_wait3A_642 : memref<10240x128xf32, #tpu.memory_space<vmem_shared>>)
          } else {
          }
          %dma_start3A_630 = arith.constant 0 : i32
          %dma_start3A_631 = tpu.memref_slice %arg7[%add3A_546, %dma_start3A_630] : memref<64x40xi32, #tpu.memory_space<vmem>> -> memref<1x40xi32, #tpu.memory_space<vmem>>
          %dma_start3A_632 = tpu.memref_squeeze %dma_start3A_631 : memref<1x40xi32, #tpu.memory_space<vmem>> -> memref<40xi32, #tpu.memory_space<vmem>>
          %dma_start3A_633 = arith.constant 0 : i32
          %dma_start3A_634 = arith.constant 0 : i32
          %dma_start3A_635 = tpu.memref_slice %arg2[%dma_start3A_633, %dma_start3A_634] : memref<10000x128xf32, #tpu.memory_space<hbm>> -> memref<10000x128xf32, #tpu.memory_space<hbm>>
          tpu.enqueue_indirect_dma source(%dma_start3A_635 : memref<10000x128xf32, #tpu.memory_space<hbm>>) target(%arg12 : memref<40x128xf32, #tpu.memory_space<vmem>>) offsets(%dma_start3A_632 : memref<40xi32, #tpu.memory_space<vmem>>) semaphore(%arg17 : memref<!tpu.dma_semaphore, #tpu.memory_space<semaphore_mem>>)
        } else {
        }
        %dma_wait3A_551 = arith.constant 0 : i32
        %dma_wait3A_552 = tpu.memref_slice %arg7[%add3A_544, %dma_wait3A_551] : memref<64x40xi32, #tpu.memory_space<vmem>> -> memref<1x40xi32, #tpu.memory_space<vmem>>
        %dma_wait3A_553 = tpu.memref_squeeze %dma_wait3A_552 : memref<1x40xi32, #tpu.memory_space<vmem>> -> memref<40xi32, #tpu.memory_space<vmem>>
        %dma_wait3A_554 = arith.constant 0 : i32
        %dma_wait3A_555 = arith.constant 0 : i32
        %dma_wait3A_556 = tpu.memref_slice %arg2[%dma_wait3A_554, %dma_wait3A_555] : memref<10000x128xf32, #tpu.memory_space<hbm>> -> memref<10000x128xf32, #tpu.memory_space<hbm>>
        tpu.wait_indirect_dma semaphore(%arg14 : memref<!tpu.dma_semaphore, #tpu.memory_space<semaphore_mem>>) src(%dma_wait3A_556 : memref<10000x128xf32, #tpu.memory_space<hbm>>) dst(%arg9 : memref<40x128xf32, #tpu.memory_space<vmem>>)
        %dma_start3A_557 = arith.constant 0 : i32
        %dma_start3A_558 = tpu.memref_slice %arg8[%add3A_544, %dma_start3A_557] : memref<64x40xi32, #tpu.memory_space<vmem>> -> memref<1x40xi32, #tpu.memory_space<vmem>>
        %dma_start3A_559 = tpu.memref_squeeze %dma_start3A_558 : memref<1x40xi32, #tpu.memory_space<vmem>> -> memref<40xi32, #tpu.memory_space<vmem>>
        %dma_start3A_560 = arith.constant 0 : i32
        %dma_start3A_561 = arith.constant 0 : i32
        %dma_start3A_562 = tpu.memref_slice %arg13[%dma_start3A_560, %dma_start3A_561] : memref<10240x128xf32, #tpu.memory_space<vmem_shared>> -> memref<10240x128xf32, #tpu.memory_space<vmem_shared>>
        tpu.enqueue_indirect_dma source(%arg9 : memref<40x128xf32, #tpu.memory_space<vmem>>) target(%dma_start3A_562 : memref<10240x128xf32, #tpu.memory_space<vmem_shared>>) offsets(%dma_start3A_559 : memref<40xi32, #tpu.memory_space<vmem>>) semaphore(%arg18 : memref<!tpu.dma_semaphore, #tpu.memory_space<semaphore_mem>>) {add = true}
        %add3A_563 = arith.constant 1 : i32
        %add3A_564 = arith.addi %add3A_542, %add3A_563 : i32
        %add3A_565 = arith.constant 3 : i32
        %add3A_566 = arith.addi %add3A_564, %add3A_565 : i32
        %lt3A_567 = arith.constant 64 : i32
        %lt3A_568 = arith.cmpi slt, %add3A_566, %lt3A_567 : i32
        %convert_element_type3A_569 = arith.extui %lt3A_568 : i1 to i32
        %cond3A_570 = arith.constant 0 : i32
        %cond3A_571 = arith.cmpi ne, %convert_element_type3A_569, %cond3A_570 : i32
        scf.if %cond3A_571 {
          %ge3A = arith.constant 1 : i32
          %ge3A_626 = arith.cmpi sge, %add3A_564, %ge3A : i32
          %convert_element_type3A_627 = arith.extui %ge3A_626 : i1 to i32
          %cond3A_628 = arith.constant 0 : i32
          %cond3A_629 = arith.cmpi ne, %convert_element_type3A_627, %cond3A_628 : i32
          scf.if %cond3A_629 {
            %sub3A = arith.constant 1 : i32
            %sub3A_636 = arith.subi %add3A_564, %sub3A : i32
            %dma_wait3A_637 = arith.constant 0 : i32
            %dma_wait3A_638 = tpu.memref_slice %arg8[%sub3A_636, %dma_wait3A_637] : memref<64x40xi32, #tpu.memory_space<vmem>> -> memref<1x40xi32, #tpu.memory_space<vmem>>
            %dma_wait3A_639 = tpu.memref_squeeze %dma_wait3A_638 : memref<1x40xi32, #tpu.memory_space<vmem>> -> memref<40xi32, #tpu.memory_space<vmem>>
            %dma_wait3A_640 = arith.constant 0 : i32
            %dma_wait3A_641 = arith.constant 0 : i32
            %dma_wait3A_642 = tpu.memref_slice %arg13[%dma_wait3A_640, %dma_wait3A_641] : memref<10240x128xf32, #tpu.memory_space<vmem_shared>> -> memref<10240x128xf32, #tpu.memory_space<vmem_shared>>
            tpu.wait_indirect_dma semaphore(%arg18 : memref<!tpu.dma_semaphore, #tpu.memory_space<semaphore_mem>>) src(%arg9 : memref<40x128xf32, #tpu.memory_space<vmem>>) dst(%dma_wait3A_642 : memref<10240x128xf32, #tpu.memory_space<vmem_shared>>)
          } else {
          }
          %dma_start3A_630 = arith.constant 0 : i32
          %dma_start3A_631 = tpu.memref_slice %arg7[%add3A_566, %dma_start3A_630] : memref<64x40xi32, #tpu.memory_space<vmem>> -> memref<1x40xi32, #tpu.memory_space<vmem>>
          %dma_start3A_632 = tpu.memref_squeeze %dma_start3A_631 : memref<1x40xi32, #tpu.memory_space<vmem>> -> memref<40xi32, #tpu.memory_space<vmem>>
          %dma_start3A_633 = arith.constant 0 : i32
          %dma_start3A_634 = arith.constant 0 : i32
          %dma_start3A_635 = tpu.memref_slice %arg2[%dma_start3A_633, %dma_start3A_634] : memref<10000x128xf32, #tpu.memory_space<hbm>> -> memref<10000x128xf32, #tpu.memory_space<hbm>>
          tpu.enqueue_indirect_dma source(%dma_start3A_635 : memref<10000x128xf32, #tpu.memory_space<hbm>>) target(%arg9 : memref<40x128xf32, #tpu.memory_space<vmem>>) offsets(%dma_start3A_632 : memref<40xi32, #tpu.memory_space<vmem>>) semaphore(%arg14 : memref<!tpu.dma_semaphore, #tpu.memory_space<semaphore_mem>>)
        } else {
        }
        %dma_wait3A_572 = arith.constant 0 : i32
        %dma_wait3A_573 = tpu.memref_slice %arg7[%add3A_564, %dma_wait3A_572] : memref<64x40xi32, #tpu.memory_space<vmem>> -> memref<1x40xi32, #tpu.memory_space<vmem>>
        %dma_wait3A_574 = tpu.memref_squeeze %dma_wait3A_573 : memref<1x40xi32, #tpu.memory_space<vmem>> -> memref<40xi32, #tpu.memory_space<vmem>>
        %dma_wait3A_575 = arith.constant 0 : i32
        %dma_wait3A_576 = arith.constant 0 : i32
        %dma_wait3A_577 = tpu.memref_slice %arg2[%dma_wait3A_575, %dma_wait3A_576] : memref<10000x128xf32, #tpu.memory_space<hbm>> -> memref<10000x128xf32, #tpu.memory_space<hbm>>
        tpu.wait_indirect_dma semaphore(%arg15 : memref<!tpu.dma_semaphore, #tpu.memory_space<semaphore_mem>>) src(%dma_wait3A_577 : memref<10000x128xf32, #tpu.memory_space<hbm>>) dst(%arg10 : memref<40x128xf32, #tpu.memory_space<vmem>>)
        %dma_start3A_578 = arith.constant 0 : i32
        %dma_start3A_579 = tpu.memref_slice %arg8[%add3A_564, %dma_start3A_578] : memref<64x40xi32, #tpu.memory_space<vmem>> -> memref<1x40xi32, #tpu.memory_space<vmem>>
        %dma_start3A_580 = tpu.memref_squeeze %dma_start3A_579 : memref<1x40xi32, #tpu.memory_space<vmem>> -> memref<40xi32, #tpu.memory_space<vmem>>
        %dma_start3A_581 = arith.constant 0 : i32
        %dma_start3A_582 = arith.constant 0 : i32
        %dma_start3A_583 = tpu.memref_slice %arg13[%dma_start3A_581, %dma_start3A_582] : memref<10240x128xf32, #tpu.memory_space<vmem_shared>> -> memref<10240x128xf32, #tpu.memory_space<vmem_shared>>
        tpu.enqueue_indirect_dma source(%arg10 : memref<40x128xf32, #tpu.memory_space<vmem>>) target(%dma_start3A_583 : memref<10240x128xf32, #tpu.memory_space<vmem_shared>>) offsets(%dma_start3A_580 : memref<40xi32, #tpu.memory_space<vmem>>) semaphore(%arg19 : memref<!tpu.dma_semaphore, #tpu.memory_space<semaphore_mem>>) {add = true}
        %add3A_584 = arith.constant 2 : i32
        %add3A_585 = arith.addi %add3A_542, %add3A_584 : i32
        %add3A_586 = arith.constant 3 : i32
        %add3A_587 = arith.addi %add3A_585, %add3A_586 : i32
        %lt3A_588 = arith.constant 64 : i32
        %lt3A_589 = arith.cmpi slt, %add3A_587, %lt3A_588 : i32
        %convert_element_type3A_590 = arith.extui %lt3A_589 : i1 to i32
        %cond3A_591 = arith.constant 0 : i32
        %cond3A_592 = arith.cmpi ne, %convert_element_type3A_590, %cond3A_591 : i32
        scf.if %cond3A_592 {
          %ge3A = arith.constant 1 : i32
          %ge3A_626 = arith.cmpi sge, %add3A_585, %ge3A : i32
          %convert_element_type3A_627 = arith.extui %ge3A_626 : i1 to i32
          %cond3A_628 = arith.constant 0 : i32
          %cond3A_629 = arith.cmpi ne, %convert_element_type3A_627, %cond3A_628 : i32
          scf.if %cond3A_629 {
            %sub3A = arith.constant 1 : i32
            %sub3A_636 = arith.subi %add3A_585, %sub3A : i32
            %dma_wait3A_637 = arith.constant 0 : i32
            %dma_wait3A_638 = tpu.memref_slice %arg8[%sub3A_636, %dma_wait3A_637] : memref<64x40xi32, #tpu.memory_space<vmem>> -> memref<1x40xi32, #tpu.memory_space<vmem>>
            %dma_wait3A_639 = tpu.memref_squeeze %dma_wait3A_638 : memref<1x40xi32, #tpu.memory_space<vmem>> -> memref<40xi32, #tpu.memory_space<vmem>>
            %dma_wait3A_640 = arith.constant 0 : i32
            %dma_wait3A_641 = arith.constant 0 : i32
            %dma_wait3A_642 = tpu.memref_slice %arg13[%dma_wait3A_640, %dma_wait3A_641] : memref<10240x128xf32, #tpu.memory_space<vmem_shared>> -> memref<10240x128xf32, #tpu.memory_space<vmem_shared>>
            tpu.wait_indirect_dma semaphore(%arg19 : memref<!tpu.dma_semaphore, #tpu.memory_space<semaphore_mem>>) src(%arg10 : memref<40x128xf32, #tpu.memory_space<vmem>>) dst(%dma_wait3A_642 : memref<10240x128xf32, #tpu.memory_space<vmem_shared>>)
          } else {
          }
          %dma_start3A_630 = arith.constant 0 : i32
          %dma_start3A_631 = tpu.memref_slice %arg7[%add3A_587, %dma_start3A_630] : memref<64x40xi32, #tpu.memory_space<vmem>> -> memref<1x40xi32, #tpu.memory_space<vmem>>
          %dma_start3A_632 = tpu.memref_squeeze %dma_start3A_631 : memref<1x40xi32, #tpu.memory_space<vmem>> -> memref<40xi32, #tpu.memory_space<vmem>>
          %dma_start3A_633 = arith.constant 0 : i32
          %dma_start3A_634 = arith.constant 0 : i32
          %dma_start3A_635 = tpu.memref_slice %arg2[%dma_start3A_633, %dma_start3A_634] : memref<10000x128xf32, #tpu.memory_space<hbm>> -> memref<10000x128xf32, #tpu.memory_space<hbm>>
          tpu.enqueue_indirect_dma source(%dma_start3A_635 : memref<10000x128xf32, #tpu.memory_space<hbm>>) target(%arg10 : memref<40x128xf32, #tpu.memory_space<vmem>>) offsets(%dma_start3A_632 : memref<40xi32, #tpu.memory_space<vmem>>) semaphore(%arg15 : memref<!tpu.dma_semaphore, #tpu.memory_space<semaphore_mem>>)
        } else {
        }
        %dma_wait3A_593 = arith.constant 0 : i32
        %dma_wait3A_594 = tpu.memref_slice %arg7[%add3A_585, %dma_wait3A_593] : memref<64x40xi32, #tpu.memory_space<vmem>> -> memref<1x40xi32, #tpu.memory_space<vmem>>
        %dma_wait3A_595 = tpu.memref_squeeze %dma_wait3A_594 : memref<1x40xi32, #tpu.memory_space<vmem>> -> memref<40xi32, #tpu.memory_space<vmem>>
        %dma_wait3A_596 = arith.constant 0 : i32
        %dma_wait3A_597 = arith.constant 0 : i32
        %dma_wait3A_598 = tpu.memref_slice %arg2[%dma_wait3A_596, %dma_wait3A_597] : memref<10000x128xf32, #tpu.memory_space<hbm>> -> memref<10000x128xf32, #tpu.memory_space<hbm>>
        tpu.wait_indirect_dma semaphore(%arg16 : memref<!tpu.dma_semaphore, #tpu.memory_space<semaphore_mem>>) src(%dma_wait3A_598 : memref<10000x128xf32, #tpu.memory_space<hbm>>) dst(%arg11 : memref<40x128xf32, #tpu.memory_space<vmem>>)
        %dma_start3A_599 = arith.constant 0 : i32
        %dma_start3A_600 = tpu.memref_slice %arg8[%add3A_585, %dma_start3A_599] : memref<64x40xi32, #tpu.memory_space<vmem>> -> memref<1x40xi32, #tpu.memory_space<vmem>>
        %dma_start3A_601 = tpu.memref_squeeze %dma_start3A_600 : memref<1x40xi32, #tpu.memory_space<vmem>> -> memref<40xi32, #tpu.memory_space<vmem>>
        %dma_start3A_602 = arith.constant 0 : i32
        %dma_start3A_603 = arith.constant 0 : i32
        %dma_start3A_604 = tpu.memref_slice %arg13[%dma_start3A_602, %dma_start3A_603] : memref<10240x128xf32, #tpu.memory_space<vmem_shared>> -> memref<10240x128xf32, #tpu.memory_space<vmem_shared>>
        tpu.enqueue_indirect_dma source(%arg11 : memref<40x128xf32, #tpu.memory_space<vmem>>) target(%dma_start3A_604 : memref<10240x128xf32, #tpu.memory_space<vmem_shared>>) offsets(%dma_start3A_601 : memref<40xi32, #tpu.memory_space<vmem>>) semaphore(%arg20 : memref<!tpu.dma_semaphore, #tpu.memory_space<semaphore_mem>>) {add = true}
        %add3A_605 = arith.constant 3 : i32
        %add3A_606 = arith.addi %add3A_542, %add3A_605 : i32
        %add3A_607 = arith.constant 3 : i32
        %add3A_608 = arith.addi %add3A_606, %add3A_607 : i32
        %lt3A_609 = arith.constant 64 : i32
        %lt3A_610 = arith.cmpi slt, %add3A_608, %lt3A_609 : i32
        %convert_element_type3A_611 = arith.extui %lt3A_610 : i1 to i32
        %cond3A_612 = arith.constant 0 : i32
        %cond3A_613 = arith.cmpi ne, %convert_element_type3A_611, %cond3A_612 : i32
        scf.if %cond3A_613 {
          %ge3A = arith.constant 1 : i32
          %ge3A_626 = arith.cmpi sge, %add3A_606, %ge3A : i32
          %convert_element_type3A_627 = arith.extui %ge3A_626 : i1 to i32
          %cond3A_628 = arith.constant 0 : i32
          %cond3A_629 = arith.cmpi ne, %convert_element_type3A_627, %cond3A_628 : i32
          scf.if %cond3A_629 {
            %sub3A = arith.constant 1 : i32
            %sub3A_636 = arith.subi %add3A_606, %sub3A : i32
            %dma_wait3A_637 = arith.constant 0 : i32
            %dma_wait3A_638 = tpu.memref_slice %arg8[%sub3A_636, %dma_wait3A_637] : memref<64x40xi32, #tpu.memory_space<vmem>> -> memref<1x40xi32, #tpu.memory_space<vmem>>
            %dma_wait3A_639 = tpu.memref_squeeze %dma_wait3A_638 : memref<1x40xi32, #tpu.memory_space<vmem>> -> memref<40xi32, #tpu.memory_space<vmem>>
            %dma_wait3A_640 = arith.constant 0 : i32
            %dma_wait3A_641 = arith.constant 0 : i32
            %dma_wait3A_642 = tpu.memref_slice %arg13[%dma_wait3A_640, %dma_wait3A_641] : memref<10240x128xf32, #tpu.memory_space<vmem_shared>> -> memref<10240x128xf32, #tpu.memory_space<vmem_shared>>
            tpu.wait_indirect_dma semaphore(%arg20 : memref<!tpu.dma_semaphore, #tpu.memory_space<semaphore_mem>>) src(%arg11 : memref<40x128xf32, #tpu.memory_space<vmem>>) dst(%dma_wait3A_642 : memref<10240x128xf32, #tpu.memory_space<vmem_shared>>)
          } else {
          }
          %dma_start3A_630 = arith.constant 0 : i32
          %dma_start3A_631 = tpu.memref_slice %arg7[%add3A_608, %dma_start3A_630] : memref<64x40xi32, #tpu.memory_space<vmem>> -> memref<1x40xi32, #tpu.memory_space<vmem>>
          %dma_start3A_632 = tpu.memref_squeeze %dma_start3A_631 : memref<1x40xi32, #tpu.memory_space<vmem>> -> memref<40xi32, #tpu.memory_space<vmem>>
          %dma_start3A_633 = arith.constant 0 : i32
          %dma_start3A_634 = arith.constant 0 : i32
          %dma_start3A_635 = tpu.memref_slice %arg2[%dma_start3A_633, %dma_start3A_634] : memref<10000x128xf32, #tpu.memory_space<hbm>> -> memref<10000x128xf32, #tpu.memory_space<hbm>>
          tpu.enqueue_indirect_dma source(%dma_start3A_635 : memref<10000x128xf32, #tpu.memory_space<hbm>>) target(%arg11 : memref<40x128xf32, #tpu.memory_space<vmem>>) offsets(%dma_start3A_632 : memref<40xi32, #tpu.memory_space<vmem>>) semaphore(%arg16 : memref<!tpu.dma_semaphore, #tpu.memory_space<semaphore_mem>>)
        } else {
        }
        %dma_wait3A_614 = arith.constant 0 : i32
        %dma_wait3A_615 = tpu.memref_slice %arg7[%add3A_606, %dma_wait3A_614] : memref<64x40xi32, #tpu.memory_space<vmem>> -> memref<1x40xi32, #tpu.memory_space<vmem>>
        %dma_wait3A_616 = tpu.memref_squeeze %dma_wait3A_615 : memref<1x40xi32, #tpu.memory_space<vmem>> -> memref<40xi32, #tpu.memory_space<vmem>>
        %dma_wait3A_617 = arith.constant 0 : i32
        %dma_wait3A_618 = arith.constant 0 : i32
        %dma_wait3A_619 = tpu.memref_slice %arg2[%dma_wait3A_617, %dma_wait3A_618] : memref<10000x128xf32, #tpu.memory_space<hbm>> -> memref<10000x128xf32, #tpu.memory_space<hbm>>
        tpu.wait_indirect_dma semaphore(%arg17 : memref<!tpu.dma_semaphore, #tpu.memory_space<semaphore_mem>>) src(%dma_wait3A_619 : memref<10000x128xf32, #tpu.memory_space<hbm>>) dst(%arg12 : memref<40x128xf32, #tpu.memory_space<vmem>>)
        %dma_start3A_620 = arith.constant 0 : i32
        %dma_start3A_621 = tpu.memref_slice %arg8[%add3A_606, %dma_start3A_620] : memref<64x40xi32, #tpu.memory_space<vmem>> -> memref<1x40xi32, #tpu.memory_space<vmem>>
        %dma_start3A_622 = tpu.memref_squeeze %dma_start3A_621 : memref<1x40xi32, #tpu.memory_space<vmem>> -> memref<40xi32, #tpu.memory_space<vmem>>
        %dma_start3A_623 = arith.constant 0 : i32
        %dma_start3A_624 = arith.constant 0 : i32
        %dma_start3A_625 = tpu.memref_slice %arg13[%dma_start3A_623, %dma_start3A_624] : memref<10240x128xf32, #tpu.memory_space<vmem_shared>> -> memref<10240x128xf32, #tpu.memory_space<vmem_shared>>
        tpu.enqueue_indirect_dma source(%arg12 : memref<40x128xf32, #tpu.memory_space<vmem>>) target(%dma_start3A_625 : memref<10240x128xf32, #tpu.memory_space<vmem_shared>>) offsets(%dma_start3A_622 : memref<40xi32, #tpu.memory_space<vmem>>) semaphore(%arg21 : memref<!tpu.dma_semaphore, #tpu.memory_space<semaphore_mem>>) {add = true}
      }
      %scan3A_75 = arith.constant 16 : i32
      %dma_wait3A = arith.constant 60 : i32
      %dma_wait3A_76 = arith.constant 0 : i32
      %dma_wait3A_77 = tpu.memref_slice %arg8[%dma_wait3A, %dma_wait3A_76] : memref<64x40xi32, #tpu.memory_space<vmem>> -> memref<1x40xi32, #tpu.memory_space<vmem>>
      %dma_wait3A_78 = tpu.memref_squeeze %dma_wait3A_77 : memref<1x40xi32, #tpu.memory_space<vmem>> -> memref<40xi32, #tpu.memory_space<vmem>>
      %dma_wait3A_79 = arith.constant 0 : i32
      %dma_wait3A_80 = arith.constant 0 : i32
      %dma_wait3A_81 = tpu.memref_slice %arg13[%dma_wait3A_79, %dma_wait3A_80] : memref<10240x128xf32, #tpu.memory_space<vmem_shared>> -> memref<10240x128xf32, #tpu.memory_space<vmem_shared>>
      tpu.wait_indirect_dma semaphore(%arg18 : memref<!tpu.dma_semaphore, #tpu.memory_space<semaphore_mem>>) src(%arg9 : memref<40x128xf32, #tpu.memory_space<vmem>>) dst(%dma_wait3A_81 : memref<10240x128xf32, #tpu.memory_space<vmem_shared>>)
      %dma_wait3A_82 = arith.constant 61 : i32
      %dma_wait3A_83 = arith.constant 0 : i32
      %dma_wait3A_84 = tpu.memref_slice %arg8[%dma_wait3A_82, %dma_wait3A_83] : memref<64x40xi32, #tpu.memory_space<vmem>> -> memref<1x40xi32, #tpu.memory_space<vmem>>
      %dma_wait3A_85 = tpu.memref_squeeze %dma_wait3A_84 : memref<1x40xi32, #tpu.memory_space<vmem>> -> memref<40xi32, #tpu.memory_space<vmem>>
      %dma_wait3A_86 = arith.constant 0 : i32
      %dma_wait3A_87 = arith.constant 0 : i32
      %dma_wait3A_88 = tpu.memref_slice %arg13[%dma_wait3A_86, %dma_wait3A_87] : memref<10240x128xf32, #tpu.memory_space<vmem_shared>> -> memref<10240x128xf32, #tpu.memory_space<vmem_shared>>
      tpu.wait_indirect_dma semaphore(%arg19 : memref<!tpu.dma_semaphore, #tpu.memory_space<semaphore_mem>>) src(%arg10 : memref<40x128xf32, #tpu.memory_space<vmem>>) dst(%dma_wait3A_88 : memref<10240x128xf32, #tpu.memory_space<vmem_shared>>)
      %dma_wait3A_89 = arith.constant 62 : i32
      %dma_wait3A_90 = arith.constant 0 : i32
      %dma_wait3A_91 = tpu.memref_slice %arg8[%dma_wait3A_89, %dma_wait3A_90] : memref<64x40xi32, #tpu.memory_space<vmem>> -> memref<1x40xi32, #tpu.memory_space<vmem>>
      %dma_wait3A_92 = tpu.memref_squeeze %dma_wait3A_91 : memref<1x40xi32, #tpu.memory_space<vmem>> -> memref<40xi32, #tpu.memory_space<vmem>>
      %dma_wait3A_93 = arith.constant 0 : i32
      %dma_wait3A_94 = arith.constant 0 : i32
      %dma_wait3A_95 = tpu.memref_slice %arg13[%dma_wait3A_93, %dma_wait3A_94] : memref<10240x128xf32, #tpu.memory_space<vmem_shared>> -> memref<10240x128xf32, #tpu.memory_space<vmem_shared>>
      tpu.wait_indirect_dma semaphore(%arg20 : memref<!tpu.dma_semaphore, #tpu.memory_space<semaphore_mem>>) src(%arg11 : memref<40x128xf32, #tpu.memory_space<vmem>>) dst(%dma_wait3A_95 : memref<10240x128xf32, #tpu.memory_space<vmem_shared>>)
      %dma_wait3A_96 = arith.constant 63 : i32
      %dma_wait3A_97 = arith.constant 0 : i32
      %dma_wait3A_98 = tpu.memref_slice %arg8[%dma_wait3A_96, %dma_wait3A_97] : memref<64x40xi32, #tpu.memory_space<vmem>> -> memref<1x40xi32, #tpu.memory_space<vmem>>
      %dma_wait3A_99 = tpu.memref_squeeze %dma_wait3A_98 : memref<1x40xi32, #tpu.memory_space<vmem>> -> memref<40xi32, #tpu.memory_space<vmem>>
      %dma_wait3A_100 = arith.constant 0 : i32
      %dma_wait3A_101 = arith.constant 0 : i32
      %dma_wait3A_102 = tpu.memref_slice %arg13[%dma_wait3A_100, %dma_wait3A_101] : memref<10240x128xf32, #tpu.memory_space<vmem_shared>> -> memref<10240x128xf32, #tpu.memory_space<vmem_shared>>
      tpu.wait_indirect_dma semaphore(%arg21 : memref<!tpu.dma_semaphore, #tpu.memory_space<semaphore_mem>>) src(%arg12 : memref<40x128xf32, #tpu.memory_space<vmem>>) dst(%dma_wait3A_102 : memref<10240x128xf32, #tpu.memory_space<vmem_shared>>)
      %mul3A_103 = arith.constant 8 : i32
      %mul3A_104 = arith.muli %arg1, %mul3A_103 : i32
      %add3A_105 = arith.constant 1 : i32
      %add3A_106 = arith.addi %mul3A_104, %add3A_105 : i32
      "tpu.region"() ({
        %run_scoped3A = tpu.sem_alloc : memref<!tpu.dma_semaphore, #tpu.memory_space<semaphore_mem>>
        %dma_start3A_538 = arith.constant 0 : i32
        %dma_start3A_539 = arith.constant 0 : i32
        %dma_start3A_540 = tpu.memref_slice %arg4[%add3A_106, %dma_start3A_538, %dma_start3A_539] : memref<128x64x40xi32, #tpu.memory_space<hbm>> -> memref<1x64x40xi32, #tpu.memory_space<hbm>>
        %dma_start3A_541 = tpu.memref_squeeze %dma_start3A_540 : memref<1x64x40xi32, #tpu.memory_space<hbm>> -> memref<64x40xi32, #tpu.memory_space<hbm>>
        %dma_start3A_542 = arith.constant 0 : i32
        %dma_start3A_543 = arith.constant 0 : i32
        %dma_start3A_544 = tpu.memref_slice %arg4[%add3A_106, %dma_start3A_542, %dma_start3A_543] : memref<128x64x40xi32, #tpu.memory_space<hbm>> -> memref<1x64x40xi32, #tpu.memory_space<hbm>>
        %dma_start3A_545 = tpu.memref_squeeze %dma_start3A_544 : memref<1x64x40xi32, #tpu.memory_space<hbm>> -> memref<64x40xi32, #tpu.memory_space<hbm>>
        tpu.enqueue_dma source(%dma_start3A_545 : memref<64x40xi32, #tpu.memory_space<hbm>>) target(%arg8 : memref<64x40xi32, #tpu.memory_space<vmem>>) target_semaphore(%run_scoped3A : memref<!tpu.dma_semaphore, #tpu.memory_space<semaphore_mem>>)
        %dma_wait3A_546 = arith.constant 0 : i32
        %dma_wait3A_547 = arith.constant 0 : i32
        %dma_wait3A_548 = tpu.memref_slice %arg4[%add3A_106, %dma_wait3A_546, %dma_wait3A_547] : memref<128x64x40xi32, #tpu.memory_space<hbm>> -> memref<1x64x40xi32, #tpu.memory_space<hbm>>
        %dma_wait3A_549 = tpu.memref_squeeze %dma_wait3A_548 : memref<1x64x40xi32, #tpu.memory_space<hbm>> -> memref<64x40xi32, #tpu.memory_space<hbm>>
        %dma_wait3A_550 = arith.constant 0 : i32
        %dma_wait3A_551 = arith.constant 0 : i32
        %dma_wait3A_552 = tpu.memref_slice %arg4[%add3A_106, %dma_wait3A_550, %dma_wait3A_551] : memref<128x64x40xi32, #tpu.memory_space<hbm>> -> memref<1x64x40xi32, #tpu.memory_space<hbm>>
        %dma_wait3A_553 = tpu.memref_squeeze %dma_wait3A_552 : memref<1x64x40xi32, #tpu.memory_space<hbm>> -> memref<64x40xi32, #tpu.memory_space<hbm>>
        tpu.wait_dma2 semaphore(%run_scoped3A : memref<!tpu.dma_semaphore, #tpu.memory_space<semaphore_mem>>) src(%dma_wait3A_553 : memref<64x40xi32, #tpu.memory_space<hbm>>) dst(%arg8 : memref<64x40xi32, #tpu.memory_space<vmem>>)
        tpu.yield
      }) : () -> ()
      %mul3A_107 = arith.constant 8 : i32
      %mul3A_108 = arith.muli %arg1, %mul3A_107 : i32
      %add3A_109 = arith.constant 1 : i32
      %add3A_110 = arith.addi %mul3A_108, %add3A_109 : i32
      "tpu.region"() ({
        %run_scoped3A = tpu.sem_alloc : memref<!tpu.dma_semaphore, #tpu.memory_space<semaphore_mem>>
        %dma_start3A_538 = arith.constant 0 : i32
        %dma_start3A_539 = arith.constant 0 : i32
        %dma_start3A_540 = tpu.memref_slice %arg3[%add3A_110, %dma_start3A_538, %dma_start3A_539] : memref<128x64x40xi32, #tpu.memory_space<hbm>> -> memref<1x64x40xi32, #tpu.memory_space<hbm>>
        %dma_start3A_541 = tpu.memref_squeeze %dma_start3A_540 : memref<1x64x40xi32, #tpu.memory_space<hbm>> -> memref<64x40xi32, #tpu.memory_space<hbm>>
        %dma_start3A_542 = arith.constant 0 : i32
        %dma_start3A_543 = arith.constant 0 : i32
        %dma_start3A_544 = tpu.memref_slice %arg3[%add3A_110, %dma_start3A_542, %dma_start3A_543] : memref<128x64x40xi32, #tpu.memory_space<hbm>> -> memref<1x64x40xi32, #tpu.memory_space<hbm>>
        %dma_start3A_545 = tpu.memref_squeeze %dma_start3A_544 : memref<1x64x40xi32, #tpu.memory_space<hbm>> -> memref<64x40xi32, #tpu.memory_space<hbm>>
        tpu.enqueue_dma source(%dma_start3A_545 : memref<64x40xi32, #tpu.memory_space<hbm>>) target(%arg7 : memref<64x40xi32, #tpu.memory_space<vmem>>) target_semaphore(%run_scoped3A : memref<!tpu.dma_semaphore, #tpu.memory_space<semaphore_mem>>)
        %dma_wait3A_546 = arith.constant 0 : i32
        %dma_wait3A_547 = arith.constant 0 : i32
        %dma_wait3A_548 = tpu.memref_slice %arg3[%add3A_110, %dma_wait3A_546, %dma_wait3A_547] : memref<128x64x40xi32, #tpu.memory_space<hbm>> -> memref<1x64x40xi32, #tpu.memory_space<hbm>>
        %dma_wait3A_549 = tpu.memref_squeeze %dma_wait3A_548 : memref<1x64x40xi32, #tpu.memory_space<hbm>> -> memref<64x40xi32, #tpu.memory_space<hbm>>
        %dma_wait3A_550 = arith.constant 0 : i32
        %dma_wait3A_551 = arith.constant 0 : i32
        %dma_wait3A_552 = tpu.memref_slice %arg3[%add3A_110, %dma_wait3A_550, %dma_wait3A_551] : memref<128x64x40xi32, #tpu.memory_space<hbm>> -> memref<1x64x40xi32, #tpu.memory_space<hbm>>
        %dma_wait3A_553 = tpu.memref_squeeze %dma_wait3A_552 : memref<1x64x40xi32, #tpu.memory_space<hbm>> -> memref<64x40xi32, #tpu.memory_space<hbm>>
        tpu.wait_dma2 semaphore(%run_scoped3A : memref<!tpu.dma_semaphore, #tpu.memory_space<semaphore_mem>>) src(%dma_wait3A_553 : memref<64x40xi32, #tpu.memory_space<hbm>>) dst(%arg7 : memref<64x40xi32, #tpu.memory_space<vmem>>)
        tpu.yield
      }) : () -> ()
      %dma_start3A_111 = arith.constant 0 : i32
      %dma_start3A_112 = arith.constant 0 : i32
      %dma_start3A_113 = tpu.memref_slice %arg7[%dma_start3A_111, %dma_start3A_112] : memref<64x40xi32, #tpu.memory_space<vmem>> -> memref<1x40xi32, #tpu.memory_space<vmem>>
      %dma_start3A_114 = tpu.memref_squeeze %dma_start3A_113 : memref<1x40xi32, #tpu.memory_space<vmem>> -> memref<40xi32, #tpu.memory_space<vmem>>
      %dma_start3A_115 = arith.constant 0 : i32
      %dma_start3A_116 = arith.constant 0 : i32
      %dma_start3A_117 = tpu.memref_slice %arg2[%dma_start3A_115, %dma_start3A_116] : memref<10000x128xf32, #tpu.memory_space<hbm>> -> memref<10000x128xf32, #tpu.memory_space<hbm>>
      tpu.enqueue_indirect_dma source(%dma_start3A_117 : memref<10000x128xf32, #tpu.memory_space<hbm>>) target(%arg9 : memref<40x128xf32, #tpu.memory_space<vmem>>) offsets(%dma_start3A_114 : memref<40xi32, #tpu.memory_space<vmem>>) semaphore(%arg14 : memref<!tpu.dma_semaphore, #tpu.memory_space<semaphore_mem>>)
      %dma_start3A_118 = arith.constant 1 : i32
      %dma_start3A_119 = arith.constant 0 : i32
      %dma_start3A_120 = tpu.memref_slice %arg7[%dma_start3A_118, %dma_start3A_119] : memref<64x40xi32, #tpu.memory_space<vmem>> -> memref<1x40xi32, #tpu.memory_space<vmem>>
      %dma_start3A_121 = tpu.memref_squeeze %dma_start3A_120 : memref<1x40xi32, #tpu.memory_space<vmem>> -> memref<40xi32, #tpu.memory_space<vmem>>
      %dma_start3A_122 = arith.constant 0 : i32
      %dma_start3A_123 = arith.constant 0 : i32
      %dma_start3A_124 = tpu.memref_slice %arg2[%dma_start3A_122, %dma_start3A_123] : memref<10000x128xf32, #tpu.memory_space<hbm>> -> memref<10000x128xf32, #tpu.memory_space<hbm>>
      tpu.enqueue_indirect_dma source(%dma_start3A_124 : memref<10000x128xf32, #tpu.memory_space<hbm>>) target(%arg10 : memref<40x128xf32, #tpu.memory_space<vmem>>) offsets(%dma_start3A_121 : memref<40xi32, #tpu.memory_space<vmem>>) semaphore(%arg15 : memref<!tpu.dma_semaphore, #tpu.memory_space<semaphore_mem>>)
      %dma_start3A_125 = arith.constant 2 : i32
      %dma_start3A_126 = arith.constant 0 : i32
      %dma_start3A_127 = tpu.memref_slice %arg7[%dma_start3A_125, %dma_start3A_126] : memref<64x40xi32, #tpu.memory_space<vmem>> -> memref<1x40xi32, #tpu.memory_space<vmem>>
      %dma_start3A_128 = tpu.memref_squeeze %dma_start3A_127 : memref<1x40xi32, #tpu.memory_space<vmem>> -> memref<40xi32, #tpu.memory_space<vmem>>
      %dma_start3A_129 = arith.constant 0 : i32
      %dma_start3A_130 = arith.constant 0 : i32
      %dma_start3A_131 = tpu.memref_slice %arg2[%dma_start3A_129, %dma_start3A_130] : memref<10000x128xf32, #tpu.memory_space<hbm>> -> memref<10000x128xf32, #tpu.memory_space<hbm>>
      tpu.enqueue_indirect_dma source(%dma_start3A_131 : memref<10000x128xf32, #tpu.memory_space<hbm>>) target(%arg11 : memref<40x128xf32, #tpu.memory_space<vmem>>) offsets(%dma_start3A_128 : memref<40xi32, #tpu.memory_space<vmem>>) semaphore(%arg16 : memref<!tpu.dma_semaphore, #tpu.memory_space<semaphore_mem>>)
      %scan3A_132 = arith.constant 0 : i32
      %scan3A_133 = arith.constant 16 : i32
      %scan3A_134 = arith.addi %scan3A_132, %scan3A_133 : i32
      %scan3A_135 = arith.constant 1 : i32
      scf.for %scan3A_538 = %scan3A_132 to %scan3A_134 step %scan3A_135  : i32 {
        %mul3A_539 = arith.constant 4 : i32
        %mul3A_540 = arith.muli %scan3A_538, %mul3A_539 : i32
        %add3A_541 = arith.constant 0 : i32
        %add3A_542 = arith.addi %add3A_541, %mul3A_540 : i32
        %add3A_543 = arith.constant 0 : i32
        %add3A_544 = arith.addi %add3A_542, %add3A_543 : i32
        %add3A_545 = arith.constant 3 : i32
        %add3A_546 = arith.addi %add3A_544, %add3A_545 : i32
        %lt3A = arith.constant 64 : i32
        %lt3A_547 = arith.cmpi slt, %add3A_546, %lt3A : i32
        %convert_element_type3A_548 = arith.extui %lt3A_547 : i1 to i32
        %cond3A_549 = arith.constant 0 : i32
        %cond3A_550 = arith.cmpi ne, %convert_element_type3A_548, %cond3A_549 : i32
        scf.if %cond3A_550 {
          %ge3A = arith.constant 1 : i32
          %ge3A_626 = arith.cmpi sge, %add3A_544, %ge3A : i32
          %convert_element_type3A_627 = arith.extui %ge3A_626 : i1 to i32
          %cond3A_628 = arith.constant 0 : i32
          %cond3A_629 = arith.cmpi ne, %convert_element_type3A_627, %cond3A_628 : i32
          scf.if %cond3A_629 {
            %sub3A = arith.constant 1 : i32
            %sub3A_636 = arith.subi %add3A_544, %sub3A : i32
            %dma_wait3A_637 = arith.constant 0 : i32
            %dma_wait3A_638 = tpu.memref_slice %arg8[%sub3A_636, %dma_wait3A_637] : memref<64x40xi32, #tpu.memory_space<vmem>> -> memref<1x40xi32, #tpu.memory_space<vmem>>
            %dma_wait3A_639 = tpu.memref_squeeze %dma_wait3A_638 : memref<1x40xi32, #tpu.memory_space<vmem>> -> memref<40xi32, #tpu.memory_space<vmem>>
            %dma_wait3A_640 = arith.constant 0 : i32
            %dma_wait3A_641 = arith.constant 0 : i32
            %dma_wait3A_642 = tpu.memref_slice %arg13[%dma_wait3A_640, %dma_wait3A_641] : memref<10240x128xf32, #tpu.memory_space<vmem_shared>> -> memref<10240x128xf32, #tpu.memory_space<vmem_shared>>
            tpu.wait_indirect_dma semaphore(%arg21 : memref<!tpu.dma_semaphore, #tpu.memory_space<semaphore_mem>>) src(%arg12 : memref<40x128xf32, #tpu.memory_space<vmem>>) dst(%dma_wait3A_642 : memref<10240x128xf32, #tpu.memory_space<vmem_shared>>)
          } else {
          }
          %dma_start3A_630 = arith.constant 0 : i32
          %dma_start3A_631 = tpu.memref_slice %arg7[%add3A_546, %dma_start3A_630] : memref<64x40xi32, #tpu.memory_space<vmem>> -> memref<1x40xi32, #tpu.memory_space<vmem>>
          %dma_start3A_632 = tpu.memref_squeeze %dma_start3A_631 : memref<1x40xi32, #tpu.memory_space<vmem>> -> memref<40xi32, #tpu.memory_space<vmem>>
          %dma_start3A_633 = arith.constant 0 : i32
          %dma_start3A_634 = arith.constant 0 : i32
          %dma_start3A_635 = tpu.memref_slice %arg2[%dma_start3A_633, %dma_start3A_634] : memref<10000x128xf32, #tpu.memory_space<hbm>> -> memref<10000x128xf32, #tpu.memory_space<hbm>>
          tpu.enqueue_indirect_dma source(%dma_start3A_635 : memref<10000x128xf32, #tpu.memory_space<hbm>>) target(%arg12 : memref<40x128xf32, #tpu.memory_space<vmem>>) offsets(%dma_start3A_632 : memref<40xi32, #tpu.memory_space<vmem>>) semaphore(%arg17 : memref<!tpu.dma_semaphore, #tpu.memory_space<semaphore_mem>>)
        } else {
        }
        %dma_wait3A_551 = arith.constant 0 : i32
        %dma_wait3A_552 = tpu.memref_slice %arg7[%add3A_544, %dma_wait3A_551] : memref<64x40xi32, #tpu.memory_space<vmem>> -> memref<1x40xi32, #tpu.memory_space<vmem>>
        %dma_wait3A_553 = tpu.memref_squeeze %dma_wait3A_552 : memref<1x40xi32, #tpu.memory_space<vmem>> -> memref<40xi32, #tpu.memory_space<vmem>>
        %dma_wait3A_554 = arith.constant 0 : i32
        %dma_wait3A_555 = arith.constant 0 : i32
        %dma_wait3A_556 = tpu.memref_slice %arg2[%dma_wait3A_554, %dma_wait3A_555] : memref<10000x128xf32, #tpu.memory_space<hbm>> -> memref<10000x128xf32, #tpu.memory_space<hbm>>
        tpu.wait_indirect_dma semaphore(%arg14 : memref<!tpu.dma_semaphore, #tpu.memory_space<semaphore_mem>>) src(%dma_wait3A_556 : memref<10000x128xf32, #tpu.memory_space<hbm>>) dst(%arg9 : memref<40x128xf32, #tpu.memory_space<vmem>>)
        %dma_start3A_557 = arith.constant 0 : i32
        %dma_start3A_558 = tpu.memref_slice %arg8[%add3A_544, %dma_start3A_557] : memref<64x40xi32, #tpu.memory_space<vmem>> -> memref<1x40xi32, #tpu.memory_space<vmem>>
        %dma_start3A_559 = tpu.memref_squeeze %dma_start3A_558 : memref<1x40xi32, #tpu.memory_space<vmem>> -> memref<40xi32, #tpu.memory_space<vmem>>
        %dma_start3A_560 = arith.constant 0 : i32
        %dma_start3A_561 = arith.constant 0 : i32
        %dma_start3A_562 = tpu.memref_slice %arg13[%dma_start3A_560, %dma_start3A_561] : memref<10240x128xf32, #tpu.memory_space<vmem_shared>> -> memref<10240x128xf32, #tpu.memory_space<vmem_shared>>
        tpu.enqueue_indirect_dma source(%arg9 : memref<40x128xf32, #tpu.memory_space<vmem>>) target(%dma_start3A_562 : memref<10240x128xf32, #tpu.memory_space<vmem_shared>>) offsets(%dma_start3A_559 : memref<40xi32, #tpu.memory_space<vmem>>) semaphore(%arg18 : memref<!tpu.dma_semaphore, #tpu.memory_space<semaphore_mem>>) {add = true}
        %add3A_563 = arith.constant 1 : i32
        %add3A_564 = arith.addi %add3A_542, %add3A_563 : i32
        %add3A_565 = arith.constant 3 : i32
        %add3A_566 = arith.addi %add3A_564, %add3A_565 : i32
        %lt3A_567 = arith.constant 64 : i32
        %lt3A_568 = arith.cmpi slt, %add3A_566, %lt3A_567 : i32
        %convert_element_type3A_569 = arith.extui %lt3A_568 : i1 to i32
        %cond3A_570 = arith.constant 0 : i32
        %cond3A_571 = arith.cmpi ne, %convert_element_type3A_569, %cond3A_570 : i32
        scf.if %cond3A_571 {
          %ge3A = arith.constant 1 : i32
          %ge3A_626 = arith.cmpi sge, %add3A_564, %ge3A : i32
          %convert_element_type3A_627 = arith.extui %ge3A_626 : i1 to i32
          %cond3A_628 = arith.constant 0 : i32
          %cond3A_629 = arith.cmpi ne, %convert_element_type3A_627, %cond3A_628 : i32
          scf.if %cond3A_629 {
            %sub3A = arith.constant 1 : i32
            %sub3A_636 = arith.subi %add3A_564, %sub3A : i32
            %dma_wait3A_637 = arith.constant 0 : i32
            %dma_wait3A_638 = tpu.memref_slice %arg8[%sub3A_636, %dma_wait3A_637] : memref<64x40xi32, #tpu.memory_space<vmem>> -> memref<1x40xi32, #tpu.memory_space<vmem>>
            %dma_wait3A_639 = tpu.memref_squeeze %dma_wait3A_638 : memref<1x40xi32, #tpu.memory_space<vmem>> -> memref<40xi32, #tpu.memory_space<vmem>>
            %dma_wait3A_640 = arith.constant 0 : i32
            %dma_wait3A_641 = arith.constant 0 : i32
            %dma_wait3A_642 = tpu.memref_slice %arg13[%dma_wait3A_640, %dma_wait3A_641] : memref<10240x128xf32, #tpu.memory_space<vmem_shared>> -> memref<10240x128xf32, #tpu.memory_space<vmem_shared>>
            tpu.wait_indirect_dma semaphore(%arg18 : memref<!tpu.dma_semaphore, #tpu.memory_space<semaphore_mem>>) src(%arg9 : memref<40x128xf32, #tpu.memory_space<vmem>>) dst(%dma_wait3A_642 : memref<10240x128xf32, #tpu.memory_space<vmem_shared>>)
          } else {
          }
          %dma_start3A_630 = arith.constant 0 : i32
          %dma_start3A_631 = tpu.memref_slice %arg7[%add3A_566, %dma_start3A_630] : memref<64x40xi32, #tpu.memory_space<vmem>> -> memref<1x40xi32, #tpu.memory_space<vmem>>
          %dma_start3A_632 = tpu.memref_squeeze %dma_start3A_631 : memref<1x40xi32, #tpu.memory_space<vmem>> -> memref<40xi32, #tpu.memory_space<vmem>>
          %dma_start3A_633 = arith.constant 0 : i32
          %dma_start3A_634 = arith.constant 0 : i32
          %dma_start3A_635 = tpu.memref_slice %arg2[%dma_start3A_633, %dma_start3A_634] : memref<10000x128xf32, #tpu.memory_space<hbm>> -> memref<10000x128xf32, #tpu.memory_space<hbm>>
          tpu.enqueue_indirect_dma source(%dma_start3A_635 : memref<10000x128xf32, #tpu.memory_space<hbm>>) target(%arg9 : memref<40x128xf32, #tpu.memory_space<vmem>>) offsets(%dma_start3A_632 : memref<40xi32, #tpu.memory_space<vmem>>) semaphore(%arg14 : memref<!tpu.dma_semaphore, #tpu.memory_space<semaphore_mem>>)
        } else {
        }
        %dma_wait3A_572 = arith.constant 0 : i32
        %dma_wait3A_573 = tpu.memref_slice %arg7[%add3A_564, %dma_wait3A_572] : memref<64x40xi32, #tpu.memory_space<vmem>> -> memref<1x40xi32, #tpu.memory_space<vmem>>
        %dma_wait3A_574 = tpu.memref_squeeze %dma_wait3A_573 : memref<1x40xi32, #tpu.memory_space<vmem>> -> memref<40xi32, #tpu.memory_space<vmem>>
        %dma_wait3A_575 = arith.constant 0 : i32
        %dma_wait3A_576 = arith.constant 0 : i32
        %dma_wait3A_577 = tpu.memref_slice %arg2[%dma_wait3A_575, %dma_wait3A_576] : memref<10000x128xf32, #tpu.memory_space<hbm>> -> memref<10000x128xf32, #tpu.memory_space<hbm>>
        tpu.wait_indirect_dma semaphore(%arg15 : memref<!tpu.dma_semaphore, #tpu.memory_space<semaphore_mem>>) src(%dma_wait3A_577 : memref<10000x128xf32, #tpu.memory_space<hbm>>) dst(%arg10 : memref<40x128xf32, #tpu.memory_space<vmem>>)
        %dma_start3A_578 = arith.constant 0 : i32
        %dma_start3A_579 = tpu.memref_slice %arg8[%add3A_564, %dma_start3A_578] : memref<64x40xi32, #tpu.memory_space<vmem>> -> memref<1x40xi32, #tpu.memory_space<vmem>>
        %dma_start3A_580 = tpu.memref_squeeze %dma_start3A_579 : memref<1x40xi32, #tpu.memory_space<vmem>> -> memref<40xi32, #tpu.memory_space<vmem>>
        %dma_start3A_581 = arith.constant 0 : i32
        %dma_start3A_582 = arith.constant 0 : i32
        %dma_start3A_583 = tpu.memref_slice %arg13[%dma_start3A_581, %dma_start3A_582] : memref<10240x128xf32, #tpu.memory_space<vmem_shared>> -> memref<10240x128xf32, #tpu.memory_space<vmem_shared>>
        tpu.enqueue_indirect_dma source(%arg10 : memref<40x128xf32, #tpu.memory_space<vmem>>) target(%dma_start3A_583 : memref<10240x128xf32, #tpu.memory_space<vmem_shared>>) offsets(%dma_start3A_580 : memref<40xi32, #tpu.memory_space<vmem>>) semaphore(%arg19 : memref<!tpu.dma_semaphore, #tpu.memory_space<semaphore_mem>>) {add = true}
        %add3A_584 = arith.constant 2 : i32
        %add3A_585 = arith.addi %add3A_542, %add3A_584 : i32
        %add3A_586 = arith.constant 3 : i32
        %add3A_587 = arith.addi %add3A_585, %add3A_586 : i32
        %lt3A_588 = arith.constant 64 : i32
        %lt3A_589 = arith.cmpi slt, %add3A_587, %lt3A_588 : i32
        %convert_element_type3A_590 = arith.extui %lt3A_589 : i1 to i32
        %cond3A_591 = arith.constant 0 : i32
        %cond3A_592 = arith.cmpi ne, %convert_element_type3A_590, %cond3A_591 : i32
        scf.if %cond3A_592 {
          %ge3A = arith.constant 1 : i32
          %ge3A_626 = arith.cmpi sge, %add3A_585, %ge3A : i32
          %convert_element_type3A_627 = arith.extui %ge3A_626 : i1 to i32
          %cond3A_628 = arith.constant 0 : i32
          %cond3A_629 = arith.cmpi ne, %convert_element_type3A_627, %cond3A_628 : i32
          scf.if %cond3A_629 {
            %sub3A = arith.constant 1 : i32
            %sub3A_636 = arith.subi %add3A_585, %sub3A : i32
            %dma_wait3A_637 = arith.constant 0 : i32
            %dma_wait3A_638 = tpu.memref_slice %arg8[%sub3A_636, %dma_wait3A_637] : memref<64x40xi32, #tpu.memory_space<vmem>> -> memref<1x40xi32, #tpu.memory_space<vmem>>
            %dma_wait3A_639 = tpu.memref_squeeze %dma_wait3A_638 : memref<1x40xi32, #tpu.memory_space<vmem>> -> memref<40xi32, #tpu.memory_space<vmem>>
            %dma_wait3A_640 = arith.constant 0 : i32
            %dma_wait3A_641 = arith.constant 0 : i32
            %dma_wait3A_642 = tpu.memref_slice %arg13[%dma_wait3A_640, %dma_wait3A_641] : memref<10240x128xf32, #tpu.memory_space<vmem_shared>> -> memref<10240x128xf32, #tpu.memory_space<vmem_shared>>
            tpu.wait_indirect_dma semaphore(%arg19 : memref<!tpu.dma_semaphore, #tpu.memory_space<semaphore_mem>>) src(%arg10 : memref<40x128xf32, #tpu.memory_space<vmem>>) dst(%dma_wait3A_642 : memref<10240x128xf32, #tpu.memory_space<vmem_shared>>)
          } else {
          }
          %dma_start3A_630 = arith.constant 0 : i32
          %dma_start3A_631 = tpu.memref_slice %arg7[%add3A_587, %dma_start3A_630] : memref<64x40xi32, #tpu.memory_space<vmem>> -> memref<1x40xi32, #tpu.memory_space<vmem>>
          %dma_start3A_632 = tpu.memref_squeeze %dma_start3A_631 : memref<1x40xi32, #tpu.memory_space<vmem>> -> memref<40xi32, #tpu.memory_space<vmem>>
          %dma_start3A_633 = arith.constant 0 : i32
          %dma_start3A_634 = arith.constant 0 : i32
          %dma_start3A_635 = tpu.memref_slice %arg2[%dma_start3A_633, %dma_start3A_634] : memref<10000x128xf32, #tpu.memory_space<hbm>> -> memref<10000x128xf32, #tpu.memory_space<hbm>>
          tpu.enqueue_indirect_dma source(%dma_start3A_635 : memref<10000x128xf32, #tpu.memory_space<hbm>>) target(%arg10 : memref<40x128xf32, #tpu.memory_space<vmem>>) offsets(%dma_start3A_632 : memref<40xi32, #tpu.memory_space<vmem>>) semaphore(%arg15 : memref<!tpu.dma_semaphore, #tpu.memory_space<semaphore_mem>>)
        } else {
        }
        %dma_wait3A_593 = arith.constant 0 : i32
        %dma_wait3A_594 = tpu.memref_slice %arg7[%add3A_585, %dma_wait3A_593] : memref<64x40xi32, #tpu.memory_space<vmem>> -> memref<1x40xi32, #tpu.memory_space<vmem>>
        %dma_wait3A_595 = tpu.memref_squeeze %dma_wait3A_594 : memref<1x40xi32, #tpu.memory_space<vmem>> -> memref<40xi32, #tpu.memory_space<vmem>>
        %dma_wait3A_596 = arith.constant 0 : i32
        %dma_wait3A_597 = arith.constant 0 : i32
        %dma_wait3A_598 = tpu.memref_slice %arg2[%dma_wait3A_596, %dma_wait3A_597] : memref<10000x128xf32, #tpu.memory_space<hbm>> -> memref<10000x128xf32, #tpu.memory_space<hbm>>
        tpu.wait_indirect_dma semaphore(%arg16 : memref<!tpu.dma_semaphore, #tpu.memory_space<semaphore_mem>>) src(%dma_wait3A_598 : memref<10000x128xf32, #tpu.memory_space<hbm>>) dst(%arg11 : memref<40x128xf32, #tpu.memory_space<vmem>>)
        %dma_start3A_599 = arith.constant 0 : i32
        %dma_start3A_600 = tpu.memref_slice %arg8[%add3A_585, %dma_start3A_599] : memref<64x40xi32, #tpu.memory_space<vmem>> -> memref<1x40xi32, #tpu.memory_space<vmem>>
        %dma_start3A_601 = tpu.memref_squeeze %dma_start3A_600 : memref<1x40xi32, #tpu.memory_space<vmem>> -> memref<40xi32, #tpu.memory_space<vmem>>
        %dma_start3A_602 = arith.constant 0 : i32
        %dma_start3A_603 = arith.constant 0 : i32
        %dma_start3A_604 = tpu.memref_slice %arg13[%dma_start3A_602, %dma_start3A_603] : memref<10240x128xf32, #tpu.memory_space<vmem_shared>> -> memref<10240x128xf32, #tpu.memory_space<vmem_shared>>
        tpu.enqueue_indirect_dma source(%arg11 : memref<40x128xf32, #tpu.memory_space<vmem>>) target(%dma_start3A_604 : memref<10240x128xf32, #tpu.memory_space<vmem_shared>>) offsets(%dma_start3A_601 : memref<40xi32, #tpu.memory_space<vmem>>) semaphore(%arg20 : memref<!tpu.dma_semaphore, #tpu.memory_space<semaphore_mem>>) {add = true}
        %add3A_605 = arith.constant 3 : i32
        %add3A_606 = arith.addi %add3A_542, %add3A_605 : i32
        %add3A_607 = arith.constant 3 : i32
        %add3A_608 = arith.addi %add3A_606, %add3A_607 : i32
        %lt3A_609 = arith.constant 64 : i32
        %lt3A_610 = arith.cmpi slt, %add3A_608, %lt3A_609 : i32
        %convert_element_type3A_611 = arith.extui %lt3A_610 : i1 to i32
        %cond3A_612 = arith.constant 0 : i32
        %cond3A_613 = arith.cmpi ne, %convert_element_type3A_611, %cond3A_612 : i32
        scf.if %cond3A_613 {
          %ge3A = arith.constant 1 : i32
          %ge3A_626 = arith.cmpi sge, %add3A_606, %ge3A : i32
          %convert_element_type3A_627 = arith.extui %ge3A_626 : i1 to i32
          %cond3A_628 = arith.constant 0 : i32
          %cond3A_629 = arith.cmpi ne, %convert_element_type3A_627, %cond3A_628 : i32
          scf.if %cond3A_629 {
            %sub3A = arith.constant 1 : i32
            %sub3A_636 = arith.subi %add3A_606, %sub3A : i32
            %dma_wait3A_637 = arith.constant 0 : i32
            %dma_wait3A_638 = tpu.memref_slice %arg8[%sub3A_636, %dma_wait3A_637] : memref<64x40xi32, #tpu.memory_space<vmem>> -> memref<1x40xi32, #tpu.memory_space<vmem>>
            %dma_wait3A_639 = tpu.memref_squeeze %dma_wait3A_638 : memref<1x40xi32, #tpu.memory_space<vmem>> -> memref<40xi32, #tpu.memory_space<vmem>>
            %dma_wait3A_640 = arith.constant 0 : i32
            %dma_wait3A_641 = arith.constant 0 : i32
            %dma_wait3A_642 = tpu.memref_slice %arg13[%dma_wait3A_640, %dma_wait3A_641] : memref<10240x128xf32, #tpu.memory_space<vmem_shared>> -> memref<10240x128xf32, #tpu.memory_space<vmem_shared>>
            tpu.wait_indirect_dma semaphore(%arg20 : memref<!tpu.dma_semaphore, #tpu.memory_space<semaphore_mem>>) src(%arg11 : memref<40x128xf32, #tpu.memory_space<vmem>>) dst(%dma_wait3A_642 : memref<10240x128xf32, #tpu.memory_space<vmem_shared>>)
          } else {
          }
          %dma_start3A_630 = arith.constant 0 : i32
          %dma_start3A_631 = tpu.memref_slice %arg7[%add3A_608, %dma_start3A_630] : memref<64x40xi32, #tpu.memory_space<vmem>> -> memref<1x40xi32, #tpu.memory_space<vmem>>
          %dma_start3A_632 = tpu.memref_squeeze %dma_start3A_631 : memref<1x40xi32, #tpu.memory_space<vmem>> -> memref<40xi32, #tpu.memory_space<vmem>>
          %dma_start3A_633 = arith.constant 0 : i32
          %dma_start3A_634 = arith.constant 0 : i32
          %dma_start3A_635 = tpu.memref_slice %arg2[%dma_start3A_633, %dma_start3A_634] : memref<10000x128xf32, #tpu.memory_space<hbm>> -> memref<10000x128xf32, #tpu.memory_space<hbm>>
          tpu.enqueue_indirect_dma source(%dma_start3A_635 : memref<10000x128xf32, #tpu.memory_space<hbm>>) target(%arg11 : memref<40x128xf32, #tpu.memory_space<vmem>>) offsets(%dma_start3A_632 : memref<40xi32, #tpu.memory_space<vmem>>) semaphore(%arg16 : memref<!tpu.dma_semaphore, #tpu.memory_space<semaphore_mem>>)
        } else {
        }
        %dma_wait3A_614 = arith.constant 0 : i32
        %dma_wait3A_615 = tpu.memref_slice %arg7[%add3A_606, %dma_wait3A_614] : memref<64x40xi32, #tpu.memory_space<vmem>> -> memref<1x40xi32, #tpu.memory_space<vmem>>
        %dma_wait3A_616 = tpu.memref_squeeze %dma_wait3A_615 : memref<1x40xi32, #tpu.memory_space<vmem>> -> memref<40xi32, #tpu.memory_space<vmem>>
        %dma_wait3A_617 = arith.constant 0 : i32
        %dma_wait3A_618 = arith.constant 0 : i32
        %dma_wait3A_619 = tpu.memref_slice %arg2[%dma_wait3A_617, %dma_wait3A_618] : memref<10000x128xf32, #tpu.memory_space<hbm>> -> memref<10000x128xf32, #tpu.memory_space<hbm>>
        tpu.wait_indirect_dma semaphore(%arg17 : memref<!tpu.dma_semaphore, #tpu.memory_space<semaphore_mem>>) src(%dma_wait3A_619 : memref<10000x128xf32, #tpu.memory_space<hbm>>) dst(%arg12 : memref<40x128xf32, #tpu.memory_space<vmem>>)
        %dma_start3A_620 = arith.constant 0 : i32
        %dma_start3A_621 = tpu.memref_slice %arg8[%add3A_606, %dma_start3A_620] : memref<64x40xi32, #tpu.memory_space<vmem>> -> memref<1x40xi32, #tpu.memory_space<vmem>>
        %dma_start3A_622 = tpu.memref_squeeze %dma_start3A_621 : memref<1x40xi32, #tpu.memory_space<vmem>> -> memref<40xi32, #tpu.memory_space<vmem>>
        %dma_start3A_623 = arith.constant 0 : i32
        %dma_start3A_624 = arith.constant 0 : i32
        %dma_start3A_625 = tpu.memref_slice %arg13[%dma_start3A_623, %dma_start3A_624] : memref<10240x128xf32, #tpu.memory_space<vmem_shared>> -> memref<10240x128xf32, #tpu.memory_space<vmem_shared>>
        tpu.enqueue_indirect_dma source(%arg12 : memref<40x128xf32, #tpu.memory_space<vmem>>) target(%dma_start3A_625 : memref<10240x128xf32, #tpu.memory_space<vmem_shared>>) offsets(%dma_start3A_622 : memref<40xi32, #tpu.memory_space<vmem>>) semaphore(%arg21 : memref<!tpu.dma_semaphore, #tpu.memory_space<semaphore_mem>>) {add = true}
      }
      %scan3A_136 = arith.constant 16 : i32
      %dma_wait3A_137 = arith.constant 60 : i32
      %dma_wait3A_138 = arith.constant 0 : i32
      %dma_wait3A_139 = tpu.memref_slice %arg8[%dma_wait3A_137, %dma_wait3A_138] : memref<64x40xi32, #tpu.memory_space<vmem>> -> memref<1x40xi32, #tpu.memory_space<vmem>>
      %dma_wait3A_140 = tpu.memref_squeeze %dma_wait3A_139 : memref<1x40xi32, #tpu.memory_space<vmem>> -> memref<40xi32, #tpu.memory_space<vmem>>
      %dma_wait3A_141 = arith.constant 0 : i32
      %dma_wait3A_142 = arith.constant 0 : i32
      %dma_wait3A_143 = tpu.memref_slice %arg13[%dma_wait3A_141, %dma_wait3A_142] : memref<10240x128xf32, #tpu.memory_space<vmem_shared>> -> memref<10240x128xf32, #tpu.memory_space<vmem_shared>>
      tpu.wait_indirect_dma semaphore(%arg18 : memref<!tpu.dma_semaphore, #tpu.memory_space<semaphore_mem>>) src(%arg9 : memref<40x128xf32, #tpu.memory_space<vmem>>) dst(%dma_wait3A_143 : memref<10240x128xf32, #tpu.memory_space<vmem_shared>>)
      %dma_wait3A_144 = arith.constant 61 : i32
      %dma_wait3A_145 = arith.constant 0 : i32
      %dma_wait3A_146 = tpu.memref_slice %arg8[%dma_wait3A_144, %dma_wait3A_145] : memref<64x40xi32, #tpu.memory_space<vmem>> -> memref<1x40xi32, #tpu.memory_space<vmem>>
      %dma_wait3A_147 = tpu.memref_squeeze %dma_wait3A_146 : memref<1x40xi32, #tpu.memory_space<vmem>> -> memref<40xi32, #tpu.memory_space<vmem>>
      %dma_wait3A_148 = arith.constant 0 : i32
      %dma_wait3A_149 = arith.constant 0 : i32
      %dma_wait3A_150 = tpu.memref_slice %arg13[%dma_wait3A_148, %dma_wait3A_149] : memref<10240x128xf32, #tpu.memory_space<vmem_shared>> -> memref<10240x128xf32, #tpu.memory_space<vmem_shared>>
      tpu.wait_indirect_dma semaphore(%arg19 : memref<!tpu.dma_semaphore, #tpu.memory_space<semaphore_mem>>) src(%arg10 : memref<40x128xf32, #tpu.memory_space<vmem>>) dst(%dma_wait3A_150 : memref<10240x128xf32, #tpu.memory_space<vmem_shared>>)
      %dma_wait3A_151 = arith.constant 62 : i32
      %dma_wait3A_152 = arith.constant 0 : i32
      %dma_wait3A_153 = tpu.memref_slice %arg8[%dma_wait3A_151, %dma_wait3A_152] : memref<64x40xi32, #tpu.memory_space<vmem>> -> memref<1x40xi32, #tpu.memory_space<vmem>>
      %dma_wait3A_154 = tpu.memref_squeeze %dma_wait3A_153 : memref<1x40xi32, #tpu.memory_space<vmem>> -> memref<40xi32, #tpu.memory_space<vmem>>
      %dma_wait3A_155 = arith.constant 0 : i32
      %dma_wait3A_156 = arith.constant 0 : i32
      %dma_wait3A_157 = tpu.memref_slice %arg13[%dma_wait3A_155, %dma_wait3A_156] : memref<10240x128xf32, #tpu.memory_space<vmem_shared>> -> memref<10240x128xf32, #tpu.memory_space<vmem_shared>>
      tpu.wait_indirect_dma semaphore(%arg20 : memref<!tpu.dma_semaphore, #tpu.memory_space<semaphore_mem>>) src(%arg11 : memref<40x128xf32, #tpu.memory_space<vmem>>) dst(%dma_wait3A_157 : memref<10240x128xf32, #tpu.memory_space<vmem_shared>>)
      %dma_wait3A_158 = arith.constant 63 : i32
      %dma_wait3A_159 = arith.constant 0 : i32
      %dma_wait3A_160 = tpu.memref_slice %arg8[%dma_wait3A_158, %dma_wait3A_159] : memref<64x40xi32, #tpu.memory_space<vmem>> -> memref<1x40xi32, #tpu.memory_space<vmem>>
      %dma_wait3A_161 = tpu.memref_squeeze %dma_wait3A_160 : memref<1x40xi32, #tpu.memory_space<vmem>> -> memref<40xi32, #tpu.memory_space<vmem>>
      %dma_wait3A_162 = arith.constant 0 : i32
      %dma_wait3A_163 = arith.constant 0 : i32
      %dma_wait3A_164 = tpu.memref_slice %arg13[%dma_wait3A_162, %dma_wait3A_163] : memref<10240x128xf32, #tpu.memory_space<vmem_shared>> -> memref<10240x128xf32, #tpu.memory_space<vmem_shared>>
      tpu.wait_indirect_dma semaphore(%arg21 : memref<!tpu.dma_semaphore, #tpu.memory_space<semaphore_mem>>) src(%arg12 : memref<40x128xf32, #tpu.memory_space<vmem>>) dst(%dma_wait3A_164 : memref<10240x128xf32, #tpu.memory_space<vmem_shared>>)
      %mul3A_165 = arith.constant 8 : i32
      %mul3A_166 = arith.muli %arg1, %mul3A_165 : i32
      %add3A_167 = arith.constant 2 : i32
      %add3A_168 = arith.addi %mul3A_166, %add3A_167 : i32
      "tpu.region"() ({
        %run_scoped3A = tpu.sem_alloc : memref<!tpu.dma_semaphore, #tpu.memory_space<semaphore_mem>>
        %dma_start3A_538 = arith.constant 0 : i32
        %dma_start3A_539 = arith.constant 0 : i32
        %dma_start3A_540 = tpu.memref_slice %arg4[%add3A_168, %dma_start3A_538, %dma_start3A_539] : memref<128x64x40xi32, #tpu.memory_space<hbm>> -> memref<1x64x40xi32, #tpu.memory_space<hbm>>
        %dma_start3A_541 = tpu.memref_squeeze %dma_start3A_540 : memref<1x64x40xi32, #tpu.memory_space<hbm>> -> memref<64x40xi32, #tpu.memory_space<hbm>>
        %dma_start3A_542 = arith.constant 0 : i32
        %dma_start3A_543 = arith.constant 0 : i32
        %dma_start3A_544 = tpu.memref_slice %arg4[%add3A_168, %dma_start3A_542, %dma_start3A_543] : memref<128x64x40xi32, #tpu.memory_space<hbm>> -> memref<1x64x40xi32, #tpu.memory_space<hbm>>
        %dma_start3A_545 = tpu.memref_squeeze %dma_start3A_544 : memref<1x64x40xi32, #tpu.memory_space<hbm>> -> memref<64x40xi32, #tpu.memory_space<hbm>>
        tpu.enqueue_dma source(%dma_start3A_545 : memref<64x40xi32, #tpu.memory_space<hbm>>) target(%arg8 : memref<64x40xi32, #tpu.memory_space<vmem>>) target_semaphore(%run_scoped3A : memref<!tpu.dma_semaphore, #tpu.memory_space<semaphore_mem>>)
        %dma_wait3A_546 = arith.constant 0 : i32
        %dma_wait3A_547 = arith.constant 0 : i32
        %dma_wait3A_548 = tpu.memref_slice %arg4[%add3A_168, %dma_wait3A_546, %dma_wait3A_547] : memref<128x64x40xi32, #tpu.memory_space<hbm>> -> memref<1x64x40xi32, #tpu.memory_space<hbm>>
        %dma_wait3A_549 = tpu.memref_squeeze %dma_wait3A_548 : memref<1x64x40xi32, #tpu.memory_space<hbm>> -> memref<64x40xi32, #tpu.memory_space<hbm>>
        %dma_wait3A_550 = arith.constant 0 : i32
        %dma_wait3A_551 = arith.constant 0 : i32
        %dma_wait3A_552 = tpu.memref_slice %arg4[%add3A_168, %dma_wait3A_550, %dma_wait3A_551] : memref<128x64x40xi32, #tpu.memory_space<hbm>> -> memref<1x64x40xi32, #tpu.memory_space<hbm>>
        %dma_wait3A_553 = tpu.memref_squeeze %dma_wait3A_552 : memref<1x64x40xi32, #tpu.memory_space<hbm>> -> memref<64x40xi32, #tpu.memory_space<hbm>>
        tpu.wait_dma2 semaphore(%run_scoped3A : memref<!tpu.dma_semaphore, #tpu.memory_space<semaphore_mem>>) src(%dma_wait3A_553 : memref<64x40xi32, #tpu.memory_space<hbm>>) dst(%arg8 : memref<64x40xi32, #tpu.memory_space<vmem>>)
        tpu.yield
      }) : () -> ()
      %mul3A_169 = arith.constant 8 : i32
      %mul3A_170 = arith.muli %arg1, %mul3A_169 : i32
      %add3A_171 = arith.constant 2 : i32
      %add3A_172 = arith.addi %mul3A_170, %add3A_171 : i32
      "tpu.region"() ({
        %run_scoped3A = tpu.sem_alloc : memref<!tpu.dma_semaphore, #tpu.memory_space<semaphore_mem>>
        %dma_start3A_538 = arith.constant 0 : i32
        %dma_start3A_539 = arith.constant 0 : i32
        %dma_start3A_540 = tpu.memref_slice %arg3[%add3A_172, %dma_start3A_538, %dma_start3A_539] : memref<128x64x40xi32, #tpu.memory_space<hbm>> -> memref<1x64x40xi32, #tpu.memory_space<hbm>>
        %dma_start3A_541 = tpu.memref_squeeze %dma_start3A_540 : memref<1x64x40xi32, #tpu.memory_space<hbm>> -> memref<64x40xi32, #tpu.memory_space<hbm>>
        %dma_start3A_542 = arith.constant 0 : i32
        %dma_start3A_543 = arith.constant 0 : i32
        %dma_start3A_544 = tpu.memref_slice %arg3[%add3A_172, %dma_start3A_542, %dma_start3A_543] : memref<128x64x40xi32, #tpu.memory_space<hbm>> -> memref<1x64x40xi32, #tpu.memory_space<hbm>>
        %dma_start3A_545 = tpu.memref_squeeze %dma_start3A_544 : memref<1x64x40xi32, #tpu.memory_space<hbm>> -> memref<64x40xi32, #tpu.memory_space<hbm>>
        tpu.enqueue_dma source(%dma_start3A_545 : memref<64x40xi32, #tpu.memory_space<hbm>>) target(%arg7 : memref<64x40xi32, #tpu.memory_space<vmem>>) target_semaphore(%run_scoped3A : memref<!tpu.dma_semaphore, #tpu.memory_space<semaphore_mem>>)
        %dma_wait3A_546 = arith.constant 0 : i32
        %dma_wait3A_547 = arith.constant 0 : i32
        %dma_wait3A_548 = tpu.memref_slice %arg3[%add3A_172, %dma_wait3A_546, %dma_wait3A_547] : memref<128x64x40xi32, #tpu.memory_space<hbm>> -> memref<1x64x40xi32, #tpu.memory_space<hbm>>
        %dma_wait3A_549 = tpu.memref_squeeze %dma_wait3A_548 : memref<1x64x40xi32, #tpu.memory_space<hbm>> -> memref<64x40xi32, #tpu.memory_space<hbm>>
        %dma_wait3A_550 = arith.constant 0 : i32
        %dma_wait3A_551 = arith.constant 0 : i32
        %dma_wait3A_552 = tpu.memref_slice %arg3[%add3A_172, %dma_wait3A_550, %dma_wait3A_551] : memref<128x64x40xi32, #tpu.memory_space<hbm>> -> memref<1x64x40xi32, #tpu.memory_space<hbm>>
        %dma_wait3A_553 = tpu.memref_squeeze %dma_wait3A_552 : memref<1x64x40xi32, #tpu.memory_space<hbm>> -> memref<64x40xi32, #tpu.memory_space<hbm>>
        tpu.wait_dma2 semaphore(%run_scoped3A : memref<!tpu.dma_semaphore, #tpu.memory_space<semaphore_mem>>) src(%dma_wait3A_553 : memref<64x40xi32, #tpu.memory_space<hbm>>) dst(%arg7 : memref<64x40xi32, #tpu.memory_space<vmem>>)
        tpu.yield
      }) : () -> ()
      %dma_start3A_173 = arith.constant 0 : i32
      %dma_start3A_174 = arith.constant 0 : i32
      %dma_start3A_175 = tpu.memref_slice %arg7[%dma_start3A_173, %dma_start3A_174] : memref<64x40xi32, #tpu.memory_space<vmem>> -> memref<1x40xi32, #tpu.memory_space<vmem>>
      %dma_start3A_176 = tpu.memref_squeeze %dma_start3A_175 : memref<1x40xi32, #tpu.memory_space<vmem>> -> memref<40xi32, #tpu.memory_space<vmem>>
      %dma_start3A_177 = arith.constant 0 : i32
      %dma_start3A_178 = arith.constant 0 : i32
      %dma_start3A_179 = tpu.memref_slice %arg2[%dma_start3A_177, %dma_start3A_178] : memref<10000x128xf32, #tpu.memory_space<hbm>> -> memref<10000x128xf32, #tpu.memory_space<hbm>>
      tpu.enqueue_indirect_dma source(%dma_start3A_179 : memref<10000x128xf32, #tpu.memory_space<hbm>>) target(%arg9 : memref<40x128xf32, #tpu.memory_space<vmem>>) offsets(%dma_start3A_176 : memref<40xi32, #tpu.memory_space<vmem>>) semaphore(%arg14 : memref<!tpu.dma_semaphore, #tpu.memory_space<semaphore_mem>>)
      %dma_start3A_180 = arith.constant 1 : i32
      %dma_start3A_181 = arith.constant 0 : i32
      %dma_start3A_182 = tpu.memref_slice %arg7[%dma_start3A_180, %dma_start3A_181] : memref<64x40xi32, #tpu.memory_space<vmem>> -> memref<1x40xi32, #tpu.memory_space<vmem>>
      %dma_start3A_183 = tpu.memref_squeeze %dma_start3A_182 : memref<1x40xi32, #tpu.memory_space<vmem>> -> memref<40xi32, #tpu.memory_space<vmem>>
      %dma_start3A_184 = arith.constant 0 : i32
      %dma_start3A_185 = arith.constant 0 : i32
      %dma_start3A_186 = tpu.memref_slice %arg2[%dma_start3A_184, %dma_start3A_185] : memref<10000x128xf32, #tpu.memory_space<hbm>> -> memref<10000x128xf32, #tpu.memory_space<hbm>>
      tpu.enqueue_indirect_dma source(%dma_start3A_186 : memref<10000x128xf32, #tpu.memory_space<hbm>>) target(%arg10 : memref<40x128xf32, #tpu.memory_space<vmem>>) offsets(%dma_start3A_183 : memref<40xi32, #tpu.memory_space<vmem>>) semaphore(%arg15 : memref<!tpu.dma_semaphore, #tpu.memory_space<semaphore_mem>>)
      %dma_start3A_187 = arith.constant 2 : i32
      %dma_start3A_188 = arith.constant 0 : i32
      %dma_start3A_189 = tpu.memref_slice %arg7[%dma_start3A_187, %dma_start3A_188] : memref<64x40xi32, #tpu.memory_space<vmem>> -> memref<1x40xi32, #tpu.memory_space<vmem>>
      %dma_start3A_190 = tpu.memref_squeeze %dma_start3A_189 : memref<1x40xi32, #tpu.memory_space<vmem>> -> memref<40xi32, #tpu.memory_space<vmem>>
      %dma_start3A_191 = arith.constant 0 : i32
      %dma_start3A_192 = arith.constant 0 : i32
      %dma_start3A_193 = tpu.memref_slice %arg2[%dma_start3A_191, %dma_start3A_192] : memref<10000x128xf32, #tpu.memory_space<hbm>> -> memref<10000x128xf32, #tpu.memory_space<hbm>>
      tpu.enqueue_indirect_dma source(%dma_start3A_193 : memref<10000x128xf32, #tpu.memory_space<hbm>>) target(%arg11 : memref<40x128xf32, #tpu.memory_space<vmem>>) offsets(%dma_start3A_190 : memref<40xi32, #tpu.memory_space<vmem>>) semaphore(%arg16 : memref<!tpu.dma_semaphore, #tpu.memory_space<semaphore_mem>>)
      %scan3A_194 = arith.constant 0 : i32
      %scan3A_195 = arith.constant 16 : i32
      %scan3A_196 = arith.addi %scan3A_194, %scan3A_195 : i32
      %scan3A_197 = arith.constant 1 : i32
      scf.for %scan3A_538 = %scan3A_194 to %scan3A_196 step %scan3A_197  : i32 {
        %mul3A_539 = arith.constant 4 : i32
        %mul3A_540 = arith.muli %scan3A_538, %mul3A_539 : i32
        %add3A_541 = arith.constant 0 : i32
        %add3A_542 = arith.addi %add3A_541, %mul3A_540 : i32
        %add3A_543 = arith.constant 0 : i32
        %add3A_544 = arith.addi %add3A_542, %add3A_543 : i32
        %add3A_545 = arith.constant 3 : i32
        %add3A_546 = arith.addi %add3A_544, %add3A_545 : i32
        %lt3A = arith.constant 64 : i32
        %lt3A_547 = arith.cmpi slt, %add3A_546, %lt3A : i32
        %convert_element_type3A_548 = arith.extui %lt3A_547 : i1 to i32
        %cond3A_549 = arith.constant 0 : i32
        %cond3A_550 = arith.cmpi ne, %convert_element_type3A_548, %cond3A_549 : i32
        scf.if %cond3A_550 {
          %ge3A = arith.constant 1 : i32
          %ge3A_626 = arith.cmpi sge, %add3A_544, %ge3A : i32
          %convert_element_type3A_627 = arith.extui %ge3A_626 : i1 to i32
          %cond3A_628 = arith.constant 0 : i32
          %cond3A_629 = arith.cmpi ne, %convert_element_type3A_627, %cond3A_628 : i32
          scf.if %cond3A_629 {
            %sub3A = arith.constant 1 : i32
            %sub3A_636 = arith.subi %add3A_544, %sub3A : i32
            %dma_wait3A_637 = arith.constant 0 : i32
            %dma_wait3A_638 = tpu.memref_slice %arg8[%sub3A_636, %dma_wait3A_637] : memref<64x40xi32, #tpu.memory_space<vmem>> -> memref<1x40xi32, #tpu.memory_space<vmem>>
            %dma_wait3A_639 = tpu.memref_squeeze %dma_wait3A_638 : memref<1x40xi32, #tpu.memory_space<vmem>> -> memref<40xi32, #tpu.memory_space<vmem>>
            %dma_wait3A_640 = arith.constant 0 : i32
            %dma_wait3A_641 = arith.constant 0 : i32
            %dma_wait3A_642 = tpu.memref_slice %arg13[%dma_wait3A_640, %dma_wait3A_641] : memref<10240x128xf32, #tpu.memory_space<vmem_shared>> -> memref<10240x128xf32, #tpu.memory_space<vmem_shared>>
            tpu.wait_indirect_dma semaphore(%arg21 : memref<!tpu.dma_semaphore, #tpu.memory_space<semaphore_mem>>) src(%arg12 : memref<40x128xf32, #tpu.memory_space<vmem>>) dst(%dma_wait3A_642 : memref<10240x128xf32, #tpu.memory_space<vmem_shared>>)
          } else {
          }
          %dma_start3A_630 = arith.constant 0 : i32
          %dma_start3A_631 = tpu.memref_slice %arg7[%add3A_546, %dma_start3A_630] : memref<64x40xi32, #tpu.memory_space<vmem>> -> memref<1x40xi32, #tpu.memory_space<vmem>>
          %dma_start3A_632 = tpu.memref_squeeze %dma_start3A_631 : memref<1x40xi32, #tpu.memory_space<vmem>> -> memref<40xi32, #tpu.memory_space<vmem>>
          %dma_start3A_633 = arith.constant 0 : i32
          %dma_start3A_634 = arith.constant 0 : i32
          %dma_start3A_635 = tpu.memref_slice %arg2[%dma_start3A_633, %dma_start3A_634] : memref<10000x128xf32, #tpu.memory_space<hbm>> -> memref<10000x128xf32, #tpu.memory_space<hbm>>
          tpu.enqueue_indirect_dma source(%dma_start3A_635 : memref<10000x128xf32, #tpu.memory_space<hbm>>) target(%arg12 : memref<40x128xf32, #tpu.memory_space<vmem>>) offsets(%dma_start3A_632 : memref<40xi32, #tpu.memory_space<vmem>>) semaphore(%arg17 : memref<!tpu.dma_semaphore, #tpu.memory_space<semaphore_mem>>)
        } else {
        }
        %dma_wait3A_551 = arith.constant 0 : i32
        %dma_wait3A_552 = tpu.memref_slice %arg7[%add3A_544, %dma_wait3A_551] : memref<64x40xi32, #tpu.memory_space<vmem>> -> memref<1x40xi32, #tpu.memory_space<vmem>>
        %dma_wait3A_553 = tpu.memref_squeeze %dma_wait3A_552 : memref<1x40xi32, #tpu.memory_space<vmem>> -> memref<40xi32, #tpu.memory_space<vmem>>
        %dma_wait3A_554 = arith.constant 0 : i32
        %dma_wait3A_555 = arith.constant 0 : i32
        %dma_wait3A_556 = tpu.memref_slice %arg2[%dma_wait3A_554, %dma_wait3A_555] : memref<10000x128xf32, #tpu.memory_space<hbm>> -> memref<10000x128xf32, #tpu.memory_space<hbm>>
        tpu.wait_indirect_dma semaphore(%arg14 : memref<!tpu.dma_semaphore, #tpu.memory_space<semaphore_mem>>) src(%dma_wait3A_556 : memref<10000x128xf32, #tpu.memory_space<hbm>>) dst(%arg9 : memref<40x128xf32, #tpu.memory_space<vmem>>)
        %dma_start3A_557 = arith.constant 0 : i32
        %dma_start3A_558 = tpu.memref_slice %arg8[%add3A_544, %dma_start3A_557] : memref<64x40xi32, #tpu.memory_space<vmem>> -> memref<1x40xi32, #tpu.memory_space<vmem>>
        %dma_start3A_559 = tpu.memref_squeeze %dma_start3A_558 : memref<1x40xi32, #tpu.memory_space<vmem>> -> memref<40xi32, #tpu.memory_space<vmem>>
        %dma_start3A_560 = arith.constant 0 : i32
        %dma_start3A_561 = arith.constant 0 : i32
        %dma_start3A_562 = tpu.memref_slice %arg13[%dma_start3A_560, %dma_start3A_561] : memref<10240x128xf32, #tpu.memory_space<vmem_shared>> -> memref<10240x128xf32, #tpu.memory_space<vmem_shared>>
        tpu.enqueue_indirect_dma source(%arg9 : memref<40x128xf32, #tpu.memory_space<vmem>>) target(%dma_start3A_562 : memref<10240x128xf32, #tpu.memory_space<vmem_shared>>) offsets(%dma_start3A_559 : memref<40xi32, #tpu.memory_space<vmem>>) semaphore(%arg18 : memref<!tpu.dma_semaphore, #tpu.memory_space<semaphore_mem>>) {add = true}
        %add3A_563 = arith.constant 1 : i32
        %add3A_564 = arith.addi %add3A_542, %add3A_563 : i32
        %add3A_565 = arith.constant 3 : i32
        %add3A_566 = arith.addi %add3A_564, %add3A_565 : i32
        %lt3A_567 = arith.constant 64 : i32
        %lt3A_568 = arith.cmpi slt, %add3A_566, %lt3A_567 : i32
        %convert_element_type3A_569 = arith.extui %lt3A_568 : i1 to i32
        %cond3A_570 = arith.constant 0 : i32
        %cond3A_571 = arith.cmpi ne, %convert_element_type3A_569, %cond3A_570 : i32
        scf.if %cond3A_571 {
          %ge3A = arith.constant 1 : i32
          %ge3A_626 = arith.cmpi sge, %add3A_564, %ge3A : i32
          %convert_element_type3A_627 = arith.extui %ge3A_626 : i1 to i32
          %cond3A_628 = arith.constant 0 : i32
          %cond3A_629 = arith.cmpi ne, %convert_element_type3A_627, %cond3A_628 : i32
          scf.if %cond3A_629 {
            %sub3A = arith.constant 1 : i32
            %sub3A_636 = arith.subi %add3A_564, %sub3A : i32
            %dma_wait3A_637 = arith.constant 0 : i32
            %dma_wait3A_638 = tpu.memref_slice %arg8[%sub3A_636, %dma_wait3A_637] : memref<64x40xi32, #tpu.memory_space<vmem>> -> memref<1x40xi32, #tpu.memory_space<vmem>>
            %dma_wait3A_639 = tpu.memref_squeeze %dma_wait3A_638 : memref<1x40xi32, #tpu.memory_space<vmem>> -> memref<40xi32, #tpu.memory_space<vmem>>
            %dma_wait3A_640 = arith.constant 0 : i32
            %dma_wait3A_641 = arith.constant 0 : i32
            %dma_wait3A_642 = tpu.memref_slice %arg13[%dma_wait3A_640, %dma_wait3A_641] : memref<10240x128xf32, #tpu.memory_space<vmem_shared>> -> memref<10240x128xf32, #tpu.memory_space<vmem_shared>>
            tpu.wait_indirect_dma semaphore(%arg18 : memref<!tpu.dma_semaphore, #tpu.memory_space<semaphore_mem>>) src(%arg9 : memref<40x128xf32, #tpu.memory_space<vmem>>) dst(%dma_wait3A_642 : memref<10240x128xf32, #tpu.memory_space<vmem_shared>>)
          } else {
          }
          %dma_start3A_630 = arith.constant 0 : i32
          %dma_start3A_631 = tpu.memref_slice %arg7[%add3A_566, %dma_start3A_630] : memref<64x40xi32, #tpu.memory_space<vmem>> -> memref<1x40xi32, #tpu.memory_space<vmem>>
          %dma_start3A_632 = tpu.memref_squeeze %dma_start3A_631 : memref<1x40xi32, #tpu.memory_space<vmem>> -> memref<40xi32, #tpu.memory_space<vmem>>
          %dma_start3A_633 = arith.constant 0 : i32
          %dma_start3A_634 = arith.constant 0 : i32
          %dma_start3A_635 = tpu.memref_slice %arg2[%dma_start3A_633, %dma_start3A_634] : memref<10000x128xf32, #tpu.memory_space<hbm>> -> memref<10000x128xf32, #tpu.memory_space<hbm>>
          tpu.enqueue_indirect_dma source(%dma_start3A_635 : memref<10000x128xf32, #tpu.memory_space<hbm>>) target(%arg9 : memref<40x128xf32, #tpu.memory_space<vmem>>) offsets(%dma_start3A_632 : memref<40xi32, #tpu.memory_space<vmem>>) semaphore(%arg14 : memref<!tpu.dma_semaphore, #tpu.memory_space<semaphore_mem>>)
        } else {
        }
        %dma_wait3A_572 = arith.constant 0 : i32
        %dma_wait3A_573 = tpu.memref_slice %arg7[%add3A_564, %dma_wait3A_572] : memref<64x40xi32, #tpu.memory_space<vmem>> -> memref<1x40xi32, #tpu.memory_space<vmem>>
        %dma_wait3A_574 = tpu.memref_squeeze %dma_wait3A_573 : memref<1x40xi32, #tpu.memory_space<vmem>> -> memref<40xi32, #tpu.memory_space<vmem>>
        %dma_wait3A_575 = arith.constant 0 : i32
        %dma_wait3A_576 = arith.constant 0 : i32
        %dma_wait3A_577 = tpu.memref_slice %arg2[%dma_wait3A_575, %dma_wait3A_576] : memref<10000x128xf32, #tpu.memory_space<hbm>> -> memref<10000x128xf32, #tpu.memory_space<hbm>>
        tpu.wait_indirect_dma semaphore(%arg15 : memref<!tpu.dma_semaphore, #tpu.memory_space<semaphore_mem>>) src(%dma_wait3A_577 : memref<10000x128xf32, #tpu.memory_space<hbm>>) dst(%arg10 : memref<40x128xf32, #tpu.memory_space<vmem>>)
        %dma_start3A_578 = arith.constant 0 : i32
        %dma_start3A_579 = tpu.memref_slice %arg8[%add3A_564, %dma_start3A_578] : memref<64x40xi32, #tpu.memory_space<vmem>> -> memref<1x40xi32, #tpu.memory_space<vmem>>
        %dma_start3A_580 = tpu.memref_squeeze %dma_start3A_579 : memref<1x40xi32, #tpu.memory_space<vmem>> -> memref<40xi32, #tpu.memory_space<vmem>>
        %dma_start3A_581 = arith.constant 0 : i32
        %dma_start3A_582 = arith.constant 0 : i32
        %dma_start3A_583 = tpu.memref_slice %arg13[%dma_start3A_581, %dma_start3A_582] : memref<10240x128xf32, #tpu.memory_space<vmem_shared>> -> memref<10240x128xf32, #tpu.memory_space<vmem_shared>>
        tpu.enqueue_indirect_dma source(%arg10 : memref<40x128xf32, #tpu.memory_space<vmem>>) target(%dma_start3A_583 : memref<10240x128xf32, #tpu.memory_space<vmem_shared>>) offsets(%dma_start3A_580 : memref<40xi32, #tpu.memory_space<vmem>>) semaphore(%arg19 : memref<!tpu.dma_semaphore, #tpu.memory_space<semaphore_mem>>) {add = true}
        %add3A_584 = arith.constant 2 : i32
        %add3A_585 = arith.addi %add3A_542, %add3A_584 : i32
        %add3A_586 = arith.constant 3 : i32
        %add3A_587 = arith.addi %add3A_585, %add3A_586 : i32
        %lt3A_588 = arith.constant 64 : i32
        %lt3A_589 = arith.cmpi slt, %add3A_587, %lt3A_588 : i32
        %convert_element_type3A_590 = arith.extui %lt3A_589 : i1 to i32
        %cond3A_591 = arith.constant 0 : i32
        %cond3A_592 = arith.cmpi ne, %convert_element_type3A_590, %cond3A_591 : i32
        scf.if %cond3A_592 {
          %ge3A = arith.constant 1 : i32
          %ge3A_626 = arith.cmpi sge, %add3A_585, %ge3A : i32
          %convert_element_type3A_627 = arith.extui %ge3A_626 : i1 to i32
          %cond3A_628 = arith.constant 0 : i32
          %cond3A_629 = arith.cmpi ne, %convert_element_type3A_627, %cond3A_628 : i32
          scf.if %cond3A_629 {
            %sub3A = arith.constant 1 : i32
            %sub3A_636 = arith.subi %add3A_585, %sub3A : i32
            %dma_wait3A_637 = arith.constant 0 : i32
            %dma_wait3A_638 = tpu.memref_slice %arg8[%sub3A_636, %dma_wait3A_637] : memref<64x40xi32, #tpu.memory_space<vmem>> -> memref<1x40xi32, #tpu.memory_space<vmem>>
            %dma_wait3A_639 = tpu.memref_squeeze %dma_wait3A_638 : memref<1x40xi32, #tpu.memory_space<vmem>> -> memref<40xi32, #tpu.memory_space<vmem>>
            %dma_wait3A_640 = arith.constant 0 : i32
            %dma_wait3A_641 = arith.constant 0 : i32
            %dma_wait3A_642 = tpu.memref_slice %arg13[%dma_wait3A_640, %dma_wait3A_641] : memref<10240x128xf32, #tpu.memory_space<vmem_shared>> -> memref<10240x128xf32, #tpu.memory_space<vmem_shared>>
            tpu.wait_indirect_dma semaphore(%arg19 : memref<!tpu.dma_semaphore, #tpu.memory_space<semaphore_mem>>) src(%arg10 : memref<40x128xf32, #tpu.memory_space<vmem>>) dst(%dma_wait3A_642 : memref<10240x128xf32, #tpu.memory_space<vmem_shared>>)
          } else {
          }
          %dma_start3A_630 = arith.constant 0 : i32
          %dma_start3A_631 = tpu.memref_slice %arg7[%add3A_587, %dma_start3A_630] : memref<64x40xi32, #tpu.memory_space<vmem>> -> memref<1x40xi32, #tpu.memory_space<vmem>>
          %dma_start3A_632 = tpu.memref_squeeze %dma_start3A_631 : memref<1x40xi32, #tpu.memory_space<vmem>> -> memref<40xi32, #tpu.memory_space<vmem>>
          %dma_start3A_633 = arith.constant 0 : i32
          %dma_start3A_634 = arith.constant 0 : i32
          %dma_start3A_635 = tpu.memref_slice %arg2[%dma_start3A_633, %dma_start3A_634] : memref<10000x128xf32, #tpu.memory_space<hbm>> -> memref<10000x128xf32, #tpu.memory_space<hbm>>
          tpu.enqueue_indirect_dma source(%dma_start3A_635 : memref<10000x128xf32, #tpu.memory_space<hbm>>) target(%arg10 : memref<40x128xf32, #tpu.memory_space<vmem>>) offsets(%dma_start3A_632 : memref<40xi32, #tpu.memory_space<vmem>>) semaphore(%arg15 : memref<!tpu.dma_semaphore, #tpu.memory_space<semaphore_mem>>)
        } else {
        }
        %dma_wait3A_593 = arith.constant 0 : i32
        %dma_wait3A_594 = tpu.memref_slice %arg7[%add3A_585, %dma_wait3A_593] : memref<64x40xi32, #tpu.memory_space<vmem>> -> memref<1x40xi32, #tpu.memory_space<vmem>>
        %dma_wait3A_595 = tpu.memref_squeeze %dma_wait3A_594 : memref<1x40xi32, #tpu.memory_space<vmem>> -> memref<40xi32, #tpu.memory_space<vmem>>
        %dma_wait3A_596 = arith.constant 0 : i32
        %dma_wait3A_597 = arith.constant 0 : i32
        %dma_wait3A_598 = tpu.memref_slice %arg2[%dma_wait3A_596, %dma_wait3A_597] : memref<10000x128xf32, #tpu.memory_space<hbm>> -> memref<10000x128xf32, #tpu.memory_space<hbm>>
        tpu.wait_indirect_dma semaphore(%arg16 : memref<!tpu.dma_semaphore, #tpu.memory_space<semaphore_mem>>) src(%dma_wait3A_598 : memref<10000x128xf32, #tpu.memory_space<hbm>>) dst(%arg11 : memref<40x128xf32, #tpu.memory_space<vmem>>)
        %dma_start3A_599 = arith.constant 0 : i32
        %dma_start3A_600 = tpu.memref_slice %arg8[%add3A_585, %dma_start3A_599] : memref<64x40xi32, #tpu.memory_space<vmem>> -> memref<1x40xi32, #tpu.memory_space<vmem>>
        %dma_start3A_601 = tpu.memref_squeeze %dma_start3A_600 : memref<1x40xi32, #tpu.memory_space<vmem>> -> memref<40xi32, #tpu.memory_space<vmem>>
        %dma_start3A_602 = arith.constant 0 : i32
        %dma_start3A_603 = arith.constant 0 : i32
        %dma_start3A_604 = tpu.memref_slice %arg13[%dma_start3A_602, %dma_start3A_603] : memref<10240x128xf32, #tpu.memory_space<vmem_shared>> -> memref<10240x128xf32, #tpu.memory_space<vmem_shared>>
        tpu.enqueue_indirect_dma source(%arg11 : memref<40x128xf32, #tpu.memory_space<vmem>>) target(%dma_start3A_604 : memref<10240x128xf32, #tpu.memory_space<vmem_shared>>) offsets(%dma_start3A_601 : memref<40xi32, #tpu.memory_space<vmem>>) semaphore(%arg20 : memref<!tpu.dma_semaphore, #tpu.memory_space<semaphore_mem>>) {add = true}
        %add3A_605 = arith.constant 3 : i32
        %add3A_606 = arith.addi %add3A_542, %add3A_605 : i32
        %add3A_607 = arith.constant 3 : i32
        %add3A_608 = arith.addi %add3A_606, %add3A_607 : i32
        %lt3A_609 = arith.constant 64 : i32
        %lt3A_610 = arith.cmpi slt, %add3A_608, %lt3A_609 : i32
        %convert_element_type3A_611 = arith.extui %lt3A_610 : i1 to i32
        %cond3A_612 = arith.constant 0 : i32
        %cond3A_613 = arith.cmpi ne, %convert_element_type3A_611, %cond3A_612 : i32
        scf.if %cond3A_613 {
          %ge3A = arith.constant 1 : i32
          %ge3A_626 = arith.cmpi sge, %add3A_606, %ge3A : i32
          %convert_element_type3A_627 = arith.extui %ge3A_626 : i1 to i32
          %cond3A_628 = arith.constant 0 : i32
          %cond3A_629 = arith.cmpi ne, %convert_element_type3A_627, %cond3A_628 : i32
          scf.if %cond3A_629 {
            %sub3A = arith.constant 1 : i32
            %sub3A_636 = arith.subi %add3A_606, %sub3A : i32
            %dma_wait3A_637 = arith.constant 0 : i32
            %dma_wait3A_638 = tpu.memref_slice %arg8[%sub3A_636, %dma_wait3A_637] : memref<64x40xi32, #tpu.memory_space<vmem>> -> memref<1x40xi32, #tpu.memory_space<vmem>>
            %dma_wait3A_639 = tpu.memref_squeeze %dma_wait3A_638 : memref<1x40xi32, #tpu.memory_space<vmem>> -> memref<40xi32, #tpu.memory_space<vmem>>
            %dma_wait3A_640 = arith.constant 0 : i32
            %dma_wait3A_641 = arith.constant 0 : i32
            %dma_wait3A_642 = tpu.memref_slice %arg13[%dma_wait3A_640, %dma_wait3A_641] : memref<10240x128xf32, #tpu.memory_space<vmem_shared>> -> memref<10240x128xf32, #tpu.memory_space<vmem_shared>>
            tpu.wait_indirect_dma semaphore(%arg20 : memref<!tpu.dma_semaphore, #tpu.memory_space<semaphore_mem>>) src(%arg11 : memref<40x128xf32, #tpu.memory_space<vmem>>) dst(%dma_wait3A_642 : memref<10240x128xf32, #tpu.memory_space<vmem_shared>>)
          } else {
          }
          %dma_start3A_630 = arith.constant 0 : i32
          %dma_start3A_631 = tpu.memref_slice %arg7[%add3A_608, %dma_start3A_630] : memref<64x40xi32, #tpu.memory_space<vmem>> -> memref<1x40xi32, #tpu.memory_space<vmem>>
          %dma_start3A_632 = tpu.memref_squeeze %dma_start3A_631 : memref<1x40xi32, #tpu.memory_space<vmem>> -> memref<40xi32, #tpu.memory_space<vmem>>
          %dma_start3A_633 = arith.constant 0 : i32
          %dma_start3A_634 = arith.constant 0 : i32
          %dma_start3A_635 = tpu.memref_slice %arg2[%dma_start3A_633, %dma_start3A_634] : memref<10000x128xf32, #tpu.memory_space<hbm>> -> memref<10000x128xf32, #tpu.memory_space<hbm>>
          tpu.enqueue_indirect_dma source(%dma_start3A_635 : memref<10000x128xf32, #tpu.memory_space<hbm>>) target(%arg11 : memref<40x128xf32, #tpu.memory_space<vmem>>) offsets(%dma_start3A_632 : memref<40xi32, #tpu.memory_space<vmem>>) semaphore(%arg16 : memref<!tpu.dma_semaphore, #tpu.memory_space<semaphore_mem>>)
        } else {
        }
        %dma_wait3A_614 = arith.constant 0 : i32
        %dma_wait3A_615 = tpu.memref_slice %arg7[%add3A_606, %dma_wait3A_614] : memref<64x40xi32, #tpu.memory_space<vmem>> -> memref<1x40xi32, #tpu.memory_space<vmem>>
        %dma_wait3A_616 = tpu.memref_squeeze %dma_wait3A_615 : memref<1x40xi32, #tpu.memory_space<vmem>> -> memref<40xi32, #tpu.memory_space<vmem>>
        %dma_wait3A_617 = arith.constant 0 : i32
        %dma_wait3A_618 = arith.constant 0 : i32
        %dma_wait3A_619 = tpu.memref_slice %arg2[%dma_wait3A_617, %dma_wait3A_618] : memref<10000x128xf32, #tpu.memory_space<hbm>> -> memref<10000x128xf32, #tpu.memory_space<hbm>>
        tpu.wait_indirect_dma semaphore(%arg17 : memref<!tpu.dma_semaphore, #tpu.memory_space<semaphore_mem>>) src(%dma_wait3A_619 : memref<10000x128xf32, #tpu.memory_space<hbm>>) dst(%arg12 : memref<40x128xf32, #tpu.memory_space<vmem>>)
        %dma_start3A_620 = arith.constant 0 : i32
        %dma_start3A_621 = tpu.memref_slice %arg8[%add3A_606, %dma_start3A_620] : memref<64x40xi32, #tpu.memory_space<vmem>> -> memref<1x40xi32, #tpu.memory_space<vmem>>
        %dma_start3A_622 = tpu.memref_squeeze %dma_start3A_621 : memref<1x40xi32, #tpu.memory_space<vmem>> -> memref<40xi32, #tpu.memory_space<vmem>>
        %dma_start3A_623 = arith.constant 0 : i32
        %dma_start3A_624 = arith.constant 0 : i32
        %dma_start3A_625 = tpu.memref_slice %arg13[%dma_start3A_623, %dma_start3A_624] : memref<10240x128xf32, #tpu.memory_space<vmem_shared>> -> memref<10240x128xf32, #tpu.memory_space<vmem_shared>>
        tpu.enqueue_indirect_dma source(%arg12 : memref<40x128xf32, #tpu.memory_space<vmem>>) target(%dma_start3A_625 : memref<10240x128xf32, #tpu.memory_space<vmem_shared>>) offsets(%dma_start3A_622 : memref<40xi32, #tpu.memory_space<vmem>>) semaphore(%arg21 : memref<!tpu.dma_semaphore, #tpu.memory_space<semaphore_mem>>) {add = true}
      }
      %scan3A_198 = arith.constant 16 : i32
      %dma_wait3A_199 = arith.constant 60 : i32
      %dma_wait3A_200 = arith.constant 0 : i32
      %dma_wait3A_201 = tpu.memref_slice %arg8[%dma_wait3A_199, %dma_wait3A_200] : memref<64x40xi32, #tpu.memory_space<vmem>> -> memref<1x40xi32, #tpu.memory_space<vmem>>
      %dma_wait3A_202 = tpu.memref_squeeze %dma_wait3A_201 : memref<1x40xi32, #tpu.memory_space<vmem>> -> memref<40xi32, #tpu.memory_space<vmem>>
      %dma_wait3A_203 = arith.constant 0 : i32
      %dma_wait3A_204 = arith.constant 0 : i32
      %dma_wait3A_205 = tpu.memref_slice %arg13[%dma_wait3A_203, %dma_wait3A_204] : memref<10240x128xf32, #tpu.memory_space<vmem_shared>> -> memref<10240x128xf32, #tpu.memory_space<vmem_shared>>
      tpu.wait_indirect_dma semaphore(%arg18 : memref<!tpu.dma_semaphore, #tpu.memory_space<semaphore_mem>>) src(%arg9 : memref<40x128xf32, #tpu.memory_space<vmem>>) dst(%dma_wait3A_205 : memref<10240x128xf32, #tpu.memory_space<vmem_shared>>)
      %dma_wait3A_206 = arith.constant 61 : i32
      %dma_wait3A_207 = arith.constant 0 : i32
      %dma_wait3A_208 = tpu.memref_slice %arg8[%dma_wait3A_206, %dma_wait3A_207] : memref<64x40xi32, #tpu.memory_space<vmem>> -> memref<1x40xi32, #tpu.memory_space<vmem>>
      %dma_wait3A_209 = tpu.memref_squeeze %dma_wait3A_208 : memref<1x40xi32, #tpu.memory_space<vmem>> -> memref<40xi32, #tpu.memory_space<vmem>>
      %dma_wait3A_210 = arith.constant 0 : i32
      %dma_wait3A_211 = arith.constant 0 : i32
      %dma_wait3A_212 = tpu.memref_slice %arg13[%dma_wait3A_210, %dma_wait3A_211] : memref<10240x128xf32, #tpu.memory_space<vmem_shared>> -> memref<10240x128xf32, #tpu.memory_space<vmem_shared>>
      tpu.wait_indirect_dma semaphore(%arg19 : memref<!tpu.dma_semaphore, #tpu.memory_space<semaphore_mem>>) src(%arg10 : memref<40x128xf32, #tpu.memory_space<vmem>>) dst(%dma_wait3A_212 : memref<10240x128xf32, #tpu.memory_space<vmem_shared>>)
      %dma_wait3A_213 = arith.constant 62 : i32
      %dma_wait3A_214 = arith.constant 0 : i32
      %dma_wait3A_215 = tpu.memref_slice %arg8[%dma_wait3A_213, %dma_wait3A_214] : memref<64x40xi32, #tpu.memory_space<vmem>> -> memref<1x40xi32, #tpu.memory_space<vmem>>
      %dma_wait3A_216 = tpu.memref_squeeze %dma_wait3A_215 : memref<1x40xi32, #tpu.memory_space<vmem>> -> memref<40xi32, #tpu.memory_space<vmem>>
      %dma_wait3A_217 = arith.constant 0 : i32
      %dma_wait3A_218 = arith.constant 0 : i32
      %dma_wait3A_219 = tpu.memref_slice %arg13[%dma_wait3A_217, %dma_wait3A_218] : memref<10240x128xf32, #tpu.memory_space<vmem_shared>> -> memref<10240x128xf32, #tpu.memory_space<vmem_shared>>
      tpu.wait_indirect_dma semaphore(%arg20 : memref<!tpu.dma_semaphore, #tpu.memory_space<semaphore_mem>>) src(%arg11 : memref<40x128xf32, #tpu.memory_space<vmem>>) dst(%dma_wait3A_219 : memref<10240x128xf32, #tpu.memory_space<vmem_shared>>)
      %dma_wait3A_220 = arith.constant 63 : i32
      %dma_wait3A_221 = arith.constant 0 : i32
      %dma_wait3A_222 = tpu.memref_slice %arg8[%dma_wait3A_220, %dma_wait3A_221] : memref<64x40xi32, #tpu.memory_space<vmem>> -> memref<1x40xi32, #tpu.memory_space<vmem>>
      %dma_wait3A_223 = tpu.memref_squeeze %dma_wait3A_222 : memref<1x40xi32, #tpu.memory_space<vmem>> -> memref<40xi32, #tpu.memory_space<vmem>>
      %dma_wait3A_224 = arith.constant 0 : i32
      %dma_wait3A_225 = arith.constant 0 : i32
      %dma_wait3A_226 = tpu.memref_slice %arg13[%dma_wait3A_224, %dma_wait3A_225] : memref<10240x128xf32, #tpu.memory_space<vmem_shared>> -> memref<10240x128xf32, #tpu.memory_space<vmem_shared>>
      tpu.wait_indirect_dma semaphore(%arg21 : memref<!tpu.dma_semaphore, #tpu.memory_space<semaphore_mem>>) src(%arg12 : memref<40x128xf32, #tpu.memory_space<vmem>>) dst(%dma_wait3A_226 : memref<10240x128xf32, #tpu.memory_space<vmem_shared>>)
      %mul3A_227 = arith.constant 8 : i32
      %mul3A_228 = arith.muli %arg1, %mul3A_227 : i32
      %add3A_229 = arith.constant 3 : i32
      %add3A_230 = arith.addi %mul3A_228, %add3A_229 : i32
      "tpu.region"() ({
        %run_scoped3A = tpu.sem_alloc : memref<!tpu.dma_semaphore, #tpu.memory_space<semaphore_mem>>
        %dma_start3A_538 = arith.constant 0 : i32
        %dma_start3A_539 = arith.constant 0 : i32
        %dma_start3A_540 = tpu.memref_slice %arg4[%add3A_230, %dma_start3A_538, %dma_start3A_539] : memref<128x64x40xi32, #tpu.memory_space<hbm>> -> memref<1x64x40xi32, #tpu.memory_space<hbm>>
        %dma_start3A_541 = tpu.memref_squeeze %dma_start3A_540 : memref<1x64x40xi32, #tpu.memory_space<hbm>> -> memref<64x40xi32, #tpu.memory_space<hbm>>
        %dma_start3A_542 = arith.constant 0 : i32
        %dma_start3A_543 = arith.constant 0 : i32
        %dma_start3A_544 = tpu.memref_slice %arg4[%add3A_230, %dma_start3A_542, %dma_start3A_543] : memref<128x64x40xi32, #tpu.memory_space<hbm>> -> memref<1x64x40xi32, #tpu.memory_space<hbm>>
        %dma_start3A_545 = tpu.memref_squeeze %dma_start3A_544 : memref<1x64x40xi32, #tpu.memory_space<hbm>> -> memref<64x40xi32, #tpu.memory_space<hbm>>
        tpu.enqueue_dma source(%dma_start3A_545 : memref<64x40xi32, #tpu.memory_space<hbm>>) target(%arg8 : memref<64x40xi32, #tpu.memory_space<vmem>>) target_semaphore(%run_scoped3A : memref<!tpu.dma_semaphore, #tpu.memory_space<semaphore_mem>>)
        %dma_wait3A_546 = arith.constant 0 : i32
        %dma_wait3A_547 = arith.constant 0 : i32
        %dma_wait3A_548 = tpu.memref_slice %arg4[%add3A_230, %dma_wait3A_546, %dma_wait3A_547] : memref<128x64x40xi32, #tpu.memory_space<hbm>> -> memref<1x64x40xi32, #tpu.memory_space<hbm>>
        %dma_wait3A_549 = tpu.memref_squeeze %dma_wait3A_548 : memref<1x64x40xi32, #tpu.memory_space<hbm>> -> memref<64x40xi32, #tpu.memory_space<hbm>>
        %dma_wait3A_550 = arith.constant 0 : i32
        %dma_wait3A_551 = arith.constant 0 : i32
        %dma_wait3A_552 = tpu.memref_slice %arg4[%add3A_230, %dma_wait3A_550, %dma_wait3A_551] : memref<128x64x40xi32, #tpu.memory_space<hbm>> -> memref<1x64x40xi32, #tpu.memory_space<hbm>>
        %dma_wait3A_553 = tpu.memref_squeeze %dma_wait3A_552 : memref<1x64x40xi32, #tpu.memory_space<hbm>> -> memref<64x40xi32, #tpu.memory_space<hbm>>
        tpu.wait_dma2 semaphore(%run_scoped3A : memref<!tpu.dma_semaphore, #tpu.memory_space<semaphore_mem>>) src(%dma_wait3A_553 : memref<64x40xi32, #tpu.memory_space<hbm>>) dst(%arg8 : memref<64x40xi32, #tpu.memory_space<vmem>>)
        tpu.yield
      }) : () -> ()
      %mul3A_231 = arith.constant 8 : i32
      %mul3A_232 = arith.muli %arg1, %mul3A_231 : i32
      %add3A_233 = arith.constant 3 : i32
      %add3A_234 = arith.addi %mul3A_232, %add3A_233 : i32
      "tpu.region"() ({
        %run_scoped3A = tpu.sem_alloc : memref<!tpu.dma_semaphore, #tpu.memory_space<semaphore_mem>>
        %dma_start3A_538 = arith.constant 0 : i32
        %dma_start3A_539 = arith.constant 0 : i32
        %dma_start3A_540 = tpu.memref_slice %arg3[%add3A_234, %dma_start3A_538, %dma_start3A_539] : memref<128x64x40xi32, #tpu.memory_space<hbm>> -> memref<1x64x40xi32, #tpu.memory_space<hbm>>
        %dma_start3A_541 = tpu.memref_squeeze %dma_start3A_540 : memref<1x64x40xi32, #tpu.memory_space<hbm>> -> memref<64x40xi32, #tpu.memory_space<hbm>>
        %dma_start3A_542 = arith.constant 0 : i32
        %dma_start3A_543 = arith.constant 0 : i32
        %dma_start3A_544 = tpu.memref_slice %arg3[%add3A_234, %dma_start3A_542, %dma_start3A_543] : memref<128x64x40xi32, #tpu.memory_space<hbm>> -> memref<1x64x40xi32, #tpu.memory_space<hbm>>
        %dma_start3A_545 = tpu.memref_squeeze %dma_start3A_544 : memref<1x64x40xi32, #tpu.memory_space<hbm>> -> memref<64x40xi32, #tpu.memory_space<hbm>>
        tpu.enqueue_dma source(%dma_start3A_545 : memref<64x40xi32, #tpu.memory_space<hbm>>) target(%arg7 : memref<64x40xi32, #tpu.memory_space<vmem>>) target_semaphore(%run_scoped3A : memref<!tpu.dma_semaphore, #tpu.memory_space<semaphore_mem>>)
        %dma_wait3A_546 = arith.constant 0 : i32
        %dma_wait3A_547 = arith.constant 0 : i32
        %dma_wait3A_548 = tpu.memref_slice %arg3[%add3A_234, %dma_wait3A_546, %dma_wait3A_547] : memref<128x64x40xi32, #tpu.memory_space<hbm>> -> memref<1x64x40xi32, #tpu.memory_space<hbm>>
        %dma_wait3A_549 = tpu.memref_squeeze %dma_wait3A_548 : memref<1x64x40xi32, #tpu.memory_space<hbm>> -> memref<64x40xi32, #tpu.memory_space<hbm>>
        %dma_wait3A_550 = arith.constant 0 : i32
        %dma_wait3A_551 = arith.constant 0 : i32
        %dma_wait3A_552 = tpu.memref_slice %arg3[%add3A_234, %dma_wait3A_550, %dma_wait3A_551] : memref<128x64x40xi32, #tpu.memory_space<hbm>> -> memref<1x64x40xi32, #tpu.memory_space<hbm>>
        %dma_wait3A_553 = tpu.memref_squeeze %dma_wait3A_552 : memref<1x64x40xi32, #tpu.memory_space<hbm>> -> memref<64x40xi32, #tpu.memory_space<hbm>>
        tpu.wait_dma2 semaphore(%run_scoped3A : memref<!tpu.dma_semaphore, #tpu.memory_space<semaphore_mem>>) src(%dma_wait3A_553 : memref<64x40xi32, #tpu.memory_space<hbm>>) dst(%arg7 : memref<64x40xi32, #tpu.memory_space<vmem>>)
        tpu.yield
      }) : () -> ()
      %dma_start3A_235 = arith.constant 0 : i32
      %dma_start3A_236 = arith.constant 0 : i32
      %dma_start3A_237 = tpu.memref_slice %arg7[%dma_start3A_235, %dma_start3A_236] : memref<64x40xi32, #tpu.memory_space<vmem>> -> memref<1x40xi32, #tpu.memory_space<vmem>>
      %dma_start3A_238 = tpu.memref_squeeze %dma_start3A_237 : memref<1x40xi32, #tpu.memory_space<vmem>> -> memref<40xi32, #tpu.memory_space<vmem>>
      %dma_start3A_239 = arith.constant 0 : i32
      %dma_start3A_240 = arith.constant 0 : i32
      %dma_start3A_241 = tpu.memref_slice %arg2[%dma_start3A_239, %dma_start3A_240] : memref<10000x128xf32, #tpu.memory_space<hbm>> -> memref<10000x128xf32, #tpu.memory_space<hbm>>
      tpu.enqueue_indirect_dma source(%dma_start3A_241 : memref<10000x128xf32, #tpu.memory_space<hbm>>) target(%arg9 : memref<40x128xf32, #tpu.memory_space<vmem>>) offsets(%dma_start3A_238 : memref<40xi32, #tpu.memory_space<vmem>>) semaphore(%arg14 : memref<!tpu.dma_semaphore, #tpu.memory_space<semaphore_mem>>)
      %dma_start3A_242 = arith.constant 1 : i32
      %dma_start3A_243 = arith.constant 0 : i32
      %dma_start3A_244 = tpu.memref_slice %arg7[%dma_start3A_242, %dma_start3A_243] : memref<64x40xi32, #tpu.memory_space<vmem>> -> memref<1x40xi32, #tpu.memory_space<vmem>>
      %dma_start3A_245 = tpu.memref_squeeze %dma_start3A_244 : memref<1x40xi32, #tpu.memory_space<vmem>> -> memref<40xi32, #tpu.memory_space<vmem>>
      %dma_start3A_246 = arith.constant 0 : i32
      %dma_start3A_247 = arith.constant 0 : i32
      %dma_start3A_248 = tpu.memref_slice %arg2[%dma_start3A_246, %dma_start3A_247] : memref<10000x128xf32, #tpu.memory_space<hbm>> -> memref<10000x128xf32, #tpu.memory_space<hbm>>
      tpu.enqueue_indirect_dma source(%dma_start3A_248 : memref<10000x128xf32, #tpu.memory_space<hbm>>) target(%arg10 : memref<40x128xf32, #tpu.memory_space<vmem>>) offsets(%dma_start3A_245 : memref<40xi32, #tpu.memory_space<vmem>>) semaphore(%arg15 : memref<!tpu.dma_semaphore, #tpu.memory_space<semaphore_mem>>)
      %dma_start3A_249 = arith.constant 2 : i32
      %dma_start3A_250 = arith.constant 0 : i32
      %dma_start3A_251 = tpu.memref_slice %arg7[%dma_start3A_249, %dma_start3A_250] : memref<64x40xi32, #tpu.memory_space<vmem>> -> memref<1x40xi32, #tpu.memory_space<vmem>>
      %dma_start3A_252 = tpu.memref_squeeze %dma_start3A_251 : memref<1x40xi32, #tpu.memory_space<vmem>> -> memref<40xi32, #tpu.memory_space<vmem>>
      %dma_start3A_253 = arith.constant 0 : i32
      %dma_start3A_254 = arith.constant 0 : i32
      %dma_start3A_255 = tpu.memref_slice %arg2[%dma_start3A_253, %dma_start3A_254] : memref<10000x128xf32, #tpu.memory_space<hbm>> -> memref<10000x128xf32, #tpu.memory_space<hbm>>
      tpu.enqueue_indirect_dma source(%dma_start3A_255 : memref<10000x128xf32, #tpu.memory_space<hbm>>) target(%arg11 : memref<40x128xf32, #tpu.memory_space<vmem>>) offsets(%dma_start3A_252 : memref<40xi32, #tpu.memory_space<vmem>>) semaphore(%arg16 : memref<!tpu.dma_semaphore, #tpu.memory_space<semaphore_mem>>)
      %scan3A_256 = arith.constant 0 : i32
      %scan3A_257 = arith.constant 16 : i32
      %scan3A_258 = arith.addi %scan3A_256, %scan3A_257 : i32
      %scan3A_259 = arith.constant 1 : i32
      scf.for %scan3A_538 = %scan3A_256 to %scan3A_258 step %scan3A_259  : i32 {
        %mul3A_539 = arith.constant 4 : i32
        %mul3A_540 = arith.muli %scan3A_538, %mul3A_539 : i32
        %add3A_541 = arith.constant 0 : i32
        %add3A_542 = arith.addi %add3A_541, %mul3A_540 : i32
        %add3A_543 = arith.constant 0 : i32
        %add3A_544 = arith.addi %add3A_542, %add3A_543 : i32
        %add3A_545 = arith.constant 3 : i32
        %add3A_546 = arith.addi %add3A_544, %add3A_545 : i32
        %lt3A = arith.constant 64 : i32
        %lt3A_547 = arith.cmpi slt, %add3A_546, %lt3A : i32
        %convert_element_type3A_548 = arith.extui %lt3A_547 : i1 to i32
        %cond3A_549 = arith.constant 0 : i32
        %cond3A_550 = arith.cmpi ne, %convert_element_type3A_548, %cond3A_549 : i32
        scf.if %cond3A_550 {
          %ge3A = arith.constant 1 : i32
          %ge3A_626 = arith.cmpi sge, %add3A_544, %ge3A : i32
          %convert_element_type3A_627 = arith.extui %ge3A_626 : i1 to i32
          %cond3A_628 = arith.constant 0 : i32
          %cond3A_629 = arith.cmpi ne, %convert_element_type3A_627, %cond3A_628 : i32
          scf.if %cond3A_629 {
            %sub3A = arith.constant 1 : i32
            %sub3A_636 = arith.subi %add3A_544, %sub3A : i32
            %dma_wait3A_637 = arith.constant 0 : i32
            %dma_wait3A_638 = tpu.memref_slice %arg8[%sub3A_636, %dma_wait3A_637] : memref<64x40xi32, #tpu.memory_space<vmem>> -> memref<1x40xi32, #tpu.memory_space<vmem>>
            %dma_wait3A_639 = tpu.memref_squeeze %dma_wait3A_638 : memref<1x40xi32, #tpu.memory_space<vmem>> -> memref<40xi32, #tpu.memory_space<vmem>>
            %dma_wait3A_640 = arith.constant 0 : i32
            %dma_wait3A_641 = arith.constant 0 : i32
            %dma_wait3A_642 = tpu.memref_slice %arg13[%dma_wait3A_640, %dma_wait3A_641] : memref<10240x128xf32, #tpu.memory_space<vmem_shared>> -> memref<10240x128xf32, #tpu.memory_space<vmem_shared>>
            tpu.wait_indirect_dma semaphore(%arg21 : memref<!tpu.dma_semaphore, #tpu.memory_space<semaphore_mem>>) src(%arg12 : memref<40x128xf32, #tpu.memory_space<vmem>>) dst(%dma_wait3A_642 : memref<10240x128xf32, #tpu.memory_space<vmem_shared>>)
          } else {
          }
          %dma_start3A_630 = arith.constant 0 : i32
          %dma_start3A_631 = tpu.memref_slice %arg7[%add3A_546, %dma_start3A_630] : memref<64x40xi32, #tpu.memory_space<vmem>> -> memref<1x40xi32, #tpu.memory_space<vmem>>
          %dma_start3A_632 = tpu.memref_squeeze %dma_start3A_631 : memref<1x40xi32, #tpu.memory_space<vmem>> -> memref<40xi32, #tpu.memory_space<vmem>>
          %dma_start3A_633 = arith.constant 0 : i32
          %dma_start3A_634 = arith.constant 0 : i32
          %dma_start3A_635 = tpu.memref_slice %arg2[%dma_start3A_633, %dma_start3A_634] : memref<10000x128xf32, #tpu.memory_space<hbm>> -> memref<10000x128xf32, #tpu.memory_space<hbm>>
          tpu.enqueue_indirect_dma source(%dma_start3A_635 : memref<10000x128xf32, #tpu.memory_space<hbm>>) target(%arg12 : memref<40x128xf32, #tpu.memory_space<vmem>>) offsets(%dma_start3A_632 : memref<40xi32, #tpu.memory_space<vmem>>) semaphore(%arg17 : memref<!tpu.dma_semaphore, #tpu.memory_space<semaphore_mem>>)
        } else {
        }
        %dma_wait3A_551 = arith.constant 0 : i32
        %dma_wait3A_552 = tpu.memref_slice %arg7[%add3A_544, %dma_wait3A_551] : memref<64x40xi32, #tpu.memory_space<vmem>> -> memref<1x40xi32, #tpu.memory_space<vmem>>
        %dma_wait3A_553 = tpu.memref_squeeze %dma_wait3A_552 : memref<1x40xi32, #tpu.memory_space<vmem>> -> memref<40xi32, #tpu.memory_space<vmem>>
        %dma_wait3A_554 = arith.constant 0 : i32
        %dma_wait3A_555 = arith.constant 0 : i32
        %dma_wait3A_556 = tpu.memref_slice %arg2[%dma_wait3A_554, %dma_wait3A_555] : memref<10000x128xf32, #tpu.memory_space<hbm>> -> memref<10000x128xf32, #tpu.memory_space<hbm>>
        tpu.wait_indirect_dma semaphore(%arg14 : memref<!tpu.dma_semaphore, #tpu.memory_space<semaphore_mem>>) src(%dma_wait3A_556 : memref<10000x128xf32, #tpu.memory_space<hbm>>) dst(%arg9 : memref<40x128xf32, #tpu.memory_space<vmem>>)
        %dma_start3A_557 = arith.constant 0 : i32
        %dma_start3A_558 = tpu.memref_slice %arg8[%add3A_544, %dma_start3A_557] : memref<64x40xi32, #tpu.memory_space<vmem>> -> memref<1x40xi32, #tpu.memory_space<vmem>>
        %dma_start3A_559 = tpu.memref_squeeze %dma_start3A_558 : memref<1x40xi32, #tpu.memory_space<vmem>> -> memref<40xi32, #tpu.memory_space<vmem>>
        %dma_start3A_560 = arith.constant 0 : i32
        %dma_start3A_561 = arith.constant 0 : i32
        %dma_start3A_562 = tpu.memref_slice %arg13[%dma_start3A_560, %dma_start3A_561] : memref<10240x128xf32, #tpu.memory_space<vmem_shared>> -> memref<10240x128xf32, #tpu.memory_space<vmem_shared>>
        tpu.enqueue_indirect_dma source(%arg9 : memref<40x128xf32, #tpu.memory_space<vmem>>) target(%dma_start3A_562 : memref<10240x128xf32, #tpu.memory_space<vmem_shared>>) offsets(%dma_start3A_559 : memref<40xi32, #tpu.memory_space<vmem>>) semaphore(%arg18 : memref<!tpu.dma_semaphore, #tpu.memory_space<semaphore_mem>>) {add = true}
        %add3A_563 = arith.constant 1 : i32
        %add3A_564 = arith.addi %add3A_542, %add3A_563 : i32
        %add3A_565 = arith.constant 3 : i32
        %add3A_566 = arith.addi %add3A_564, %add3A_565 : i32
        %lt3A_567 = arith.constant 64 : i32
        %lt3A_568 = arith.cmpi slt, %add3A_566, %lt3A_567 : i32
        %convert_element_type3A_569 = arith.extui %lt3A_568 : i1 to i32
        %cond3A_570 = arith.constant 0 : i32
        %cond3A_571 = arith.cmpi ne, %convert_element_type3A_569, %cond3A_570 : i32
        scf.if %cond3A_571 {
          %ge3A = arith.constant 1 : i32
          %ge3A_626 = arith.cmpi sge, %add3A_564, %ge3A : i32
          %convert_element_type3A_627 = arith.extui %ge3A_626 : i1 to i32
          %cond3A_628 = arith.constant 0 : i32
          %cond3A_629 = arith.cmpi ne, %convert_element_type3A_627, %cond3A_628 : i32
          scf.if %cond3A_629 {
            %sub3A = arith.constant 1 : i32
            %sub3A_636 = arith.subi %add3A_564, %sub3A : i32
            %dma_wait3A_637 = arith.constant 0 : i32
            %dma_wait3A_638 = tpu.memref_slice %arg8[%sub3A_636, %dma_wait3A_637] : memref<64x40xi32, #tpu.memory_space<vmem>> -> memref<1x40xi32, #tpu.memory_space<vmem>>
            %dma_wait3A_639 = tpu.memref_squeeze %dma_wait3A_638 : memref<1x40xi32, #tpu.memory_space<vmem>> -> memref<40xi32, #tpu.memory_space<vmem>>
            %dma_wait3A_640 = arith.constant 0 : i32
            %dma_wait3A_641 = arith.constant 0 : i32
            %dma_wait3A_642 = tpu.memref_slice %arg13[%dma_wait3A_640, %dma_wait3A_641] : memref<10240x128xf32, #tpu.memory_space<vmem_shared>> -> memref<10240x128xf32, #tpu.memory_space<vmem_shared>>
            tpu.wait_indirect_dma semaphore(%arg18 : memref<!tpu.dma_semaphore, #tpu.memory_space<semaphore_mem>>) src(%arg9 : memref<40x128xf32, #tpu.memory_space<vmem>>) dst(%dma_wait3A_642 : memref<10240x128xf32, #tpu.memory_space<vmem_shared>>)
          } else {
          }
          %dma_start3A_630 = arith.constant 0 : i32
          %dma_start3A_631 = tpu.memref_slice %arg7[%add3A_566, %dma_start3A_630] : memref<64x40xi32, #tpu.memory_space<vmem>> -> memref<1x40xi32, #tpu.memory_space<vmem>>
          %dma_start3A_632 = tpu.memref_squeeze %dma_start3A_631 : memref<1x40xi32, #tpu.memory_space<vmem>> -> memref<40xi32, #tpu.memory_space<vmem>>
          %dma_start3A_633 = arith.constant 0 : i32
          %dma_start3A_634 = arith.constant 0 : i32
          %dma_start3A_635 = tpu.memref_slice %arg2[%dma_start3A_633, %dma_start3A_634] : memref<10000x128xf32, #tpu.memory_space<hbm>> -> memref<10000x128xf32, #tpu.memory_space<hbm>>
          tpu.enqueue_indirect_dma source(%dma_start3A_635 : memref<10000x128xf32, #tpu.memory_space<hbm>>) target(%arg9 : memref<40x128xf32, #tpu.memory_space<vmem>>) offsets(%dma_start3A_632 : memref<40xi32, #tpu.memory_space<vmem>>) semaphore(%arg14 : memref<!tpu.dma_semaphore, #tpu.memory_space<semaphore_mem>>)
        } else {
        }
        %dma_wait3A_572 = arith.constant 0 : i32
        %dma_wait3A_573 = tpu.memref_slice %arg7[%add3A_564, %dma_wait3A_572] : memref<64x40xi32, #tpu.memory_space<vmem>> -> memref<1x40xi32, #tpu.memory_space<vmem>>
        %dma_wait3A_574 = tpu.memref_squeeze %dma_wait3A_573 : memref<1x40xi32, #tpu.memory_space<vmem>> -> memref<40xi32, #tpu.memory_space<vmem>>
        %dma_wait3A_575 = arith.constant 0 : i32
        %dma_wait3A_576 = arith.constant 0 : i32
        %dma_wait3A_577 = tpu.memref_slice %arg2[%dma_wait3A_575, %dma_wait3A_576] : memref<10000x128xf32, #tpu.memory_space<hbm>> -> memref<10000x128xf32, #tpu.memory_space<hbm>>
        tpu.wait_indirect_dma semaphore(%arg15 : memref<!tpu.dma_semaphore, #tpu.memory_space<semaphore_mem>>) src(%dma_wait3A_577 : memref<10000x128xf32, #tpu.memory_space<hbm>>) dst(%arg10 : memref<40x128xf32, #tpu.memory_space<vmem>>)
        %dma_start3A_578 = arith.constant 0 : i32
        %dma_start3A_579 = tpu.memref_slice %arg8[%add3A_564, %dma_start3A_578] : memref<64x40xi32, #tpu.memory_space<vmem>> -> memref<1x40xi32, #tpu.memory_space<vmem>>
        %dma_start3A_580 = tpu.memref_squeeze %dma_start3A_579 : memref<1x40xi32, #tpu.memory_space<vmem>> -> memref<40xi32, #tpu.memory_space<vmem>>
        %dma_start3A_581 = arith.constant 0 : i32
        %dma_start3A_582 = arith.constant 0 : i32
        %dma_start3A_583 = tpu.memref_slice %arg13[%dma_start3A_581, %dma_start3A_582] : memref<10240x128xf32, #tpu.memory_space<vmem_shared>> -> memref<10240x128xf32, #tpu.memory_space<vmem_shared>>
        tpu.enqueue_indirect_dma source(%arg10 : memref<40x128xf32, #tpu.memory_space<vmem>>) target(%dma_start3A_583 : memref<10240x128xf32, #tpu.memory_space<vmem_shared>>) offsets(%dma_start3A_580 : memref<40xi32, #tpu.memory_space<vmem>>) semaphore(%arg19 : memref<!tpu.dma_semaphore, #tpu.memory_space<semaphore_mem>>) {add = true}
        %add3A_584 = arith.constant 2 : i32
        %add3A_585 = arith.addi %add3A_542, %add3A_584 : i32
        %add3A_586 = arith.constant 3 : i32
        %add3A_587 = arith.addi %add3A_585, %add3A_586 : i32
        %lt3A_588 = arith.constant 64 : i32
        %lt3A_589 = arith.cmpi slt, %add3A_587, %lt3A_588 : i32
        %convert_element_type3A_590 = arith.extui %lt3A_589 : i1 to i32
        %cond3A_591 = arith.constant 0 : i32
        %cond3A_592 = arith.cmpi ne, %convert_element_type3A_590, %cond3A_591 : i32
        scf.if %cond3A_592 {
          %ge3A = arith.constant 1 : i32
          %ge3A_626 = arith.cmpi sge, %add3A_585, %ge3A : i32
          %convert_element_type3A_627 = arith.extui %ge3A_626 : i1 to i32
          %cond3A_628 = arith.constant 0 : i32
          %cond3A_629 = arith.cmpi ne, %convert_element_type3A_627, %cond3A_628 : i32
          scf.if %cond3A_629 {
            %sub3A = arith.constant 1 : i32
            %sub3A_636 = arith.subi %add3A_585, %sub3A : i32
            %dma_wait3A_637 = arith.constant 0 : i32
            %dma_wait3A_638 = tpu.memref_slice %arg8[%sub3A_636, %dma_wait3A_637] : memref<64x40xi32, #tpu.memory_space<vmem>> -> memref<1x40xi32, #tpu.memory_space<vmem>>
            %dma_wait3A_639 = tpu.memref_squeeze %dma_wait3A_638 : memref<1x40xi32, #tpu.memory_space<vmem>> -> memref<40xi32, #tpu.memory_space<vmem>>
            %dma_wait3A_640 = arith.constant 0 : i32
            %dma_wait3A_641 = arith.constant 0 : i32
            %dma_wait3A_642 = tpu.memref_slice %arg13[%dma_wait3A_640, %dma_wait3A_641] : memref<10240x128xf32, #tpu.memory_space<vmem_shared>> -> memref<10240x128xf32, #tpu.memory_space<vmem_shared>>
            tpu.wait_indirect_dma semaphore(%arg19 : memref<!tpu.dma_semaphore, #tpu.memory_space<semaphore_mem>>) src(%arg10 : memref<40x128xf32, #tpu.memory_space<vmem>>) dst(%dma_wait3A_642 : memref<10240x128xf32, #tpu.memory_space<vmem_shared>>)
          } else {
          }
          %dma_start3A_630 = arith.constant 0 : i32
          %dma_start3A_631 = tpu.memref_slice %arg7[%add3A_587, %dma_start3A_630] : memref<64x40xi32, #tpu.memory_space<vmem>> -> memref<1x40xi32, #tpu.memory_space<vmem>>
          %dma_start3A_632 = tpu.memref_squeeze %dma_start3A_631 : memref<1x40xi32, #tpu.memory_space<vmem>> -> memref<40xi32, #tpu.memory_space<vmem>>
          %dma_start3A_633 = arith.constant 0 : i32
          %dma_start3A_634 = arith.constant 0 : i32
          %dma_start3A_635 = tpu.memref_slice %arg2[%dma_start3A_633, %dma_start3A_634] : memref<10000x128xf32, #tpu.memory_space<hbm>> -> memref<10000x128xf32, #tpu.memory_space<hbm>>
          tpu.enqueue_indirect_dma source(%dma_start3A_635 : memref<10000x128xf32, #tpu.memory_space<hbm>>) target(%arg10 : memref<40x128xf32, #tpu.memory_space<vmem>>) offsets(%dma_start3A_632 : memref<40xi32, #tpu.memory_space<vmem>>) semaphore(%arg15 : memref<!tpu.dma_semaphore, #tpu.memory_space<semaphore_mem>>)
        } else {
        }
        %dma_wait3A_593 = arith.constant 0 : i32
        %dma_wait3A_594 = tpu.memref_slice %arg7[%add3A_585, %dma_wait3A_593] : memref<64x40xi32, #tpu.memory_space<vmem>> -> memref<1x40xi32, #tpu.memory_space<vmem>>
        %dma_wait3A_595 = tpu.memref_squeeze %dma_wait3A_594 : memref<1x40xi32, #tpu.memory_space<vmem>> -> memref<40xi32, #tpu.memory_space<vmem>>
        %dma_wait3A_596 = arith.constant 0 : i32
        %dma_wait3A_597 = arith.constant 0 : i32
        %dma_wait3A_598 = tpu.memref_slice %arg2[%dma_wait3A_596, %dma_wait3A_597] : memref<10000x128xf32, #tpu.memory_space<hbm>> -> memref<10000x128xf32, #tpu.memory_space<hbm>>
        tpu.wait_indirect_dma semaphore(%arg16 : memref<!tpu.dma_semaphore, #tpu.memory_space<semaphore_mem>>) src(%dma_wait3A_598 : memref<10000x128xf32, #tpu.memory_space<hbm>>) dst(%arg11 : memref<40x128xf32, #tpu.memory_space<vmem>>)
        %dma_start3A_599 = arith.constant 0 : i32
        %dma_start3A_600 = tpu.memref_slice %arg8[%add3A_585, %dma_start3A_599] : memref<64x40xi32, #tpu.memory_space<vmem>> -> memref<1x40xi32, #tpu.memory_space<vmem>>
        %dma_start3A_601 = tpu.memref_squeeze %dma_start3A_600 : memref<1x40xi32, #tpu.memory_space<vmem>> -> memref<40xi32, #tpu.memory_space<vmem>>
        %dma_start3A_602 = arith.constant 0 : i32
        %dma_start3A_603 = arith.constant 0 : i32
        %dma_start3A_604 = tpu.memref_slice %arg13[%dma_start3A_602, %dma_start3A_603] : memref<10240x128xf32, #tpu.memory_space<vmem_shared>> -> memref<10240x128xf32, #tpu.memory_space<vmem_shared>>
        tpu.enqueue_indirect_dma source(%arg11 : memref<40x128xf32, #tpu.memory_space<vmem>>) target(%dma_start3A_604 : memref<10240x128xf32, #tpu.memory_space<vmem_shared>>) offsets(%dma_start3A_601 : memref<40xi32, #tpu.memory_space<vmem>>) semaphore(%arg20 : memref<!tpu.dma_semaphore, #tpu.memory_space<semaphore_mem>>) {add = true}
        %add3A_605 = arith.constant 3 : i32
        %add3A_606 = arith.addi %add3A_542, %add3A_605 : i32
        %add3A_607 = arith.constant 3 : i32
        %add3A_608 = arith.addi %add3A_606, %add3A_607 : i32
        %lt3A_609 = arith.constant 64 : i32
        %lt3A_610 = arith.cmpi slt, %add3A_608, %lt3A_609 : i32
        %convert_element_type3A_611 = arith.extui %lt3A_610 : i1 to i32
        %cond3A_612 = arith.constant 0 : i32
        %cond3A_613 = arith.cmpi ne, %convert_element_type3A_611, %cond3A_612 : i32
        scf.if %cond3A_613 {
          %ge3A = arith.constant 1 : i32
          %ge3A_626 = arith.cmpi sge, %add3A_606, %ge3A : i32
          %convert_element_type3A_627 = arith.extui %ge3A_626 : i1 to i32
          %cond3A_628 = arith.constant 0 : i32
          %cond3A_629 = arith.cmpi ne, %convert_element_type3A_627, %cond3A_628 : i32
          scf.if %cond3A_629 {
            %sub3A = arith.constant 1 : i32
            %sub3A_636 = arith.subi %add3A_606, %sub3A : i32
            %dma_wait3A_637 = arith.constant 0 : i32
            %dma_wait3A_638 = tpu.memref_slice %arg8[%sub3A_636, %dma_wait3A_637] : memref<64x40xi32, #tpu.memory_space<vmem>> -> memref<1x40xi32, #tpu.memory_space<vmem>>
            %dma_wait3A_639 = tpu.memref_squeeze %dma_wait3A_638 : memref<1x40xi32, #tpu.memory_space<vmem>> -> memref<40xi32, #tpu.memory_space<vmem>>
            %dma_wait3A_640 = arith.constant 0 : i32
            %dma_wait3A_641 = arith.constant 0 : i32
            %dma_wait3A_642 = tpu.memref_slice %arg13[%dma_wait3A_640, %dma_wait3A_641] : memref<10240x128xf32, #tpu.memory_space<vmem_shared>> -> memref<10240x128xf32, #tpu.memory_space<vmem_shared>>
            tpu.wait_indirect_dma semaphore(%arg20 : memref<!tpu.dma_semaphore, #tpu.memory_space<semaphore_mem>>) src(%arg11 : memref<40x128xf32, #tpu.memory_space<vmem>>) dst(%dma_wait3A_642 : memref<10240x128xf32, #tpu.memory_space<vmem_shared>>)
          } else {
          }
          %dma_start3A_630 = arith.constant 0 : i32
          %dma_start3A_631 = tpu.memref_slice %arg7[%add3A_608, %dma_start3A_630] : memref<64x40xi32, #tpu.memory_space<vmem>> -> memref<1x40xi32, #tpu.memory_space<vmem>>
          %dma_start3A_632 = tpu.memref_squeeze %dma_start3A_631 : memref<1x40xi32, #tpu.memory_space<vmem>> -> memref<40xi32, #tpu.memory_space<vmem>>
          %dma_start3A_633 = arith.constant 0 : i32
          %dma_start3A_634 = arith.constant 0 : i32
          %dma_start3A_635 = tpu.memref_slice %arg2[%dma_start3A_633, %dma_start3A_634] : memref<10000x128xf32, #tpu.memory_space<hbm>> -> memref<10000x128xf32, #tpu.memory_space<hbm>>
          tpu.enqueue_indirect_dma source(%dma_start3A_635 : memref<10000x128xf32, #tpu.memory_space<hbm>>) target(%arg11 : memref<40x128xf32, #tpu.memory_space<vmem>>) offsets(%dma_start3A_632 : memref<40xi32, #tpu.memory_space<vmem>>) semaphore(%arg16 : memref<!tpu.dma_semaphore, #tpu.memory_space<semaphore_mem>>)
        } else {
        }
        %dma_wait3A_614 = arith.constant 0 : i32
        %dma_wait3A_615 = tpu.memref_slice %arg7[%add3A_606, %dma_wait3A_614] : memref<64x40xi32, #tpu.memory_space<vmem>> -> memref<1x40xi32, #tpu.memory_space<vmem>>
        %dma_wait3A_616 = tpu.memref_squeeze %dma_wait3A_615 : memref<1x40xi32, #tpu.memory_space<vmem>> -> memref<40xi32, #tpu.memory_space<vmem>>
        %dma_wait3A_617 = arith.constant 0 : i32
        %dma_wait3A_618 = arith.constant 0 : i32
        %dma_wait3A_619 = tpu.memref_slice %arg2[%dma_wait3A_617, %dma_wait3A_618] : memref<10000x128xf32, #tpu.memory_space<hbm>> -> memref<10000x128xf32, #tpu.memory_space<hbm>>
        tpu.wait_indirect_dma semaphore(%arg17 : memref<!tpu.dma_semaphore, #tpu.memory_space<semaphore_mem>>) src(%dma_wait3A_619 : memref<10000x128xf32, #tpu.memory_space<hbm>>) dst(%arg12 : memref<40x128xf32, #tpu.memory_space<vmem>>)
        %dma_start3A_620 = arith.constant 0 : i32
        %dma_start3A_621 = tpu.memref_slice %arg8[%add3A_606, %dma_start3A_620] : memref<64x40xi32, #tpu.memory_space<vmem>> -> memref<1x40xi32, #tpu.memory_space<vmem>>
        %dma_start3A_622 = tpu.memref_squeeze %dma_start3A_621 : memref<1x40xi32, #tpu.memory_space<vmem>> -> memref<40xi32, #tpu.memory_space<vmem>>
        %dma_start3A_623 = arith.constant 0 : i32
        %dma_start3A_624 = arith.constant 0 : i32
        %dma_start3A_625 = tpu.memref_slice %arg13[%dma_start3A_623, %dma_start3A_624] : memref<10240x128xf32, #tpu.memory_space<vmem_shared>> -> memref<10240x128xf32, #tpu.memory_space<vmem_shared>>
        tpu.enqueue_indirect_dma source(%arg12 : memref<40x128xf32, #tpu.memory_space<vmem>>) target(%dma_start3A_625 : memref<10240x128xf32, #tpu.memory_space<vmem_shared>>) offsets(%dma_start3A_622 : memref<40xi32, #tpu.memory_space<vmem>>) semaphore(%arg21 : memref<!tpu.dma_semaphore, #tpu.memory_space<semaphore_mem>>) {add = true}
      }
      %scan3A_260 = arith.constant 16 : i32
      %dma_wait3A_261 = arith.constant 60 : i32
      %dma_wait3A_262 = arith.constant 0 : i32
      %dma_wait3A_263 = tpu.memref_slice %arg8[%dma_wait3A_261, %dma_wait3A_262] : memref<64x40xi32, #tpu.memory_space<vmem>> -> memref<1x40xi32, #tpu.memory_space<vmem>>
      %dma_wait3A_264 = tpu.memref_squeeze %dma_wait3A_263 : memref<1x40xi32, #tpu.memory_space<vmem>> -> memref<40xi32, #tpu.memory_space<vmem>>
      %dma_wait3A_265 = arith.constant 0 : i32
      %dma_wait3A_266 = arith.constant 0 : i32
      %dma_wait3A_267 = tpu.memref_slice %arg13[%dma_wait3A_265, %dma_wait3A_266] : memref<10240x128xf32, #tpu.memory_space<vmem_shared>> -> memref<10240x128xf32, #tpu.memory_space<vmem_shared>>
      tpu.wait_indirect_dma semaphore(%arg18 : memref<!tpu.dma_semaphore, #tpu.memory_space<semaphore_mem>>) src(%arg9 : memref<40x128xf32, #tpu.memory_space<vmem>>) dst(%dma_wait3A_267 : memref<10240x128xf32, #tpu.memory_space<vmem_shared>>)
      %dma_wait3A_268 = arith.constant 61 : i32
      %dma_wait3A_269 = arith.constant 0 : i32
      %dma_wait3A_270 = tpu.memref_slice %arg8[%dma_wait3A_268, %dma_wait3A_269] : memref<64x40xi32, #tpu.memory_space<vmem>> -> memref<1x40xi32, #tpu.memory_space<vmem>>
      %dma_wait3A_271 = tpu.memref_squeeze %dma_wait3A_270 : memref<1x40xi32, #tpu.memory_space<vmem>> -> memref<40xi32, #tpu.memory_space<vmem>>
      %dma_wait3A_272 = arith.constant 0 : i32
      %dma_wait3A_273 = arith.constant 0 : i32
      %dma_wait3A_274 = tpu.memref_slice %arg13[%dma_wait3A_272, %dma_wait3A_273] : memref<10240x128xf32, #tpu.memory_space<vmem_shared>> -> memref<10240x128xf32, #tpu.memory_space<vmem_shared>>
      tpu.wait_indirect_dma semaphore(%arg19 : memref<!tpu.dma_semaphore, #tpu.memory_space<semaphore_mem>>) src(%arg10 : memref<40x128xf32, #tpu.memory_space<vmem>>) dst(%dma_wait3A_274 : memref<10240x128xf32, #tpu.memory_space<vmem_shared>>)
      %dma_wait3A_275 = arith.constant 62 : i32
      %dma_wait3A_276 = arith.constant 0 : i32
      %dma_wait3A_277 = tpu.memref_slice %arg8[%dma_wait3A_275, %dma_wait3A_276] : memref<64x40xi32, #tpu.memory_space<vmem>> -> memref<1x40xi32, #tpu.memory_space<vmem>>
      %dma_wait3A_278 = tpu.memref_squeeze %dma_wait3A_277 : memref<1x40xi32, #tpu.memory_space<vmem>> -> memref<40xi32, #tpu.memory_space<vmem>>
      %dma_wait3A_279 = arith.constant 0 : i32
      %dma_wait3A_280 = arith.constant 0 : i32
      %dma_wait3A_281 = tpu.memref_slice %arg13[%dma_wait3A_279, %dma_wait3A_280] : memref<10240x128xf32, #tpu.memory_space<vmem_shared>> -> memref<10240x128xf32, #tpu.memory_space<vmem_shared>>
      tpu.wait_indirect_dma semaphore(%arg20 : memref<!tpu.dma_semaphore, #tpu.memory_space<semaphore_mem>>) src(%arg11 : memref<40x128xf32, #tpu.memory_space<vmem>>) dst(%dma_wait3A_281 : memref<10240x128xf32, #tpu.memory_space<vmem_shared>>)
      %dma_wait3A_282 = arith.constant 63 : i32
      %dma_wait3A_283 = arith.constant 0 : i32
      %dma_wait3A_284 = tpu.memref_slice %arg8[%dma_wait3A_282, %dma_wait3A_283] : memref<64x40xi32, #tpu.memory_space<vmem>> -> memref<1x40xi32, #tpu.memory_space<vmem>>
      %dma_wait3A_285 = tpu.memref_squeeze %dma_wait3A_284 : memref<1x40xi32, #tpu.memory_space<vmem>> -> memref<40xi32, #tpu.memory_space<vmem>>
      %dma_wait3A_286 = arith.constant 0 : i32
      %dma_wait3A_287 = arith.constant 0 : i32
      %dma_wait3A_288 = tpu.memref_slice %arg13[%dma_wait3A_286, %dma_wait3A_287] : memref<10240x128xf32, #tpu.memory_space<vmem_shared>> -> memref<10240x128xf32, #tpu.memory_space<vmem_shared>>
      tpu.wait_indirect_dma semaphore(%arg21 : memref<!tpu.dma_semaphore, #tpu.memory_space<semaphore_mem>>) src(%arg12 : memref<40x128xf32, #tpu.memory_space<vmem>>) dst(%dma_wait3A_288 : memref<10240x128xf32, #tpu.memory_space<vmem_shared>>)
      %mul3A_289 = arith.constant 8 : i32
      %mul3A_290 = arith.muli %arg1, %mul3A_289 : i32
      %add3A_291 = arith.constant 4 : i32
      %add3A_292 = arith.addi %mul3A_290, %add3A_291 : i32
      "tpu.region"() ({
        %run_scoped3A = tpu.sem_alloc : memref<!tpu.dma_semaphore, #tpu.memory_space<semaphore_mem>>
        %dma_start3A_538 = arith.constant 0 : i32
        %dma_start3A_539 = arith.constant 0 : i32
        %dma_start3A_540 = tpu.memref_slice %arg4[%add3A_292, %dma_start3A_538, %dma_start3A_539] : memref<128x64x40xi32, #tpu.memory_space<hbm>> -> memref<1x64x40xi32, #tpu.memory_space<hbm>>
        %dma_start3A_541 = tpu.memref_squeeze %dma_start3A_540 : memref<1x64x40xi32, #tpu.memory_space<hbm>> -> memref<64x40xi32, #tpu.memory_space<hbm>>
        %dma_start3A_542 = arith.constant 0 : i32
        %dma_start3A_543 = arith.constant 0 : i32
        %dma_start3A_544 = tpu.memref_slice %arg4[%add3A_292, %dma_start3A_542, %dma_start3A_543] : memref<128x64x40xi32, #tpu.memory_space<hbm>> -> memref<1x64x40xi32, #tpu.memory_space<hbm>>
        %dma_start3A_545 = tpu.memref_squeeze %dma_start3A_544 : memref<1x64x40xi32, #tpu.memory_space<hbm>> -> memref<64x40xi32, #tpu.memory_space<hbm>>
        tpu.enqueue_dma source(%dma_start3A_545 : memref<64x40xi32, #tpu.memory_space<hbm>>) target(%arg8 : memref<64x40xi32, #tpu.memory_space<vmem>>) target_semaphore(%run_scoped3A : memref<!tpu.dma_semaphore, #tpu.memory_space<semaphore_mem>>)
        %dma_wait3A_546 = arith.constant 0 : i32
        %dma_wait3A_547 = arith.constant 0 : i32
        %dma_wait3A_548 = tpu.memref_slice %arg4[%add3A_292, %dma_wait3A_546, %dma_wait3A_547] : memref<128x64x40xi32, #tpu.memory_space<hbm>> -> memref<1x64x40xi32, #tpu.memory_space<hbm>>
        %dma_wait3A_549 = tpu.memref_squeeze %dma_wait3A_548 : memref<1x64x40xi32, #tpu.memory_space<hbm>> -> memref<64x40xi32, #tpu.memory_space<hbm>>
        %dma_wait3A_550 = arith.constant 0 : i32
        %dma_wait3A_551 = arith.constant 0 : i32
        %dma_wait3A_552 = tpu.memref_slice %arg4[%add3A_292, %dma_wait3A_550, %dma_wait3A_551] : memref<128x64x40xi32, #tpu.memory_space<hbm>> -> memref<1x64x40xi32, #tpu.memory_space<hbm>>
        %dma_wait3A_553 = tpu.memref_squeeze %dma_wait3A_552 : memref<1x64x40xi32, #tpu.memory_space<hbm>> -> memref<64x40xi32, #tpu.memory_space<hbm>>
        tpu.wait_dma2 semaphore(%run_scoped3A : memref<!tpu.dma_semaphore, #tpu.memory_space<semaphore_mem>>) src(%dma_wait3A_553 : memref<64x40xi32, #tpu.memory_space<hbm>>) dst(%arg8 : memref<64x40xi32, #tpu.memory_space<vmem>>)
        tpu.yield
      }) : () -> ()
      %mul3A_293 = arith.constant 8 : i32
      %mul3A_294 = arith.muli %arg1, %mul3A_293 : i32
      %add3A_295 = arith.constant 4 : i32
      %add3A_296 = arith.addi %mul3A_294, %add3A_295 : i32
      "tpu.region"() ({
        %run_scoped3A = tpu.sem_alloc : memref<!tpu.dma_semaphore, #tpu.memory_space<semaphore_mem>>
        %dma_start3A_538 = arith.constant 0 : i32
        %dma_start3A_539 = arith.constant 0 : i32
        %dma_start3A_540 = tpu.memref_slice %arg3[%add3A_296, %dma_start3A_538, %dma_start3A_539] : memref<128x64x40xi32, #tpu.memory_space<hbm>> -> memref<1x64x40xi32, #tpu.memory_space<hbm>>
        %dma_start3A_541 = tpu.memref_squeeze %dma_start3A_540 : memref<1x64x40xi32, #tpu.memory_space<hbm>> -> memref<64x40xi32, #tpu.memory_space<hbm>>
        %dma_start3A_542 = arith.constant 0 : i32
        %dma_start3A_543 = arith.constant 0 : i32
        %dma_start3A_544 = tpu.memref_slice %arg3[%add3A_296, %dma_start3A_542, %dma_start3A_543] : memref<128x64x40xi32, #tpu.memory_space<hbm>> -> memref<1x64x40xi32, #tpu.memory_space<hbm>>
        %dma_start3A_545 = tpu.memref_squeeze %dma_start3A_544 : memref<1x64x40xi32, #tpu.memory_space<hbm>> -> memref<64x40xi32, #tpu.memory_space<hbm>>
        tpu.enqueue_dma source(%dma_start3A_545 : memref<64x40xi32, #tpu.memory_space<hbm>>) target(%arg7 : memref<64x40xi32, #tpu.memory_space<vmem>>) target_semaphore(%run_scoped3A : memref<!tpu.dma_semaphore, #tpu.memory_space<semaphore_mem>>)
        %dma_wait3A_546 = arith.constant 0 : i32
        %dma_wait3A_547 = arith.constant 0 : i32
        %dma_wait3A_548 = tpu.memref_slice %arg3[%add3A_296, %dma_wait3A_546, %dma_wait3A_547] : memref<128x64x40xi32, #tpu.memory_space<hbm>> -> memref<1x64x40xi32, #tpu.memory_space<hbm>>
        %dma_wait3A_549 = tpu.memref_squeeze %dma_wait3A_548 : memref<1x64x40xi32, #tpu.memory_space<hbm>> -> memref<64x40xi32, #tpu.memory_space<hbm>>
        %dma_wait3A_550 = arith.constant 0 : i32
        %dma_wait3A_551 = arith.constant 0 : i32
        %dma_wait3A_552 = tpu.memref_slice %arg3[%add3A_296, %dma_wait3A_550, %dma_wait3A_551] : memref<128x64x40xi32, #tpu.memory_space<hbm>> -> memref<1x64x40xi32, #tpu.memory_space<hbm>>
        %dma_wait3A_553 = tpu.memref_squeeze %dma_wait3A_552 : memref<1x64x40xi32, #tpu.memory_space<hbm>> -> memref<64x40xi32, #tpu.memory_space<hbm>>
        tpu.wait_dma2 semaphore(%run_scoped3A : memref<!tpu.dma_semaphore, #tpu.memory_space<semaphore_mem>>) src(%dma_wait3A_553 : memref<64x40xi32, #tpu.memory_space<hbm>>) dst(%arg7 : memref<64x40xi32, #tpu.memory_space<vmem>>)
        tpu.yield
      }) : () -> ()
      %dma_start3A_297 = arith.constant 0 : i32
      %dma_start3A_298 = arith.constant 0 : i32
      %dma_start3A_299 = tpu.memref_slice %arg7[%dma_start3A_297, %dma_start3A_298] : memref<64x40xi32, #tpu.memory_space<vmem>> -> memref<1x40xi32, #tpu.memory_space<vmem>>
      %dma_start3A_300 = tpu.memref_squeeze %dma_start3A_299 : memref<1x40xi32, #tpu.memory_space<vmem>> -> memref<40xi32, #tpu.memory_space<vmem>>
      %dma_start3A_301 = arith.constant 0 : i32
      %dma_start3A_302 = arith.constant 0 : i32
      %dma_start3A_303 = tpu.memref_slice %arg2[%dma_start3A_301, %dma_start3A_302] : memref<10000x128xf32, #tpu.memory_space<hbm>> -> memref<10000x128xf32, #tpu.memory_space<hbm>>
      tpu.enqueue_indirect_dma source(%dma_start3A_303 : memref<10000x128xf32, #tpu.memory_space<hbm>>) target(%arg9 : memref<40x128xf32, #tpu.memory_space<vmem>>) offsets(%dma_start3A_300 : memref<40xi32, #tpu.memory_space<vmem>>) semaphore(%arg14 : memref<!tpu.dma_semaphore, #tpu.memory_space<semaphore_mem>>)
      %dma_start3A_304 = arith.constant 1 : i32
      %dma_start3A_305 = arith.constant 0 : i32
      %dma_start3A_306 = tpu.memref_slice %arg7[%dma_start3A_304, %dma_start3A_305] : memref<64x40xi32, #tpu.memory_space<vmem>> -> memref<1x40xi32, #tpu.memory_space<vmem>>
      %dma_start3A_307 = tpu.memref_squeeze %dma_start3A_306 : memref<1x40xi32, #tpu.memory_space<vmem>> -> memref<40xi32, #tpu.memory_space<vmem>>
      %dma_start3A_308 = arith.constant 0 : i32
      %dma_start3A_309 = arith.constant 0 : i32
      %dma_start3A_310 = tpu.memref_slice %arg2[%dma_start3A_308, %dma_start3A_309] : memref<10000x128xf32, #tpu.memory_space<hbm>> -> memref<10000x128xf32, #tpu.memory_space<hbm>>
      tpu.enqueue_indirect_dma source(%dma_start3A_310 : memref<10000x128xf32, #tpu.memory_space<hbm>>) target(%arg10 : memref<40x128xf32, #tpu.memory_space<vmem>>) offsets(%dma_start3A_307 : memref<40xi32, #tpu.memory_space<vmem>>) semaphore(%arg15 : memref<!tpu.dma_semaphore, #tpu.memory_space<semaphore_mem>>)
      %dma_start3A_311 = arith.constant 2 : i32
      %dma_start3A_312 = arith.constant 0 : i32
      %dma_start3A_313 = tpu.memref_slice %arg7[%dma_start3A_311, %dma_start3A_312] : memref<64x40xi32, #tpu.memory_space<vmem>> -> memref<1x40xi32, #tpu.memory_space<vmem>>
      %dma_start3A_314 = tpu.memref_squeeze %dma_start3A_313 : memref<1x40xi32, #tpu.memory_space<vmem>> -> memref<40xi32, #tpu.memory_space<vmem>>
      %dma_start3A_315 = arith.constant 0 : i32
      %dma_start3A_316 = arith.constant 0 : i32
      %dma_start3A_317 = tpu.memref_slice %arg2[%dma_start3A_315, %dma_start3A_316] : memref<10000x128xf32, #tpu.memory_space<hbm>> -> memref<10000x128xf32, #tpu.memory_space<hbm>>
      tpu.enqueue_indirect_dma source(%dma_start3A_317 : memref<10000x128xf32, #tpu.memory_space<hbm>>) target(%arg11 : memref<40x128xf32, #tpu.memory_space<vmem>>) offsets(%dma_start3A_314 : memref<40xi32, #tpu.memory_space<vmem>>) semaphore(%arg16 : memref<!tpu.dma_semaphore, #tpu.memory_space<semaphore_mem>>)
      %scan3A_318 = arith.constant 0 : i32
      %scan3A_319 = arith.constant 16 : i32
      %scan3A_320 = arith.addi %scan3A_318, %scan3A_319 : i32
      %scan3A_321 = arith.constant 1 : i32
      scf.for %scan3A_538 = %scan3A_318 to %scan3A_320 step %scan3A_321  : i32 {
        %mul3A_539 = arith.constant 4 : i32
        %mul3A_540 = arith.muli %scan3A_538, %mul3A_539 : i32
        %add3A_541 = arith.constant 0 : i32
        %add3A_542 = arith.addi %add3A_541, %mul3A_540 : i32
        %add3A_543 = arith.constant 0 : i32
        %add3A_544 = arith.addi %add3A_542, %add3A_543 : i32
        %add3A_545 = arith.constant 3 : i32
        %add3A_546 = arith.addi %add3A_544, %add3A_545 : i32
        %lt3A = arith.constant 64 : i32
        %lt3A_547 = arith.cmpi slt, %add3A_546, %lt3A : i32
        %convert_element_type3A_548 = arith.extui %lt3A_547 : i1 to i32
        %cond3A_549 = arith.constant 0 : i32
        %cond3A_550 = arith.cmpi ne, %convert_element_type3A_548, %cond3A_549 : i32
        scf.if %cond3A_550 {
          %ge3A = arith.constant 1 : i32
          %ge3A_626 = arith.cmpi sge, %add3A_544, %ge3A : i32
          %convert_element_type3A_627 = arith.extui %ge3A_626 : i1 to i32
          %cond3A_628 = arith.constant 0 : i32
          %cond3A_629 = arith.cmpi ne, %convert_element_type3A_627, %cond3A_628 : i32
          scf.if %cond3A_629 {
            %sub3A = arith.constant 1 : i32
            %sub3A_636 = arith.subi %add3A_544, %sub3A : i32
            %dma_wait3A_637 = arith.constant 0 : i32
            %dma_wait3A_638 = tpu.memref_slice %arg8[%sub3A_636, %dma_wait3A_637] : memref<64x40xi32, #tpu.memory_space<vmem>> -> memref<1x40xi32, #tpu.memory_space<vmem>>
            %dma_wait3A_639 = tpu.memref_squeeze %dma_wait3A_638 : memref<1x40xi32, #tpu.memory_space<vmem>> -> memref<40xi32, #tpu.memory_space<vmem>>
            %dma_wait3A_640 = arith.constant 0 : i32
            %dma_wait3A_641 = arith.constant 0 : i32
            %dma_wait3A_642 = tpu.memref_slice %arg13[%dma_wait3A_640, %dma_wait3A_641] : memref<10240x128xf32, #tpu.memory_space<vmem_shared>> -> memref<10240x128xf32, #tpu.memory_space<vmem_shared>>
            tpu.wait_indirect_dma semaphore(%arg21 : memref<!tpu.dma_semaphore, #tpu.memory_space<semaphore_mem>>) src(%arg12 : memref<40x128xf32, #tpu.memory_space<vmem>>) dst(%dma_wait3A_642 : memref<10240x128xf32, #tpu.memory_space<vmem_shared>>)
          } else {
          }
          %dma_start3A_630 = arith.constant 0 : i32
          %dma_start3A_631 = tpu.memref_slice %arg7[%add3A_546, %dma_start3A_630] : memref<64x40xi32, #tpu.memory_space<vmem>> -> memref<1x40xi32, #tpu.memory_space<vmem>>
          %dma_start3A_632 = tpu.memref_squeeze %dma_start3A_631 : memref<1x40xi32, #tpu.memory_space<vmem>> -> memref<40xi32, #tpu.memory_space<vmem>>
          %dma_start3A_633 = arith.constant 0 : i32
          %dma_start3A_634 = arith.constant 0 : i32
          %dma_start3A_635 = tpu.memref_slice %arg2[%dma_start3A_633, %dma_start3A_634] : memref<10000x128xf32, #tpu.memory_space<hbm>> -> memref<10000x128xf32, #tpu.memory_space<hbm>>
          tpu.enqueue_indirect_dma source(%dma_start3A_635 : memref<10000x128xf32, #tpu.memory_space<hbm>>) target(%arg12 : memref<40x128xf32, #tpu.memory_space<vmem>>) offsets(%dma_start3A_632 : memref<40xi32, #tpu.memory_space<vmem>>) semaphore(%arg17 : memref<!tpu.dma_semaphore, #tpu.memory_space<semaphore_mem>>)
        } else {
        }
        %dma_wait3A_551 = arith.constant 0 : i32
        %dma_wait3A_552 = tpu.memref_slice %arg7[%add3A_544, %dma_wait3A_551] : memref<64x40xi32, #tpu.memory_space<vmem>> -> memref<1x40xi32, #tpu.memory_space<vmem>>
        %dma_wait3A_553 = tpu.memref_squeeze %dma_wait3A_552 : memref<1x40xi32, #tpu.memory_space<vmem>> -> memref<40xi32, #tpu.memory_space<vmem>>
        %dma_wait3A_554 = arith.constant 0 : i32
        %dma_wait3A_555 = arith.constant 0 : i32
        %dma_wait3A_556 = tpu.memref_slice %arg2[%dma_wait3A_554, %dma_wait3A_555] : memref<10000x128xf32, #tpu.memory_space<hbm>> -> memref<10000x128xf32, #tpu.memory_space<hbm>>
        tpu.wait_indirect_dma semaphore(%arg14 : memref<!tpu.dma_semaphore, #tpu.memory_space<semaphore_mem>>) src(%dma_wait3A_556 : memref<10000x128xf32, #tpu.memory_space<hbm>>) dst(%arg9 : memref<40x128xf32, #tpu.memory_space<vmem>>)
        %dma_start3A_557 = arith.constant 0 : i32
        %dma_start3A_558 = tpu.memref_slice %arg8[%add3A_544, %dma_start3A_557] : memref<64x40xi32, #tpu.memory_space<vmem>> -> memref<1x40xi32, #tpu.memory_space<vmem>>
        %dma_start3A_559 = tpu.memref_squeeze %dma_start3A_558 : memref<1x40xi32, #tpu.memory_space<vmem>> -> memref<40xi32, #tpu.memory_space<vmem>>
        %dma_start3A_560 = arith.constant 0 : i32
        %dma_start3A_561 = arith.constant 0 : i32
        %dma_start3A_562 = tpu.memref_slice %arg13[%dma_start3A_560, %dma_start3A_561] : memref<10240x128xf32, #tpu.memory_space<vmem_shared>> -> memref<10240x128xf32, #tpu.memory_space<vmem_shared>>
        tpu.enqueue_indirect_dma source(%arg9 : memref<40x128xf32, #tpu.memory_space<vmem>>) target(%dma_start3A_562 : memref<10240x128xf32, #tpu.memory_space<vmem_shared>>) offsets(%dma_start3A_559 : memref<40xi32, #tpu.memory_space<vmem>>) semaphore(%arg18 : memref<!tpu.dma_semaphore, #tpu.memory_space<semaphore_mem>>) {add = true}
        %add3A_563 = arith.constant 1 : i32
        %add3A_564 = arith.addi %add3A_542, %add3A_563 : i32
        %add3A_565 = arith.constant 3 : i32
        %add3A_566 = arith.addi %add3A_564, %add3A_565 : i32
        %lt3A_567 = arith.constant 64 : i32
        %lt3A_568 = arith.cmpi slt, %add3A_566, %lt3A_567 : i32
        %convert_element_type3A_569 = arith.extui %lt3A_568 : i1 to i32
        %cond3A_570 = arith.constant 0 : i32
        %cond3A_571 = arith.cmpi ne, %convert_element_type3A_569, %cond3A_570 : i32
        scf.if %cond3A_571 {
          %ge3A = arith.constant 1 : i32
          %ge3A_626 = arith.cmpi sge, %add3A_564, %ge3A : i32
          %convert_element_type3A_627 = arith.extui %ge3A_626 : i1 to i32
          %cond3A_628 = arith.constant 0 : i32
          %cond3A_629 = arith.cmpi ne, %convert_element_type3A_627, %cond3A_628 : i32
          scf.if %cond3A_629 {
            %sub3A = arith.constant 1 : i32
            %sub3A_636 = arith.subi %add3A_564, %sub3A : i32
            %dma_wait3A_637 = arith.constant 0 : i32
            %dma_wait3A_638 = tpu.memref_slice %arg8[%sub3A_636, %dma_wait3A_637] : memref<64x40xi32, #tpu.memory_space<vmem>> -> memref<1x40xi32, #tpu.memory_space<vmem>>
            %dma_wait3A_639 = tpu.memref_squeeze %dma_wait3A_638 : memref<1x40xi32, #tpu.memory_space<vmem>> -> memref<40xi32, #tpu.memory_space<vmem>>
            %dma_wait3A_640 = arith.constant 0 : i32
            %dma_wait3A_641 = arith.constant 0 : i32
            %dma_wait3A_642 = tpu.memref_slice %arg13[%dma_wait3A_640, %dma_wait3A_641] : memref<10240x128xf32, #tpu.memory_space<vmem_shared>> -> memref<10240x128xf32, #tpu.memory_space<vmem_shared>>
            tpu.wait_indirect_dma semaphore(%arg18 : memref<!tpu.dma_semaphore, #tpu.memory_space<semaphore_mem>>) src(%arg9 : memref<40x128xf32, #tpu.memory_space<vmem>>) dst(%dma_wait3A_642 : memref<10240x128xf32, #tpu.memory_space<vmem_shared>>)
          } else {
          }
          %dma_start3A_630 = arith.constant 0 : i32
          %dma_start3A_631 = tpu.memref_slice %arg7[%add3A_566, %dma_start3A_630] : memref<64x40xi32, #tpu.memory_space<vmem>> -> memref<1x40xi32, #tpu.memory_space<vmem>>
          %dma_start3A_632 = tpu.memref_squeeze %dma_start3A_631 : memref<1x40xi32, #tpu.memory_space<vmem>> -> memref<40xi32, #tpu.memory_space<vmem>>
          %dma_start3A_633 = arith.constant 0 : i32
          %dma_start3A_634 = arith.constant 0 : i32
          %dma_start3A_635 = tpu.memref_slice %arg2[%dma_start3A_633, %dma_start3A_634] : memref<10000x128xf32, #tpu.memory_space<hbm>> -> memref<10000x128xf32, #tpu.memory_space<hbm>>
          tpu.enqueue_indirect_dma source(%dma_start3A_635 : memref<10000x128xf32, #tpu.memory_space<hbm>>) target(%arg9 : memref<40x128xf32, #tpu.memory_space<vmem>>) offsets(%dma_start3A_632 : memref<40xi32, #tpu.memory_space<vmem>>) semaphore(%arg14 : memref<!tpu.dma_semaphore, #tpu.memory_space<semaphore_mem>>)
        } else {
        }
        %dma_wait3A_572 = arith.constant 0 : i32
        %dma_wait3A_573 = tpu.memref_slice %arg7[%add3A_564, %dma_wait3A_572] : memref<64x40xi32, #tpu.memory_space<vmem>> -> memref<1x40xi32, #tpu.memory_space<vmem>>
        %dma_wait3A_574 = tpu.memref_squeeze %dma_wait3A_573 : memref<1x40xi32, #tpu.memory_space<vmem>> -> memref<40xi32, #tpu.memory_space<vmem>>
        %dma_wait3A_575 = arith.constant 0 : i32
        %dma_wait3A_576 = arith.constant 0 : i32
        %dma_wait3A_577 = tpu.memref_slice %arg2[%dma_wait3A_575, %dma_wait3A_576] : memref<10000x128xf32, #tpu.memory_space<hbm>> -> memref<10000x128xf32, #tpu.memory_space<hbm>>
        tpu.wait_indirect_dma semaphore(%arg15 : memref<!tpu.dma_semaphore, #tpu.memory_space<semaphore_mem>>) src(%dma_wait3A_577 : memref<10000x128xf32, #tpu.memory_space<hbm>>) dst(%arg10 : memref<40x128xf32, #tpu.memory_space<vmem>>)
        %dma_start3A_578 = arith.constant 0 : i32
        %dma_start3A_579 = tpu.memref_slice %arg8[%add3A_564, %dma_start3A_578] : memref<64x40xi32, #tpu.memory_space<vmem>> -> memref<1x40xi32, #tpu.memory_space<vmem>>
        %dma_start3A_580 = tpu.memref_squeeze %dma_start3A_579 : memref<1x40xi32, #tpu.memory_space<vmem>> -> memref<40xi32, #tpu.memory_space<vmem>>
        %dma_start3A_581 = arith.constant 0 : i32
        %dma_start3A_582 = arith.constant 0 : i32
        %dma_start3A_583 = tpu.memref_slice %arg13[%dma_start3A_581, %dma_start3A_582] : memref<10240x128xf32, #tpu.memory_space<vmem_shared>> -> memref<10240x128xf32, #tpu.memory_space<vmem_shared>>
        tpu.enqueue_indirect_dma source(%arg10 : memref<40x128xf32, #tpu.memory_space<vmem>>) target(%dma_start3A_583 : memref<10240x128xf32, #tpu.memory_space<vmem_shared>>) offsets(%dma_start3A_580 : memref<40xi32, #tpu.memory_space<vmem>>) semaphore(%arg19 : memref<!tpu.dma_semaphore, #tpu.memory_space<semaphore_mem>>) {add = true}
        %add3A_584 = arith.constant 2 : i32
        %add3A_585 = arith.addi %add3A_542, %add3A_584 : i32
        %add3A_586 = arith.constant 3 : i32
        %add3A_587 = arith.addi %add3A_585, %add3A_586 : i32
        %lt3A_588 = arith.constant 64 : i32
        %lt3A_589 = arith.cmpi slt, %add3A_587, %lt3A_588 : i32
        %convert_element_type3A_590 = arith.extui %lt3A_589 : i1 to i32
        %cond3A_591 = arith.constant 0 : i32
        %cond3A_592 = arith.cmpi ne, %convert_element_type3A_590, %cond3A_591 : i32
        scf.if %cond3A_592 {
          %ge3A = arith.constant 1 : i32
          %ge3A_626 = arith.cmpi sge, %add3A_585, %ge3A : i32
          %convert_element_type3A_627 = arith.extui %ge3A_626 : i1 to i32
          %cond3A_628 = arith.constant 0 : i32
          %cond3A_629 = arith.cmpi ne, %convert_element_type3A_627, %cond3A_628 : i32
          scf.if %cond3A_629 {
            %sub3A = arith.constant 1 : i32
            %sub3A_636 = arith.subi %add3A_585, %sub3A : i32
            %dma_wait3A_637 = arith.constant 0 : i32
            %dma_wait3A_638 = tpu.memref_slice %arg8[%sub3A_636, %dma_wait3A_637] : memref<64x40xi32, #tpu.memory_space<vmem>> -> memref<1x40xi32, #tpu.memory_space<vmem>>
            %dma_wait3A_639 = tpu.memref_squeeze %dma_wait3A_638 : memref<1x40xi32, #tpu.memory_space<vmem>> -> memref<40xi32, #tpu.memory_space<vmem>>
            %dma_wait3A_640 = arith.constant 0 : i32
            %dma_wait3A_641 = arith.constant 0 : i32
            %dma_wait3A_642 = tpu.memref_slice %arg13[%dma_wait3A_640, %dma_wait3A_641] : memref<10240x128xf32, #tpu.memory_space<vmem_shared>> -> memref<10240x128xf32, #tpu.memory_space<vmem_shared>>
            tpu.wait_indirect_dma semaphore(%arg19 : memref<!tpu.dma_semaphore, #tpu.memory_space<semaphore_mem>>) src(%arg10 : memref<40x128xf32, #tpu.memory_space<vmem>>) dst(%dma_wait3A_642 : memref<10240x128xf32, #tpu.memory_space<vmem_shared>>)
          } else {
          }
          %dma_start3A_630 = arith.constant 0 : i32
          %dma_start3A_631 = tpu.memref_slice %arg7[%add3A_587, %dma_start3A_630] : memref<64x40xi32, #tpu.memory_space<vmem>> -> memref<1x40xi32, #tpu.memory_space<vmem>>
          %dma_start3A_632 = tpu.memref_squeeze %dma_start3A_631 : memref<1x40xi32, #tpu.memory_space<vmem>> -> memref<40xi32, #tpu.memory_space<vmem>>
          %dma_start3A_633 = arith.constant 0 : i32
          %dma_start3A_634 = arith.constant 0 : i32
          %dma_start3A_635 = tpu.memref_slice %arg2[%dma_start3A_633, %dma_start3A_634] : memref<10000x128xf32, #tpu.memory_space<hbm>> -> memref<10000x128xf32, #tpu.memory_space<hbm>>
          tpu.enqueue_indirect_dma source(%dma_start3A_635 : memref<10000x128xf32, #tpu.memory_space<hbm>>) target(%arg10 : memref<40x128xf32, #tpu.memory_space<vmem>>) offsets(%dma_start3A_632 : memref<40xi32, #tpu.memory_space<vmem>>) semaphore(%arg15 : memref<!tpu.dma_semaphore, #tpu.memory_space<semaphore_mem>>)
        } else {
        }
        %dma_wait3A_593 = arith.constant 0 : i32
        %dma_wait3A_594 = tpu.memref_slice %arg7[%add3A_585, %dma_wait3A_593] : memref<64x40xi32, #tpu.memory_space<vmem>> -> memref<1x40xi32, #tpu.memory_space<vmem>>
        %dma_wait3A_595 = tpu.memref_squeeze %dma_wait3A_594 : memref<1x40xi32, #tpu.memory_space<vmem>> -> memref<40xi32, #tpu.memory_space<vmem>>
        %dma_wait3A_596 = arith.constant 0 : i32
        %dma_wait3A_597 = arith.constant 0 : i32
        %dma_wait3A_598 = tpu.memref_slice %arg2[%dma_wait3A_596, %dma_wait3A_597] : memref<10000x128xf32, #tpu.memory_space<hbm>> -> memref<10000x128xf32, #tpu.memory_space<hbm>>
        tpu.wait_indirect_dma semaphore(%arg16 : memref<!tpu.dma_semaphore, #tpu.memory_space<semaphore_mem>>) src(%dma_wait3A_598 : memref<10000x128xf32, #tpu.memory_space<hbm>>) dst(%arg11 : memref<40x128xf32, #tpu.memory_space<vmem>>)
        %dma_start3A_599 = arith.constant 0 : i32
        %dma_start3A_600 = tpu.memref_slice %arg8[%add3A_585, %dma_start3A_599] : memref<64x40xi32, #tpu.memory_space<vmem>> -> memref<1x40xi32, #tpu.memory_space<vmem>>
        %dma_start3A_601 = tpu.memref_squeeze %dma_start3A_600 : memref<1x40xi32, #tpu.memory_space<vmem>> -> memref<40xi32, #tpu.memory_space<vmem>>
        %dma_start3A_602 = arith.constant 0 : i32
        %dma_start3A_603 = arith.constant 0 : i32
        %dma_start3A_604 = tpu.memref_slice %arg13[%dma_start3A_602, %dma_start3A_603] : memref<10240x128xf32, #tpu.memory_space<vmem_shared>> -> memref<10240x128xf32, #tpu.memory_space<vmem_shared>>
        tpu.enqueue_indirect_dma source(%arg11 : memref<40x128xf32, #tpu.memory_space<vmem>>) target(%dma_start3A_604 : memref<10240x128xf32, #tpu.memory_space<vmem_shared>>) offsets(%dma_start3A_601 : memref<40xi32, #tpu.memory_space<vmem>>) semaphore(%arg20 : memref<!tpu.dma_semaphore, #tpu.memory_space<semaphore_mem>>) {add = true}
        %add3A_605 = arith.constant 3 : i32
        %add3A_606 = arith.addi %add3A_542, %add3A_605 : i32
        %add3A_607 = arith.constant 3 : i32
        %add3A_608 = arith.addi %add3A_606, %add3A_607 : i32
        %lt3A_609 = arith.constant 64 : i32
        %lt3A_610 = arith.cmpi slt, %add3A_608, %lt3A_609 : i32
        %convert_element_type3A_611 = arith.extui %lt3A_610 : i1 to i32
        %cond3A_612 = arith.constant 0 : i32
        %cond3A_613 = arith.cmpi ne, %convert_element_type3A_611, %cond3A_612 : i32
        scf.if %cond3A_613 {
          %ge3A = arith.constant 1 : i32
          %ge3A_626 = arith.cmpi sge, %add3A_606, %ge3A : i32
          %convert_element_type3A_627 = arith.extui %ge3A_626 : i1 to i32
          %cond3A_628 = arith.constant 0 : i32
          %cond3A_629 = arith.cmpi ne, %convert_element_type3A_627, %cond3A_628 : i32
          scf.if %cond3A_629 {
            %sub3A = arith.constant 1 : i32
            %sub3A_636 = arith.subi %add3A_606, %sub3A : i32
            %dma_wait3A_637 = arith.constant 0 : i32
            %dma_wait3A_638 = tpu.memref_slice %arg8[%sub3A_636, %dma_wait3A_637] : memref<64x40xi32, #tpu.memory_space<vmem>> -> memref<1x40xi32, #tpu.memory_space<vmem>>
            %dma_wait3A_639 = tpu.memref_squeeze %dma_wait3A_638 : memref<1x40xi32, #tpu.memory_space<vmem>> -> memref<40xi32, #tpu.memory_space<vmem>>
            %dma_wait3A_640 = arith.constant 0 : i32
            %dma_wait3A_641 = arith.constant 0 : i32
            %dma_wait3A_642 = tpu.memref_slice %arg13[%dma_wait3A_640, %dma_wait3A_641] : memref<10240x128xf32, #tpu.memory_space<vmem_shared>> -> memref<10240x128xf32, #tpu.memory_space<vmem_shared>>
            tpu.wait_indirect_dma semaphore(%arg20 : memref<!tpu.dma_semaphore, #tpu.memory_space<semaphore_mem>>) src(%arg11 : memref<40x128xf32, #tpu.memory_space<vmem>>) dst(%dma_wait3A_642 : memref<10240x128xf32, #tpu.memory_space<vmem_shared>>)
          } else {
          }
          %dma_start3A_630 = arith.constant 0 : i32
          %dma_start3A_631 = tpu.memref_slice %arg7[%add3A_608, %dma_start3A_630] : memref<64x40xi32, #tpu.memory_space<vmem>> -> memref<1x40xi32, #tpu.memory_space<vmem>>
          %dma_start3A_632 = tpu.memref_squeeze %dma_start3A_631 : memref<1x40xi32, #tpu.memory_space<vmem>> -> memref<40xi32, #tpu.memory_space<vmem>>
          %dma_start3A_633 = arith.constant 0 : i32
          %dma_start3A_634 = arith.constant 0 : i32
          %dma_start3A_635 = tpu.memref_slice %arg2[%dma_start3A_633, %dma_start3A_634] : memref<10000x128xf32, #tpu.memory_space<hbm>> -> memref<10000x128xf32, #tpu.memory_space<hbm>>
          tpu.enqueue_indirect_dma source(%dma_start3A_635 : memref<10000x128xf32, #tpu.memory_space<hbm>>) target(%arg11 : memref<40x128xf32, #tpu.memory_space<vmem>>) offsets(%dma_start3A_632 : memref<40xi32, #tpu.memory_space<vmem>>) semaphore(%arg16 : memref<!tpu.dma_semaphore, #tpu.memory_space<semaphore_mem>>)
        } else {
        }
        %dma_wait3A_614 = arith.constant 0 : i32
        %dma_wait3A_615 = tpu.memref_slice %arg7[%add3A_606, %dma_wait3A_614] : memref<64x40xi32, #tpu.memory_space<vmem>> -> memref<1x40xi32, #tpu.memory_space<vmem>>
        %dma_wait3A_616 = tpu.memref_squeeze %dma_wait3A_615 : memref<1x40xi32, #tpu.memory_space<vmem>> -> memref<40xi32, #tpu.memory_space<vmem>>
        %dma_wait3A_617 = arith.constant 0 : i32
        %dma_wait3A_618 = arith.constant 0 : i32
        %dma_wait3A_619 = tpu.memref_slice %arg2[%dma_wait3A_617, %dma_wait3A_618] : memref<10000x128xf32, #tpu.memory_space<hbm>> -> memref<10000x128xf32, #tpu.memory_space<hbm>>
        tpu.wait_indirect_dma semaphore(%arg17 : memref<!tpu.dma_semaphore, #tpu.memory_space<semaphore_mem>>) src(%dma_wait3A_619 : memref<10000x128xf32, #tpu.memory_space<hbm>>) dst(%arg12 : memref<40x128xf32, #tpu.memory_space<vmem>>)
        %dma_start3A_620 = arith.constant 0 : i32
        %dma_start3A_621 = tpu.memref_slice %arg8[%add3A_606, %dma_start3A_620] : memref<64x40xi32, #tpu.memory_space<vmem>> -> memref<1x40xi32, #tpu.memory_space<vmem>>
        %dma_start3A_622 = tpu.memref_squeeze %dma_start3A_621 : memref<1x40xi32, #tpu.memory_space<vmem>> -> memref<40xi32, #tpu.memory_space<vmem>>
        %dma_start3A_623 = arith.constant 0 : i32
        %dma_start3A_624 = arith.constant 0 : i32
        %dma_start3A_625 = tpu.memref_slice %arg13[%dma_start3A_623, %dma_start3A_624] : memref<10240x128xf32, #tpu.memory_space<vmem_shared>> -> memref<10240x128xf32, #tpu.memory_space<vmem_shared>>
        tpu.enqueue_indirect_dma source(%arg12 : memref<40x128xf32, #tpu.memory_space<vmem>>) target(%dma_start3A_625 : memref<10240x128xf32, #tpu.memory_space<vmem_shared>>) offsets(%dma_start3A_622 : memref<40xi32, #tpu.memory_space<vmem>>) semaphore(%arg21 : memref<!tpu.dma_semaphore, #tpu.memory_space<semaphore_mem>>) {add = true}
      }
      %scan3A_322 = arith.constant 16 : i32
      %dma_wait3A_323 = arith.constant 60 : i32
      %dma_wait3A_324 = arith.constant 0 : i32
      %dma_wait3A_325 = tpu.memref_slice %arg8[%dma_wait3A_323, %dma_wait3A_324] : memref<64x40xi32, #tpu.memory_space<vmem>> -> memref<1x40xi32, #tpu.memory_space<vmem>>
      %dma_wait3A_326 = tpu.memref_squeeze %dma_wait3A_325 : memref<1x40xi32, #tpu.memory_space<vmem>> -> memref<40xi32, #tpu.memory_space<vmem>>
      %dma_wait3A_327 = arith.constant 0 : i32
      %dma_wait3A_328 = arith.constant 0 : i32
      %dma_wait3A_329 = tpu.memref_slice %arg13[%dma_wait3A_327, %dma_wait3A_328] : memref<10240x128xf32, #tpu.memory_space<vmem_shared>> -> memref<10240x128xf32, #tpu.memory_space<vmem_shared>>
      tpu.wait_indirect_dma semaphore(%arg18 : memref<!tpu.dma_semaphore, #tpu.memory_space<semaphore_mem>>) src(%arg9 : memref<40x128xf32, #tpu.memory_space<vmem>>) dst(%dma_wait3A_329 : memref<10240x128xf32, #tpu.memory_space<vmem_shared>>)
      %dma_wait3A_330 = arith.constant 61 : i32
      %dma_wait3A_331 = arith.constant 0 : i32
      %dma_wait3A_332 = tpu.memref_slice %arg8[%dma_wait3A_330, %dma_wait3A_331] : memref<64x40xi32, #tpu.memory_space<vmem>> -> memref<1x40xi32, #tpu.memory_space<vmem>>
      %dma_wait3A_333 = tpu.memref_squeeze %dma_wait3A_332 : memref<1x40xi32, #tpu.memory_space<vmem>> -> memref<40xi32, #tpu.memory_space<vmem>>
      %dma_wait3A_334 = arith.constant 0 : i32
      %dma_wait3A_335 = arith.constant 0 : i32
      %dma_wait3A_336 = tpu.memref_slice %arg13[%dma_wait3A_334, %dma_wait3A_335] : memref<10240x128xf32, #tpu.memory_space<vmem_shared>> -> memref<10240x128xf32, #tpu.memory_space<vmem_shared>>
      tpu.wait_indirect_dma semaphore(%arg19 : memref<!tpu.dma_semaphore, #tpu.memory_space<semaphore_mem>>) src(%arg10 : memref<40x128xf32, #tpu.memory_space<vmem>>) dst(%dma_wait3A_336 : memref<10240x128xf32, #tpu.memory_space<vmem_shared>>)
      %dma_wait3A_337 = arith.constant 62 : i32
      %dma_wait3A_338 = arith.constant 0 : i32
      %dma_wait3A_339 = tpu.memref_slice %arg8[%dma_wait3A_337, %dma_wait3A_338] : memref<64x40xi32, #tpu.memory_space<vmem>> -> memref<1x40xi32, #tpu.memory_space<vmem>>
      %dma_wait3A_340 = tpu.memref_squeeze %dma_wait3A_339 : memref<1x40xi32, #tpu.memory_space<vmem>> -> memref<40xi32, #tpu.memory_space<vmem>>
      %dma_wait3A_341 = arith.constant 0 : i32
      %dma_wait3A_342 = arith.constant 0 : i32
      %dma_wait3A_343 = tpu.memref_slice %arg13[%dma_wait3A_341, %dma_wait3A_342] : memref<10240x128xf32, #tpu.memory_space<vmem_shared>> -> memref<10240x128xf32, #tpu.memory_space<vmem_shared>>
      tpu.wait_indirect_dma semaphore(%arg20 : memref<!tpu.dma_semaphore, #tpu.memory_space<semaphore_mem>>) src(%arg11 : memref<40x128xf32, #tpu.memory_space<vmem>>) dst(%dma_wait3A_343 : memref<10240x128xf32, #tpu.memory_space<vmem_shared>>)
      %dma_wait3A_344 = arith.constant 63 : i32
      %dma_wait3A_345 = arith.constant 0 : i32
      %dma_wait3A_346 = tpu.memref_slice %arg8[%dma_wait3A_344, %dma_wait3A_345] : memref<64x40xi32, #tpu.memory_space<vmem>> -> memref<1x40xi32, #tpu.memory_space<vmem>>
      %dma_wait3A_347 = tpu.memref_squeeze %dma_wait3A_346 : memref<1x40xi32, #tpu.memory_space<vmem>> -> memref<40xi32, #tpu.memory_space<vmem>>
      %dma_wait3A_348 = arith.constant 0 : i32
      %dma_wait3A_349 = arith.constant 0 : i32
      %dma_wait3A_350 = tpu.memref_slice %arg13[%dma_wait3A_348, %dma_wait3A_349] : memref<10240x128xf32, #tpu.memory_space<vmem_shared>> -> memref<10240x128xf32, #tpu.memory_space<vmem_shared>>
      tpu.wait_indirect_dma semaphore(%arg21 : memref<!tpu.dma_semaphore, #tpu.memory_space<semaphore_mem>>) src(%arg12 : memref<40x128xf32, #tpu.memory_space<vmem>>) dst(%dma_wait3A_350 : memref<10240x128xf32, #tpu.memory_space<vmem_shared>>)
      %mul3A_351 = arith.constant 8 : i32
      %mul3A_352 = arith.muli %arg1, %mul3A_351 : i32
      %add3A_353 = arith.constant 5 : i32
      %add3A_354 = arith.addi %mul3A_352, %add3A_353 : i32
      "tpu.region"() ({
        %run_scoped3A = tpu.sem_alloc : memref<!tpu.dma_semaphore, #tpu.memory_space<semaphore_mem>>
        %dma_start3A_538 = arith.constant 0 : i32
        %dma_start3A_539 = arith.constant 0 : i32
        %dma_start3A_540 = tpu.memref_slice %arg4[%add3A_354, %dma_start3A_538, %dma_start3A_539] : memref<128x64x40xi32, #tpu.memory_space<hbm>> -> memref<1x64x40xi32, #tpu.memory_space<hbm>>
        %dma_start3A_541 = tpu.memref_squeeze %dma_start3A_540 : memref<1x64x40xi32, #tpu.memory_space<hbm>> -> memref<64x40xi32, #tpu.memory_space<hbm>>
        %dma_start3A_542 = arith.constant 0 : i32
        %dma_start3A_543 = arith.constant 0 : i32
        %dma_start3A_544 = tpu.memref_slice %arg4[%add3A_354, %dma_start3A_542, %dma_start3A_543] : memref<128x64x40xi32, #tpu.memory_space<hbm>> -> memref<1x64x40xi32, #tpu.memory_space<hbm>>
        %dma_start3A_545 = tpu.memref_squeeze %dma_start3A_544 : memref<1x64x40xi32, #tpu.memory_space<hbm>> -> memref<64x40xi32, #tpu.memory_space<hbm>>
        tpu.enqueue_dma source(%dma_start3A_545 : memref<64x40xi32, #tpu.memory_space<hbm>>) target(%arg8 : memref<64x40xi32, #tpu.memory_space<vmem>>) target_semaphore(%run_scoped3A : memref<!tpu.dma_semaphore, #tpu.memory_space<semaphore_mem>>)
        %dma_wait3A_546 = arith.constant 0 : i32
        %dma_wait3A_547 = arith.constant 0 : i32
        %dma_wait3A_548 = tpu.memref_slice %arg4[%add3A_354, %dma_wait3A_546, %dma_wait3A_547] : memref<128x64x40xi32, #tpu.memory_space<hbm>> -> memref<1x64x40xi32, #tpu.memory_space<hbm>>
        %dma_wait3A_549 = tpu.memref_squeeze %dma_wait3A_548 : memref<1x64x40xi32, #tpu.memory_space<hbm>> -> memref<64x40xi32, #tpu.memory_space<hbm>>
        %dma_wait3A_550 = arith.constant 0 : i32
        %dma_wait3A_551 = arith.constant 0 : i32
        %dma_wait3A_552 = tpu.memref_slice %arg4[%add3A_354, %dma_wait3A_550, %dma_wait3A_551] : memref<128x64x40xi32, #tpu.memory_space<hbm>> -> memref<1x64x40xi32, #tpu.memory_space<hbm>>
        %dma_wait3A_553 = tpu.memref_squeeze %dma_wait3A_552 : memref<1x64x40xi32, #tpu.memory_space<hbm>> -> memref<64x40xi32, #tpu.memory_space<hbm>>
        tpu.wait_dma2 semaphore(%run_scoped3A : memref<!tpu.dma_semaphore, #tpu.memory_space<semaphore_mem>>) src(%dma_wait3A_553 : memref<64x40xi32, #tpu.memory_space<hbm>>) dst(%arg8 : memref<64x40xi32, #tpu.memory_space<vmem>>)
        tpu.yield
      }) : () -> ()
      %mul3A_355 = arith.constant 8 : i32
      %mul3A_356 = arith.muli %arg1, %mul3A_355 : i32
      %add3A_357 = arith.constant 5 : i32
      %add3A_358 = arith.addi %mul3A_356, %add3A_357 : i32
      "tpu.region"() ({
        %run_scoped3A = tpu.sem_alloc : memref<!tpu.dma_semaphore, #tpu.memory_space<semaphore_mem>>
        %dma_start3A_538 = arith.constant 0 : i32
        %dma_start3A_539 = arith.constant 0 : i32
        %dma_start3A_540 = tpu.memref_slice %arg3[%add3A_358, %dma_start3A_538, %dma_start3A_539] : memref<128x64x40xi32, #tpu.memory_space<hbm>> -> memref<1x64x40xi32, #tpu.memory_space<hbm>>
        %dma_start3A_541 = tpu.memref_squeeze %dma_start3A_540 : memref<1x64x40xi32, #tpu.memory_space<hbm>> -> memref<64x40xi32, #tpu.memory_space<hbm>>
        %dma_start3A_542 = arith.constant 0 : i32
        %dma_start3A_543 = arith.constant 0 : i32
        %dma_start3A_544 = tpu.memref_slice %arg3[%add3A_358, %dma_start3A_542, %dma_start3A_543] : memref<128x64x40xi32, #tpu.memory_space<hbm>> -> memref<1x64x40xi32, #tpu.memory_space<hbm>>
        %dma_start3A_545 = tpu.memref_squeeze %dma_start3A_544 : memref<1x64x40xi32, #tpu.memory_space<hbm>> -> memref<64x40xi32, #tpu.memory_space<hbm>>
        tpu.enqueue_dma source(%dma_start3A_545 : memref<64x40xi32, #tpu.memory_space<hbm>>) target(%arg7 : memref<64x40xi32, #tpu.memory_space<vmem>>) target_semaphore(%run_scoped3A : memref<!tpu.dma_semaphore, #tpu.memory_space<semaphore_mem>>)
        %dma_wait3A_546 = arith.constant 0 : i32
        %dma_wait3A_547 = arith.constant 0 : i32
        %dma_wait3A_548 = tpu.memref_slice %arg3[%add3A_358, %dma_wait3A_546, %dma_wait3A_547] : memref<128x64x40xi32, #tpu.memory_space<hbm>> -> memref<1x64x40xi32, #tpu.memory_space<hbm>>
        %dma_wait3A_549 = tpu.memref_squeeze %dma_wait3A_548 : memref<1x64x40xi32, #tpu.memory_space<hbm>> -> memref<64x40xi32, #tpu.memory_space<hbm>>
        %dma_wait3A_550 = arith.constant 0 : i32
        %dma_wait3A_551 = arith.constant 0 : i32
        %dma_wait3A_552 = tpu.memref_slice %arg3[%add3A_358, %dma_wait3A_550, %dma_wait3A_551] : memref<128x64x40xi32, #tpu.memory_space<hbm>> -> memref<1x64x40xi32, #tpu.memory_space<hbm>>
        %dma_wait3A_553 = tpu.memref_squeeze %dma_wait3A_552 : memref<1x64x40xi32, #tpu.memory_space<hbm>> -> memref<64x40xi32, #tpu.memory_space<hbm>>
        tpu.wait_dma2 semaphore(%run_scoped3A : memref<!tpu.dma_semaphore, #tpu.memory_space<semaphore_mem>>) src(%dma_wait3A_553 : memref<64x40xi32, #tpu.memory_space<hbm>>) dst(%arg7 : memref<64x40xi32, #tpu.memory_space<vmem>>)
        tpu.yield
      }) : () -> ()
      %dma_start3A_359 = arith.constant 0 : i32
      %dma_start3A_360 = arith.constant 0 : i32
      %dma_start3A_361 = tpu.memref_slice %arg7[%dma_start3A_359, %dma_start3A_360] : memref<64x40xi32, #tpu.memory_space<vmem>> -> memref<1x40xi32, #tpu.memory_space<vmem>>
      %dma_start3A_362 = tpu.memref_squeeze %dma_start3A_361 : memref<1x40xi32, #tpu.memory_space<vmem>> -> memref<40xi32, #tpu.memory_space<vmem>>
      %dma_start3A_363 = arith.constant 0 : i32
      %dma_start3A_364 = arith.constant 0 : i32
      %dma_start3A_365 = tpu.memref_slice %arg2[%dma_start3A_363, %dma_start3A_364] : memref<10000x128xf32, #tpu.memory_space<hbm>> -> memref<10000x128xf32, #tpu.memory_space<hbm>>
      tpu.enqueue_indirect_dma source(%dma_start3A_365 : memref<10000x128xf32, #tpu.memory_space<hbm>>) target(%arg9 : memref<40x128xf32, #tpu.memory_space<vmem>>) offsets(%dma_start3A_362 : memref<40xi32, #tpu.memory_space<vmem>>) semaphore(%arg14 : memref<!tpu.dma_semaphore, #tpu.memory_space<semaphore_mem>>)
      %dma_start3A_366 = arith.constant 1 : i32
      %dma_start3A_367 = arith.constant 0 : i32
      %dma_start3A_368 = tpu.memref_slice %arg7[%dma_start3A_366, %dma_start3A_367] : memref<64x40xi32, #tpu.memory_space<vmem>> -> memref<1x40xi32, #tpu.memory_space<vmem>>
      %dma_start3A_369 = tpu.memref_squeeze %dma_start3A_368 : memref<1x40xi32, #tpu.memory_space<vmem>> -> memref<40xi32, #tpu.memory_space<vmem>>
      %dma_start3A_370 = arith.constant 0 : i32
      %dma_start3A_371 = arith.constant 0 : i32
      %dma_start3A_372 = tpu.memref_slice %arg2[%dma_start3A_370, %dma_start3A_371] : memref<10000x128xf32, #tpu.memory_space<hbm>> -> memref<10000x128xf32, #tpu.memory_space<hbm>>
      tpu.enqueue_indirect_dma source(%dma_start3A_372 : memref<10000x128xf32, #tpu.memory_space<hbm>>) target(%arg10 : memref<40x128xf32, #tpu.memory_space<vmem>>) offsets(%dma_start3A_369 : memref<40xi32, #tpu.memory_space<vmem>>) semaphore(%arg15 : memref<!tpu.dma_semaphore, #tpu.memory_space<semaphore_mem>>)
      %dma_start3A_373 = arith.constant 2 : i32
      %dma_start3A_374 = arith.constant 0 : i32
      %dma_start3A_375 = tpu.memref_slice %arg7[%dma_start3A_373, %dma_start3A_374] : memref<64x40xi32, #tpu.memory_space<vmem>> -> memref<1x40xi32, #tpu.memory_space<vmem>>
      %dma_start3A_376 = tpu.memref_squeeze %dma_start3A_375 : memref<1x40xi32, #tpu.memory_space<vmem>> -> memref<40xi32, #tpu.memory_space<vmem>>
      %dma_start3A_377 = arith.constant 0 : i32
      %dma_start3A_378 = arith.constant 0 : i32
      %dma_start3A_379 = tpu.memref_slice %arg2[%dma_start3A_377, %dma_start3A_378] : memref<10000x128xf32, #tpu.memory_space<hbm>> -> memref<10000x128xf32, #tpu.memory_space<hbm>>
      tpu.enqueue_indirect_dma source(%dma_start3A_379 : memref<10000x128xf32, #tpu.memory_space<hbm>>) target(%arg11 : memref<40x128xf32, #tpu.memory_space<vmem>>) offsets(%dma_start3A_376 : memref<40xi32, #tpu.memory_space<vmem>>) semaphore(%arg16 : memref<!tpu.dma_semaphore, #tpu.memory_space<semaphore_mem>>)
      %scan3A_380 = arith.constant 0 : i32
      %scan3A_381 = arith.constant 16 : i32
      %scan3A_382 = arith.addi %scan3A_380, %scan3A_381 : i32
      %scan3A_383 = arith.constant 1 : i32
      scf.for %scan3A_538 = %scan3A_380 to %scan3A_382 step %scan3A_383  : i32 {
        %mul3A_539 = arith.constant 4 : i32
        %mul3A_540 = arith.muli %scan3A_538, %mul3A_539 : i32
        %add3A_541 = arith.constant 0 : i32
        %add3A_542 = arith.addi %add3A_541, %mul3A_540 : i32
        %add3A_543 = arith.constant 0 : i32
        %add3A_544 = arith.addi %add3A_542, %add3A_543 : i32
        %add3A_545 = arith.constant 3 : i32
        %add3A_546 = arith.addi %add3A_544, %add3A_545 : i32
        %lt3A = arith.constant 64 : i32
        %lt3A_547 = arith.cmpi slt, %add3A_546, %lt3A : i32
        %convert_element_type3A_548 = arith.extui %lt3A_547 : i1 to i32
        %cond3A_549 = arith.constant 0 : i32
        %cond3A_550 = arith.cmpi ne, %convert_element_type3A_548, %cond3A_549 : i32
        scf.if %cond3A_550 {
          %ge3A = arith.constant 1 : i32
          %ge3A_626 = arith.cmpi sge, %add3A_544, %ge3A : i32
          %convert_element_type3A_627 = arith.extui %ge3A_626 : i1 to i32
          %cond3A_628 = arith.constant 0 : i32
          %cond3A_629 = arith.cmpi ne, %convert_element_type3A_627, %cond3A_628 : i32
          scf.if %cond3A_629 {
            %sub3A = arith.constant 1 : i32
            %sub3A_636 = arith.subi %add3A_544, %sub3A : i32
            %dma_wait3A_637 = arith.constant 0 : i32
            %dma_wait3A_638 = tpu.memref_slice %arg8[%sub3A_636, %dma_wait3A_637] : memref<64x40xi32, #tpu.memory_space<vmem>> -> memref<1x40xi32, #tpu.memory_space<vmem>>
            %dma_wait3A_639 = tpu.memref_squeeze %dma_wait3A_638 : memref<1x40xi32, #tpu.memory_space<vmem>> -> memref<40xi32, #tpu.memory_space<vmem>>
            %dma_wait3A_640 = arith.constant 0 : i32
            %dma_wait3A_641 = arith.constant 0 : i32
            %dma_wait3A_642 = tpu.memref_slice %arg13[%dma_wait3A_640, %dma_wait3A_641] : memref<10240x128xf32, #tpu.memory_space<vmem_shared>> -> memref<10240x128xf32, #tpu.memory_space<vmem_shared>>
            tpu.wait_indirect_dma semaphore(%arg21 : memref<!tpu.dma_semaphore, #tpu.memory_space<semaphore_mem>>) src(%arg12 : memref<40x128xf32, #tpu.memory_space<vmem>>) dst(%dma_wait3A_642 : memref<10240x128xf32, #tpu.memory_space<vmem_shared>>)
          } else {
          }
          %dma_start3A_630 = arith.constant 0 : i32
          %dma_start3A_631 = tpu.memref_slice %arg7[%add3A_546, %dma_start3A_630] : memref<64x40xi32, #tpu.memory_space<vmem>> -> memref<1x40xi32, #tpu.memory_space<vmem>>
          %dma_start3A_632 = tpu.memref_squeeze %dma_start3A_631 : memref<1x40xi32, #tpu.memory_space<vmem>> -> memref<40xi32, #tpu.memory_space<vmem>>
          %dma_start3A_633 = arith.constant 0 : i32
          %dma_start3A_634 = arith.constant 0 : i32
          %dma_start3A_635 = tpu.memref_slice %arg2[%dma_start3A_633, %dma_start3A_634] : memref<10000x128xf32, #tpu.memory_space<hbm>> -> memref<10000x128xf32, #tpu.memory_space<hbm>>
          tpu.enqueue_indirect_dma source(%dma_start3A_635 : memref<10000x128xf32, #tpu.memory_space<hbm>>) target(%arg12 : memref<40x128xf32, #tpu.memory_space<vmem>>) offsets(%dma_start3A_632 : memref<40xi32, #tpu.memory_space<vmem>>) semaphore(%arg17 : memref<!tpu.dma_semaphore, #tpu.memory_space<semaphore_mem>>)
        } else {
        }
        %dma_wait3A_551 = arith.constant 0 : i32
        %dma_wait3A_552 = tpu.memref_slice %arg7[%add3A_544, %dma_wait3A_551] : memref<64x40xi32, #tpu.memory_space<vmem>> -> memref<1x40xi32, #tpu.memory_space<vmem>>
        %dma_wait3A_553 = tpu.memref_squeeze %dma_wait3A_552 : memref<1x40xi32, #tpu.memory_space<vmem>> -> memref<40xi32, #tpu.memory_space<vmem>>
        %dma_wait3A_554 = arith.constant 0 : i32
        %dma_wait3A_555 = arith.constant 0 : i32
        %dma_wait3A_556 = tpu.memref_slice %arg2[%dma_wait3A_554, %dma_wait3A_555] : memref<10000x128xf32, #tpu.memory_space<hbm>> -> memref<10000x128xf32, #tpu.memory_space<hbm>>
        tpu.wait_indirect_dma semaphore(%arg14 : memref<!tpu.dma_semaphore, #tpu.memory_space<semaphore_mem>>) src(%dma_wait3A_556 : memref<10000x128xf32, #tpu.memory_space<hbm>>) dst(%arg9 : memref<40x128xf32, #tpu.memory_space<vmem>>)
        %dma_start3A_557 = arith.constant 0 : i32
        %dma_start3A_558 = tpu.memref_slice %arg8[%add3A_544, %dma_start3A_557] : memref<64x40xi32, #tpu.memory_space<vmem>> -> memref<1x40xi32, #tpu.memory_space<vmem>>
        %dma_start3A_559 = tpu.memref_squeeze %dma_start3A_558 : memref<1x40xi32, #tpu.memory_space<vmem>> -> memref<40xi32, #tpu.memory_space<vmem>>
        %dma_start3A_560 = arith.constant 0 : i32
        %dma_start3A_561 = arith.constant 0 : i32
        %dma_start3A_562 = tpu.memref_slice %arg13[%dma_start3A_560, %dma_start3A_561] : memref<10240x128xf32, #tpu.memory_space<vmem_shared>> -> memref<10240x128xf32, #tpu.memory_space<vmem_shared>>
        tpu.enqueue_indirect_dma source(%arg9 : memref<40x128xf32, #tpu.memory_space<vmem>>) target(%dma_start3A_562 : memref<10240x128xf32, #tpu.memory_space<vmem_shared>>) offsets(%dma_start3A_559 : memref<40xi32, #tpu.memory_space<vmem>>) semaphore(%arg18 : memref<!tpu.dma_semaphore, #tpu.memory_space<semaphore_mem>>) {add = true}
        %add3A_563 = arith.constant 1 : i32
        %add3A_564 = arith.addi %add3A_542, %add3A_563 : i32
        %add3A_565 = arith.constant 3 : i32
        %add3A_566 = arith.addi %add3A_564, %add3A_565 : i32
        %lt3A_567 = arith.constant 64 : i32
        %lt3A_568 = arith.cmpi slt, %add3A_566, %lt3A_567 : i32
        %convert_element_type3A_569 = arith.extui %lt3A_568 : i1 to i32
        %cond3A_570 = arith.constant 0 : i32
        %cond3A_571 = arith.cmpi ne, %convert_element_type3A_569, %cond3A_570 : i32
        scf.if %cond3A_571 {
          %ge3A = arith.constant 1 : i32
          %ge3A_626 = arith.cmpi sge, %add3A_564, %ge3A : i32
          %convert_element_type3A_627 = arith.extui %ge3A_626 : i1 to i32
          %cond3A_628 = arith.constant 0 : i32
          %cond3A_629 = arith.cmpi ne, %convert_element_type3A_627, %cond3A_628 : i32
          scf.if %cond3A_629 {
            %sub3A = arith.constant 1 : i32
            %sub3A_636 = arith.subi %add3A_564, %sub3A : i32
            %dma_wait3A_637 = arith.constant 0 : i32
            %dma_wait3A_638 = tpu.memref_slice %arg8[%sub3A_636, %dma_wait3A_637] : memref<64x40xi32, #tpu.memory_space<vmem>> -> memref<1x40xi32, #tpu.memory_space<vmem>>
            %dma_wait3A_639 = tpu.memref_squeeze %dma_wait3A_638 : memref<1x40xi32, #tpu.memory_space<vmem>> -> memref<40xi32, #tpu.memory_space<vmem>>
            %dma_wait3A_640 = arith.constant 0 : i32
            %dma_wait3A_641 = arith.constant 0 : i32
            %dma_wait3A_642 = tpu.memref_slice %arg13[%dma_wait3A_640, %dma_wait3A_641] : memref<10240x128xf32, #tpu.memory_space<vmem_shared>> -> memref<10240x128xf32, #tpu.memory_space<vmem_shared>>
            tpu.wait_indirect_dma semaphore(%arg18 : memref<!tpu.dma_semaphore, #tpu.memory_space<semaphore_mem>>) src(%arg9 : memref<40x128xf32, #tpu.memory_space<vmem>>) dst(%dma_wait3A_642 : memref<10240x128xf32, #tpu.memory_space<vmem_shared>>)
          } else {
          }
          %dma_start3A_630 = arith.constant 0 : i32
          %dma_start3A_631 = tpu.memref_slice %arg7[%add3A_566, %dma_start3A_630] : memref<64x40xi32, #tpu.memory_space<vmem>> -> memref<1x40xi32, #tpu.memory_space<vmem>>
          %dma_start3A_632 = tpu.memref_squeeze %dma_start3A_631 : memref<1x40xi32, #tpu.memory_space<vmem>> -> memref<40xi32, #tpu.memory_space<vmem>>
          %dma_start3A_633 = arith.constant 0 : i32
          %dma_start3A_634 = arith.constant 0 : i32
          %dma_start3A_635 = tpu.memref_slice %arg2[%dma_start3A_633, %dma_start3A_634] : memref<10000x128xf32, #tpu.memory_space<hbm>> -> memref<10000x128xf32, #tpu.memory_space<hbm>>
          tpu.enqueue_indirect_dma source(%dma_start3A_635 : memref<10000x128xf32, #tpu.memory_space<hbm>>) target(%arg9 : memref<40x128xf32, #tpu.memory_space<vmem>>) offsets(%dma_start3A_632 : memref<40xi32, #tpu.memory_space<vmem>>) semaphore(%arg14 : memref<!tpu.dma_semaphore, #tpu.memory_space<semaphore_mem>>)
        } else {
        }
        %dma_wait3A_572 = arith.constant 0 : i32
        %dma_wait3A_573 = tpu.memref_slice %arg7[%add3A_564, %dma_wait3A_572] : memref<64x40xi32, #tpu.memory_space<vmem>> -> memref<1x40xi32, #tpu.memory_space<vmem>>
        %dma_wait3A_574 = tpu.memref_squeeze %dma_wait3A_573 : memref<1x40xi32, #tpu.memory_space<vmem>> -> memref<40xi32, #tpu.memory_space<vmem>>
        %dma_wait3A_575 = arith.constant 0 : i32
        %dma_wait3A_576 = arith.constant 0 : i32
        %dma_wait3A_577 = tpu.memref_slice %arg2[%dma_wait3A_575, %dma_wait3A_576] : memref<10000x128xf32, #tpu.memory_space<hbm>> -> memref<10000x128xf32, #tpu.memory_space<hbm>>
        tpu.wait_indirect_dma semaphore(%arg15 : memref<!tpu.dma_semaphore, #tpu.memory_space<semaphore_mem>>) src(%dma_wait3A_577 : memref<10000x128xf32, #tpu.memory_space<hbm>>) dst(%arg10 : memref<40x128xf32, #tpu.memory_space<vmem>>)
        %dma_start3A_578 = arith.constant 0 : i32
        %dma_start3A_579 = tpu.memref_slice %arg8[%add3A_564, %dma_start3A_578] : memref<64x40xi32, #tpu.memory_space<vmem>> -> memref<1x40xi32, #tpu.memory_space<vmem>>
        %dma_start3A_580 = tpu.memref_squeeze %dma_start3A_579 : memref<1x40xi32, #tpu.memory_space<vmem>> -> memref<40xi32, #tpu.memory_space<vmem>>
        %dma_start3A_581 = arith.constant 0 : i32
        %dma_start3A_582 = arith.constant 0 : i32
        %dma_start3A_583 = tpu.memref_slice %arg13[%dma_start3A_581, %dma_start3A_582] : memref<10240x128xf32, #tpu.memory_space<vmem_shared>> -> memref<10240x128xf32, #tpu.memory_space<vmem_shared>>
        tpu.enqueue_indirect_dma source(%arg10 : memref<40x128xf32, #tpu.memory_space<vmem>>) target(%dma_start3A_583 : memref<10240x128xf32, #tpu.memory_space<vmem_shared>>) offsets(%dma_start3A_580 : memref<40xi32, #tpu.memory_space<vmem>>) semaphore(%arg19 : memref<!tpu.dma_semaphore, #tpu.memory_space<semaphore_mem>>) {add = true}
        %add3A_584 = arith.constant 2 : i32
        %add3A_585 = arith.addi %add3A_542, %add3A_584 : i32
        %add3A_586 = arith.constant 3 : i32
        %add3A_587 = arith.addi %add3A_585, %add3A_586 : i32
        %lt3A_588 = arith.constant 64 : i32
        %lt3A_589 = arith.cmpi slt, %add3A_587, %lt3A_588 : i32
        %convert_element_type3A_590 = arith.extui %lt3A_589 : i1 to i32
        %cond3A_591 = arith.constant 0 : i32
        %cond3A_592 = arith.cmpi ne, %convert_element_type3A_590, %cond3A_591 : i32
        scf.if %cond3A_592 {
          %ge3A = arith.constant 1 : i32
          %ge3A_626 = arith.cmpi sge, %add3A_585, %ge3A : i32
          %convert_element_type3A_627 = arith.extui %ge3A_626 : i1 to i32
          %cond3A_628 = arith.constant 0 : i32
          %cond3A_629 = arith.cmpi ne, %convert_element_type3A_627, %cond3A_628 : i32
          scf.if %cond3A_629 {
            %sub3A = arith.constant 1 : i32
            %sub3A_636 = arith.subi %add3A_585, %sub3A : i32
            %dma_wait3A_637 = arith.constant 0 : i32
            %dma_wait3A_638 = tpu.memref_slice %arg8[%sub3A_636, %dma_wait3A_637] : memref<64x40xi32, #tpu.memory_space<vmem>> -> memref<1x40xi32, #tpu.memory_space<vmem>>
            %dma_wait3A_639 = tpu.memref_squeeze %dma_wait3A_638 : memref<1x40xi32, #tpu.memory_space<vmem>> -> memref<40xi32, #tpu.memory_space<vmem>>
            %dma_wait3A_640 = arith.constant 0 : i32
            %dma_wait3A_641 = arith.constant 0 : i32
            %dma_wait3A_642 = tpu.memref_slice %arg13[%dma_wait3A_640, %dma_wait3A_641] : memref<10240x128xf32, #tpu.memory_space<vmem_shared>> -> memref<10240x128xf32, #tpu.memory_space<vmem_shared>>
            tpu.wait_indirect_dma semaphore(%arg19 : memref<!tpu.dma_semaphore, #tpu.memory_space<semaphore_mem>>) src(%arg10 : memref<40x128xf32, #tpu.memory_space<vmem>>) dst(%dma_wait3A_642 : memref<10240x128xf32, #tpu.memory_space<vmem_shared>>)
          } else {
          }
          %dma_start3A_630 = arith.constant 0 : i32
          %dma_start3A_631 = tpu.memref_slice %arg7[%add3A_587, %dma_start3A_630] : memref<64x40xi32, #tpu.memory_space<vmem>> -> memref<1x40xi32, #tpu.memory_space<vmem>>
          %dma_start3A_632 = tpu.memref_squeeze %dma_start3A_631 : memref<1x40xi32, #tpu.memory_space<vmem>> -> memref<40xi32, #tpu.memory_space<vmem>>
          %dma_start3A_633 = arith.constant 0 : i32
          %dma_start3A_634 = arith.constant 0 : i32
          %dma_start3A_635 = tpu.memref_slice %arg2[%dma_start3A_633, %dma_start3A_634] : memref<10000x128xf32, #tpu.memory_space<hbm>> -> memref<10000x128xf32, #tpu.memory_space<hbm>>
          tpu.enqueue_indirect_dma source(%dma_start3A_635 : memref<10000x128xf32, #tpu.memory_space<hbm>>) target(%arg10 : memref<40x128xf32, #tpu.memory_space<vmem>>) offsets(%dma_start3A_632 : memref<40xi32, #tpu.memory_space<vmem>>) semaphore(%arg15 : memref<!tpu.dma_semaphore, #tpu.memory_space<semaphore_mem>>)
        } else {
        }
        %dma_wait3A_593 = arith.constant 0 : i32
        %dma_wait3A_594 = tpu.memref_slice %arg7[%add3A_585, %dma_wait3A_593] : memref<64x40xi32, #tpu.memory_space<vmem>> -> memref<1x40xi32, #tpu.memory_space<vmem>>
        %dma_wait3A_595 = tpu.memref_squeeze %dma_wait3A_594 : memref<1x40xi32, #tpu.memory_space<vmem>> -> memref<40xi32, #tpu.memory_space<vmem>>
        %dma_wait3A_596 = arith.constant 0 : i32
        %dma_wait3A_597 = arith.constant 0 : i32
        %dma_wait3A_598 = tpu.memref_slice %arg2[%dma_wait3A_596, %dma_wait3A_597] : memref<10000x128xf32, #tpu.memory_space<hbm>> -> memref<10000x128xf32, #tpu.memory_space<hbm>>
        tpu.wait_indirect_dma semaphore(%arg16 : memref<!tpu.dma_semaphore, #tpu.memory_space<semaphore_mem>>) src(%dma_wait3A_598 : memref<10000x128xf32, #tpu.memory_space<hbm>>) dst(%arg11 : memref<40x128xf32, #tpu.memory_space<vmem>>)
        %dma_start3A_599 = arith.constant 0 : i32
        %dma_start3A_600 = tpu.memref_slice %arg8[%add3A_585, %dma_start3A_599] : memref<64x40xi32, #tpu.memory_space<vmem>> -> memref<1x40xi32, #tpu.memory_space<vmem>>
        %dma_start3A_601 = tpu.memref_squeeze %dma_start3A_600 : memref<1x40xi32, #tpu.memory_space<vmem>> -> memref<40xi32, #tpu.memory_space<vmem>>
        %dma_start3A_602 = arith.constant 0 : i32
        %dma_start3A_603 = arith.constant 0 : i32
        %dma_start3A_604 = tpu.memref_slice %arg13[%dma_start3A_602, %dma_start3A_603] : memref<10240x128xf32, #tpu.memory_space<vmem_shared>> -> memref<10240x128xf32, #tpu.memory_space<vmem_shared>>
        tpu.enqueue_indirect_dma source(%arg11 : memref<40x128xf32, #tpu.memory_space<vmem>>) target(%dma_start3A_604 : memref<10240x128xf32, #tpu.memory_space<vmem_shared>>) offsets(%dma_start3A_601 : memref<40xi32, #tpu.memory_space<vmem>>) semaphore(%arg20 : memref<!tpu.dma_semaphore, #tpu.memory_space<semaphore_mem>>) {add = true}
        %add3A_605 = arith.constant 3 : i32
        %add3A_606 = arith.addi %add3A_542, %add3A_605 : i32
        %add3A_607 = arith.constant 3 : i32
        %add3A_608 = arith.addi %add3A_606, %add3A_607 : i32
        %lt3A_609 = arith.constant 64 : i32
        %lt3A_610 = arith.cmpi slt, %add3A_608, %lt3A_609 : i32
        %convert_element_type3A_611 = arith.extui %lt3A_610 : i1 to i32
        %cond3A_612 = arith.constant 0 : i32
        %cond3A_613 = arith.cmpi ne, %convert_element_type3A_611, %cond3A_612 : i32
        scf.if %cond3A_613 {
          %ge3A = arith.constant 1 : i32
          %ge3A_626 = arith.cmpi sge, %add3A_606, %ge3A : i32
          %convert_element_type3A_627 = arith.extui %ge3A_626 : i1 to i32
          %cond3A_628 = arith.constant 0 : i32
          %cond3A_629 = arith.cmpi ne, %convert_element_type3A_627, %cond3A_628 : i32
          scf.if %cond3A_629 {
            %sub3A = arith.constant 1 : i32
            %sub3A_636 = arith.subi %add3A_606, %sub3A : i32
            %dma_wait3A_637 = arith.constant 0 : i32
            %dma_wait3A_638 = tpu.memref_slice %arg8[%sub3A_636, %dma_wait3A_637] : memref<64x40xi32, #tpu.memory_space<vmem>> -> memref<1x40xi32, #tpu.memory_space<vmem>>
            %dma_wait3A_639 = tpu.memref_squeeze %dma_wait3A_638 : memref<1x40xi32, #tpu.memory_space<vmem>> -> memref<40xi32, #tpu.memory_space<vmem>>
            %dma_wait3A_640 = arith.constant 0 : i32
            %dma_wait3A_641 = arith.constant 0 : i32
            %dma_wait3A_642 = tpu.memref_slice %arg13[%dma_wait3A_640, %dma_wait3A_641] : memref<10240x128xf32, #tpu.memory_space<vmem_shared>> -> memref<10240x128xf32, #tpu.memory_space<vmem_shared>>
            tpu.wait_indirect_dma semaphore(%arg20 : memref<!tpu.dma_semaphore, #tpu.memory_space<semaphore_mem>>) src(%arg11 : memref<40x128xf32, #tpu.memory_space<vmem>>) dst(%dma_wait3A_642 : memref<10240x128xf32, #tpu.memory_space<vmem_shared>>)
          } else {
          }
          %dma_start3A_630 = arith.constant 0 : i32
          %dma_start3A_631 = tpu.memref_slice %arg7[%add3A_608, %dma_start3A_630] : memref<64x40xi32, #tpu.memory_space<vmem>> -> memref<1x40xi32, #tpu.memory_space<vmem>>
          %dma_start3A_632 = tpu.memref_squeeze %dma_start3A_631 : memref<1x40xi32, #tpu.memory_space<vmem>> -> memref<40xi32, #tpu.memory_space<vmem>>
          %dma_start3A_633 = arith.constant 0 : i32
          %dma_start3A_634 = arith.constant 0 : i32
          %dma_start3A_635 = tpu.memref_slice %arg2[%dma_start3A_633, %dma_start3A_634] : memref<10000x128xf32, #tpu.memory_space<hbm>> -> memref<10000x128xf32, #tpu.memory_space<hbm>>
          tpu.enqueue_indirect_dma source(%dma_start3A_635 : memref<10000x128xf32, #tpu.memory_space<hbm>>) target(%arg11 : memref<40x128xf32, #tpu.memory_space<vmem>>) offsets(%dma_start3A_632 : memref<40xi32, #tpu.memory_space<vmem>>) semaphore(%arg16 : memref<!tpu.dma_semaphore, #tpu.memory_space<semaphore_mem>>)
        } else {
        }
        %dma_wait3A_614 = arith.constant 0 : i32
        %dma_wait3A_615 = tpu.memref_slice %arg7[%add3A_606, %dma_wait3A_614] : memref<64x40xi32, #tpu.memory_space<vmem>> -> memref<1x40xi32, #tpu.memory_space<vmem>>
        %dma_wait3A_616 = tpu.memref_squeeze %dma_wait3A_615 : memref<1x40xi32, #tpu.memory_space<vmem>> -> memref<40xi32, #tpu.memory_space<vmem>>
        %dma_wait3A_617 = arith.constant 0 : i32
        %dma_wait3A_618 = arith.constant 0 : i32
        %dma_wait3A_619 = tpu.memref_slice %arg2[%dma_wait3A_617, %dma_wait3A_618] : memref<10000x128xf32, #tpu.memory_space<hbm>> -> memref<10000x128xf32, #tpu.memory_space<hbm>>
        tpu.wait_indirect_dma semaphore(%arg17 : memref<!tpu.dma_semaphore, #tpu.memory_space<semaphore_mem>>) src(%dma_wait3A_619 : memref<10000x128xf32, #tpu.memory_space<hbm>>) dst(%arg12 : memref<40x128xf32, #tpu.memory_space<vmem>>)
        %dma_start3A_620 = arith.constant 0 : i32
        %dma_start3A_621 = tpu.memref_slice %arg8[%add3A_606, %dma_start3A_620] : memref<64x40xi32, #tpu.memory_space<vmem>> -> memref<1x40xi32, #tpu.memory_space<vmem>>
        %dma_start3A_622 = tpu.memref_squeeze %dma_start3A_621 : memref<1x40xi32, #tpu.memory_space<vmem>> -> memref<40xi32, #tpu.memory_space<vmem>>
        %dma_start3A_623 = arith.constant 0 : i32
        %dma_start3A_624 = arith.constant 0 : i32
        %dma_start3A_625 = tpu.memref_slice %arg13[%dma_start3A_623, %dma_start3A_624] : memref<10240x128xf32, #tpu.memory_space<vmem_shared>> -> memref<10240x128xf32, #tpu.memory_space<vmem_shared>>
        tpu.enqueue_indirect_dma source(%arg12 : memref<40x128xf32, #tpu.memory_space<vmem>>) target(%dma_start3A_625 : memref<10240x128xf32, #tpu.memory_space<vmem_shared>>) offsets(%dma_start3A_622 : memref<40xi32, #tpu.memory_space<vmem>>) semaphore(%arg21 : memref<!tpu.dma_semaphore, #tpu.memory_space<semaphore_mem>>) {add = true}
      }
      %scan3A_384 = arith.constant 16 : i32
      %dma_wait3A_385 = arith.constant 60 : i32
      %dma_wait3A_386 = arith.constant 0 : i32
      %dma_wait3A_387 = tpu.memref_slice %arg8[%dma_wait3A_385, %dma_wait3A_386] : memref<64x40xi32, #tpu.memory_space<vmem>> -> memref<1x40xi32, #tpu.memory_space<vmem>>
      %dma_wait3A_388 = tpu.memref_squeeze %dma_wait3A_387 : memref<1x40xi32, #tpu.memory_space<vmem>> -> memref<40xi32, #tpu.memory_space<vmem>>
      %dma_wait3A_389 = arith.constant 0 : i32
      %dma_wait3A_390 = arith.constant 0 : i32
      %dma_wait3A_391 = tpu.memref_slice %arg13[%dma_wait3A_389, %dma_wait3A_390] : memref<10240x128xf32, #tpu.memory_space<vmem_shared>> -> memref<10240x128xf32, #tpu.memory_space<vmem_shared>>
      tpu.wait_indirect_dma semaphore(%arg18 : memref<!tpu.dma_semaphore, #tpu.memory_space<semaphore_mem>>) src(%arg9 : memref<40x128xf32, #tpu.memory_space<vmem>>) dst(%dma_wait3A_391 : memref<10240x128xf32, #tpu.memory_space<vmem_shared>>)
      %dma_wait3A_392 = arith.constant 61 : i32
      %dma_wait3A_393 = arith.constant 0 : i32
      %dma_wait3A_394 = tpu.memref_slice %arg8[%dma_wait3A_392, %dma_wait3A_393] : memref<64x40xi32, #tpu.memory_space<vmem>> -> memref<1x40xi32, #tpu.memory_space<vmem>>
      %dma_wait3A_395 = tpu.memref_squeeze %dma_wait3A_394 : memref<1x40xi32, #tpu.memory_space<vmem>> -> memref<40xi32, #tpu.memory_space<vmem>>
      %dma_wait3A_396 = arith.constant 0 : i32
      %dma_wait3A_397 = arith.constant 0 : i32
      %dma_wait3A_398 = tpu.memref_slice %arg13[%dma_wait3A_396, %dma_wait3A_397] : memref<10240x128xf32, #tpu.memory_space<vmem_shared>> -> memref<10240x128xf32, #tpu.memory_space<vmem_shared>>
      tpu.wait_indirect_dma semaphore(%arg19 : memref<!tpu.dma_semaphore, #tpu.memory_space<semaphore_mem>>) src(%arg10 : memref<40x128xf32, #tpu.memory_space<vmem>>) dst(%dma_wait3A_398 : memref<10240x128xf32, #tpu.memory_space<vmem_shared>>)
      %dma_wait3A_399 = arith.constant 62 : i32
      %dma_wait3A_400 = arith.constant 0 : i32
      %dma_wait3A_401 = tpu.memref_slice %arg8[%dma_wait3A_399, %dma_wait3A_400] : memref<64x40xi32, #tpu.memory_space<vmem>> -> memref<1x40xi32, #tpu.memory_space<vmem>>
      %dma_wait3A_402 = tpu.memref_squeeze %dma_wait3A_401 : memref<1x40xi32, #tpu.memory_space<vmem>> -> memref<40xi32, #tpu.memory_space<vmem>>
      %dma_wait3A_403 = arith.constant 0 : i32
      %dma_wait3A_404 = arith.constant 0 : i32
      %dma_wait3A_405 = tpu.memref_slice %arg13[%dma_wait3A_403, %dma_wait3A_404] : memref<10240x128xf32, #tpu.memory_space<vmem_shared>> -> memref<10240x128xf32, #tpu.memory_space<vmem_shared>>
      tpu.wait_indirect_dma semaphore(%arg20 : memref<!tpu.dma_semaphore, #tpu.memory_space<semaphore_mem>>) src(%arg11 : memref<40x128xf32, #tpu.memory_space<vmem>>) dst(%dma_wait3A_405 : memref<10240x128xf32, #tpu.memory_space<vmem_shared>>)
      %dma_wait3A_406 = arith.constant 63 : i32
      %dma_wait3A_407 = arith.constant 0 : i32
      %dma_wait3A_408 = tpu.memref_slice %arg8[%dma_wait3A_406, %dma_wait3A_407] : memref<64x40xi32, #tpu.memory_space<vmem>> -> memref<1x40xi32, #tpu.memory_space<vmem>>
      %dma_wait3A_409 = tpu.memref_squeeze %dma_wait3A_408 : memref<1x40xi32, #tpu.memory_space<vmem>> -> memref<40xi32, #tpu.memory_space<vmem>>
      %dma_wait3A_410 = arith.constant 0 : i32
      %dma_wait3A_411 = arith.constant 0 : i32
      %dma_wait3A_412 = tpu.memref_slice %arg13[%dma_wait3A_410, %dma_wait3A_411] : memref<10240x128xf32, #tpu.memory_space<vmem_shared>> -> memref<10240x128xf32, #tpu.memory_space<vmem_shared>>
      tpu.wait_indirect_dma semaphore(%arg21 : memref<!tpu.dma_semaphore, #tpu.memory_space<semaphore_mem>>) src(%arg12 : memref<40x128xf32, #tpu.memory_space<vmem>>) dst(%dma_wait3A_412 : memref<10240x128xf32, #tpu.memory_space<vmem_shared>>)
      %mul3A_413 = arith.constant 8 : i32
      %mul3A_414 = arith.muli %arg1, %mul3A_413 : i32
      %add3A_415 = arith.constant 6 : i32
      %add3A_416 = arith.addi %mul3A_414, %add3A_415 : i32
      "tpu.region"() ({
        %run_scoped3A = tpu.sem_alloc : memref<!tpu.dma_semaphore, #tpu.memory_space<semaphore_mem>>
        %dma_start3A_538 = arith.constant 0 : i32
        %dma_start3A_539 = arith.constant 0 : i32
        %dma_start3A_540 = tpu.memref_slice %arg4[%add3A_416, %dma_start3A_538, %dma_start3A_539] : memref<128x64x40xi32, #tpu.memory_space<hbm>> -> memref<1x64x40xi32, #tpu.memory_space<hbm>>
        %dma_start3A_541 = tpu.memref_squeeze %dma_start3A_540 : memref<1x64x40xi32, #tpu.memory_space<hbm>> -> memref<64x40xi32, #tpu.memory_space<hbm>>
        %dma_start3A_542 = arith.constant 0 : i32
        %dma_start3A_543 = arith.constant 0 : i32
        %dma_start3A_544 = tpu.memref_slice %arg4[%add3A_416, %dma_start3A_542, %dma_start3A_543] : memref<128x64x40xi32, #tpu.memory_space<hbm>> -> memref<1x64x40xi32, #tpu.memory_space<hbm>>
        %dma_start3A_545 = tpu.memref_squeeze %dma_start3A_544 : memref<1x64x40xi32, #tpu.memory_space<hbm>> -> memref<64x40xi32, #tpu.memory_space<hbm>>
        tpu.enqueue_dma source(%dma_start3A_545 : memref<64x40xi32, #tpu.memory_space<hbm>>) target(%arg8 : memref<64x40xi32, #tpu.memory_space<vmem>>) target_semaphore(%run_scoped3A : memref<!tpu.dma_semaphore, #tpu.memory_space<semaphore_mem>>)
        %dma_wait3A_546 = arith.constant 0 : i32
        %dma_wait3A_547 = arith.constant 0 : i32
        %dma_wait3A_548 = tpu.memref_slice %arg4[%add3A_416, %dma_wait3A_546, %dma_wait3A_547] : memref<128x64x40xi32, #tpu.memory_space<hbm>> -> memref<1x64x40xi32, #tpu.memory_space<hbm>>
        %dma_wait3A_549 = tpu.memref_squeeze %dma_wait3A_548 : memref<1x64x40xi32, #tpu.memory_space<hbm>> -> memref<64x40xi32, #tpu.memory_space<hbm>>
        %dma_wait3A_550 = arith.constant 0 : i32
        %dma_wait3A_551 = arith.constant 0 : i32
        %dma_wait3A_552 = tpu.memref_slice %arg4[%add3A_416, %dma_wait3A_550, %dma_wait3A_551] : memref<128x64x40xi32, #tpu.memory_space<hbm>> -> memref<1x64x40xi32, #tpu.memory_space<hbm>>
        %dma_wait3A_553 = tpu.memref_squeeze %dma_wait3A_552 : memref<1x64x40xi32, #tpu.memory_space<hbm>> -> memref<64x40xi32, #tpu.memory_space<hbm>>
        tpu.wait_dma2 semaphore(%run_scoped3A : memref<!tpu.dma_semaphore, #tpu.memory_space<semaphore_mem>>) src(%dma_wait3A_553 : memref<64x40xi32, #tpu.memory_space<hbm>>) dst(%arg8 : memref<64x40xi32, #tpu.memory_space<vmem>>)
        tpu.yield
      }) : () -> ()
      %mul3A_417 = arith.constant 8 : i32
      %mul3A_418 = arith.muli %arg1, %mul3A_417 : i32
      %add3A_419 = arith.constant 6 : i32
      %add3A_420 = arith.addi %mul3A_418, %add3A_419 : i32
      "tpu.region"() ({
        %run_scoped3A = tpu.sem_alloc : memref<!tpu.dma_semaphore, #tpu.memory_space<semaphore_mem>>
        %dma_start3A_538 = arith.constant 0 : i32
        %dma_start3A_539 = arith.constant 0 : i32
        %dma_start3A_540 = tpu.memref_slice %arg3[%add3A_420, %dma_start3A_538, %dma_start3A_539] : memref<128x64x40xi32, #tpu.memory_space<hbm>> -> memref<1x64x40xi32, #tpu.memory_space<hbm>>
        %dma_start3A_541 = tpu.memref_squeeze %dma_start3A_540 : memref<1x64x40xi32, #tpu.memory_space<hbm>> -> memref<64x40xi32, #tpu.memory_space<hbm>>
        %dma_start3A_542 = arith.constant 0 : i32
        %dma_start3A_543 = arith.constant 0 : i32
        %dma_start3A_544 = tpu.memref_slice %arg3[%add3A_420, %dma_start3A_542, %dma_start3A_543] : memref<128x64x40xi32, #tpu.memory_space<hbm>> -> memref<1x64x40xi32, #tpu.memory_space<hbm>>
        %dma_start3A_545 = tpu.memref_squeeze %dma_start3A_544 : memref<1x64x40xi32, #tpu.memory_space<hbm>> -> memref<64x40xi32, #tpu.memory_space<hbm>>
        tpu.enqueue_dma source(%dma_start3A_545 : memref<64x40xi32, #tpu.memory_space<hbm>>) target(%arg7 : memref<64x40xi32, #tpu.memory_space<vmem>>) target_semaphore(%run_scoped3A : memref<!tpu.dma_semaphore, #tpu.memory_space<semaphore_mem>>)
        %dma_wait3A_546 = arith.constant 0 : i32
        %dma_wait3A_547 = arith.constant 0 : i32
        %dma_wait3A_548 = tpu.memref_slice %arg3[%add3A_420, %dma_wait3A_546, %dma_wait3A_547] : memref<128x64x40xi32, #tpu.memory_space<hbm>> -> memref<1x64x40xi32, #tpu.memory_space<hbm>>
        %dma_wait3A_549 = tpu.memref_squeeze %dma_wait3A_548 : memref<1x64x40xi32, #tpu.memory_space<hbm>> -> memref<64x40xi32, #tpu.memory_space<hbm>>
        %dma_wait3A_550 = arith.constant 0 : i32
        %dma_wait3A_551 = arith.constant 0 : i32
        %dma_wait3A_552 = tpu.memref_slice %arg3[%add3A_420, %dma_wait3A_550, %dma_wait3A_551] : memref<128x64x40xi32, #tpu.memory_space<hbm>> -> memref<1x64x40xi32, #tpu.memory_space<hbm>>
        %dma_wait3A_553 = tpu.memref_squeeze %dma_wait3A_552 : memref<1x64x40xi32, #tpu.memory_space<hbm>> -> memref<64x40xi32, #tpu.memory_space<hbm>>
        tpu.wait_dma2 semaphore(%run_scoped3A : memref<!tpu.dma_semaphore, #tpu.memory_space<semaphore_mem>>) src(%dma_wait3A_553 : memref<64x40xi32, #tpu.memory_space<hbm>>) dst(%arg7 : memref<64x40xi32, #tpu.memory_space<vmem>>)
        tpu.yield
      }) : () -> ()
      %dma_start3A_421 = arith.constant 0 : i32
      %dma_start3A_422 = arith.constant 0 : i32
      %dma_start3A_423 = tpu.memref_slice %arg7[%dma_start3A_421, %dma_start3A_422] : memref<64x40xi32, #tpu.memory_space<vmem>> -> memref<1x40xi32, #tpu.memory_space<vmem>>
      %dma_start3A_424 = tpu.memref_squeeze %dma_start3A_423 : memref<1x40xi32, #tpu.memory_space<vmem>> -> memref<40xi32, #tpu.memory_space<vmem>>
      %dma_start3A_425 = arith.constant 0 : i32
      %dma_start3A_426 = arith.constant 0 : i32
      %dma_start3A_427 = tpu.memref_slice %arg2[%dma_start3A_425, %dma_start3A_426] : memref<10000x128xf32, #tpu.memory_space<hbm>> -> memref<10000x128xf32, #tpu.memory_space<hbm>>
      tpu.enqueue_indirect_dma source(%dma_start3A_427 : memref<10000x128xf32, #tpu.memory_space<hbm>>) target(%arg9 : memref<40x128xf32, #tpu.memory_space<vmem>>) offsets(%dma_start3A_424 : memref<40xi32, #tpu.memory_space<vmem>>) semaphore(%arg14 : memref<!tpu.dma_semaphore, #tpu.memory_space<semaphore_mem>>)
      %dma_start3A_428 = arith.constant 1 : i32
      %dma_start3A_429 = arith.constant 0 : i32
      %dma_start3A_430 = tpu.memref_slice %arg7[%dma_start3A_428, %dma_start3A_429] : memref<64x40xi32, #tpu.memory_space<vmem>> -> memref<1x40xi32, #tpu.memory_space<vmem>>
      %dma_start3A_431 = tpu.memref_squeeze %dma_start3A_430 : memref<1x40xi32, #tpu.memory_space<vmem>> -> memref<40xi32, #tpu.memory_space<vmem>>
      %dma_start3A_432 = arith.constant 0 : i32
      %dma_start3A_433 = arith.constant 0 : i32
      %dma_start3A_434 = tpu.memref_slice %arg2[%dma_start3A_432, %dma_start3A_433] : memref<10000x128xf32, #tpu.memory_space<hbm>> -> memref<10000x128xf32, #tpu.memory_space<hbm>>
      tpu.enqueue_indirect_dma source(%dma_start3A_434 : memref<10000x128xf32, #tpu.memory_space<hbm>>) target(%arg10 : memref<40x128xf32, #tpu.memory_space<vmem>>) offsets(%dma_start3A_431 : memref<40xi32, #tpu.memory_space<vmem>>) semaphore(%arg15 : memref<!tpu.dma_semaphore, #tpu.memory_space<semaphore_mem>>)
      %dma_start3A_435 = arith.constant 2 : i32
      %dma_start3A_436 = arith.constant 0 : i32
      %dma_start3A_437 = tpu.memref_slice %arg7[%dma_start3A_435, %dma_start3A_436] : memref<64x40xi32, #tpu.memory_space<vmem>> -> memref<1x40xi32, #tpu.memory_space<vmem>>
      %dma_start3A_438 = tpu.memref_squeeze %dma_start3A_437 : memref<1x40xi32, #tpu.memory_space<vmem>> -> memref<40xi32, #tpu.memory_space<vmem>>
      %dma_start3A_439 = arith.constant 0 : i32
      %dma_start3A_440 = arith.constant 0 : i32
      %dma_start3A_441 = tpu.memref_slice %arg2[%dma_start3A_439, %dma_start3A_440] : memref<10000x128xf32, #tpu.memory_space<hbm>> -> memref<10000x128xf32, #tpu.memory_space<hbm>>
      tpu.enqueue_indirect_dma source(%dma_start3A_441 : memref<10000x128xf32, #tpu.memory_space<hbm>>) target(%arg11 : memref<40x128xf32, #tpu.memory_space<vmem>>) offsets(%dma_start3A_438 : memref<40xi32, #tpu.memory_space<vmem>>) semaphore(%arg16 : memref<!tpu.dma_semaphore, #tpu.memory_space<semaphore_mem>>)
      %scan3A_442 = arith.constant 0 : i32
      %scan3A_443 = arith.constant 16 : i32
      %scan3A_444 = arith.addi %scan3A_442, %scan3A_443 : i32
      %scan3A_445 = arith.constant 1 : i32
      scf.for %scan3A_538 = %scan3A_442 to %scan3A_444 step %scan3A_445  : i32 {
        %mul3A_539 = arith.constant 4 : i32
        %mul3A_540 = arith.muli %scan3A_538, %mul3A_539 : i32
        %add3A_541 = arith.constant 0 : i32
        %add3A_542 = arith.addi %add3A_541, %mul3A_540 : i32
        %add3A_543 = arith.constant 0 : i32
        %add3A_544 = arith.addi %add3A_542, %add3A_543 : i32
        %add3A_545 = arith.constant 3 : i32
        %add3A_546 = arith.addi %add3A_544, %add3A_545 : i32
        %lt3A = arith.constant 64 : i32
        %lt3A_547 = arith.cmpi slt, %add3A_546, %lt3A : i32
        %convert_element_type3A_548 = arith.extui %lt3A_547 : i1 to i32
        %cond3A_549 = arith.constant 0 : i32
        %cond3A_550 = arith.cmpi ne, %convert_element_type3A_548, %cond3A_549 : i32
        scf.if %cond3A_550 {
          %ge3A = arith.constant 1 : i32
          %ge3A_626 = arith.cmpi sge, %add3A_544, %ge3A : i32
          %convert_element_type3A_627 = arith.extui %ge3A_626 : i1 to i32
          %cond3A_628 = arith.constant 0 : i32
          %cond3A_629 = arith.cmpi ne, %convert_element_type3A_627, %cond3A_628 : i32
          scf.if %cond3A_629 {
            %sub3A = arith.constant 1 : i32
            %sub3A_636 = arith.subi %add3A_544, %sub3A : i32
            %dma_wait3A_637 = arith.constant 0 : i32
            %dma_wait3A_638 = tpu.memref_slice %arg8[%sub3A_636, %dma_wait3A_637] : memref<64x40xi32, #tpu.memory_space<vmem>> -> memref<1x40xi32, #tpu.memory_space<vmem>>
            %dma_wait3A_639 = tpu.memref_squeeze %dma_wait3A_638 : memref<1x40xi32, #tpu.memory_space<vmem>> -> memref<40xi32, #tpu.memory_space<vmem>>
            %dma_wait3A_640 = arith.constant 0 : i32
            %dma_wait3A_641 = arith.constant 0 : i32
            %dma_wait3A_642 = tpu.memref_slice %arg13[%dma_wait3A_640, %dma_wait3A_641] : memref<10240x128xf32, #tpu.memory_space<vmem_shared>> -> memref<10240x128xf32, #tpu.memory_space<vmem_shared>>
            tpu.wait_indirect_dma semaphore(%arg21 : memref<!tpu.dma_semaphore, #tpu.memory_space<semaphore_mem>>) src(%arg12 : memref<40x128xf32, #tpu.memory_space<vmem>>) dst(%dma_wait3A_642 : memref<10240x128xf32, #tpu.memory_space<vmem_shared>>)
          } else {
          }
          %dma_start3A_630 = arith.constant 0 : i32
          %dma_start3A_631 = tpu.memref_slice %arg7[%add3A_546, %dma_start3A_630] : memref<64x40xi32, #tpu.memory_space<vmem>> -> memref<1x40xi32, #tpu.memory_space<vmem>>
          %dma_start3A_632 = tpu.memref_squeeze %dma_start3A_631 : memref<1x40xi32, #tpu.memory_space<vmem>> -> memref<40xi32, #tpu.memory_space<vmem>>
          %dma_start3A_633 = arith.constant 0 : i32
          %dma_start3A_634 = arith.constant 0 : i32
          %dma_start3A_635 = tpu.memref_slice %arg2[%dma_start3A_633, %dma_start3A_634] : memref<10000x128xf32, #tpu.memory_space<hbm>> -> memref<10000x128xf32, #tpu.memory_space<hbm>>
          tpu.enqueue_indirect_dma source(%dma_start3A_635 : memref<10000x128xf32, #tpu.memory_space<hbm>>) target(%arg12 : memref<40x128xf32, #tpu.memory_space<vmem>>) offsets(%dma_start3A_632 : memref<40xi32, #tpu.memory_space<vmem>>) semaphore(%arg17 : memref<!tpu.dma_semaphore, #tpu.memory_space<semaphore_mem>>)
        } else {
        }
        %dma_wait3A_551 = arith.constant 0 : i32
        %dma_wait3A_552 = tpu.memref_slice %arg7[%add3A_544, %dma_wait3A_551] : memref<64x40xi32, #tpu.memory_space<vmem>> -> memref<1x40xi32, #tpu.memory_space<vmem>>
        %dma_wait3A_553 = tpu.memref_squeeze %dma_wait3A_552 : memref<1x40xi32, #tpu.memory_space<vmem>> -> memref<40xi32, #tpu.memory_space<vmem>>
        %dma_wait3A_554 = arith.constant 0 : i32
        %dma_wait3A_555 = arith.constant 0 : i32
        %dma_wait3A_556 = tpu.memref_slice %arg2[%dma_wait3A_554, %dma_wait3A_555] : memref<10000x128xf32, #tpu.memory_space<hbm>> -> memref<10000x128xf32, #tpu.memory_space<hbm>>
        tpu.wait_indirect_dma semaphore(%arg14 : memref<!tpu.dma_semaphore, #tpu.memory_space<semaphore_mem>>) src(%dma_wait3A_556 : memref<10000x128xf32, #tpu.memory_space<hbm>>) dst(%arg9 : memref<40x128xf32, #tpu.memory_space<vmem>>)
        %dma_start3A_557 = arith.constant 0 : i32
        %dma_start3A_558 = tpu.memref_slice %arg8[%add3A_544, %dma_start3A_557] : memref<64x40xi32, #tpu.memory_space<vmem>> -> memref<1x40xi32, #tpu.memory_space<vmem>>
        %dma_start3A_559 = tpu.memref_squeeze %dma_start3A_558 : memref<1x40xi32, #tpu.memory_space<vmem>> -> memref<40xi32, #tpu.memory_space<vmem>>
        %dma_start3A_560 = arith.constant 0 : i32
        %dma_start3A_561 = arith.constant 0 : i32
        %dma_start3A_562 = tpu.memref_slice %arg13[%dma_start3A_560, %dma_start3A_561] : memref<10240x128xf32, #tpu.memory_space<vmem_shared>> -> memref<10240x128xf32, #tpu.memory_space<vmem_shared>>
        tpu.enqueue_indirect_dma source(%arg9 : memref<40x128xf32, #tpu.memory_space<vmem>>) target(%dma_start3A_562 : memref<10240x128xf32, #tpu.memory_space<vmem_shared>>) offsets(%dma_start3A_559 : memref<40xi32, #tpu.memory_space<vmem>>) semaphore(%arg18 : memref<!tpu.dma_semaphore, #tpu.memory_space<semaphore_mem>>) {add = true}
        %add3A_563 = arith.constant 1 : i32
        %add3A_564 = arith.addi %add3A_542, %add3A_563 : i32
        %add3A_565 = arith.constant 3 : i32
        %add3A_566 = arith.addi %add3A_564, %add3A_565 : i32
        %lt3A_567 = arith.constant 64 : i32
        %lt3A_568 = arith.cmpi slt, %add3A_566, %lt3A_567 : i32
        %convert_element_type3A_569 = arith.extui %lt3A_568 : i1 to i32
        %cond3A_570 = arith.constant 0 : i32
        %cond3A_571 = arith.cmpi ne, %convert_element_type3A_569, %cond3A_570 : i32
        scf.if %cond3A_571 {
          %ge3A = arith.constant 1 : i32
          %ge3A_626 = arith.cmpi sge, %add3A_564, %ge3A : i32
          %convert_element_type3A_627 = arith.extui %ge3A_626 : i1 to i32
          %cond3A_628 = arith.constant 0 : i32
          %cond3A_629 = arith.cmpi ne, %convert_element_type3A_627, %cond3A_628 : i32
          scf.if %cond3A_629 {
            %sub3A = arith.constant 1 : i32
            %sub3A_636 = arith.subi %add3A_564, %sub3A : i32
            %dma_wait3A_637 = arith.constant 0 : i32
            %dma_wait3A_638 = tpu.memref_slice %arg8[%sub3A_636, %dma_wait3A_637] : memref<64x40xi32, #tpu.memory_space<vmem>> -> memref<1x40xi32, #tpu.memory_space<vmem>>
            %dma_wait3A_639 = tpu.memref_squeeze %dma_wait3A_638 : memref<1x40xi32, #tpu.memory_space<vmem>> -> memref<40xi32, #tpu.memory_space<vmem>>
            %dma_wait3A_640 = arith.constant 0 : i32
            %dma_wait3A_641 = arith.constant 0 : i32
            %dma_wait3A_642 = tpu.memref_slice %arg13[%dma_wait3A_640, %dma_wait3A_641] : memref<10240x128xf32, #tpu.memory_space<vmem_shared>> -> memref<10240x128xf32, #tpu.memory_space<vmem_shared>>
            tpu.wait_indirect_dma semaphore(%arg18 : memref<!tpu.dma_semaphore, #tpu.memory_space<semaphore_mem>>) src(%arg9 : memref<40x128xf32, #tpu.memory_space<vmem>>) dst(%dma_wait3A_642 : memref<10240x128xf32, #tpu.memory_space<vmem_shared>>)
          } else {
          }
          %dma_start3A_630 = arith.constant 0 : i32
          %dma_start3A_631 = tpu.memref_slice %arg7[%add3A_566, %dma_start3A_630] : memref<64x40xi32, #tpu.memory_space<vmem>> -> memref<1x40xi32, #tpu.memory_space<vmem>>
          %dma_start3A_632 = tpu.memref_squeeze %dma_start3A_631 : memref<1x40xi32, #tpu.memory_space<vmem>> -> memref<40xi32, #tpu.memory_space<vmem>>
          %dma_start3A_633 = arith.constant 0 : i32
          %dma_start3A_634 = arith.constant 0 : i32
          %dma_start3A_635 = tpu.memref_slice %arg2[%dma_start3A_633, %dma_start3A_634] : memref<10000x128xf32, #tpu.memory_space<hbm>> -> memref<10000x128xf32, #tpu.memory_space<hbm>>
          tpu.enqueue_indirect_dma source(%dma_start3A_635 : memref<10000x128xf32, #tpu.memory_space<hbm>>) target(%arg9 : memref<40x128xf32, #tpu.memory_space<vmem>>) offsets(%dma_start3A_632 : memref<40xi32, #tpu.memory_space<vmem>>) semaphore(%arg14 : memref<!tpu.dma_semaphore, #tpu.memory_space<semaphore_mem>>)
        } else {
        }
        %dma_wait3A_572 = arith.constant 0 : i32
        %dma_wait3A_573 = tpu.memref_slice %arg7[%add3A_564, %dma_wait3A_572] : memref<64x40xi32, #tpu.memory_space<vmem>> -> memref<1x40xi32, #tpu.memory_space<vmem>>
        %dma_wait3A_574 = tpu.memref_squeeze %dma_wait3A_573 : memref<1x40xi32, #tpu.memory_space<vmem>> -> memref<40xi32, #tpu.memory_space<vmem>>
        %dma_wait3A_575 = arith.constant 0 : i32
        %dma_wait3A_576 = arith.constant 0 : i32
        %dma_wait3A_577 = tpu.memref_slice %arg2[%dma_wait3A_575, %dma_wait3A_576] : memref<10000x128xf32, #tpu.memory_space<hbm>> -> memref<10000x128xf32, #tpu.memory_space<hbm>>
        tpu.wait_indirect_dma semaphore(%arg15 : memref<!tpu.dma_semaphore, #tpu.memory_space<semaphore_mem>>) src(%dma_wait3A_577 : memref<10000x128xf32, #tpu.memory_space<hbm>>) dst(%arg10 : memref<40x128xf32, #tpu.memory_space<vmem>>)
        %dma_start3A_578 = arith.constant 0 : i32
        %dma_start3A_579 = tpu.memref_slice %arg8[%add3A_564, %dma_start3A_578] : memref<64x40xi32, #tpu.memory_space<vmem>> -> memref<1x40xi32, #tpu.memory_space<vmem>>
        %dma_start3A_580 = tpu.memref_squeeze %dma_start3A_579 : memref<1x40xi32, #tpu.memory_space<vmem>> -> memref<40xi32, #tpu.memory_space<vmem>>
        %dma_start3A_581 = arith.constant 0 : i32
        %dma_start3A_582 = arith.constant 0 : i32
        %dma_start3A_583 = tpu.memref_slice %arg13[%dma_start3A_581, %dma_start3A_582] : memref<10240x128xf32, #tpu.memory_space<vmem_shared>> -> memref<10240x128xf32, #tpu.memory_space<vmem_shared>>
        tpu.enqueue_indirect_dma source(%arg10 : memref<40x128xf32, #tpu.memory_space<vmem>>) target(%dma_start3A_583 : memref<10240x128xf32, #tpu.memory_space<vmem_shared>>) offsets(%dma_start3A_580 : memref<40xi32, #tpu.memory_space<vmem>>) semaphore(%arg19 : memref<!tpu.dma_semaphore, #tpu.memory_space<semaphore_mem>>) {add = true}
        %add3A_584 = arith.constant 2 : i32
        %add3A_585 = arith.addi %add3A_542, %add3A_584 : i32
        %add3A_586 = arith.constant 3 : i32
        %add3A_587 = arith.addi %add3A_585, %add3A_586 : i32
        %lt3A_588 = arith.constant 64 : i32
        %lt3A_589 = arith.cmpi slt, %add3A_587, %lt3A_588 : i32
        %convert_element_type3A_590 = arith.extui %lt3A_589 : i1 to i32
        %cond3A_591 = arith.constant 0 : i32
        %cond3A_592 = arith.cmpi ne, %convert_element_type3A_590, %cond3A_591 : i32
        scf.if %cond3A_592 {
          %ge3A = arith.constant 1 : i32
          %ge3A_626 = arith.cmpi sge, %add3A_585, %ge3A : i32
          %convert_element_type3A_627 = arith.extui %ge3A_626 : i1 to i32
          %cond3A_628 = arith.constant 0 : i32
          %cond3A_629 = arith.cmpi ne, %convert_element_type3A_627, %cond3A_628 : i32
          scf.if %cond3A_629 {
            %sub3A = arith.constant 1 : i32
            %sub3A_636 = arith.subi %add3A_585, %sub3A : i32
            %dma_wait3A_637 = arith.constant 0 : i32
            %dma_wait3A_638 = tpu.memref_slice %arg8[%sub3A_636, %dma_wait3A_637] : memref<64x40xi32, #tpu.memory_space<vmem>> -> memref<1x40xi32, #tpu.memory_space<vmem>>
            %dma_wait3A_639 = tpu.memref_squeeze %dma_wait3A_638 : memref<1x40xi32, #tpu.memory_space<vmem>> -> memref<40xi32, #tpu.memory_space<vmem>>
            %dma_wait3A_640 = arith.constant 0 : i32
            %dma_wait3A_641 = arith.constant 0 : i32
            %dma_wait3A_642 = tpu.memref_slice %arg13[%dma_wait3A_640, %dma_wait3A_641] : memref<10240x128xf32, #tpu.memory_space<vmem_shared>> -> memref<10240x128xf32, #tpu.memory_space<vmem_shared>>
            tpu.wait_indirect_dma semaphore(%arg19 : memref<!tpu.dma_semaphore, #tpu.memory_space<semaphore_mem>>) src(%arg10 : memref<40x128xf32, #tpu.memory_space<vmem>>) dst(%dma_wait3A_642 : memref<10240x128xf32, #tpu.memory_space<vmem_shared>>)
          } else {
          }
          %dma_start3A_630 = arith.constant 0 : i32
          %dma_start3A_631 = tpu.memref_slice %arg7[%add3A_587, %dma_start3A_630] : memref<64x40xi32, #tpu.memory_space<vmem>> -> memref<1x40xi32, #tpu.memory_space<vmem>>
          %dma_start3A_632 = tpu.memref_squeeze %dma_start3A_631 : memref<1x40xi32, #tpu.memory_space<vmem>> -> memref<40xi32, #tpu.memory_space<vmem>>
          %dma_start3A_633 = arith.constant 0 : i32
          %dma_start3A_634 = arith.constant 0 : i32
          %dma_start3A_635 = tpu.memref_slice %arg2[%dma_start3A_633, %dma_start3A_634] : memref<10000x128xf32, #tpu.memory_space<hbm>> -> memref<10000x128xf32, #tpu.memory_space<hbm>>
          tpu.enqueue_indirect_dma source(%dma_start3A_635 : memref<10000x128xf32, #tpu.memory_space<hbm>>) target(%arg10 : memref<40x128xf32, #tpu.memory_space<vmem>>) offsets(%dma_start3A_632 : memref<40xi32, #tpu.memory_space<vmem>>) semaphore(%arg15 : memref<!tpu.dma_semaphore, #tpu.memory_space<semaphore_mem>>)
        } else {
        }
        %dma_wait3A_593 = arith.constant 0 : i32
        %dma_wait3A_594 = tpu.memref_slice %arg7[%add3A_585, %dma_wait3A_593] : memref<64x40xi32, #tpu.memory_space<vmem>> -> memref<1x40xi32, #tpu.memory_space<vmem>>
        %dma_wait3A_595 = tpu.memref_squeeze %dma_wait3A_594 : memref<1x40xi32, #tpu.memory_space<vmem>> -> memref<40xi32, #tpu.memory_space<vmem>>
        %dma_wait3A_596 = arith.constant 0 : i32
        %dma_wait3A_597 = arith.constant 0 : i32
        %dma_wait3A_598 = tpu.memref_slice %arg2[%dma_wait3A_596, %dma_wait3A_597] : memref<10000x128xf32, #tpu.memory_space<hbm>> -> memref<10000x128xf32, #tpu.memory_space<hbm>>
        tpu.wait_indirect_dma semaphore(%arg16 : memref<!tpu.dma_semaphore, #tpu.memory_space<semaphore_mem>>) src(%dma_wait3A_598 : memref<10000x128xf32, #tpu.memory_space<hbm>>) dst(%arg11 : memref<40x128xf32, #tpu.memory_space<vmem>>)
        %dma_start3A_599 = arith.constant 0 : i32
        %dma_start3A_600 = tpu.memref_slice %arg8[%add3A_585, %dma_start3A_599] : memref<64x40xi32, #tpu.memory_space<vmem>> -> memref<1x40xi32, #tpu.memory_space<vmem>>
        %dma_start3A_601 = tpu.memref_squeeze %dma_start3A_600 : memref<1x40xi32, #tpu.memory_space<vmem>> -> memref<40xi32, #tpu.memory_space<vmem>>
        %dma_start3A_602 = arith.constant 0 : i32
        %dma_start3A_603 = arith.constant 0 : i32
        %dma_start3A_604 = tpu.memref_slice %arg13[%dma_start3A_602, %dma_start3A_603] : memref<10240x128xf32, #tpu.memory_space<vmem_shared>> -> memref<10240x128xf32, #tpu.memory_space<vmem_shared>>
        tpu.enqueue_indirect_dma source(%arg11 : memref<40x128xf32, #tpu.memory_space<vmem>>) target(%dma_start3A_604 : memref<10240x128xf32, #tpu.memory_space<vmem_shared>>) offsets(%dma_start3A_601 : memref<40xi32, #tpu.memory_space<vmem>>) semaphore(%arg20 : memref<!tpu.dma_semaphore, #tpu.memory_space<semaphore_mem>>) {add = true}
        %add3A_605 = arith.constant 3 : i32
        %add3A_606 = arith.addi %add3A_542, %add3A_605 : i32
        %add3A_607 = arith.constant 3 : i32
        %add3A_608 = arith.addi %add3A_606, %add3A_607 : i32
        %lt3A_609 = arith.constant 64 : i32
        %lt3A_610 = arith.cmpi slt, %add3A_608, %lt3A_609 : i32
        %convert_element_type3A_611 = arith.extui %lt3A_610 : i1 to i32
        %cond3A_612 = arith.constant 0 : i32
        %cond3A_613 = arith.cmpi ne, %convert_element_type3A_611, %cond3A_612 : i32
        scf.if %cond3A_613 {
          %ge3A = arith.constant 1 : i32
          %ge3A_626 = arith.cmpi sge, %add3A_606, %ge3A : i32
          %convert_element_type3A_627 = arith.extui %ge3A_626 : i1 to i32
          %cond3A_628 = arith.constant 0 : i32
          %cond3A_629 = arith.cmpi ne, %convert_element_type3A_627, %cond3A_628 : i32
          scf.if %cond3A_629 {
            %sub3A = arith.constant 1 : i32
            %sub3A_636 = arith.subi %add3A_606, %sub3A : i32
            %dma_wait3A_637 = arith.constant 0 : i32
            %dma_wait3A_638 = tpu.memref_slice %arg8[%sub3A_636, %dma_wait3A_637] : memref<64x40xi32, #tpu.memory_space<vmem>> -> memref<1x40xi32, #tpu.memory_space<vmem>>
            %dma_wait3A_639 = tpu.memref_squeeze %dma_wait3A_638 : memref<1x40xi32, #tpu.memory_space<vmem>> -> memref<40xi32, #tpu.memory_space<vmem>>
            %dma_wait3A_640 = arith.constant 0 : i32
            %dma_wait3A_641 = arith.constant 0 : i32
            %dma_wait3A_642 = tpu.memref_slice %arg13[%dma_wait3A_640, %dma_wait3A_641] : memref<10240x128xf32, #tpu.memory_space<vmem_shared>> -> memref<10240x128xf32, #tpu.memory_space<vmem_shared>>
            tpu.wait_indirect_dma semaphore(%arg20 : memref<!tpu.dma_semaphore, #tpu.memory_space<semaphore_mem>>) src(%arg11 : memref<40x128xf32, #tpu.memory_space<vmem>>) dst(%dma_wait3A_642 : memref<10240x128xf32, #tpu.memory_space<vmem_shared>>)
          } else {
          }
          %dma_start3A_630 = arith.constant 0 : i32
          %dma_start3A_631 = tpu.memref_slice %arg7[%add3A_608, %dma_start3A_630] : memref<64x40xi32, #tpu.memory_space<vmem>> -> memref<1x40xi32, #tpu.memory_space<vmem>>
          %dma_start3A_632 = tpu.memref_squeeze %dma_start3A_631 : memref<1x40xi32, #tpu.memory_space<vmem>> -> memref<40xi32, #tpu.memory_space<vmem>>
          %dma_start3A_633 = arith.constant 0 : i32
          %dma_start3A_634 = arith.constant 0 : i32
          %dma_start3A_635 = tpu.memref_slice %arg2[%dma_start3A_633, %dma_start3A_634] : memref<10000x128xf32, #tpu.memory_space<hbm>> -> memref<10000x128xf32, #tpu.memory_space<hbm>>
          tpu.enqueue_indirect_dma source(%dma_start3A_635 : memref<10000x128xf32, #tpu.memory_space<hbm>>) target(%arg11 : memref<40x128xf32, #tpu.memory_space<vmem>>) offsets(%dma_start3A_632 : memref<40xi32, #tpu.memory_space<vmem>>) semaphore(%arg16 : memref<!tpu.dma_semaphore, #tpu.memory_space<semaphore_mem>>)
        } else {
        }
        %dma_wait3A_614 = arith.constant 0 : i32
        %dma_wait3A_615 = tpu.memref_slice %arg7[%add3A_606, %dma_wait3A_614] : memref<64x40xi32, #tpu.memory_space<vmem>> -> memref<1x40xi32, #tpu.memory_space<vmem>>
        %dma_wait3A_616 = tpu.memref_squeeze %dma_wait3A_615 : memref<1x40xi32, #tpu.memory_space<vmem>> -> memref<40xi32, #tpu.memory_space<vmem>>
        %dma_wait3A_617 = arith.constant 0 : i32
        %dma_wait3A_618 = arith.constant 0 : i32
        %dma_wait3A_619 = tpu.memref_slice %arg2[%dma_wait3A_617, %dma_wait3A_618] : memref<10000x128xf32, #tpu.memory_space<hbm>> -> memref<10000x128xf32, #tpu.memory_space<hbm>>
        tpu.wait_indirect_dma semaphore(%arg17 : memref<!tpu.dma_semaphore, #tpu.memory_space<semaphore_mem>>) src(%dma_wait3A_619 : memref<10000x128xf32, #tpu.memory_space<hbm>>) dst(%arg12 : memref<40x128xf32, #tpu.memory_space<vmem>>)
        %dma_start3A_620 = arith.constant 0 : i32
        %dma_start3A_621 = tpu.memref_slice %arg8[%add3A_606, %dma_start3A_620] : memref<64x40xi32, #tpu.memory_space<vmem>> -> memref<1x40xi32, #tpu.memory_space<vmem>>
        %dma_start3A_622 = tpu.memref_squeeze %dma_start3A_621 : memref<1x40xi32, #tpu.memory_space<vmem>> -> memref<40xi32, #tpu.memory_space<vmem>>
        %dma_start3A_623 = arith.constant 0 : i32
        %dma_start3A_624 = arith.constant 0 : i32
        %dma_start3A_625 = tpu.memref_slice %arg13[%dma_start3A_623, %dma_start3A_624] : memref<10240x128xf32, #tpu.memory_space<vmem_shared>> -> memref<10240x128xf32, #tpu.memory_space<vmem_shared>>
        tpu.enqueue_indirect_dma source(%arg12 : memref<40x128xf32, #tpu.memory_space<vmem>>) target(%dma_start3A_625 : memref<10240x128xf32, #tpu.memory_space<vmem_shared>>) offsets(%dma_start3A_622 : memref<40xi32, #tpu.memory_space<vmem>>) semaphore(%arg21 : memref<!tpu.dma_semaphore, #tpu.memory_space<semaphore_mem>>) {add = true}
      }
      %scan3A_446 = arith.constant 16 : i32
      %dma_wait3A_447 = arith.constant 60 : i32
      %dma_wait3A_448 = arith.constant 0 : i32
      %dma_wait3A_449 = tpu.memref_slice %arg8[%dma_wait3A_447, %dma_wait3A_448] : memref<64x40xi32, #tpu.memory_space<vmem>> -> memref<1x40xi32, #tpu.memory_space<vmem>>
      %dma_wait3A_450 = tpu.memref_squeeze %dma_wait3A_449 : memref<1x40xi32, #tpu.memory_space<vmem>> -> memref<40xi32, #tpu.memory_space<vmem>>
      %dma_wait3A_451 = arith.constant 0 : i32
      %dma_wait3A_452 = arith.constant 0 : i32
      %dma_wait3A_453 = tpu.memref_slice %arg13[%dma_wait3A_451, %dma_wait3A_452] : memref<10240x128xf32, #tpu.memory_space<vmem_shared>> -> memref<10240x128xf32, #tpu.memory_space<vmem_shared>>
      tpu.wait_indirect_dma semaphore(%arg18 : memref<!tpu.dma_semaphore, #tpu.memory_space<semaphore_mem>>) src(%arg9 : memref<40x128xf32, #tpu.memory_space<vmem>>) dst(%dma_wait3A_453 : memref<10240x128xf32, #tpu.memory_space<vmem_shared>>)
      %dma_wait3A_454 = arith.constant 61 : i32
      %dma_wait3A_455 = arith.constant 0 : i32
      %dma_wait3A_456 = tpu.memref_slice %arg8[%dma_wait3A_454, %dma_wait3A_455] : memref<64x40xi32, #tpu.memory_space<vmem>> -> memref<1x40xi32, #tpu.memory_space<vmem>>
      %dma_wait3A_457 = tpu.memref_squeeze %dma_wait3A_456 : memref<1x40xi32, #tpu.memory_space<vmem>> -> memref<40xi32, #tpu.memory_space<vmem>>
      %dma_wait3A_458 = arith.constant 0 : i32
      %dma_wait3A_459 = arith.constant 0 : i32
      %dma_wait3A_460 = tpu.memref_slice %arg13[%dma_wait3A_458, %dma_wait3A_459] : memref<10240x128xf32, #tpu.memory_space<vmem_shared>> -> memref<10240x128xf32, #tpu.memory_space<vmem_shared>>
      tpu.wait_indirect_dma semaphore(%arg19 : memref<!tpu.dma_semaphore, #tpu.memory_space<semaphore_mem>>) src(%arg10 : memref<40x128xf32, #tpu.memory_space<vmem>>) dst(%dma_wait3A_460 : memref<10240x128xf32, #tpu.memory_space<vmem_shared>>)
      %dma_wait3A_461 = arith.constant 62 : i32
      %dma_wait3A_462 = arith.constant 0 : i32
      %dma_wait3A_463 = tpu.memref_slice %arg8[%dma_wait3A_461, %dma_wait3A_462] : memref<64x40xi32, #tpu.memory_space<vmem>> -> memref<1x40xi32, #tpu.memory_space<vmem>>
      %dma_wait3A_464 = tpu.memref_squeeze %dma_wait3A_463 : memref<1x40xi32, #tpu.memory_space<vmem>> -> memref<40xi32, #tpu.memory_space<vmem>>
      %dma_wait3A_465 = arith.constant 0 : i32
      %dma_wait3A_466 = arith.constant 0 : i32
      %dma_wait3A_467 = tpu.memref_slice %arg13[%dma_wait3A_465, %dma_wait3A_466] : memref<10240x128xf32, #tpu.memory_space<vmem_shared>> -> memref<10240x128xf32, #tpu.memory_space<vmem_shared>>
      tpu.wait_indirect_dma semaphore(%arg20 : memref<!tpu.dma_semaphore, #tpu.memory_space<semaphore_mem>>) src(%arg11 : memref<40x128xf32, #tpu.memory_space<vmem>>) dst(%dma_wait3A_467 : memref<10240x128xf32, #tpu.memory_space<vmem_shared>>)
      %dma_wait3A_468 = arith.constant 63 : i32
      %dma_wait3A_469 = arith.constant 0 : i32
      %dma_wait3A_470 = tpu.memref_slice %arg8[%dma_wait3A_468, %dma_wait3A_469] : memref<64x40xi32, #tpu.memory_space<vmem>> -> memref<1x40xi32, #tpu.memory_space<vmem>>
      %dma_wait3A_471 = tpu.memref_squeeze %dma_wait3A_470 : memref<1x40xi32, #tpu.memory_space<vmem>> -> memref<40xi32, #tpu.memory_space<vmem>>
      %dma_wait3A_472 = arith.constant 0 : i32
      %dma_wait3A_473 = arith.constant 0 : i32
      %dma_wait3A_474 = tpu.memref_slice %arg13[%dma_wait3A_472, %dma_wait3A_473] : memref<10240x128xf32, #tpu.memory_space<vmem_shared>> -> memref<10240x128xf32, #tpu.memory_space<vmem_shared>>
      tpu.wait_indirect_dma semaphore(%arg21 : memref<!tpu.dma_semaphore, #tpu.memory_space<semaphore_mem>>) src(%arg12 : memref<40x128xf32, #tpu.memory_space<vmem>>) dst(%dma_wait3A_474 : memref<10240x128xf32, #tpu.memory_space<vmem_shared>>)
      %mul3A_475 = arith.constant 8 : i32
      %mul3A_476 = arith.muli %arg1, %mul3A_475 : i32
      %add3A_477 = arith.constant 7 : i32
      %add3A_478 = arith.addi %mul3A_476, %add3A_477 : i32
      "tpu.region"() ({
        %run_scoped3A = tpu.sem_alloc : memref<!tpu.dma_semaphore, #tpu.memory_space<semaphore_mem>>
        %dma_start3A_538 = arith.constant 0 : i32
        %dma_start3A_539 = arith.constant 0 : i32
        %dma_start3A_540 = tpu.memref_slice %arg4[%add3A_478, %dma_start3A_538, %dma_start3A_539] : memref<128x64x40xi32, #tpu.memory_space<hbm>> -> memref<1x64x40xi32, #tpu.memory_space<hbm>>
        %dma_start3A_541 = tpu.memref_squeeze %dma_start3A_540 : memref<1x64x40xi32, #tpu.memory_space<hbm>> -> memref<64x40xi32, #tpu.memory_space<hbm>>
        %dma_start3A_542 = arith.constant 0 : i32
        %dma_start3A_543 = arith.constant 0 : i32
        %dma_start3A_544 = tpu.memref_slice %arg4[%add3A_478, %dma_start3A_542, %dma_start3A_543] : memref<128x64x40xi32, #tpu.memory_space<hbm>> -> memref<1x64x40xi32, #tpu.memory_space<hbm>>
        %dma_start3A_545 = tpu.memref_squeeze %dma_start3A_544 : memref<1x64x40xi32, #tpu.memory_space<hbm>> -> memref<64x40xi32, #tpu.memory_space<hbm>>
        tpu.enqueue_dma source(%dma_start3A_545 : memref<64x40xi32, #tpu.memory_space<hbm>>) target(%arg8 : memref<64x40xi32, #tpu.memory_space<vmem>>) target_semaphore(%run_scoped3A : memref<!tpu.dma_semaphore, #tpu.memory_space<semaphore_mem>>)
        %dma_wait3A_546 = arith.constant 0 : i32
        %dma_wait3A_547 = arith.constant 0 : i32
        %dma_wait3A_548 = tpu.memref_slice %arg4[%add3A_478, %dma_wait3A_546, %dma_wait3A_547] : memref<128x64x40xi32, #tpu.memory_space<hbm>> -> memref<1x64x40xi32, #tpu.memory_space<hbm>>
        %dma_wait3A_549 = tpu.memref_squeeze %dma_wait3A_548 : memref<1x64x40xi32, #tpu.memory_space<hbm>> -> memref<64x40xi32, #tpu.memory_space<hbm>>
        %dma_wait3A_550 = arith.constant 0 : i32
        %dma_wait3A_551 = arith.constant 0 : i32
        %dma_wait3A_552 = tpu.memref_slice %arg4[%add3A_478, %dma_wait3A_550, %dma_wait3A_551] : memref<128x64x40xi32, #tpu.memory_space<hbm>> -> memref<1x64x40xi32, #tpu.memory_space<hbm>>
        %dma_wait3A_553 = tpu.memref_squeeze %dma_wait3A_552 : memref<1x64x40xi32, #tpu.memory_space<hbm>> -> memref<64x40xi32, #tpu.memory_space<hbm>>
        tpu.wait_dma2 semaphore(%run_scoped3A : memref<!tpu.dma_semaphore, #tpu.memory_space<semaphore_mem>>) src(%dma_wait3A_553 : memref<64x40xi32, #tpu.memory_space<hbm>>) dst(%arg8 : memref<64x40xi32, #tpu.memory_space<vmem>>)
        tpu.yield
      }) : () -> ()
      %mul3A_479 = arith.constant 8 : i32
      %mul3A_480 = arith.muli %arg1, %mul3A_479 : i32
      %add3A_481 = arith.constant 7 : i32
      %add3A_482 = arith.addi %mul3A_480, %add3A_481 : i32
      "tpu.region"() ({
        %run_scoped3A = tpu.sem_alloc : memref<!tpu.dma_semaphore, #tpu.memory_space<semaphore_mem>>
        %dma_start3A_538 = arith.constant 0 : i32
        %dma_start3A_539 = arith.constant 0 : i32
        %dma_start3A_540 = tpu.memref_slice %arg3[%add3A_482, %dma_start3A_538, %dma_start3A_539] : memref<128x64x40xi32, #tpu.memory_space<hbm>> -> memref<1x64x40xi32, #tpu.memory_space<hbm>>
        %dma_start3A_541 = tpu.memref_squeeze %dma_start3A_540 : memref<1x64x40xi32, #tpu.memory_space<hbm>> -> memref<64x40xi32, #tpu.memory_space<hbm>>
        %dma_start3A_542 = arith.constant 0 : i32
        %dma_start3A_543 = arith.constant 0 : i32
        %dma_start3A_544 = tpu.memref_slice %arg3[%add3A_482, %dma_start3A_542, %dma_start3A_543] : memref<128x64x40xi32, #tpu.memory_space<hbm>> -> memref<1x64x40xi32, #tpu.memory_space<hbm>>
        %dma_start3A_545 = tpu.memref_squeeze %dma_start3A_544 : memref<1x64x40xi32, #tpu.memory_space<hbm>> -> memref<64x40xi32, #tpu.memory_space<hbm>>
        tpu.enqueue_dma source(%dma_start3A_545 : memref<64x40xi32, #tpu.memory_space<hbm>>) target(%arg7 : memref<64x40xi32, #tpu.memory_space<vmem>>) target_semaphore(%run_scoped3A : memref<!tpu.dma_semaphore, #tpu.memory_space<semaphore_mem>>)
        %dma_wait3A_546 = arith.constant 0 : i32
        %dma_wait3A_547 = arith.constant 0 : i32
        %dma_wait3A_548 = tpu.memref_slice %arg3[%add3A_482, %dma_wait3A_546, %dma_wait3A_547] : memref<128x64x40xi32, #tpu.memory_space<hbm>> -> memref<1x64x40xi32, #tpu.memory_space<hbm>>
        %dma_wait3A_549 = tpu.memref_squeeze %dma_wait3A_548 : memref<1x64x40xi32, #tpu.memory_space<hbm>> -> memref<64x40xi32, #tpu.memory_space<hbm>>
        %dma_wait3A_550 = arith.constant 0 : i32
        %dma_wait3A_551 = arith.constant 0 : i32
        %dma_wait3A_552 = tpu.memref_slice %arg3[%add3A_482, %dma_wait3A_550, %dma_wait3A_551] : memref<128x64x40xi32, #tpu.memory_space<hbm>> -> memref<1x64x40xi32, #tpu.memory_space<hbm>>
        %dma_wait3A_553 = tpu.memref_squeeze %dma_wait3A_552 : memref<1x64x40xi32, #tpu.memory_space<hbm>> -> memref<64x40xi32, #tpu.memory_space<hbm>>
        tpu.wait_dma2 semaphore(%run_scoped3A : memref<!tpu.dma_semaphore, #tpu.memory_space<semaphore_mem>>) src(%dma_wait3A_553 : memref<64x40xi32, #tpu.memory_space<hbm>>) dst(%arg7 : memref<64x40xi32, #tpu.memory_space<vmem>>)
        tpu.yield
      }) : () -> ()
      %dma_start3A_483 = arith.constant 0 : i32
      %dma_start3A_484 = arith.constant 0 : i32
      %dma_start3A_485 = tpu.memref_slice %arg7[%dma_start3A_483, %dma_start3A_484] : memref<64x40xi32, #tpu.memory_space<vmem>> -> memref<1x40xi32, #tpu.memory_space<vmem>>
      %dma_start3A_486 = tpu.memref_squeeze %dma_start3A_485 : memref<1x40xi32, #tpu.memory_space<vmem>> -> memref<40xi32, #tpu.memory_space<vmem>>
      %dma_start3A_487 = arith.constant 0 : i32
      %dma_start3A_488 = arith.constant 0 : i32
      %dma_start3A_489 = tpu.memref_slice %arg2[%dma_start3A_487, %dma_start3A_488] : memref<10000x128xf32, #tpu.memory_space<hbm>> -> memref<10000x128xf32, #tpu.memory_space<hbm>>
      tpu.enqueue_indirect_dma source(%dma_start3A_489 : memref<10000x128xf32, #tpu.memory_space<hbm>>) target(%arg9 : memref<40x128xf32, #tpu.memory_space<vmem>>) offsets(%dma_start3A_486 : memref<40xi32, #tpu.memory_space<vmem>>) semaphore(%arg14 : memref<!tpu.dma_semaphore, #tpu.memory_space<semaphore_mem>>)
      %dma_start3A_490 = arith.constant 1 : i32
      %dma_start3A_491 = arith.constant 0 : i32
      %dma_start3A_492 = tpu.memref_slice %arg7[%dma_start3A_490, %dma_start3A_491] : memref<64x40xi32, #tpu.memory_space<vmem>> -> memref<1x40xi32, #tpu.memory_space<vmem>>
      %dma_start3A_493 = tpu.memref_squeeze %dma_start3A_492 : memref<1x40xi32, #tpu.memory_space<vmem>> -> memref<40xi32, #tpu.memory_space<vmem>>
      %dma_start3A_494 = arith.constant 0 : i32
      %dma_start3A_495 = arith.constant 0 : i32
      %dma_start3A_496 = tpu.memref_slice %arg2[%dma_start3A_494, %dma_start3A_495] : memref<10000x128xf32, #tpu.memory_space<hbm>> -> memref<10000x128xf32, #tpu.memory_space<hbm>>
      tpu.enqueue_indirect_dma source(%dma_start3A_496 : memref<10000x128xf32, #tpu.memory_space<hbm>>) target(%arg10 : memref<40x128xf32, #tpu.memory_space<vmem>>) offsets(%dma_start3A_493 : memref<40xi32, #tpu.memory_space<vmem>>) semaphore(%arg15 : memref<!tpu.dma_semaphore, #tpu.memory_space<semaphore_mem>>)
      %dma_start3A_497 = arith.constant 2 : i32
      %dma_start3A_498 = arith.constant 0 : i32
      %dma_start3A_499 = tpu.memref_slice %arg7[%dma_start3A_497, %dma_start3A_498] : memref<64x40xi32, #tpu.memory_space<vmem>> -> memref<1x40xi32, #tpu.memory_space<vmem>>
      %dma_start3A_500 = tpu.memref_squeeze %dma_start3A_499 : memref<1x40xi32, #tpu.memory_space<vmem>> -> memref<40xi32, #tpu.memory_space<vmem>>
      %dma_start3A_501 = arith.constant 0 : i32
      %dma_start3A_502 = arith.constant 0 : i32
      %dma_start3A_503 = tpu.memref_slice %arg2[%dma_start3A_501, %dma_start3A_502] : memref<10000x128xf32, #tpu.memory_space<hbm>> -> memref<10000x128xf32, #tpu.memory_space<hbm>>
      tpu.enqueue_indirect_dma source(%dma_start3A_503 : memref<10000x128xf32, #tpu.memory_space<hbm>>) target(%arg11 : memref<40x128xf32, #tpu.memory_space<vmem>>) offsets(%dma_start3A_500 : memref<40xi32, #tpu.memory_space<vmem>>) semaphore(%arg16 : memref<!tpu.dma_semaphore, #tpu.memory_space<semaphore_mem>>)
      %scan3A_504 = arith.constant 0 : i32
      %scan3A_505 = arith.constant 16 : i32
      %scan3A_506 = arith.addi %scan3A_504, %scan3A_505 : i32
      %scan3A_507 = arith.constant 1 : i32
      scf.for %scan3A_538 = %scan3A_504 to %scan3A_506 step %scan3A_507  : i32 {
        %mul3A_539 = arith.constant 4 : i32
        %mul3A_540 = arith.muli %scan3A_538, %mul3A_539 : i32
        %add3A_541 = arith.constant 0 : i32
        %add3A_542 = arith.addi %add3A_541, %mul3A_540 : i32
        %add3A_543 = arith.constant 0 : i32
        %add3A_544 = arith.addi %add3A_542, %add3A_543 : i32
        %add3A_545 = arith.constant 3 : i32
        %add3A_546 = arith.addi %add3A_544, %add3A_545 : i32
        %lt3A = arith.constant 64 : i32
        %lt3A_547 = arith.cmpi slt, %add3A_546, %lt3A : i32
        %convert_element_type3A_548 = arith.extui %lt3A_547 : i1 to i32
        %cond3A_549 = arith.constant 0 : i32
        %cond3A_550 = arith.cmpi ne, %convert_element_type3A_548, %cond3A_549 : i32
        scf.if %cond3A_550 {
          %ge3A = arith.constant 1 : i32
          %ge3A_626 = arith.cmpi sge, %add3A_544, %ge3A : i32
          %convert_element_type3A_627 = arith.extui %ge3A_626 : i1 to i32
          %cond3A_628 = arith.constant 0 : i32
          %cond3A_629 = arith.cmpi ne, %convert_element_type3A_627, %cond3A_628 : i32
          scf.if %cond3A_629 {
            %sub3A = arith.constant 1 : i32
            %sub3A_636 = arith.subi %add3A_544, %sub3A : i32
            %dma_wait3A_637 = arith.constant 0 : i32
            %dma_wait3A_638 = tpu.memref_slice %arg8[%sub3A_636, %dma_wait3A_637] : memref<64x40xi32, #tpu.memory_space<vmem>> -> memref<1x40xi32, #tpu.memory_space<vmem>>
            %dma_wait3A_639 = tpu.memref_squeeze %dma_wait3A_638 : memref<1x40xi32, #tpu.memory_space<vmem>> -> memref<40xi32, #tpu.memory_space<vmem>>
            %dma_wait3A_640 = arith.constant 0 : i32
            %dma_wait3A_641 = arith.constant 0 : i32
            %dma_wait3A_642 = tpu.memref_slice %arg13[%dma_wait3A_640, %dma_wait3A_641] : memref<10240x128xf32, #tpu.memory_space<vmem_shared>> -> memref<10240x128xf32, #tpu.memory_space<vmem_shared>>
            tpu.wait_indirect_dma semaphore(%arg21 : memref<!tpu.dma_semaphore, #tpu.memory_space<semaphore_mem>>) src(%arg12 : memref<40x128xf32, #tpu.memory_space<vmem>>) dst(%dma_wait3A_642 : memref<10240x128xf32, #tpu.memory_space<vmem_shared>>)
          } else {
          }
          %dma_start3A_630 = arith.constant 0 : i32
          %dma_start3A_631 = tpu.memref_slice %arg7[%add3A_546, %dma_start3A_630] : memref<64x40xi32, #tpu.memory_space<vmem>> -> memref<1x40xi32, #tpu.memory_space<vmem>>
          %dma_start3A_632 = tpu.memref_squeeze %dma_start3A_631 : memref<1x40xi32, #tpu.memory_space<vmem>> -> memref<40xi32, #tpu.memory_space<vmem>>
          %dma_start3A_633 = arith.constant 0 : i32
          %dma_start3A_634 = arith.constant 0 : i32
          %dma_start3A_635 = tpu.memref_slice %arg2[%dma_start3A_633, %dma_start3A_634] : memref<10000x128xf32, #tpu.memory_space<hbm>> -> memref<10000x128xf32, #tpu.memory_space<hbm>>
          tpu.enqueue_indirect_dma source(%dma_start3A_635 : memref<10000x128xf32, #tpu.memory_space<hbm>>) target(%arg12 : memref<40x128xf32, #tpu.memory_space<vmem>>) offsets(%dma_start3A_632 : memref<40xi32, #tpu.memory_space<vmem>>) semaphore(%arg17 : memref<!tpu.dma_semaphore, #tpu.memory_space<semaphore_mem>>)
        } else {
        }
        %dma_wait3A_551 = arith.constant 0 : i32
        %dma_wait3A_552 = tpu.memref_slice %arg7[%add3A_544, %dma_wait3A_551] : memref<64x40xi32, #tpu.memory_space<vmem>> -> memref<1x40xi32, #tpu.memory_space<vmem>>
        %dma_wait3A_553 = tpu.memref_squeeze %dma_wait3A_552 : memref<1x40xi32, #tpu.memory_space<vmem>> -> memref<40xi32, #tpu.memory_space<vmem>>
        %dma_wait3A_554 = arith.constant 0 : i32
        %dma_wait3A_555 = arith.constant 0 : i32
        %dma_wait3A_556 = tpu.memref_slice %arg2[%dma_wait3A_554, %dma_wait3A_555] : memref<10000x128xf32, #tpu.memory_space<hbm>> -> memref<10000x128xf32, #tpu.memory_space<hbm>>
        tpu.wait_indirect_dma semaphore(%arg14 : memref<!tpu.dma_semaphore, #tpu.memory_space<semaphore_mem>>) src(%dma_wait3A_556 : memref<10000x128xf32, #tpu.memory_space<hbm>>) dst(%arg9 : memref<40x128xf32, #tpu.memory_space<vmem>>)
        %dma_start3A_557 = arith.constant 0 : i32
        %dma_start3A_558 = tpu.memref_slice %arg8[%add3A_544, %dma_start3A_557] : memref<64x40xi32, #tpu.memory_space<vmem>> -> memref<1x40xi32, #tpu.memory_space<vmem>>
        %dma_start3A_559 = tpu.memref_squeeze %dma_start3A_558 : memref<1x40xi32, #tpu.memory_space<vmem>> -> memref<40xi32, #tpu.memory_space<vmem>>
        %dma_start3A_560 = arith.constant 0 : i32
        %dma_start3A_561 = arith.constant 0 : i32
        %dma_start3A_562 = tpu.memref_slice %arg13[%dma_start3A_560, %dma_start3A_561] : memref<10240x128xf32, #tpu.memory_space<vmem_shared>> -> memref<10240x128xf32, #tpu.memory_space<vmem_shared>>
        tpu.enqueue_indirect_dma source(%arg9 : memref<40x128xf32, #tpu.memory_space<vmem>>) target(%dma_start3A_562 : memref<10240x128xf32, #tpu.memory_space<vmem_shared>>) offsets(%dma_start3A_559 : memref<40xi32, #tpu.memory_space<vmem>>) semaphore(%arg18 : memref<!tpu.dma_semaphore, #tpu.memory_space<semaphore_mem>>) {add = true}
        %add3A_563 = arith.constant 1 : i32
        %add3A_564 = arith.addi %add3A_542, %add3A_563 : i32
        %add3A_565 = arith.constant 3 : i32
        %add3A_566 = arith.addi %add3A_564, %add3A_565 : i32
        %lt3A_567 = arith.constant 64 : i32
        %lt3A_568 = arith.cmpi slt, %add3A_566, %lt3A_567 : i32
        %convert_element_type3A_569 = arith.extui %lt3A_568 : i1 to i32
        %cond3A_570 = arith.constant 0 : i32
        %cond3A_571 = arith.cmpi ne, %convert_element_type3A_569, %cond3A_570 : i32
        scf.if %cond3A_571 {
          %ge3A = arith.constant 1 : i32
          %ge3A_626 = arith.cmpi sge, %add3A_564, %ge3A : i32
          %convert_element_type3A_627 = arith.extui %ge3A_626 : i1 to i32
          %cond3A_628 = arith.constant 0 : i32
          %cond3A_629 = arith.cmpi ne, %convert_element_type3A_627, %cond3A_628 : i32
          scf.if %cond3A_629 {
            %sub3A = arith.constant 1 : i32
            %sub3A_636 = arith.subi %add3A_564, %sub3A : i32
            %dma_wait3A_637 = arith.constant 0 : i32
            %dma_wait3A_638 = tpu.memref_slice %arg8[%sub3A_636, %dma_wait3A_637] : memref<64x40xi32, #tpu.memory_space<vmem>> -> memref<1x40xi32, #tpu.memory_space<vmem>>
            %dma_wait3A_639 = tpu.memref_squeeze %dma_wait3A_638 : memref<1x40xi32, #tpu.memory_space<vmem>> -> memref<40xi32, #tpu.memory_space<vmem>>
            %dma_wait3A_640 = arith.constant 0 : i32
            %dma_wait3A_641 = arith.constant 0 : i32
            %dma_wait3A_642 = tpu.memref_slice %arg13[%dma_wait3A_640, %dma_wait3A_641] : memref<10240x128xf32, #tpu.memory_space<vmem_shared>> -> memref<10240x128xf32, #tpu.memory_space<vmem_shared>>
            tpu.wait_indirect_dma semaphore(%arg18 : memref<!tpu.dma_semaphore, #tpu.memory_space<semaphore_mem>>) src(%arg9 : memref<40x128xf32, #tpu.memory_space<vmem>>) dst(%dma_wait3A_642 : memref<10240x128xf32, #tpu.memory_space<vmem_shared>>)
          } else {
          }
          %dma_start3A_630 = arith.constant 0 : i32
          %dma_start3A_631 = tpu.memref_slice %arg7[%add3A_566, %dma_start3A_630] : memref<64x40xi32, #tpu.memory_space<vmem>> -> memref<1x40xi32, #tpu.memory_space<vmem>>
          %dma_start3A_632 = tpu.memref_squeeze %dma_start3A_631 : memref<1x40xi32, #tpu.memory_space<vmem>> -> memref<40xi32, #tpu.memory_space<vmem>>
          %dma_start3A_633 = arith.constant 0 : i32
          %dma_start3A_634 = arith.constant 0 : i32
          %dma_start3A_635 = tpu.memref_slice %arg2[%dma_start3A_633, %dma_start3A_634] : memref<10000x128xf32, #tpu.memory_space<hbm>> -> memref<10000x128xf32, #tpu.memory_space<hbm>>
          tpu.enqueue_indirect_dma source(%dma_start3A_635 : memref<10000x128xf32, #tpu.memory_space<hbm>>) target(%arg9 : memref<40x128xf32, #tpu.memory_space<vmem>>) offsets(%dma_start3A_632 : memref<40xi32, #tpu.memory_space<vmem>>) semaphore(%arg14 : memref<!tpu.dma_semaphore, #tpu.memory_space<semaphore_mem>>)
        } else {
        }
        %dma_wait3A_572 = arith.constant 0 : i32
        %dma_wait3A_573 = tpu.memref_slice %arg7[%add3A_564, %dma_wait3A_572] : memref<64x40xi32, #tpu.memory_space<vmem>> -> memref<1x40xi32, #tpu.memory_space<vmem>>
        %dma_wait3A_574 = tpu.memref_squeeze %dma_wait3A_573 : memref<1x40xi32, #tpu.memory_space<vmem>> -> memref<40xi32, #tpu.memory_space<vmem>>
        %dma_wait3A_575 = arith.constant 0 : i32
        %dma_wait3A_576 = arith.constant 0 : i32
        %dma_wait3A_577 = tpu.memref_slice %arg2[%dma_wait3A_575, %dma_wait3A_576] : memref<10000x128xf32, #tpu.memory_space<hbm>> -> memref<10000x128xf32, #tpu.memory_space<hbm>>
        tpu.wait_indirect_dma semaphore(%arg15 : memref<!tpu.dma_semaphore, #tpu.memory_space<semaphore_mem>>) src(%dma_wait3A_577 : memref<10000x128xf32, #tpu.memory_space<hbm>>) dst(%arg10 : memref<40x128xf32, #tpu.memory_space<vmem>>)
        %dma_start3A_578 = arith.constant 0 : i32
        %dma_start3A_579 = tpu.memref_slice %arg8[%add3A_564, %dma_start3A_578] : memref<64x40xi32, #tpu.memory_space<vmem>> -> memref<1x40xi32, #tpu.memory_space<vmem>>
        %dma_start3A_580 = tpu.memref_squeeze %dma_start3A_579 : memref<1x40xi32, #tpu.memory_space<vmem>> -> memref<40xi32, #tpu.memory_space<vmem>>
        %dma_start3A_581 = arith.constant 0 : i32
        %dma_start3A_582 = arith.constant 0 : i32
        %dma_start3A_583 = tpu.memref_slice %arg13[%dma_start3A_581, %dma_start3A_582] : memref<10240x128xf32, #tpu.memory_space<vmem_shared>> -> memref<10240x128xf32, #tpu.memory_space<vmem_shared>>
        tpu.enqueue_indirect_dma source(%arg10 : memref<40x128xf32, #tpu.memory_space<vmem>>) target(%dma_start3A_583 : memref<10240x128xf32, #tpu.memory_space<vmem_shared>>) offsets(%dma_start3A_580 : memref<40xi32, #tpu.memory_space<vmem>>) semaphore(%arg19 : memref<!tpu.dma_semaphore, #tpu.memory_space<semaphore_mem>>) {add = true}
        %add3A_584 = arith.constant 2 : i32
        %add3A_585 = arith.addi %add3A_542, %add3A_584 : i32
        %add3A_586 = arith.constant 3 : i32
        %add3A_587 = arith.addi %add3A_585, %add3A_586 : i32
        %lt3A_588 = arith.constant 64 : i32
        %lt3A_589 = arith.cmpi slt, %add3A_587, %lt3A_588 : i32
        %convert_element_type3A_590 = arith.extui %lt3A_589 : i1 to i32
        %cond3A_591 = arith.constant 0 : i32
        %cond3A_592 = arith.cmpi ne, %convert_element_type3A_590, %cond3A_591 : i32
        scf.if %cond3A_592 {
          %ge3A = arith.constant 1 : i32
          %ge3A_626 = arith.cmpi sge, %add3A_585, %ge3A : i32
          %convert_element_type3A_627 = arith.extui %ge3A_626 : i1 to i32
          %cond3A_628 = arith.constant 0 : i32
          %cond3A_629 = arith.cmpi ne, %convert_element_type3A_627, %cond3A_628 : i32
          scf.if %cond3A_629 {
            %sub3A = arith.constant 1 : i32
            %sub3A_636 = arith.subi %add3A_585, %sub3A : i32
            %dma_wait3A_637 = arith.constant 0 : i32
            %dma_wait3A_638 = tpu.memref_slice %arg8[%sub3A_636, %dma_wait3A_637] : memref<64x40xi32, #tpu.memory_space<vmem>> -> memref<1x40xi32, #tpu.memory_space<vmem>>
            %dma_wait3A_639 = tpu.memref_squeeze %dma_wait3A_638 : memref<1x40xi32, #tpu.memory_space<vmem>> -> memref<40xi32, #tpu.memory_space<vmem>>
            %dma_wait3A_640 = arith.constant 0 : i32
            %dma_wait3A_641 = arith.constant 0 : i32
            %dma_wait3A_642 = tpu.memref_slice %arg13[%dma_wait3A_640, %dma_wait3A_641] : memref<10240x128xf32, #tpu.memory_space<vmem_shared>> -> memref<10240x128xf32, #tpu.memory_space<vmem_shared>>
            tpu.wait_indirect_dma semaphore(%arg19 : memref<!tpu.dma_semaphore, #tpu.memory_space<semaphore_mem>>) src(%arg10 : memref<40x128xf32, #tpu.memory_space<vmem>>) dst(%dma_wait3A_642 : memref<10240x128xf32, #tpu.memory_space<vmem_shared>>)
          } else {
          }
          %dma_start3A_630 = arith.constant 0 : i32
          %dma_start3A_631 = tpu.memref_slice %arg7[%add3A_587, %dma_start3A_630] : memref<64x40xi32, #tpu.memory_space<vmem>> -> memref<1x40xi32, #tpu.memory_space<vmem>>
          %dma_start3A_632 = tpu.memref_squeeze %dma_start3A_631 : memref<1x40xi32, #tpu.memory_space<vmem>> -> memref<40xi32, #tpu.memory_space<vmem>>
          %dma_start3A_633 = arith.constant 0 : i32
          %dma_start3A_634 = arith.constant 0 : i32
          %dma_start3A_635 = tpu.memref_slice %arg2[%dma_start3A_633, %dma_start3A_634] : memref<10000x128xf32, #tpu.memory_space<hbm>> -> memref<10000x128xf32, #tpu.memory_space<hbm>>
          tpu.enqueue_indirect_dma source(%dma_start3A_635 : memref<10000x128xf32, #tpu.memory_space<hbm>>) target(%arg10 : memref<40x128xf32, #tpu.memory_space<vmem>>) offsets(%dma_start3A_632 : memref<40xi32, #tpu.memory_space<vmem>>) semaphore(%arg15 : memref<!tpu.dma_semaphore, #tpu.memory_space<semaphore_mem>>)
        } else {
        }
        %dma_wait3A_593 = arith.constant 0 : i32
        %dma_wait3A_594 = tpu.memref_slice %arg7[%add3A_585, %dma_wait3A_593] : memref<64x40xi32, #tpu.memory_space<vmem>> -> memref<1x40xi32, #tpu.memory_space<vmem>>
        %dma_wait3A_595 = tpu.memref_squeeze %dma_wait3A_594 : memref<1x40xi32, #tpu.memory_space<vmem>> -> memref<40xi32, #tpu.memory_space<vmem>>
        %dma_wait3A_596 = arith.constant 0 : i32
        %dma_wait3A_597 = arith.constant 0 : i32
        %dma_wait3A_598 = tpu.memref_slice %arg2[%dma_wait3A_596, %dma_wait3A_597] : memref<10000x128xf32, #tpu.memory_space<hbm>> -> memref<10000x128xf32, #tpu.memory_space<hbm>>
        tpu.wait_indirect_dma semaphore(%arg16 : memref<!tpu.dma_semaphore, #tpu.memory_space<semaphore_mem>>) src(%dma_wait3A_598 : memref<10000x128xf32, #tpu.memory_space<hbm>>) dst(%arg11 : memref<40x128xf32, #tpu.memory_space<vmem>>)
        %dma_start3A_599 = arith.constant 0 : i32
        %dma_start3A_600 = tpu.memref_slice %arg8[%add3A_585, %dma_start3A_599] : memref<64x40xi32, #tpu.memory_space<vmem>> -> memref<1x40xi32, #tpu.memory_space<vmem>>
        %dma_start3A_601 = tpu.memref_squeeze %dma_start3A_600 : memref<1x40xi32, #tpu.memory_space<vmem>> -> memref<40xi32, #tpu.memory_space<vmem>>
        %dma_start3A_602 = arith.constant 0 : i32
        %dma_start3A_603 = arith.constant 0 : i32
        %dma_start3A_604 = tpu.memref_slice %arg13[%dma_start3A_602, %dma_start3A_603] : memref<10240x128xf32, #tpu.memory_space<vmem_shared>> -> memref<10240x128xf32, #tpu.memory_space<vmem_shared>>
        tpu.enqueue_indirect_dma source(%arg11 : memref<40x128xf32, #tpu.memory_space<vmem>>) target(%dma_start3A_604 : memref<10240x128xf32, #tpu.memory_space<vmem_shared>>) offsets(%dma_start3A_601 : memref<40xi32, #tpu.memory_space<vmem>>) semaphore(%arg20 : memref<!tpu.dma_semaphore, #tpu.memory_space<semaphore_mem>>) {add = true}
        %add3A_605 = arith.constant 3 : i32
        %add3A_606 = arith.addi %add3A_542, %add3A_605 : i32
        %add3A_607 = arith.constant 3 : i32
        %add3A_608 = arith.addi %add3A_606, %add3A_607 : i32
        %lt3A_609 = arith.constant 64 : i32
        %lt3A_610 = arith.cmpi slt, %add3A_608, %lt3A_609 : i32
        %convert_element_type3A_611 = arith.extui %lt3A_610 : i1 to i32
        %cond3A_612 = arith.constant 0 : i32
        %cond3A_613 = arith.cmpi ne, %convert_element_type3A_611, %cond3A_612 : i32
        scf.if %cond3A_613 {
          %ge3A = arith.constant 1 : i32
          %ge3A_626 = arith.cmpi sge, %add3A_606, %ge3A : i32
          %convert_element_type3A_627 = arith.extui %ge3A_626 : i1 to i32
          %cond3A_628 = arith.constant 0 : i32
          %cond3A_629 = arith.cmpi ne, %convert_element_type3A_627, %cond3A_628 : i32
          scf.if %cond3A_629 {
            %sub3A = arith.constant 1 : i32
            %sub3A_636 = arith.subi %add3A_606, %sub3A : i32
            %dma_wait3A_637 = arith.constant 0 : i32
            %dma_wait3A_638 = tpu.memref_slice %arg8[%sub3A_636, %dma_wait3A_637] : memref<64x40xi32, #tpu.memory_space<vmem>> -> memref<1x40xi32, #tpu.memory_space<vmem>>
            %dma_wait3A_639 = tpu.memref_squeeze %dma_wait3A_638 : memref<1x40xi32, #tpu.memory_space<vmem>> -> memref<40xi32, #tpu.memory_space<vmem>>
            %dma_wait3A_640 = arith.constant 0 : i32
            %dma_wait3A_641 = arith.constant 0 : i32
            %dma_wait3A_642 = tpu.memref_slice %arg13[%dma_wait3A_640, %dma_wait3A_641] : memref<10240x128xf32, #tpu.memory_space<vmem_shared>> -> memref<10240x128xf32, #tpu.memory_space<vmem_shared>>
            tpu.wait_indirect_dma semaphore(%arg20 : memref<!tpu.dma_semaphore, #tpu.memory_space<semaphore_mem>>) src(%arg11 : memref<40x128xf32, #tpu.memory_space<vmem>>) dst(%dma_wait3A_642 : memref<10240x128xf32, #tpu.memory_space<vmem_shared>>)
          } else {
          }
          %dma_start3A_630 = arith.constant 0 : i32
          %dma_start3A_631 = tpu.memref_slice %arg7[%add3A_608, %dma_start3A_630] : memref<64x40xi32, #tpu.memory_space<vmem>> -> memref<1x40xi32, #tpu.memory_space<vmem>>
          %dma_start3A_632 = tpu.memref_squeeze %dma_start3A_631 : memref<1x40xi32, #tpu.memory_space<vmem>> -> memref<40xi32, #tpu.memory_space<vmem>>
          %dma_start3A_633 = arith.constant 0 : i32
          %dma_start3A_634 = arith.constant 0 : i32
          %dma_start3A_635 = tpu.memref_slice %arg2[%dma_start3A_633, %dma_start3A_634] : memref<10000x128xf32, #tpu.memory_space<hbm>> -> memref<10000x128xf32, #tpu.memory_space<hbm>>
          tpu.enqueue_indirect_dma source(%dma_start3A_635 : memref<10000x128xf32, #tpu.memory_space<hbm>>) target(%arg11 : memref<40x128xf32, #tpu.memory_space<vmem>>) offsets(%dma_start3A_632 : memref<40xi32, #tpu.memory_space<vmem>>) semaphore(%arg16 : memref<!tpu.dma_semaphore, #tpu.memory_space<semaphore_mem>>)
        } else {
        }
        %dma_wait3A_614 = arith.constant 0 : i32
        %dma_wait3A_615 = tpu.memref_slice %arg7[%add3A_606, %dma_wait3A_614] : memref<64x40xi32, #tpu.memory_space<vmem>> -> memref<1x40xi32, #tpu.memory_space<vmem>>
        %dma_wait3A_616 = tpu.memref_squeeze %dma_wait3A_615 : memref<1x40xi32, #tpu.memory_space<vmem>> -> memref<40xi32, #tpu.memory_space<vmem>>
        %dma_wait3A_617 = arith.constant 0 : i32
        %dma_wait3A_618 = arith.constant 0 : i32
        %dma_wait3A_619 = tpu.memref_slice %arg2[%dma_wait3A_617, %dma_wait3A_618] : memref<10000x128xf32, #tpu.memory_space<hbm>> -> memref<10000x128xf32, #tpu.memory_space<hbm>>
        tpu.wait_indirect_dma semaphore(%arg17 : memref<!tpu.dma_semaphore, #tpu.memory_space<semaphore_mem>>) src(%dma_wait3A_619 : memref<10000x128xf32, #tpu.memory_space<hbm>>) dst(%arg12 : memref<40x128xf32, #tpu.memory_space<vmem>>)
        %dma_start3A_620 = arith.constant 0 : i32
        %dma_start3A_621 = tpu.memref_slice %arg8[%add3A_606, %dma_start3A_620] : memref<64x40xi32, #tpu.memory_space<vmem>> -> memref<1x40xi32, #tpu.memory_space<vmem>>
        %dma_start3A_622 = tpu.memref_squeeze %dma_start3A_621 : memref<1x40xi32, #tpu.memory_space<vmem>> -> memref<40xi32, #tpu.memory_space<vmem>>
        %dma_start3A_623 = arith.constant 0 : i32
        %dma_start3A_624 = arith.constant 0 : i32
        %dma_start3A_625 = tpu.memref_slice %arg13[%dma_start3A_623, %dma_start3A_624] : memref<10240x128xf32, #tpu.memory_space<vmem_shared>> -> memref<10240x128xf32, #tpu.memory_space<vmem_shared>>
        tpu.enqueue_indirect_dma source(%arg12 : memref<40x128xf32, #tpu.memory_space<vmem>>) target(%dma_start3A_625 : memref<10240x128xf32, #tpu.memory_space<vmem_shared>>) offsets(%dma_start3A_622 : memref<40xi32, #tpu.memory_space<vmem>>) semaphore(%arg21 : memref<!tpu.dma_semaphore, #tpu.memory_space<semaphore_mem>>) {add = true}
      }
      %scan3A_508 = arith.constant 16 : i32
      %dma_wait3A_509 = arith.constant 60 : i32
      %dma_wait3A_510 = arith.constant 0 : i32
      %dma_wait3A_511 = tpu.memref_slice %arg8[%dma_wait3A_509, %dma_wait3A_510] : memref<64x40xi32, #tpu.memory_space<vmem>> -> memref<1x40xi32, #tpu.memory_space<vmem>>
      %dma_wait3A_512 = tpu.memref_squeeze %dma_wait3A_511 : memref<1x40xi32, #tpu.memory_space<vmem>> -> memref<40xi32, #tpu.memory_space<vmem>>
      %dma_wait3A_513 = arith.constant 0 : i32
      %dma_wait3A_514 = arith.constant 0 : i32
      %dma_wait3A_515 = tpu.memref_slice %arg13[%dma_wait3A_513, %dma_wait3A_514] : memref<10240x128xf32, #tpu.memory_space<vmem_shared>> -> memref<10240x128xf32, #tpu.memory_space<vmem_shared>>
      tpu.wait_indirect_dma semaphore(%arg18 : memref<!tpu.dma_semaphore, #tpu.memory_space<semaphore_mem>>) src(%arg9 : memref<40x128xf32, #tpu.memory_space<vmem>>) dst(%dma_wait3A_515 : memref<10240x128xf32, #tpu.memory_space<vmem_shared>>)
      %dma_wait3A_516 = arith.constant 61 : i32
      %dma_wait3A_517 = arith.constant 0 : i32
      %dma_wait3A_518 = tpu.memref_slice %arg8[%dma_wait3A_516, %dma_wait3A_517] : memref<64x40xi32, #tpu.memory_space<vmem>> -> memref<1x40xi32, #tpu.memory_space<vmem>>
      %dma_wait3A_519 = tpu.memref_squeeze %dma_wait3A_518 : memref<1x40xi32, #tpu.memory_space<vmem>> -> memref<40xi32, #tpu.memory_space<vmem>>
      %dma_wait3A_520 = arith.constant 0 : i32
      %dma_wait3A_521 = arith.constant 0 : i32
      %dma_wait3A_522 = tpu.memref_slice %arg13[%dma_wait3A_520, %dma_wait3A_521] : memref<10240x128xf32, #tpu.memory_space<vmem_shared>> -> memref<10240x128xf32, #tpu.memory_space<vmem_shared>>
      tpu.wait_indirect_dma semaphore(%arg19 : memref<!tpu.dma_semaphore, #tpu.memory_space<semaphore_mem>>) src(%arg10 : memref<40x128xf32, #tpu.memory_space<vmem>>) dst(%dma_wait3A_522 : memref<10240x128xf32, #tpu.memory_space<vmem_shared>>)
      %dma_wait3A_523 = arith.constant 62 : i32
      %dma_wait3A_524 = arith.constant 0 : i32
      %dma_wait3A_525 = tpu.memref_slice %arg8[%dma_wait3A_523, %dma_wait3A_524] : memref<64x40xi32, #tpu.memory_space<vmem>> -> memref<1x40xi32, #tpu.memory_space<vmem>>
      %dma_wait3A_526 = tpu.memref_squeeze %dma_wait3A_525 : memref<1x40xi32, #tpu.memory_space<vmem>> -> memref<40xi32, #tpu.memory_space<vmem>>
      %dma_wait3A_527 = arith.constant 0 : i32
      %dma_wait3A_528 = arith.constant 0 : i32
      %dma_wait3A_529 = tpu.memref_slice %arg13[%dma_wait3A_527, %dma_wait3A_528] : memref<10240x128xf32, #tpu.memory_space<vmem_shared>> -> memref<10240x128xf32, #tpu.memory_space<vmem_shared>>
      tpu.wait_indirect_dma semaphore(%arg20 : memref<!tpu.dma_semaphore, #tpu.memory_space<semaphore_mem>>) src(%arg11 : memref<40x128xf32, #tpu.memory_space<vmem>>) dst(%dma_wait3A_529 : memref<10240x128xf32, #tpu.memory_space<vmem_shared>>)
      %dma_wait3A_530 = arith.constant 63 : i32
      %dma_wait3A_531 = arith.constant 0 : i32
      %dma_wait3A_532 = tpu.memref_slice %arg8[%dma_wait3A_530, %dma_wait3A_531] : memref<64x40xi32, #tpu.memory_space<vmem>> -> memref<1x40xi32, #tpu.memory_space<vmem>>
      %dma_wait3A_533 = tpu.memref_squeeze %dma_wait3A_532 : memref<1x40xi32, #tpu.memory_space<vmem>> -> memref<40xi32, #tpu.memory_space<vmem>>
      %dma_wait3A_534 = arith.constant 0 : i32
      %dma_wait3A_535 = arith.constant 0 : i32
      %dma_wait3A_536 = tpu.memref_slice %arg13[%dma_wait3A_534, %dma_wait3A_535] : memref<10240x128xf32, #tpu.memory_space<vmem_shared>> -> memref<10240x128xf32, #tpu.memory_space<vmem_shared>>
      tpu.wait_indirect_dma semaphore(%arg21 : memref<!tpu.dma_semaphore, #tpu.memory_space<semaphore_mem>>) src(%arg12 : memref<40x128xf32, #tpu.memory_space<vmem>>) dst(%dma_wait3A_536 : memref<10240x128xf32, #tpu.memory_space<vmem_shared>>)
      %barrier3A_537 = arith.constant 0 : index
      tpu.barrier barrier_id(%barrier3A_537)
      "tpu.region"() ({
        %run_scoped3A = tpu.sem_alloc : memref<!tpu.dma_semaphore, #tpu.memory_space<semaphore_mem>>
        %dma_start3A_538 = arith.constant 0 : i32
        %dma_start3A_539 = tpu.memref_slice %arg5[%mul3A_0, %dma_start3A_538] : memref<10240x128xf32, #tpu.memory_space<hbm>> -> memref<640x128xf32, #tpu.memory_space<hbm>>
        %dma_start3A_540 = arith.constant 0 : i32
        %dma_start3A_541 = tpu.memref_slice %arg13[%mul3A_0, %dma_start3A_540] : memref<10240x128xf32, #tpu.memory_space<vmem_shared>> -> memref<640x128xf32, #tpu.memory_space<vmem_shared>>
        tpu.enqueue_dma source(%dma_start3A_541 : memref<640x128xf32, #tpu.memory_space<vmem_shared>>) target(%dma_start3A_539 : memref<640x128xf32, #tpu.memory_space<hbm>>) target_semaphore(%run_scoped3A : memref<!tpu.dma_semaphore, #tpu.memory_space<semaphore_mem>>)
        %dma_wait3A_542 = arith.constant 0 : i32
        %dma_wait3A_543 = tpu.memref_slice %arg5[%mul3A_0, %dma_wait3A_542] : memref<10240x128xf32, #tpu.memory_space<hbm>> -> memref<640x128xf32, #tpu.memory_space<hbm>>
        %dma_wait3A_544 = arith.constant 0 : i32
        %dma_wait3A_545 = tpu.memref_slice %arg13[%mul3A_0, %dma_wait3A_544] : memref<10240x128xf32, #tpu.memory_space<vmem_shared>> -> memref<640x128xf32, #tpu.memory_space<vmem_shared>>
        tpu.wait_dma2 semaphore(%run_scoped3A : memref<!tpu.dma_semaphore, #tpu.memory_space<semaphore_mem>>) src(%dma_wait3A_545 : memref<640x128xf32, #tpu.memory_space<vmem_shared>>) dst(%dma_wait3A_543 : memref<640x128xf32, #tpu.memory_space<hbm>>)
        tpu.yield
      }) : () -> ()
    } else {
    }
    %eq3A_38 = arith.constant 1 : i32
    %eq3A_39 = arith.cmpi eq, %arg0, %eq3A_38 : i32
    %convert_element_type3A_40 = arith.extui %eq3A_39 : i1 to i32
    %cond3A_41 = arith.constant 0 : i32
    %cond3A_42 = arith.cmpi ne, %convert_element_type3A_40, %cond3A_41 : i32
    scf.if %cond3A_42 {
      %scan3A_43 = arith.constant 0 : i32
      %scan3A_44 = arith.constant 40 : i32
      %scan3A_45 = arith.addi %scan3A_43, %scan3A_44 : i32
      %scan3A_46 = arith.constant 1 : i32
      scf.for %scan3A_121 = %scan3A_43 to %scan3A_45 step %scan3A_46  : i32 {
        %mul3A_122 = arith.constant 1 : i32
        %mul3A_123 = arith.muli %scan3A_121, %mul3A_122 : i32
        %add3A_124 = arith.constant 0 : i32
        %add3A_125 = arith.addi %add3A_124, %mul3A_123 : i32
        %broadcast_in_dim3A = arith.constant 1.000000e+00 : f32
        %broadcast_in_dim3A_126 = vector.broadcast %broadcast_in_dim3A : f32 to vector<16xf32>
        %swap3A = arith.index_cast %add3A_125 : i32 to index
        %swap3A_127 = arith.constant 0 : index
        %swap3A_128 = tpu.vector_load %arg9[%swap3A, %swap3A_127] {strides = array<i32>} : memref<40x128xf32, #tpu.memory_space<vmem>>, vector<1x16xf32>,
        %swap3A_129 = vector.shape_cast %swap3A_128 : vector<1x16xf32> to vector<16xf32>
        %swap3A_130 = vector.shape_cast %broadcast_in_dim3A_126 : vector<16xf32> to vector<1x16xf32>
        tpu.vector_store %arg9[%swap3A, %swap3A_127], %swap3A_130 {strides = array<i32>} : memref<40x128xf32, #tpu.memory_space<vmem>>, vector<1x16xf32>,
        %broadcast_in_dim3A_131 = arith.constant 1.000000e+00 : f32
        %broadcast_in_dim3A_132 = vector.broadcast %broadcast_in_dim3A_131 : f32 to vector<16xf32>
        %swap3A_133 = arith.index_cast %add3A_125 : i32 to index
        %swap3A_134 = arith.constant 16 : index
        %swap3A_135 = tpu.vector_load %arg9[%swap3A_133, %swap3A_134] {strides = array<i32>} : memref<40x128xf32, #tpu.memory_space<vmem>>, vector<1x16xf32>,
        %swap3A_136 = vector.shape_cast %swap3A_135 : vector<1x16xf32> to vector<16xf32>
        %swap3A_137 = vector.shape_cast %broadcast_in_dim3A_132 : vector<16xf32> to vector<1x16xf32>
        tpu.vector_store %arg9[%swap3A_133, %swap3A_134], %swap3A_137 {strides = array<i32>} : memref<40x128xf32, #tpu.memory_space<vmem>>, vector<1x16xf32>,
        %broadcast_in_dim3A_138 = arith.constant 1.000000e+00 : f32
        %broadcast_in_dim3A_139 = vector.broadcast %broadcast_in_dim3A_138 : f32 to vector<16xf32>
        %swap3A_140 = arith.index_cast %add3A_125 : i32 to index
        %swap3A_141 = arith.constant 32 : index
        %swap3A_142 = tpu.vector_load %arg9[%swap3A_140, %swap3A_141] {strides = array<i32>} : memref<40x128xf32, #tpu.memory_space<vmem>>, vector<1x16xf32>,
        %swap3A_143 = vector.shape_cast %swap3A_142 : vector<1x16xf32> to vector<16xf32>
        %swap3A_144 = vector.shape_cast %broadcast_in_dim3A_139 : vector<16xf32> to vector<1x16xf32>
        tpu.vector_store %arg9[%swap3A_140, %swap3A_141], %swap3A_144 {strides = array<i32>} : memref<40x128xf32, #tpu.memory_space<vmem>>, vector<1x16xf32>,
        %broadcast_in_dim3A_145 = arith.constant 1.000000e+00 : f32
        %broadcast_in_dim3A_146 = vector.broadcast %broadcast_in_dim3A_145 : f32 to vector<16xf32>
        %swap3A_147 = arith.index_cast %add3A_125 : i32 to index
        %swap3A_148 = arith.constant 48 : index
        %swap3A_149 = tpu.vector_load %arg9[%swap3A_147, %swap3A_148] {strides = array<i32>} : memref<40x128xf32, #tpu.memory_space<vmem>>, vector<1x16xf32>,
        %swap3A_150 = vector.shape_cast %swap3A_149 : vector<1x16xf32> to vector<16xf32>
        %swap3A_151 = vector.shape_cast %broadcast_in_dim3A_146 : vector<16xf32> to vector<1x16xf32>
        tpu.vector_store %arg9[%swap3A_147, %swap3A_148], %swap3A_151 {strides = array<i32>} : memref<40x128xf32, #tpu.memory_space<vmem>>, vector<1x16xf32>,
        %broadcast_in_dim3A_152 = arith.constant 1.000000e+00 : f32
        %broadcast_in_dim3A_153 = vector.broadcast %broadcast_in_dim3A_152 : f32 to vector<16xf32>
        %swap3A_154 = arith.index_cast %add3A_125 : i32 to index
        %swap3A_155 = arith.constant 64 : index
        %swap3A_156 = tpu.vector_load %arg9[%swap3A_154, %swap3A_155] {strides = array<i32>} : memref<40x128xf32, #tpu.memory_space<vmem>>, vector<1x16xf32>,
        %swap3A_157 = vector.shape_cast %swap3A_156 : vector<1x16xf32> to vector<16xf32>
        %swap3A_158 = vector.shape_cast %broadcast_in_dim3A_153 : vector<16xf32> to vector<1x16xf32>
        tpu.vector_store %arg9[%swap3A_154, %swap3A_155], %swap3A_158 {strides = array<i32>} : memref<40x128xf32, #tpu.memory_space<vmem>>, vector<1x16xf32>,
        %broadcast_in_dim3A_159 = arith.constant 1.000000e+00 : f32
        %broadcast_in_dim3A_160 = vector.broadcast %broadcast_in_dim3A_159 : f32 to vector<16xf32>
        %swap3A_161 = arith.index_cast %add3A_125 : i32 to index
        %swap3A_162 = arith.constant 80 : index
        %swap3A_163 = tpu.vector_load %arg9[%swap3A_161, %swap3A_162] {strides = array<i32>} : memref<40x128xf32, #tpu.memory_space<vmem>>, vector<1x16xf32>,
        %swap3A_164 = vector.shape_cast %swap3A_163 : vector<1x16xf32> to vector<16xf32>
        %swap3A_165 = vector.shape_cast %broadcast_in_dim3A_160 : vector<16xf32> to vector<1x16xf32>
        tpu.vector_store %arg9[%swap3A_161, %swap3A_162], %swap3A_165 {strides = array<i32>} : memref<40x128xf32, #tpu.memory_space<vmem>>, vector<1x16xf32>,
        %broadcast_in_dim3A_166 = arith.constant 1.000000e+00 : f32
        %broadcast_in_dim3A_167 = vector.broadcast %broadcast_in_dim3A_166 : f32 to vector<16xf32>
        %swap3A_168 = arith.index_cast %add3A_125 : i32 to index
        %swap3A_169 = arith.constant 96 : index
        %swap3A_170 = tpu.vector_load %arg9[%swap3A_168, %swap3A_169] {strides = array<i32>} : memref<40x128xf32, #tpu.memory_space<vmem>>, vector<1x16xf32>,
        %swap3A_171 = vector.shape_cast %swap3A_170 : vector<1x16xf32> to vector<16xf32>
        %swap3A_172 = vector.shape_cast %broadcast_in_dim3A_167 : vector<16xf32> to vector<1x16xf32>
        tpu.vector_store %arg9[%swap3A_168, %swap3A_169], %swap3A_172 {strides = array<i32>} : memref<40x128xf32, #tpu.memory_space<vmem>>, vector<1x16xf32>,
        %broadcast_in_dim3A_173 = arith.constant 1.000000e+00 : f32
        %broadcast_in_dim3A_174 = vector.broadcast %broadcast_in_dim3A_173 : f32 to vector<16xf32>
        %swap3A_175 = arith.index_cast %add3A_125 : i32 to index
        %swap3A_176 = arith.constant 112 : index
        %swap3A_177 = tpu.vector_load %arg9[%swap3A_175, %swap3A_176] {strides = array<i32>} : memref<40x128xf32, #tpu.memory_space<vmem>>, vector<1x16xf32>,
        %swap3A_178 = vector.shape_cast %swap3A_177 : vector<1x16xf32> to vector<16xf32>
        %swap3A_179 = vector.shape_cast %broadcast_in_dim3A_174 : vector<16xf32> to vector<1x16xf32>
        tpu.vector_store %arg9[%swap3A_175, %swap3A_176], %swap3A_179 {strides = array<i32>} : memref<40x128xf32, #tpu.memory_space<vmem>>, vector<1x16xf32>,
      }
      %scan3A_47 = arith.constant 40 : i32
      %mul3A_48 = arith.constant 8 : i32
      %mul3A_49 = arith.muli %arg1, %mul3A_48 : i32
      %add3A_50 = arith.constant 0 : i32
      %add3A_51 = arith.addi %mul3A_49, %add3A_50 : i32
      "tpu.region"() ({
        %run_scoped3A = tpu.sem_alloc : memref<!tpu.dma_semaphore, #tpu.memory_space<semaphore_mem>>
        %dma_start3A = arith.constant 0 : i32
        %dma_start3A_121 = arith.constant 0 : i32
        %dma_start3A_122 = tpu.memref_slice %arg4[%add3A_51, %dma_start3A, %dma_start3A_121] : memref<128x64x40xi32, #tpu.memory_space<hbm>> -> memref<1x64x40xi32, #tpu.memory_space<hbm>>
        %dma_start3A_123 = tpu.memref_squeeze %dma_start3A_122 : memref<1x64x40xi32, #tpu.memory_space<hbm>> -> memref<64x40xi32, #tpu.memory_space<hbm>>
        %dma_start3A_124 = arith.constant 0 : i32
        %dma_start3A_125 = arith.constant 0 : i32
        %dma_start3A_126 = tpu.memref_slice %arg4[%add3A_51, %dma_start3A_124, %dma_start3A_125] : memref<128x64x40xi32, #tpu.memory_space<hbm>> -> memref<1x64x40xi32, #tpu.memory_space<hbm>>
        %dma_start3A_127 = tpu.memref_squeeze %dma_start3A_126 : memref<1x64x40xi32, #tpu.memory_space<hbm>> -> memref<64x40xi32, #tpu.memory_space<hbm>>
        tpu.enqueue_dma source(%dma_start3A_127 : memref<64x40xi32, #tpu.memory_space<hbm>>) target(%arg8 : memref<64x40xi32, #tpu.memory_space<vmem>>) target_semaphore(%run_scoped3A : memref<!tpu.dma_semaphore, #tpu.memory_space<semaphore_mem>>)
        %dma_wait3A = arith.constant 0 : i32
        %dma_wait3A_128 = arith.constant 0 : i32
        %dma_wait3A_129 = tpu.memref_slice %arg4[%add3A_51, %dma_wait3A, %dma_wait3A_128] : memref<128x64x40xi32, #tpu.memory_space<hbm>> -> memref<1x64x40xi32, #tpu.memory_space<hbm>>
        %dma_wait3A_130 = tpu.memref_squeeze %dma_wait3A_129 : memref<1x64x40xi32, #tpu.memory_space<hbm>> -> memref<64x40xi32, #tpu.memory_space<hbm>>
        %dma_wait3A_131 = arith.constant 0 : i32
        %dma_wait3A_132 = arith.constant 0 : i32
        %dma_wait3A_133 = tpu.memref_slice %arg4[%add3A_51, %dma_wait3A_131, %dma_wait3A_132] : memref<128x64x40xi32, #tpu.memory_space<hbm>> -> memref<1x64x40xi32, #tpu.memory_space<hbm>>
        %dma_wait3A_134 = tpu.memref_squeeze %dma_wait3A_133 : memref<1x64x40xi32, #tpu.memory_space<hbm>> -> memref<64x40xi32, #tpu.memory_space<hbm>>
        tpu.wait_dma2 semaphore(%run_scoped3A : memref<!tpu.dma_semaphore, #tpu.memory_space<semaphore_mem>>) src(%dma_wait3A_134 : memref<64x40xi32, #tpu.memory_space<hbm>>) dst(%arg8 : memref<64x40xi32, #tpu.memory_space<vmem>>)
        tpu.yield
      }) : () -> ()
      %scan3A_52 = arith.constant 0 : i32
      %scan3A_53 = arith.constant 64 : i32
      %scan3A_54 = arith.addi %scan3A_52, %scan3A_53 : i32
      %scan3A_55 = arith.constant 1 : i32
      scf.for %scan3A_121 = %scan3A_52 to %scan3A_54 step %scan3A_55  : i32 {
        %mul3A_122 = arith.constant 1 : i32
        %mul3A_123 = arith.muli %scan3A_121, %mul3A_122 : i32
        %add3A_124 = arith.constant 0 : i32
        %add3A_125 = arith.addi %add3A_124, %mul3A_123 : i32
        "tpu.region"() ({
          %run_scoped3A = tpu.sem_alloc : memref<!tpu.dma_semaphore, #tpu.memory_space<semaphore_mem>>
          %dma_start3A = arith.constant 0 : i32
          %dma_start3A_126 = tpu.memref_slice %arg8[%add3A_125, %dma_start3A] : memref<64x40xi32, #tpu.memory_space<vmem>> -> memref<1x40xi32, #tpu.memory_space<vmem>>
          %dma_start3A_127 = tpu.memref_squeeze %dma_start3A_126 : memref<1x40xi32, #tpu.memory_space<vmem>> -> memref<40xi32, #tpu.memory_space<vmem>>
          %dma_start3A_128 = arith.constant 0 : i32
          %dma_start3A_129 = arith.constant 0 : i32
          %dma_start3A_130 = tpu.memref_slice %arg13[%dma_start3A_128, %dma_start3A_129] : memref<10240x128xf32, #tpu.memory_space<vmem_shared>> -> memref<10240x128xf32, #tpu.memory_space<vmem_shared>>
          tpu.enqueue_indirect_dma source(%arg9 : memref<40x128xf32, #tpu.memory_space<vmem>>) target(%dma_start3A_130 : memref<10240x128xf32, #tpu.memory_space<vmem_shared>>) offsets(%dma_start3A_127 : memref<40xi32, #tpu.memory_space<vmem>>) semaphore(%run_scoped3A : memref<!tpu.dma_semaphore, #tpu.memory_space<semaphore_mem>>) {add = true}
          %dma_wait3A = arith.constant 0 : i32
          %dma_wait3A_131 = tpu.memref_slice %arg8[%add3A_125, %dma_wait3A] : memref<64x40xi32, #tpu.memory_space<vmem>> -> memref<1x40xi32, #tpu.memory_space<vmem>>
          %dma_wait3A_132 = tpu.memref_squeeze %dma_wait3A_131 : memref<1x40xi32, #tpu.memory_space<vmem>> -> memref<40xi32, #tpu.memory_space<vmem>>
          %dma_wait3A_133 = arith.constant 0 : i32
          %dma_wait3A_134 = arith.constant 0 : i32
          %dma_wait3A_135 = tpu.memref_slice %arg13[%dma_wait3A_133, %dma_wait3A_134] : memref<10240x128xf32, #tpu.memory_space<vmem_shared>> -> memref<10240x128xf32, #tpu.memory_space<vmem_shared>>
          tpu.wait_indirect_dma semaphore(%run_scoped3A : memref<!tpu.dma_semaphore, #tpu.memory_space<semaphore_mem>>) src(%arg9 : memref<40x128xf32, #tpu.memory_space<vmem>>) dst(%dma_wait3A_135 : memref<10240x128xf32, #tpu.memory_space<vmem_shared>>)
          tpu.yield
        }) : () -> ()
      }
      %scan3A_56 = arith.constant 64 : i32
      %mul3A_57 = arith.constant 8 : i32
      %mul3A_58 = arith.muli %arg1, %mul3A_57 : i32
      %add3A_59 = arith.constant 1 : i32
      %add3A_60 = arith.addi %mul3A_58, %add3A_59 : i32
      "tpu.region"() ({
        %run_scoped3A = tpu.sem_alloc : memref<!tpu.dma_semaphore, #tpu.memory_space<semaphore_mem>>
        %dma_start3A = arith.constant 0 : i32
        %dma_start3A_121 = arith.constant 0 : i32
        %dma_start3A_122 = tpu.memref_slice %arg4[%add3A_60, %dma_start3A, %dma_start3A_121] : memref<128x64x40xi32, #tpu.memory_space<hbm>> -> memref<1x64x40xi32, #tpu.memory_space<hbm>>
        %dma_start3A_123 = tpu.memref_squeeze %dma_start3A_122 : memref<1x64x40xi32, #tpu.memory_space<hbm>> -> memref<64x40xi32, #tpu.memory_space<hbm>>
        %dma_start3A_124 = arith.constant 0 : i32
        %dma_start3A_125 = arith.constant 0 : i32
        %dma_start3A_126 = tpu.memref_slice %arg4[%add3A_60, %dma_start3A_124, %dma_start3A_125] : memref<128x64x40xi32, #tpu.memory_space<hbm>> -> memref<1x64x40xi32, #tpu.memory_space<hbm>>
        %dma_start3A_127 = tpu.memref_squeeze %dma_start3A_126 : memref<1x64x40xi32, #tpu.memory_space<hbm>> -> memref<64x40xi32, #tpu.memory_space<hbm>>
        tpu.enqueue_dma source(%dma_start3A_127 : memref<64x40xi32, #tpu.memory_space<hbm>>) target(%arg8 : memref<64x40xi32, #tpu.memory_space<vmem>>) target_semaphore(%run_scoped3A : memref<!tpu.dma_semaphore, #tpu.memory_space<semaphore_mem>>)
        %dma_wait3A = arith.constant 0 : i32
        %dma_wait3A_128 = arith.constant 0 : i32
        %dma_wait3A_129 = tpu.memref_slice %arg4[%add3A_60, %dma_wait3A, %dma_wait3A_128] : memref<128x64x40xi32, #tpu.memory_space<hbm>> -> memref<1x64x40xi32, #tpu.memory_space<hbm>>
        %dma_wait3A_130 = tpu.memref_squeeze %dma_wait3A_129 : memref<1x64x40xi32, #tpu.memory_space<hbm>> -> memref<64x40xi32, #tpu.memory_space<hbm>>
        %dma_wait3A_131 = arith.constant 0 : i32
        %dma_wait3A_132 = arith.constant 0 : i32
        %dma_wait3A_133 = tpu.memref_slice %arg4[%add3A_60, %dma_wait3A_131, %dma_wait3A_132] : memref<128x64x40xi32, #tpu.memory_space<hbm>> -> memref<1x64x40xi32, #tpu.memory_space<hbm>>
        %dma_wait3A_134 = tpu.memref_squeeze %dma_wait3A_133 : memref<1x64x40xi32, #tpu.memory_space<hbm>> -> memref<64x40xi32, #tpu.memory_space<hbm>>
        tpu.wait_dma2 semaphore(%run_scoped3A : memref<!tpu.dma_semaphore, #tpu.memory_space<semaphore_mem>>) src(%dma_wait3A_134 : memref<64x40xi32, #tpu.memory_space<hbm>>) dst(%arg8 : memref<64x40xi32, #tpu.memory_space<vmem>>)
        tpu.yield
      }) : () -> ()
      %scan3A_61 = arith.constant 0 : i32
      %scan3A_62 = arith.constant 64 : i32
      %scan3A_63 = arith.addi %scan3A_61, %scan3A_62 : i32
      %scan3A_64 = arith.constant 1 : i32
      scf.for %scan3A_121 = %scan3A_61 to %scan3A_63 step %scan3A_64  : i32 {
        %mul3A_122 = arith.constant 1 : i32
        %mul3A_123 = arith.muli %scan3A_121, %mul3A_122 : i32
        %add3A_124 = arith.constant 0 : i32
        %add3A_125 = arith.addi %add3A_124, %mul3A_123 : i32
        "tpu.region"() ({
          %run_scoped3A = tpu.sem_alloc : memref<!tpu.dma_semaphore, #tpu.memory_space<semaphore_mem>>
          %dma_start3A = arith.constant 0 : i32
          %dma_start3A_126 = tpu.memref_slice %arg8[%add3A_125, %dma_start3A] : memref<64x40xi32, #tpu.memory_space<vmem>> -> memref<1x40xi32, #tpu.memory_space<vmem>>
          %dma_start3A_127 = tpu.memref_squeeze %dma_start3A_126 : memref<1x40xi32, #tpu.memory_space<vmem>> -> memref<40xi32, #tpu.memory_space<vmem>>
          %dma_start3A_128 = arith.constant 0 : i32
          %dma_start3A_129 = arith.constant 0 : i32
          %dma_start3A_130 = tpu.memref_slice %arg13[%dma_start3A_128, %dma_start3A_129] : memref<10240x128xf32, #tpu.memory_space<vmem_shared>> -> memref<10240x128xf32, #tpu.memory_space<vmem_shared>>
          tpu.enqueue_indirect_dma source(%arg9 : memref<40x128xf32, #tpu.memory_space<vmem>>) target(%dma_start3A_130 : memref<10240x128xf32, #tpu.memory_space<vmem_shared>>) offsets(%dma_start3A_127 : memref<40xi32, #tpu.memory_space<vmem>>) semaphore(%run_scoped3A : memref<!tpu.dma_semaphore, #tpu.memory_space<semaphore_mem>>) {add = true}
          %dma_wait3A = arith.constant 0 : i32
          %dma_wait3A_131 = tpu.memref_slice %arg8[%add3A_125, %dma_wait3A] : memref<64x40xi32, #tpu.memory_space<vmem>> -> memref<1x40xi32, #tpu.memory_space<vmem>>
          %dma_wait3A_132 = tpu.memref_squeeze %dma_wait3A_131 : memref<1x40xi32, #tpu.memory_space<vmem>> -> memref<40xi32, #tpu.memory_space<vmem>>
          %dma_wait3A_133 = arith.constant 0 : i32
          %dma_wait3A_134 = arith.constant 0 : i32
          %dma_wait3A_135 = tpu.memref_slice %arg13[%dma_wait3A_133, %dma_wait3A_134] : memref<10240x128xf32, #tpu.memory_space<vmem_shared>> -> memref<10240x128xf32, #tpu.memory_space<vmem_shared>>
          tpu.wait_indirect_dma semaphore(%run_scoped3A : memref<!tpu.dma_semaphore, #tpu.memory_space<semaphore_mem>>) src(%arg9 : memref<40x128xf32, #tpu.memory_space<vmem>>) dst(%dma_wait3A_135 : memref<10240x128xf32, #tpu.memory_space<vmem_shared>>)
          tpu.yield
        }) : () -> ()
      }
      %scan3A_65 = arith.constant 64 : i32
      %mul3A_66 = arith.constant 8 : i32
      %mul3A_67 = arith.muli %arg1, %mul3A_66 : i32
      %add3A_68 = arith.constant 2 : i32
      %add3A_69 = arith.addi %mul3A_67, %add3A_68 : i32
      "tpu.region"() ({
        %run_scoped3A = tpu.sem_alloc : memref<!tpu.dma_semaphore, #tpu.memory_space<semaphore_mem>>
        %dma_start3A = arith.constant 0 : i32
        %dma_start3A_121 = arith.constant 0 : i32
        %dma_start3A_122 = tpu.memref_slice %arg4[%add3A_69, %dma_start3A, %dma_start3A_121] : memref<128x64x40xi32, #tpu.memory_space<hbm>> -> memref<1x64x40xi32, #tpu.memory_space<hbm>>
        %dma_start3A_123 = tpu.memref_squeeze %dma_start3A_122 : memref<1x64x40xi32, #tpu.memory_space<hbm>> -> memref<64x40xi32, #tpu.memory_space<hbm>>
        %dma_start3A_124 = arith.constant 0 : i32
        %dma_start3A_125 = arith.constant 0 : i32
        %dma_start3A_126 = tpu.memref_slice %arg4[%add3A_69, %dma_start3A_124, %dma_start3A_125] : memref<128x64x40xi32, #tpu.memory_space<hbm>> -> memref<1x64x40xi32, #tpu.memory_space<hbm>>
        %dma_start3A_127 = tpu.memref_squeeze %dma_start3A_126 : memref<1x64x40xi32, #tpu.memory_space<hbm>> -> memref<64x40xi32, #tpu.memory_space<hbm>>
        tpu.enqueue_dma source(%dma_start3A_127 : memref<64x40xi32, #tpu.memory_space<hbm>>) target(%arg8 : memref<64x40xi32, #tpu.memory_space<vmem>>) target_semaphore(%run_scoped3A : memref<!tpu.dma_semaphore, #tpu.memory_space<semaphore_mem>>)
        %dma_wait3A = arith.constant 0 : i32
        %dma_wait3A_128 = arith.constant 0 : i32
        %dma_wait3A_129 = tpu.memref_slice %arg4[%add3A_69, %dma_wait3A, %dma_wait3A_128] : memref<128x64x40xi32, #tpu.memory_space<hbm>> -> memref<1x64x40xi32, #tpu.memory_space<hbm>>
        %dma_wait3A_130 = tpu.memref_squeeze %dma_wait3A_129 : memref<1x64x40xi32, #tpu.memory_space<hbm>> -> memref<64x40xi32, #tpu.memory_space<hbm>>
        %dma_wait3A_131 = arith.constant 0 : i32
        %dma_wait3A_132 = arith.constant 0 : i32
        %dma_wait3A_133 = tpu.memref_slice %arg4[%add3A_69, %dma_wait3A_131, %dma_wait3A_132] : memref<128x64x40xi32, #tpu.memory_space<hbm>> -> memref<1x64x40xi32, #tpu.memory_space<hbm>>
        %dma_wait3A_134 = tpu.memref_squeeze %dma_wait3A_133 : memref<1x64x40xi32, #tpu.memory_space<hbm>> -> memref<64x40xi32, #tpu.memory_space<hbm>>
        tpu.wait_dma2 semaphore(%run_scoped3A : memref<!tpu.dma_semaphore, #tpu.memory_space<semaphore_mem>>) src(%dma_wait3A_134 : memref<64x40xi32, #tpu.memory_space<hbm>>) dst(%arg8 : memref<64x40xi32, #tpu.memory_space<vmem>>)
        tpu.yield
      }) : () -> ()
      %scan3A_70 = arith.constant 0 : i32
      %scan3A_71 = arith.constant 64 : i32
      %scan3A_72 = arith.addi %scan3A_70, %scan3A_71 : i32
      %scan3A_73 = arith.constant 1 : i32
      scf.for %scan3A_121 = %scan3A_70 to %scan3A_72 step %scan3A_73  : i32 {
        %mul3A_122 = arith.constant 1 : i32
        %mul3A_123 = arith.muli %scan3A_121, %mul3A_122 : i32
        %add3A_124 = arith.constant 0 : i32
        %add3A_125 = arith.addi %add3A_124, %mul3A_123 : i32
        "tpu.region"() ({
          %run_scoped3A = tpu.sem_alloc : memref<!tpu.dma_semaphore, #tpu.memory_space<semaphore_mem>>
          %dma_start3A = arith.constant 0 : i32
          %dma_start3A_126 = tpu.memref_slice %arg8[%add3A_125, %dma_start3A] : memref<64x40xi32, #tpu.memory_space<vmem>> -> memref<1x40xi32, #tpu.memory_space<vmem>>
          %dma_start3A_127 = tpu.memref_squeeze %dma_start3A_126 : memref<1x40xi32, #tpu.memory_space<vmem>> -> memref<40xi32, #tpu.memory_space<vmem>>
          %dma_start3A_128 = arith.constant 0 : i32
          %dma_start3A_129 = arith.constant 0 : i32
          %dma_start3A_130 = tpu.memref_slice %arg13[%dma_start3A_128, %dma_start3A_129] : memref<10240x128xf32, #tpu.memory_space<vmem_shared>> -> memref<10240x128xf32, #tpu.memory_space<vmem_shared>>
          tpu.enqueue_indirect_dma source(%arg9 : memref<40x128xf32, #tpu.memory_space<vmem>>) target(%dma_start3A_130 : memref<10240x128xf32, #tpu.memory_space<vmem_shared>>) offsets(%dma_start3A_127 : memref<40xi32, #tpu.memory_space<vmem>>) semaphore(%run_scoped3A : memref<!tpu.dma_semaphore, #tpu.memory_space<semaphore_mem>>) {add = true}
          %dma_wait3A = arith.constant 0 : i32
          %dma_wait3A_131 = tpu.memref_slice %arg8[%add3A_125, %dma_wait3A] : memref<64x40xi32, #tpu.memory_space<vmem>> -> memref<1x40xi32, #tpu.memory_space<vmem>>
          %dma_wait3A_132 = tpu.memref_squeeze %dma_wait3A_131 : memref<1x40xi32, #tpu.memory_space<vmem>> -> memref<40xi32, #tpu.memory_space<vmem>>
          %dma_wait3A_133 = arith.constant 0 : i32
          %dma_wait3A_134 = arith.constant 0 : i32
          %dma_wait3A_135 = tpu.memref_slice %arg13[%dma_wait3A_133, %dma_wait3A_134] : memref<10240x128xf32, #tpu.memory_space<vmem_shared>> -> memref<10240x128xf32, #tpu.memory_space<vmem_shared>>
          tpu.wait_indirect_dma semaphore(%run_scoped3A : memref<!tpu.dma_semaphore, #tpu.memory_space<semaphore_mem>>) src(%arg9 : memref<40x128xf32, #tpu.memory_space<vmem>>) dst(%dma_wait3A_135 : memref<10240x128xf32, #tpu.memory_space<vmem_shared>>)
          tpu.yield
        }) : () -> ()
      }
      %scan3A_74 = arith.constant 64 : i32
      %mul3A_75 = arith.constant 8 : i32
      %mul3A_76 = arith.muli %arg1, %mul3A_75 : i32
      %add3A_77 = arith.constant 3 : i32
      %add3A_78 = arith.addi %mul3A_76, %add3A_77 : i32
      "tpu.region"() ({
        %run_scoped3A = tpu.sem_alloc : memref<!tpu.dma_semaphore, #tpu.memory_space<semaphore_mem>>
        %dma_start3A = arith.constant 0 : i32
        %dma_start3A_121 = arith.constant 0 : i32
        %dma_start3A_122 = tpu.memref_slice %arg4[%add3A_78, %dma_start3A, %dma_start3A_121] : memref<128x64x40xi32, #tpu.memory_space<hbm>> -> memref<1x64x40xi32, #tpu.memory_space<hbm>>
        %dma_start3A_123 = tpu.memref_squeeze %dma_start3A_122 : memref<1x64x40xi32, #tpu.memory_space<hbm>> -> memref<64x40xi32, #tpu.memory_space<hbm>>
        %dma_start3A_124 = arith.constant 0 : i32
        %dma_start3A_125 = arith.constant 0 : i32
        %dma_start3A_126 = tpu.memref_slice %arg4[%add3A_78, %dma_start3A_124, %dma_start3A_125] : memref<128x64x40xi32, #tpu.memory_space<hbm>> -> memref<1x64x40xi32, #tpu.memory_space<hbm>>
        %dma_start3A_127 = tpu.memref_squeeze %dma_start3A_126 : memref<1x64x40xi32, #tpu.memory_space<hbm>> -> memref<64x40xi32, #tpu.memory_space<hbm>>
        tpu.enqueue_dma source(%dma_start3A_127 : memref<64x40xi32, #tpu.memory_space<hbm>>) target(%arg8 : memref<64x40xi32, #tpu.memory_space<vmem>>) target_semaphore(%run_scoped3A : memref<!tpu.dma_semaphore, #tpu.memory_space<semaphore_mem>>)
        %dma_wait3A = arith.constant 0 : i32
        %dma_wait3A_128 = arith.constant 0 : i32
        %dma_wait3A_129 = tpu.memref_slice %arg4[%add3A_78, %dma_wait3A, %dma_wait3A_128] : memref<128x64x40xi32, #tpu.memory_space<hbm>> -> memref<1x64x40xi32, #tpu.memory_space<hbm>>
        %dma_wait3A_130 = tpu.memref_squeeze %dma_wait3A_129 : memref<1x64x40xi32, #tpu.memory_space<hbm>> -> memref<64x40xi32, #tpu.memory_space<hbm>>
        %dma_wait3A_131 = arith.constant 0 : i32
        %dma_wait3A_132 = arith.constant 0 : i32
        %dma_wait3A_133 = tpu.memref_slice %arg4[%add3A_78, %dma_wait3A_131, %dma_wait3A_132] : memref<128x64x40xi32, #tpu.memory_space<hbm>> -> memref<1x64x40xi32, #tpu.memory_space<hbm>>
        %dma_wait3A_134 = tpu.memref_squeeze %dma_wait3A_133 : memref<1x64x40xi32, #tpu.memory_space<hbm>> -> memref<64x40xi32, #tpu.memory_space<hbm>>
        tpu.wait_dma2 semaphore(%run_scoped3A : memref<!tpu.dma_semaphore, #tpu.memory_space<semaphore_mem>>) src(%dma_wait3A_134 : memref<64x40xi32, #tpu.memory_space<hbm>>) dst(%arg8 : memref<64x40xi32, #tpu.memory_space<vmem>>)
        tpu.yield
      }) : () -> ()
      %scan3A_79 = arith.constant 0 : i32
      %scan3A_80 = arith.constant 64 : i32
      %scan3A_81 = arith.addi %scan3A_79, %scan3A_80 : i32
      %scan3A_82 = arith.constant 1 : i32
      scf.for %scan3A_121 = %scan3A_79 to %scan3A_81 step %scan3A_82  : i32 {
        %mul3A_122 = arith.constant 1 : i32
        %mul3A_123 = arith.muli %scan3A_121, %mul3A_122 : i32
        %add3A_124 = arith.constant 0 : i32
        %add3A_125 = arith.addi %add3A_124, %mul3A_123 : i32
        "tpu.region"() ({
          %run_scoped3A = tpu.sem_alloc : memref<!tpu.dma_semaphore, #tpu.memory_space<semaphore_mem>>
          %dma_start3A = arith.constant 0 : i32
          %dma_start3A_126 = tpu.memref_slice %arg8[%add3A_125, %dma_start3A] : memref<64x40xi32, #tpu.memory_space<vmem>> -> memref<1x40xi32, #tpu.memory_space<vmem>>
          %dma_start3A_127 = tpu.memref_squeeze %dma_start3A_126 : memref<1x40xi32, #tpu.memory_space<vmem>> -> memref<40xi32, #tpu.memory_space<vmem>>
          %dma_start3A_128 = arith.constant 0 : i32
          %dma_start3A_129 = arith.constant 0 : i32
          %dma_start3A_130 = tpu.memref_slice %arg13[%dma_start3A_128, %dma_start3A_129] : memref<10240x128xf32, #tpu.memory_space<vmem_shared>> -> memref<10240x128xf32, #tpu.memory_space<vmem_shared>>
          tpu.enqueue_indirect_dma source(%arg9 : memref<40x128xf32, #tpu.memory_space<vmem>>) target(%dma_start3A_130 : memref<10240x128xf32, #tpu.memory_space<vmem_shared>>) offsets(%dma_start3A_127 : memref<40xi32, #tpu.memory_space<vmem>>) semaphore(%run_scoped3A : memref<!tpu.dma_semaphore, #tpu.memory_space<semaphore_mem>>) {add = true}
          %dma_wait3A = arith.constant 0 : i32
          %dma_wait3A_131 = tpu.memref_slice %arg8[%add3A_125, %dma_wait3A] : memref<64x40xi32, #tpu.memory_space<vmem>> -> memref<1x40xi32, #tpu.memory_space<vmem>>
          %dma_wait3A_132 = tpu.memref_squeeze %dma_wait3A_131 : memref<1x40xi32, #tpu.memory_space<vmem>> -> memref<40xi32, #tpu.memory_space<vmem>>
          %dma_wait3A_133 = arith.constant 0 : i32
          %dma_wait3A_134 = arith.constant 0 : i32
          %dma_wait3A_135 = tpu.memref_slice %arg13[%dma_wait3A_133, %dma_wait3A_134] : memref<10240x128xf32, #tpu.memory_space<vmem_shared>> -> memref<10240x128xf32, #tpu.memory_space<vmem_shared>>
          tpu.wait_indirect_dma semaphore(%run_scoped3A : memref<!tpu.dma_semaphore, #tpu.memory_space<semaphore_mem>>) src(%arg9 : memref<40x128xf32, #tpu.memory_space<vmem>>) dst(%dma_wait3A_135 : memref<10240x128xf32, #tpu.memory_space<vmem_shared>>)
          tpu.yield
        }) : () -> ()
      }
      %scan3A_83 = arith.constant 64 : i32
      %mul3A_84 = arith.constant 8 : i32
      %mul3A_85 = arith.muli %arg1, %mul3A_84 : i32
      %add3A_86 = arith.constant 4 : i32
      %add3A_87 = arith.addi %mul3A_85, %add3A_86 : i32
      "tpu.region"() ({
        %run_scoped3A = tpu.sem_alloc : memref<!tpu.dma_semaphore, #tpu.memory_space<semaphore_mem>>
        %dma_start3A = arith.constant 0 : i32
        %dma_start3A_121 = arith.constant 0 : i32
        %dma_start3A_122 = tpu.memref_slice %arg4[%add3A_87, %dma_start3A, %dma_start3A_121] : memref<128x64x40xi32, #tpu.memory_space<hbm>> -> memref<1x64x40xi32, #tpu.memory_space<hbm>>
        %dma_start3A_123 = tpu.memref_squeeze %dma_start3A_122 : memref<1x64x40xi32, #tpu.memory_space<hbm>> -> memref<64x40xi32, #tpu.memory_space<hbm>>
        %dma_start3A_124 = arith.constant 0 : i32
        %dma_start3A_125 = arith.constant 0 : i32
        %dma_start3A_126 = tpu.memref_slice %arg4[%add3A_87, %dma_start3A_124, %dma_start3A_125] : memref<128x64x40xi32, #tpu.memory_space<hbm>> -> memref<1x64x40xi32, #tpu.memory_space<hbm>>
        %dma_start3A_127 = tpu.memref_squeeze %dma_start3A_126 : memref<1x64x40xi32, #tpu.memory_space<hbm>> -> memref<64x40xi32, #tpu.memory_space<hbm>>
        tpu.enqueue_dma source(%dma_start3A_127 : memref<64x40xi32, #tpu.memory_space<hbm>>) target(%arg8 : memref<64x40xi32, #tpu.memory_space<vmem>>) target_semaphore(%run_scoped3A : memref<!tpu.dma_semaphore, #tpu.memory_space<semaphore_mem>>)
        %dma_wait3A = arith.constant 0 : i32
        %dma_wait3A_128 = arith.constant 0 : i32
        %dma_wait3A_129 = tpu.memref_slice %arg4[%add3A_87, %dma_wait3A, %dma_wait3A_128] : memref<128x64x40xi32, #tpu.memory_space<hbm>> -> memref<1x64x40xi32, #tpu.memory_space<hbm>>
        %dma_wait3A_130 = tpu.memref_squeeze %dma_wait3A_129 : memref<1x64x40xi32, #tpu.memory_space<hbm>> -> memref<64x40xi32, #tpu.memory_space<hbm>>
        %dma_wait3A_131 = arith.constant 0 : i32
        %dma_wait3A_132 = arith.constant 0 : i32
        %dma_wait3A_133 = tpu.memref_slice %arg4[%add3A_87, %dma_wait3A_131, %dma_wait3A_132] : memref<128x64x40xi32, #tpu.memory_space<hbm>> -> memref<1x64x40xi32, #tpu.memory_space<hbm>>
        %dma_wait3A_134 = tpu.memref_squeeze %dma_wait3A_133 : memref<1x64x40xi32, #tpu.memory_space<hbm>> -> memref<64x40xi32, #tpu.memory_space<hbm>>
        tpu.wait_dma2 semaphore(%run_scoped3A : memref<!tpu.dma_semaphore, #tpu.memory_space<semaphore_mem>>) src(%dma_wait3A_134 : memref<64x40xi32, #tpu.memory_space<hbm>>) dst(%arg8 : memref<64x40xi32, #tpu.memory_space<vmem>>)
        tpu.yield
      }) : () -> ()
      %scan3A_88 = arith.constant 0 : i32
      %scan3A_89 = arith.constant 64 : i32
      %scan3A_90 = arith.addi %scan3A_88, %scan3A_89 : i32
      %scan3A_91 = arith.constant 1 : i32
      scf.for %scan3A_121 = %scan3A_88 to %scan3A_90 step %scan3A_91  : i32 {
        %mul3A_122 = arith.constant 1 : i32
        %mul3A_123 = arith.muli %scan3A_121, %mul3A_122 : i32
        %add3A_124 = arith.constant 0 : i32
        %add3A_125 = arith.addi %add3A_124, %mul3A_123 : i32
        "tpu.region"() ({
          %run_scoped3A = tpu.sem_alloc : memref<!tpu.dma_semaphore, #tpu.memory_space<semaphore_mem>>
          %dma_start3A = arith.constant 0 : i32
          %dma_start3A_126 = tpu.memref_slice %arg8[%add3A_125, %dma_start3A] : memref<64x40xi32, #tpu.memory_space<vmem>> -> memref<1x40xi32, #tpu.memory_space<vmem>>
          %dma_start3A_127 = tpu.memref_squeeze %dma_start3A_126 : memref<1x40xi32, #tpu.memory_space<vmem>> -> memref<40xi32, #tpu.memory_space<vmem>>
          %dma_start3A_128 = arith.constant 0 : i32
          %dma_start3A_129 = arith.constant 0 : i32
          %dma_start3A_130 = tpu.memref_slice %arg13[%dma_start3A_128, %dma_start3A_129] : memref<10240x128xf32, #tpu.memory_space<vmem_shared>> -> memref<10240x128xf32, #tpu.memory_space<vmem_shared>>
          tpu.enqueue_indirect_dma source(%arg9 : memref<40x128xf32, #tpu.memory_space<vmem>>) target(%dma_start3A_130 : memref<10240x128xf32, #tpu.memory_space<vmem_shared>>) offsets(%dma_start3A_127 : memref<40xi32, #tpu.memory_space<vmem>>) semaphore(%run_scoped3A : memref<!tpu.dma_semaphore, #tpu.memory_space<semaphore_mem>>) {add = true}
          %dma_wait3A = arith.constant 0 : i32
          %dma_wait3A_131 = tpu.memref_slice %arg8[%add3A_125, %dma_wait3A] : memref<64x40xi32, #tpu.memory_space<vmem>> -> memref<1x40xi32, #tpu.memory_space<vmem>>
          %dma_wait3A_132 = tpu.memref_squeeze %dma_wait3A_131 : memref<1x40xi32, #tpu.memory_space<vmem>> -> memref<40xi32, #tpu.memory_space<vmem>>
          %dma_wait3A_133 = arith.constant 0 : i32
          %dma_wait3A_134 = arith.constant 0 : i32
          %dma_wait3A_135 = tpu.memref_slice %arg13[%dma_wait3A_133, %dma_wait3A_134] : memref<10240x128xf32, #tpu.memory_space<vmem_shared>> -> memref<10240x128xf32, #tpu.memory_space<vmem_shared>>
          tpu.wait_indirect_dma semaphore(%run_scoped3A : memref<!tpu.dma_semaphore, #tpu.memory_space<semaphore_mem>>) src(%arg9 : memref<40x128xf32, #tpu.memory_space<vmem>>) dst(%dma_wait3A_135 : memref<10240x128xf32, #tpu.memory_space<vmem_shared>>)
          tpu.yield
        }) : () -> ()
      }
      %scan3A_92 = arith.constant 64 : i32
      %mul3A_93 = arith.constant 8 : i32
      %mul3A_94 = arith.muli %arg1, %mul3A_93 : i32
      %add3A_95 = arith.constant 5 : i32
      %add3A_96 = arith.addi %mul3A_94, %add3A_95 : i32
      "tpu.region"() ({
        %run_scoped3A = tpu.sem_alloc : memref<!tpu.dma_semaphore, #tpu.memory_space<semaphore_mem>>
        %dma_start3A = arith.constant 0 : i32
        %dma_start3A_121 = arith.constant 0 : i32
        %dma_start3A_122 = tpu.memref_slice %arg4[%add3A_96, %dma_start3A, %dma_start3A_121] : memref<128x64x40xi32, #tpu.memory_space<hbm>> -> memref<1x64x40xi32, #tpu.memory_space<hbm>>
        %dma_start3A_123 = tpu.memref_squeeze %dma_start3A_122 : memref<1x64x40xi32, #tpu.memory_space<hbm>> -> memref<64x40xi32, #tpu.memory_space<hbm>>
        %dma_start3A_124 = arith.constant 0 : i32
        %dma_start3A_125 = arith.constant 0 : i32
        %dma_start3A_126 = tpu.memref_slice %arg4[%add3A_96, %dma_start3A_124, %dma_start3A_125] : memref<128x64x40xi32, #tpu.memory_space<hbm>> -> memref<1x64x40xi32, #tpu.memory_space<hbm>>
        %dma_start3A_127 = tpu.memref_squeeze %dma_start3A_126 : memref<1x64x40xi32, #tpu.memory_space<hbm>> -> memref<64x40xi32, #tpu.memory_space<hbm>>
        tpu.enqueue_dma source(%dma_start3A_127 : memref<64x40xi32, #tpu.memory_space<hbm>>) target(%arg8 : memref<64x40xi32, #tpu.memory_space<vmem>>) target_semaphore(%run_scoped3A : memref<!tpu.dma_semaphore, #tpu.memory_space<semaphore_mem>>)
        %dma_wait3A = arith.constant 0 : i32
        %dma_wait3A_128 = arith.constant 0 : i32
        %dma_wait3A_129 = tpu.memref_slice %arg4[%add3A_96, %dma_wait3A, %dma_wait3A_128] : memref<128x64x40xi32, #tpu.memory_space<hbm>> -> memref<1x64x40xi32, #tpu.memory_space<hbm>>
        %dma_wait3A_130 = tpu.memref_squeeze %dma_wait3A_129 : memref<1x64x40xi32, #tpu.memory_space<hbm>> -> memref<64x40xi32, #tpu.memory_space<hbm>>
        %dma_wait3A_131 = arith.constant 0 : i32
        %dma_wait3A_132 = arith.constant 0 : i32
        %dma_wait3A_133 = tpu.memref_slice %arg4[%add3A_96, %dma_wait3A_131, %dma_wait3A_132] : memref<128x64x40xi32, #tpu.memory_space<hbm>> -> memref<1x64x40xi32, #tpu.memory_space<hbm>>
        %dma_wait3A_134 = tpu.memref_squeeze %dma_wait3A_133 : memref<1x64x40xi32, #tpu.memory_space<hbm>> -> memref<64x40xi32, #tpu.memory_space<hbm>>
        tpu.wait_dma2 semaphore(%run_scoped3A : memref<!tpu.dma_semaphore, #tpu.memory_space<semaphore_mem>>) src(%dma_wait3A_134 : memref<64x40xi32, #tpu.memory_space<hbm>>) dst(%arg8 : memref<64x40xi32, #tpu.memory_space<vmem>>)
        tpu.yield
      }) : () -> ()
      %scan3A_97 = arith.constant 0 : i32
      %scan3A_98 = arith.constant 64 : i32
      %scan3A_99 = arith.addi %scan3A_97, %scan3A_98 : i32
      %scan3A_100 = arith.constant 1 : i32
      scf.for %scan3A_121 = %scan3A_97 to %scan3A_99 step %scan3A_100  : i32 {
        %mul3A_122 = arith.constant 1 : i32
        %mul3A_123 = arith.muli %scan3A_121, %mul3A_122 : i32
        %add3A_124 = arith.constant 0 : i32
        %add3A_125 = arith.addi %add3A_124, %mul3A_123 : i32
        "tpu.region"() ({
          %run_scoped3A = tpu.sem_alloc : memref<!tpu.dma_semaphore, #tpu.memory_space<semaphore_mem>>
          %dma_start3A = arith.constant 0 : i32
          %dma_start3A_126 = tpu.memref_slice %arg8[%add3A_125, %dma_start3A] : memref<64x40xi32, #tpu.memory_space<vmem>> -> memref<1x40xi32, #tpu.memory_space<vmem>>
          %dma_start3A_127 = tpu.memref_squeeze %dma_start3A_126 : memref<1x40xi32, #tpu.memory_space<vmem>> -> memref<40xi32, #tpu.memory_space<vmem>>
          %dma_start3A_128 = arith.constant 0 : i32
          %dma_start3A_129 = arith.constant 0 : i32
          %dma_start3A_130 = tpu.memref_slice %arg13[%dma_start3A_128, %dma_start3A_129] : memref<10240x128xf32, #tpu.memory_space<vmem_shared>> -> memref<10240x128xf32, #tpu.memory_space<vmem_shared>>
          tpu.enqueue_indirect_dma source(%arg9 : memref<40x128xf32, #tpu.memory_space<vmem>>) target(%dma_start3A_130 : memref<10240x128xf32, #tpu.memory_space<vmem_shared>>) offsets(%dma_start3A_127 : memref<40xi32, #tpu.memory_space<vmem>>) semaphore(%run_scoped3A : memref<!tpu.dma_semaphore, #tpu.memory_space<semaphore_mem>>) {add = true}
          %dma_wait3A = arith.constant 0 : i32
          %dma_wait3A_131 = tpu.memref_slice %arg8[%add3A_125, %dma_wait3A] : memref<64x40xi32, #tpu.memory_space<vmem>> -> memref<1x40xi32, #tpu.memory_space<vmem>>
          %dma_wait3A_132 = tpu.memref_squeeze %dma_wait3A_131 : memref<1x40xi32, #tpu.memory_space<vmem>> -> memref<40xi32, #tpu.memory_space<vmem>>
          %dma_wait3A_133 = arith.constant 0 : i32
          %dma_wait3A_134 = arith.constant 0 : i32
          %dma_wait3A_135 = tpu.memref_slice %arg13[%dma_wait3A_133, %dma_wait3A_134] : memref<10240x128xf32, #tpu.memory_space<vmem_shared>> -> memref<10240x128xf32, #tpu.memory_space<vmem_shared>>
          tpu.wait_indirect_dma semaphore(%run_scoped3A : memref<!tpu.dma_semaphore, #tpu.memory_space<semaphore_mem>>) src(%arg9 : memref<40x128xf32, #tpu.memory_space<vmem>>) dst(%dma_wait3A_135 : memref<10240x128xf32, #tpu.memory_space<vmem_shared>>)
          tpu.yield
        }) : () -> ()
      }
      %scan3A_101 = arith.constant 64 : i32
      %mul3A_102 = arith.constant 8 : i32
      %mul3A_103 = arith.muli %arg1, %mul3A_102 : i32
      %add3A_104 = arith.constant 6 : i32
      %add3A_105 = arith.addi %mul3A_103, %add3A_104 : i32
      "tpu.region"() ({
        %run_scoped3A = tpu.sem_alloc : memref<!tpu.dma_semaphore, #tpu.memory_space<semaphore_mem>>
        %dma_start3A = arith.constant 0 : i32
        %dma_start3A_121 = arith.constant 0 : i32
        %dma_start3A_122 = tpu.memref_slice %arg4[%add3A_105, %dma_start3A, %dma_start3A_121] : memref<128x64x40xi32, #tpu.memory_space<hbm>> -> memref<1x64x40xi32, #tpu.memory_space<hbm>>
        %dma_start3A_123 = tpu.memref_squeeze %dma_start3A_122 : memref<1x64x40xi32, #tpu.memory_space<hbm>> -> memref<64x40xi32, #tpu.memory_space<hbm>>
        %dma_start3A_124 = arith.constant 0 : i32
        %dma_start3A_125 = arith.constant 0 : i32
        %dma_start3A_126 = tpu.memref_slice %arg4[%add3A_105, %dma_start3A_124, %dma_start3A_125] : memref<128x64x40xi32, #tpu.memory_space<hbm>> -> memref<1x64x40xi32, #tpu.memory_space<hbm>>
        %dma_start3A_127 = tpu.memref_squeeze %dma_start3A_126 : memref<1x64x40xi32, #tpu.memory_space<hbm>> -> memref<64x40xi32, #tpu.memory_space<hbm>>
        tpu.enqueue_dma source(%dma_start3A_127 : memref<64x40xi32, #tpu.memory_space<hbm>>) target(%arg8 : memref<64x40xi32, #tpu.memory_space<vmem>>) target_semaphore(%run_scoped3A : memref<!tpu.dma_semaphore, #tpu.memory_space<semaphore_mem>>)
        %dma_wait3A = arith.constant 0 : i32
        %dma_wait3A_128 = arith.constant 0 : i32
        %dma_wait3A_129 = tpu.memref_slice %arg4[%add3A_105, %dma_wait3A, %dma_wait3A_128] : memref<128x64x40xi32, #tpu.memory_space<hbm>> -> memref<1x64x40xi32, #tpu.memory_space<hbm>>
        %dma_wait3A_130 = tpu.memref_squeeze %dma_wait3A_129 : memref<1x64x40xi32, #tpu.memory_space<hbm>> -> memref<64x40xi32, #tpu.memory_space<hbm>>
        %dma_wait3A_131 = arith.constant 0 : i32
        %dma_wait3A_132 = arith.constant 0 : i32
        %dma_wait3A_133 = tpu.memref_slice %arg4[%add3A_105, %dma_wait3A_131, %dma_wait3A_132] : memref<128x64x40xi32, #tpu.memory_space<hbm>> -> memref<1x64x40xi32, #tpu.memory_space<hbm>>
        %dma_wait3A_134 = tpu.memref_squeeze %dma_wait3A_133 : memref<1x64x40xi32, #tpu.memory_space<hbm>> -> memref<64x40xi32, #tpu.memory_space<hbm>>
        tpu.wait_dma2 semaphore(%run_scoped3A : memref<!tpu.dma_semaphore, #tpu.memory_space<semaphore_mem>>) src(%dma_wait3A_134 : memref<64x40xi32, #tpu.memory_space<hbm>>) dst(%arg8 : memref<64x40xi32, #tpu.memory_space<vmem>>)
        tpu.yield
      }) : () -> ()
      %scan3A_106 = arith.constant 0 : i32
      %scan3A_107 = arith.constant 64 : i32
      %scan3A_108 = arith.addi %scan3A_106, %scan3A_107 : i32
      %scan3A_109 = arith.constant 1 : i32
      scf.for %scan3A_121 = %scan3A_106 to %scan3A_108 step %scan3A_109  : i32 {
        %mul3A_122 = arith.constant 1 : i32
        %mul3A_123 = arith.muli %scan3A_121, %mul3A_122 : i32
        %add3A_124 = arith.constant 0 : i32
        %add3A_125 = arith.addi %add3A_124, %mul3A_123 : i32
        "tpu.region"() ({
          %run_scoped3A = tpu.sem_alloc : memref<!tpu.dma_semaphore, #tpu.memory_space<semaphore_mem>>
          %dma_start3A = arith.constant 0 : i32
          %dma_start3A_126 = tpu.memref_slice %arg8[%add3A_125, %dma_start3A] : memref<64x40xi32, #tpu.memory_space<vmem>> -> memref<1x40xi32, #tpu.memory_space<vmem>>
          %dma_start3A_127 = tpu.memref_squeeze %dma_start3A_126 : memref<1x40xi32, #tpu.memory_space<vmem>> -> memref<40xi32, #tpu.memory_space<vmem>>
          %dma_start3A_128 = arith.constant 0 : i32
          %dma_start3A_129 = arith.constant 0 : i32
          %dma_start3A_130 = tpu.memref_slice %arg13[%dma_start3A_128, %dma_start3A_129] : memref<10240x128xf32, #tpu.memory_space<vmem_shared>> -> memref<10240x128xf32, #tpu.memory_space<vmem_shared>>
          tpu.enqueue_indirect_dma source(%arg9 : memref<40x128xf32, #tpu.memory_space<vmem>>) target(%dma_start3A_130 : memref<10240x128xf32, #tpu.memory_space<vmem_shared>>) offsets(%dma_start3A_127 : memref<40xi32, #tpu.memory_space<vmem>>) semaphore(%run_scoped3A : memref<!tpu.dma_semaphore, #tpu.memory_space<semaphore_mem>>) {add = true}
          %dma_wait3A = arith.constant 0 : i32
          %dma_wait3A_131 = tpu.memref_slice %arg8[%add3A_125, %dma_wait3A] : memref<64x40xi32, #tpu.memory_space<vmem>> -> memref<1x40xi32, #tpu.memory_space<vmem>>
          %dma_wait3A_132 = tpu.memref_squeeze %dma_wait3A_131 : memref<1x40xi32, #tpu.memory_space<vmem>> -> memref<40xi32, #tpu.memory_space<vmem>>
          %dma_wait3A_133 = arith.constant 0 : i32
          %dma_wait3A_134 = arith.constant 0 : i32
          %dma_wait3A_135 = tpu.memref_slice %arg13[%dma_wait3A_133, %dma_wait3A_134] : memref<10240x128xf32, #tpu.memory_space<vmem_shared>> -> memref<10240x128xf32, #tpu.memory_space<vmem_shared>>
          tpu.wait_indirect_dma semaphore(%run_scoped3A : memref<!tpu.dma_semaphore, #tpu.memory_space<semaphore_mem>>) src(%arg9 : memref<40x128xf32, #tpu.memory_space<vmem>>) dst(%dma_wait3A_135 : memref<10240x128xf32, #tpu.memory_space<vmem_shared>>)
          tpu.yield
        }) : () -> ()
      }
      %scan3A_110 = arith.constant 64 : i32
      %mul3A_111 = arith.constant 8 : i32
      %mul3A_112 = arith.muli %arg1, %mul3A_111 : i32
      %add3A_113 = arith.constant 7 : i32
      %add3A_114 = arith.addi %mul3A_112, %add3A_113 : i32
      "tpu.region"() ({
        %run_scoped3A = tpu.sem_alloc : memref<!tpu.dma_semaphore, #tpu.memory_space<semaphore_mem>>
        %dma_start3A = arith.constant 0 : i32
        %dma_start3A_121 = arith.constant 0 : i32
        %dma_start3A_122 = tpu.memref_slice %arg4[%add3A_114, %dma_start3A, %dma_start3A_121] : memref<128x64x40xi32, #tpu.memory_space<hbm>> -> memref<1x64x40xi32, #tpu.memory_space<hbm>>
        %dma_start3A_123 = tpu.memref_squeeze %dma_start3A_122 : memref<1x64x40xi32, #tpu.memory_space<hbm>> -> memref<64x40xi32, #tpu.memory_space<hbm>>
        %dma_start3A_124 = arith.constant 0 : i32
        %dma_start3A_125 = arith.constant 0 : i32
        %dma_start3A_126 = tpu.memref_slice %arg4[%add3A_114, %dma_start3A_124, %dma_start3A_125] : memref<128x64x40xi32, #tpu.memory_space<hbm>> -> memref<1x64x40xi32, #tpu.memory_space<hbm>>
        %dma_start3A_127 = tpu.memref_squeeze %dma_start3A_126 : memref<1x64x40xi32, #tpu.memory_space<hbm>> -> memref<64x40xi32, #tpu.memory_space<hbm>>
        tpu.enqueue_dma source(%dma_start3A_127 : memref<64x40xi32, #tpu.memory_space<hbm>>) target(%arg8 : memref<64x40xi32, #tpu.memory_space<vmem>>) target_semaphore(%run_scoped3A : memref<!tpu.dma_semaphore, #tpu.memory_space<semaphore_mem>>)
        %dma_wait3A = arith.constant 0 : i32
        %dma_wait3A_128 = arith.constant 0 : i32
        %dma_wait3A_129 = tpu.memref_slice %arg4[%add3A_114, %dma_wait3A, %dma_wait3A_128] : memref<128x64x40xi32, #tpu.memory_space<hbm>> -> memref<1x64x40xi32, #tpu.memory_space<hbm>>
        %dma_wait3A_130 = tpu.memref_squeeze %dma_wait3A_129 : memref<1x64x40xi32, #tpu.memory_space<hbm>> -> memref<64x40xi32, #tpu.memory_space<hbm>>
        %dma_wait3A_131 = arith.constant 0 : i32
        %dma_wait3A_132 = arith.constant 0 : i32
        %dma_wait3A_133 = tpu.memref_slice %arg4[%add3A_114, %dma_wait3A_131, %dma_wait3A_132] : memref<128x64x40xi32, #tpu.memory_space<hbm>> -> memref<1x64x40xi32, #tpu.memory_space<hbm>>
        %dma_wait3A_134 = tpu.memref_squeeze %dma_wait3A_133 : memref<1x64x40xi32, #tpu.memory_space<hbm>> -> memref<64x40xi32, #tpu.memory_space<hbm>>
        tpu.wait_dma2 semaphore(%run_scoped3A : memref<!tpu.dma_semaphore, #tpu.memory_space<semaphore_mem>>) src(%dma_wait3A_134 : memref<64x40xi32, #tpu.memory_space<hbm>>) dst(%arg8 : memref<64x40xi32, #tpu.memory_space<vmem>>)
        tpu.yield
      }) : () -> ()
      %scan3A_115 = arith.constant 0 : i32
      %scan3A_116 = arith.constant 64 : i32
      %scan3A_117 = arith.addi %scan3A_115, %scan3A_116 : i32
      %scan3A_118 = arith.constant 1 : i32
      scf.for %scan3A_121 = %scan3A_115 to %scan3A_117 step %scan3A_118  : i32 {
        %mul3A_122 = arith.constant 1 : i32
        %mul3A_123 = arith.muli %scan3A_121, %mul3A_122 : i32
        %add3A_124 = arith.constant 0 : i32
        %add3A_125 = arith.addi %add3A_124, %mul3A_123 : i32
        "tpu.region"() ({
          %run_scoped3A = tpu.sem_alloc : memref<!tpu.dma_semaphore, #tpu.memory_space<semaphore_mem>>
          %dma_start3A = arith.constant 0 : i32
          %dma_start3A_126 = tpu.memref_slice %arg8[%add3A_125, %dma_start3A] : memref<64x40xi32, #tpu.memory_space<vmem>> -> memref<1x40xi32, #tpu.memory_space<vmem>>
          %dma_start3A_127 = tpu.memref_squeeze %dma_start3A_126 : memref<1x40xi32, #tpu.memory_space<vmem>> -> memref<40xi32, #tpu.memory_space<vmem>>
          %dma_start3A_128 = arith.constant 0 : i32
          %dma_start3A_129 = arith.constant 0 : i32
          %dma_start3A_130 = tpu.memref_slice %arg13[%dma_start3A_128, %dma_start3A_129] : memref<10240x128xf32, #tpu.memory_space<vmem_shared>> -> memref<10240x128xf32, #tpu.memory_space<vmem_shared>>
          tpu.enqueue_indirect_dma source(%arg9 : memref<40x128xf32, #tpu.memory_space<vmem>>) target(%dma_start3A_130 : memref<10240x128xf32, #tpu.memory_space<vmem_shared>>) offsets(%dma_start3A_127 : memref<40xi32, #tpu.memory_space<vmem>>) semaphore(%run_scoped3A : memref<!tpu.dma_semaphore, #tpu.memory_space<semaphore_mem>>) {add = true}
          %dma_wait3A = arith.constant 0 : i32
          %dma_wait3A_131 = tpu.memref_slice %arg8[%add3A_125, %dma_wait3A] : memref<64x40xi32, #tpu.memory_space<vmem>> -> memref<1x40xi32, #tpu.memory_space<vmem>>
          %dma_wait3A_132 = tpu.memref_squeeze %dma_wait3A_131 : memref<1x40xi32, #tpu.memory_space<vmem>> -> memref<40xi32, #tpu.memory_space<vmem>>
          %dma_wait3A_133 = arith.constant 0 : i32
          %dma_wait3A_134 = arith.constant 0 : i32
          %dma_wait3A_135 = tpu.memref_slice %arg13[%dma_wait3A_133, %dma_wait3A_134] : memref<10240x128xf32, #tpu.memory_space<vmem_shared>> -> memref<10240x128xf32, #tpu.memory_space<vmem_shared>>
          tpu.wait_indirect_dma semaphore(%run_scoped3A : memref<!tpu.dma_semaphore, #tpu.memory_space<semaphore_mem>>) src(%arg9 : memref<40x128xf32, #tpu.memory_space<vmem>>) dst(%dma_wait3A_135 : memref<10240x128xf32, #tpu.memory_space<vmem_shared>>)
          tpu.yield
        }) : () -> ()
      }
      %scan3A_119 = arith.constant 64 : i32
      %barrier3A_120 = arith.constant 0 : index
      tpu.barrier barrier_id(%barrier3A_120)
      "tpu.region"() ({
        %run_scoped3A = tpu.sem_alloc : memref<!tpu.dma_semaphore, #tpu.memory_space<semaphore_mem>>
        %dma_start3A = arith.constant 0 : i32
        %dma_start3A_121 = tpu.memref_slice %arg6[%mul3A_0, %dma_start3A] : memref<10240x128xf32, #tpu.memory_space<hbm>> -> memref<640x128xf32, #tpu.memory_space<hbm>>
        %dma_start3A_122 = arith.constant 0 : i32
        %dma_start3A_123 = tpu.memref_slice %arg13[%mul3A_0, %dma_start3A_122] : memref<10240x128xf32, #tpu.memory_space<vmem_shared>> -> memref<640x128xf32, #tpu.memory_space<vmem_shared>>
        tpu.enqueue_dma source(%dma_start3A_123 : memref<640x128xf32, #tpu.memory_space<vmem_shared>>) target(%dma_start3A_121 : memref<640x128xf32, #tpu.memory_space<hbm>>) target_semaphore(%run_scoped3A : memref<!tpu.dma_semaphore, #tpu.memory_space<semaphore_mem>>)
        %dma_wait3A = arith.constant 0 : i32
        %dma_wait3A_124 = tpu.memref_slice %arg6[%mul3A_0, %dma_wait3A] : memref<10240x128xf32, #tpu.memory_space<hbm>> -> memref<640x128xf32, #tpu.memory_space<hbm>>
        %dma_wait3A_125 = arith.constant 0 : i32
        %dma_wait3A_126 = tpu.memref_slice %arg13[%mul3A_0, %dma_wait3A_125] : memref<10240x128xf32, #tpu.memory_space<vmem_shared>> -> memref<640x128xf32, #tpu.memory_space<vmem_shared>>
        tpu.wait_dma2 semaphore(%run_scoped3A : memref<!tpu.dma_semaphore, #tpu.memory_space<semaphore_mem>>) src(%dma_wait3A_126 : memref<640x128xf32, #tpu.memory_space<vmem_shared>>) dst(%dma_wait3A_124 : memref<640x128xf32, #tpu.memory_space<hbm>>)
        tpu.yield
      }) : () -> ()
    } else {
    }
    return
  }
}

module attributes {stable_mosaic.version = 14 : i64} {
  func.func @body(%arg0: i32, %arg1: memref<1000x128xf32, #tpu.memory_space<vmem>>, %arg2: memref<1000x128xf32, #tpu.memory_space<vmem>>, %arg3: memref<1000x128xf32, #tpu.memory_space<vmem>>) attributes {dimension_semantics = [#tpu.dimension_semantics<arbitrary>], iteration_bounds = array<i64: 10>, scalar_prefetch = 0 : i64, scratch_operands = 0 : i64, tpu.core_type = #tpu.core_type<tc>, window_params = [{transform_indices = @transform_0, window_bounds = array<i64: 1000, 128>}, {transform_indices = @transform_1, window_bounds = array<i64: 1000, 128>}, {transform_indices = @transform_2, window_bounds = array<i64: 1000, 128>}]} {
    %get3A = arith.constant 0 : index
    %get3A_0 = arith.constant 0 : index
    %get3A_1 = vector.load %arg2[%get3A, %get3A_0] : memref<1000x128xf32, #tpu.memory_space<vmem>>, vector<1000x1xf32>
    %get3A_2 = arith.constant 0 : index
    %get3A_3 = arith.constant 0 : index
    %get3A_4 = vector.load %arg1[%get3A_2, %get3A_3] : memref<1000x128xf32, #tpu.memory_space<vmem>>, vector<1000x128xf32>
    %max3A = arith.constant 1.000000e+00 : f32
    %max3A_5 = vector.broadcast %max3A : f32 to vector<1000x1xf32>
    %max3A_6 = arith.maximumf %get3A_1, %max3A_5 : vector<1000x1xf32>
    %div3A = vector.broadcast %max3A_6 : vector<1000x1xf32> to vector<1000x128xf32>
    %div3A_7 = arith.divf %get3A_4, %div3A : vector<1000x128xf32>
    %swap3A = arith.constant 0 : index
    %swap3A_8 = arith.constant 0 : index
    %swap3A_9 = vector.load %arg3[%swap3A, %swap3A_8] : memref<1000x128xf32, #tpu.memory_space<vmem>>, vector<1000x128xf32>
    tpu.vector_store %arg3[%swap3A, %swap3A_8], %div3A_7 {strides = array<i32>} : memref<1000x128xf32, #tpu.memory_space<vmem>>, vector<1000x128xf32>,
    return
  }
  func.func @transform_0(%arg0: i32) -> (i32, i32) {
    %c0_i32 = arith.constant 0 : i32
    %c0_i32_0 = arith.constant 0 : i32
    return %arg0, %c0_i32 : i32, i32
  }
  func.func @transform_1(%arg0: i32) -> (i32, i32) {
    %c0_i32 = arith.constant 0 : i32
    %c0_i32_0 = arith.constant 0 : i32
    return %arg0, %c0_i32 : i32, i32
  }
  func.func @transform_2(%arg0: i32) -> (i32, i32) {
    %c0_i32 = arith.constant 0 : i32
    %c0_i32_0 = arith.constant 0 : i32
    return %arg0, %c0_i32 : i32, i32
  }
}

</mosaic_0001>

<sc_bundles>
// kernel: kernel.4.cloned.1.call-start
scs
__scs_entry_jumppad:
0x0: {  	(pc) =	sbr.rel $0x88, $3  }
0x1: {  	(tag) =	ssettag $0x0;
	lr =	simm.s32 $0x1  }
0x2: {  	[smem:$0x3F9F] =	sst lr;
	_ =	strace $0xD0000000  }
0x3: {  	_ = 	snop  }
0x4: {  	_ = 	snop  }
0x5: {  	_ = 	snop  }
0x6: {  	_ = 	snop  }
0x7: {  	_ = 	snop  }
__scs_overlays_trampoline_lowered:
0x8: {  	[smem:$0x3FAE] =	sst s0  }
0x9: {  	[smem:$0x3FAF] =	sst s1  }
0xa: {  	[smem:$0x3FB0] =	sst s2  }
0xb: {  	[smem:$0x3FB1] =	sst s3  }
0xc: {  	[smem:$0x3FB2] =	sst s4  }
0xd: {  	[smem:$0x3FB3] =	sst s5  }
0xe: {  	[smem:$0x3FB4] =	sst s6  }
0xf: {  	[smem:$0x3FB5] =	sst s7  }
0x10: {  	[smem:$0x3FB6] =	sst s8  }
0x11: {  	[smem:$0x3FB7] =	sst s9;
	s0 =	simm.s32 @!p0 $0x0  }
0x12: {  	s1 =	sld [smem:$0x3F9D];
	s0 =	simm.s32 @p0 $0x1  }
0x13: {  	[smem:$0x3FB8] =	sst s0;
	s0 =	simm.s32 @!p1 $0x0  }
0x14: {  	s2 =	sld [smem:$0x3F9C];
	s0 =	simm.s32 @p1 $0x1  }
0x15: {  	[smem:$0x3FB9] =	sst s0;
	s0 =	simm.s32 @!p2 $0x0  }
0x16: {  	s3 =	sld [smem:$0x3FDB];
	s0 =	simm.s32 @p2 $0x1  }
0x17: {  	s4 =	simm.s32 $0x1BF5;
	[smem:$0x3FBB] =	sst s0  }
0x18: {  	s0 =	sld [smem:$0x3F9E];
	_ =	swait.ge [sflag:s4], $0x0  }
0x19: {  	s7 =	sld [smem:$0x3F9F]  }
0x1a: {  	s8 =	sadd.s32 $0xFFFFE003, lr  }
0x1b: {  	s9 =	sadd.s32 $0xFFFFFEF7, lr;
	s5 =	simm.s32 $0xFFFFFFFF;
	p2 =	slt.u32 s8, $0xFFFFF086  }
0x1c: {  	p1 =	slt.u32 s9, $0xF7A;
	s5 =	simm.s32 @!p2 $0x0  }
0x1d: {  	s5 =	simm.s32 @p1 $0x1;
	p0 =	seq.s32 s7, s2  }
0x1e: {  	s7 =	smul.u32 @!p0 $0xF7A, s2;
	p2 =	seq.s32 @!p0 s5, $0x0  }
0x1f: {  	s9 =	smul.u32 $0xF7A, s1;
	s8 =	simm.s32 @!p0 $0x1BF5;
	p2 =	por !p2, p0  }
0x20: {  	[sflag:s8] =	ssyncset.s32 @!p0 $0xFFFFF086;
	s6 =	sadd.s32 @!p0 s3, s7;
	s7 =	simm.s32 @!p0 $0x108  }
0x21: {  	s3 =	sadd.s32 s3, s9;
	s6 =	sadd.s32 @!p0 $0x88, s6;
	s7 =	simm.s32 @p2 $0x1082  }
0x22: {  	[simem:s7], [sflag:s8] =	dma.local @!p0 [hbm:s6], $0xF7A  }
0x23: {  	s9 =	sor.u32 $0xD0000000, s2;
	s6 =	simm.s32 $0x108;
	_ =	swait.ge @!p0 [sflag:s8], $0x0  }
0x24: {  	s3 =	sadd.s32 $0x88, s3;
	s6 =	simm.s32 @!p1 $0x1082;
	[sflag:s4] =	ssyncset.s32 $0xFFFFF086  }
0x25: {  	[simem:s6], [sflag:s4] =	dma.local [hbm:s3], $0xF7A  }
0x26: {  	[smem:$0x3F9F] =	sst s1;
	(tag) =	ssettag s2;
	_ =	strace s9  }
0x27: {  	s1 =	sld [smem:$0x3FAF]  }
0x28: {  	s2 =	sld [smem:$0x3FB0]  }
0x29: {  	s4 =	sld [smem:$0x3FB2]  }
0x2a: {  	p0 =	seq.s32 s5, $0x0;
	s5 =	sld [smem:$0x3FB3]  }
0x2b: {  	s6 =	sld [smem:$0x3FB4]  }
0x2c: {  	s7 =	sld [smem:$0x3FB5]  }
0x2d: {  	s3 =	simm.s32 $0x108;
	s8 =	sld [smem:$0x3FB6]  }
0x2e: {  	s3 =	simm.s32 @!p0 $0x1082;
	s9 =	sld [smem:$0x3FB7]  }
0x2f: {  	lr =	sadd.s32 s0, s3;
	s0 =	sld [smem:$0x3FAE]  }
0x30: {  	s3 =	sld [smem:$0x3FB1]  }
0x31: {  	[smem:$0x3FBA] =	sst s10  }
0x32: {  	s10 =	sld [smem:$0x3FB8];
	_ =	sdelay $0x3  }
0x33: {  	p0 =	seq.s32 s10, $0x1;
	s10 =	sld [smem:$0x3FBA];
	_ =	sdelay $0x3  }
0x34: {  	[smem:$0x3FBA] =	sst s10  }
0x35: {  	s10 =	sld [smem:$0x3FB9];
	_ =	sdelay $0x3  }
0x36: {  	p1 =	seq.s32 s10, $0x1;
	s10 =	sld [smem:$0x3FBA];
	_ =	sdelay $0x3  }
0x37: {  	[smem:$0x3FBA] =	sst s10  }
0x38: {  	s10 =	sld [smem:$0x3FBB]  }
0x39: {  	_ = 	snop;
	(pc) =	sbr.ind lr, $3  }
0x3a: {  	_ = 	snop  }
0x3b: {  	_ = 	snop  }
0x3c: {  	p2 =	seq.s32 s10, $0x1;
	s10 =	sld [smem:$0x3FBA]  }
0x3d: {  	_ =	shalt  }
0x3e: {  	_ =	shalt  }
0x3f: {  	_ =	shalt  }
0x40: {  	_ =	shalt  }
0x41: {  	_ =	shalt  }
0x42: {  	_ =	shalt  }
0x43: {  	_ =	shalt  }
0x44: {  	_ =	shalt  }
0x45: {  	_ =	shalt  }
0x46: {  	_ =	shalt  }
0x47: {  	_ =	shalt  }
0x48: {  	_ =	shalt  }
0x49: {  	_ =	shalt  }
0x4a: {  	_ =	shalt  }
0x4b: {  	_ =	shalt  }
0x4c: {  	_ =	shalt  }
0x4d: {  	_ =	shalt  }
0x4e: {  	_ =	shalt  }
0x4f: {  	_ =	shalt  }
0x50: {  	_ =	shalt  }
0x51: {  	_ =	shalt  }
0x52: {  	_ =	shalt  }
0x53: {  	_ =	shalt  }
0x54: {  	_ =	shalt  }
0x55: {  	_ =	shalt  }
0x56: {  	_ =	shalt  }
0x57: {  	_ =	shalt  }
0x58: {  	_ =	shalt  }
0x59: {  	_ =	shalt  }
0x5a: {  	_ =	shalt  }
0x5b: {  	_ =	shalt  }
0x5c: {  	_ =	shalt  }
0x5d: {  	_ =	shalt  }
0x5e: {  	_ =	shalt  }
0x5f: {  	_ =	shalt  }
0x60: {  	_ =	shalt  }
0x61: {  	_ =	shalt  }
0x62: {  	_ =	shalt  }
0x63: {  	_ =	shalt  }
0x64: {  	_ =	shalt  }
0x65: {  	_ =	shalt  }
0x66: {  	_ =	shalt  }
0x67: {  	_ =	shalt  }
0x68: {  	_ =	shalt  }
0x69: {  	_ =	shalt  }
0x6a: {  	_ =	shalt  }
0x6b: {  	_ =	shalt  }
0x6c: {  	_ =	shalt  }
0x6d: {  	_ =	shalt  }
0x6e: {  	_ =	shalt  }
0x6f: {  	_ =	shalt  }
0x70: {  	_ =	shalt  }
0x71: {  	_ =	shalt  }
0x72: {  	_ =	shalt  }
0x73: {  	_ =	shalt  }
0x74: {  	_ =	shalt  }
0x75: {  	_ =	shalt  }
0x76: {  	_ =	shalt  }
0x77: {  	_ =	shalt  }
0x78: {  	_ =	shalt  }
0x79: {  	_ =	shalt  }
0x7a: {  	_ =	shalt  }
0x7b: {  	_ =	shalt  }
0x7c: {  	_ =	shalt  }
0x7d: {  	_ =	shalt  }
0x7e: {  	_ =	shalt  }
0x7f: {  	_ =	shalt  }
0x80: {  	_ =	shalt  }
0x81: {  	_ =	shalt  }
0x82: {  	_ =	shalt  }
0x83: {  	_ =	shalt  }
0x84: {  	_ =	shalt  }
0x85: {  	_ =	shalt  }
0x86: {  	_ =	shalt  }
0x87: {  	_ =	shalt  }
.Lfunc_end0:
.L_simem_size_0:
called_computation_lowered:
.L_overlay_start_0:
0x88: {  	s2 =	sld [smem:$0x3FD9]  }
0x89: {  	s3 =	sld [smem:$0x3FFE];
	_ =	sdelay $0x1  }
0x8a: {  	s1 =	srdreg.scid  }
0x8b: {  	s0 =	sand.u32 $0x1, s1  }
0x8c: {  	s17 =	sshll.u32 s0, $0xA;
	s2 =	sadd.s32 s3, s2  }
0x8d: {  	s2 =	sadd.s32 s2, s17  }
0x8e: {  	[smem:$0x3FC6] =	sst s2  }
0x8f: {  	_ = 	snop  }
0x90: {  	s2 =	sld [smem:$0x3FC9]  }
0x91: {  	s18 =	sld [smem:$0x3FD0];
	(tm) =	ssettm $0x1  }
0x92: {  	s4 =	sld [smem:$0x3FFB];
	_ =	sdelay $0x3  }
0x93: {  	_ =	strace s4  }
0x94: {  	s4 =	sld [smem:$0x3FFC];
	_ =	sdelay $0x3  }
0x95: {  	_ =	strace s4  }
0x96: {  	s4 =	sld [smem:$0x3FFD];
	_ =	sdelay $0x3  }
0x97: {  	_ =	strace s4  }
0x98: {  	_ =	strace $0x8FFFFFFF  }
0x99: {  	s19 =	sld [smem:$0x3FDB];
	_ =	sdelay $0x1  }
0x9a: {  	s5 =	simm.s32 $_scs_section_size  }
0x9b: {  	s6 =	simm.s32 $_size__tile_overlayer_lowered;
	s7 =	simm.s32 $_tile_overlayer_lowered  }
0x9c: {  	s22 =	simm.s32 $0x1BFF;
	s21 =	sshll.u32 s7, $0x1;
	s4 =	sadd.s32 s5, s19  }
0x9d: {  	s8 =	simm.s32 $0x0;
	s20 =	sshll.u32 s6, $0x1;
	s6 =	sadd.s32 s21, s4  }
0x9e: {  	[timem:s8], [sflag:s22] =	dma.local [hbm:s6], s20  }
0x9f: {  	_ =	swait.ge [sflag:s22], s20  }
0xa0: {  	s5 =	ssub.s32 $0x0, s20;
	[sflag:s22] =	ssyncset.done $0x0  }
0xa1: {  	[sflag:s22] =	ssyncadd.s32 s5;
	_ =	sdelay $0x1  }
0xa2: {  	s23 =	simm.s32 $0x1B8B  }
0xa3: {  	_ =	swait.ge [sflag:s23], $0x1  }
0xa4: {  	[sflag:s23] =	ssyncset.done $0x0  }
0xa5: {  	s25 =	simm.s32 $0x1B8E;
	s24 =	sld [smem:$0x3FFE];
	[sflag:s23] =	ssyncadd.s32 $0xFFFFFFFF  }
0xa6: {  	s26 =	simm.s32 $execute0_lowered;
	[smem:$0x3FD2] =	sst s25  }
0xa7: {  	s6 =	sshll.u32 s26, $0x1;
	_ =	strace $0x80000046;
	[dreg:$0x1] =	wrdreg $0xFFFFFFFF  }
0xa8: {  	s28 =	simm.s32 $_size_execute0_lowered;
	s4 =	sadd.s32 s4, s6;
	[dreg:$0x0] =	wrdreg $0x0  }
0xa9: {  	s6 =	sshll.u32 s28, $0x1;
	[dreg:$0x2] =	wrdreg s4  }
0xaa: {  	[dreg:$0x3] =	wrdreg s6  }
0xab: {  	[dreg:$0x4] =	wrdreg $0xC0  }
0xac: {  	_ =	task [dreg:s8], $0x5FFFF  }
0xad: {  	[dreg:$0x1] =	wrdreg $0xFFFFFFFF  }
0xae: {  	[dreg:$0x0] =	wrdreg $0x60  }
0xaf: {  	[dreg:$0x2] =	wrdreg s2  }
0xb0: {  	[dreg:$0x3] =	wrdreg s18  }
0xb1: {  	[dreg:$0x4] =	wrdreg s24  }
0xb2: {  	[dreg:$0x5] =	wrdreg $0x90000  }
0xb3: {  	[dreg:$0x6] =	wrdreg $0x9  }
0xb4: {  	_ =	task.clear_ibuf [dreg:s8], $0x7FFFF;
	_ =	strace $0x90000046  }
0xb5: {  	s29 =	simm.s32 $0x9;
	_ =	strace $0x80000048  }
0xb6: {  	_ =	swait.ge [sflag:s29], $0x1  }
0xb7: {  	[sflag:s29] =	ssyncadd.s32 $0xFFFFFFFF  }
0xb8: {  	_ =	strace $0x90000048  }
0xb9: {  	_ =	sfence  }
0xba: {  	s30 =	sld [smem:$0x0];
	_ =	sdelay $0x2  }
0xbb: {  	s31 =	sshll.u32 s1, $0xD;
	s1 =	sshrl.u32 s1, $0x2  }
0xbc: {  	s3 =	sand.u32 $0x4000, s31;
	s1 =	sadd.s32 s1, s30  }
0xbd: {  	s0 =	sor.u32 s3, s0;
	s1 =	sshll.u32 s1, $0x11  }
0xbe: {  	s0 =	sor.u32 s1, s0  }
0xbf: {  	s0 =	sadd.s32 $0x8F2B, s0  }
0xc0: {  	[sflag:s0] =	ssyncadd.remote.s32 $0x1  }
0xc1: {  	_ =	sfence.sel $0xFFFF  }
0xc2: {  	[dreg:$0x0] =	wrdreg $0xFFFFFFFF;
	(pc) =	sbr.abs _section_cstart, $3  }
0xc3: {  	[dreg:$0x1] =	wrdreg $0xFFFFFFFF  }
0xc4: {  	_ =	task.clear_ibuf [dreg:s8], $0x2FFFF;
	_ =	strace $0x9FFFFFFF  }
0xc5: {  	(tm) =	ssettm $0x7FFFFFFF  }
tec
execute0_lowered:
.L_overlay_start_1:
0x0: {  	(tag) =	ssettag $0x1  }
0x1: {  	s1 =	rddreg [dreg:$0x0]  }
0x2: {  	s0 =	rddreg [dreg:$0x1]  }
0x3: {  	s3 =	rddreg [dreg:$0x2]  }
0x4: {  	s2 =	rddreg [dreg:$0x3];
	s4 =	simm.s32 $0x0;
	s5 =	srdreg.scid  }
0x5: {  	s10 =	stileid.u32;
	[smem:$0x7FF] =	sst s4;
	s5 =	sand.u32 $0x1, s5  }
0x6: {  	s6 =	sadd.s32 $0x400, s3;
	s9 =	sadd.s32 $0x20400, s3;
	s3 =	sadd.s32 $0x48400, s3  }
0x7: {  	s30 =	sshll.u32 s10, $0xD;
	_ =	strace $0x80000047;
	[dreg:$0x5] =	wrdreg s9  }
0x8: {  	s7 =	ssub.s32 $0x2, s5;
	[dreg:$0x6] =	wrdreg s3;
	s13 =	sadd.s32 s0, s30  }
0x9: {  	s12 =	sor.u32 $0x400, s30;
	s11 =	sadd.s32 s6, s30;
	[dreg:$0x8] =	wrdreg s13  }
0xa: {  	p0 =	seq.s32 s5, $0x1;
	s14 =	sadd.s32 s6, s12;
	[dreg:$0x7] =	wrdreg s11  }
0xb: {  	s15 =	sor.u32 $0x800, s30;
	s5 =	sadd.s32 s0, s12;
	[dreg:$0x9] =	wrdreg s14  }
0xc: {  	s16 =	sor.u32 $0xC00, s30;
	s12 =	sadd.s32 s6, s15;
	[dreg:$0xa] =	wrdreg s5  }
0xd: {  	s8 =	smul.u32 $0x50000, s10;
	s17 =	sadd.s32 s6, s16;
	[dreg:$0xb] =	wrdreg s12  }
0xe: {  	s19 =	sor.u32 $0x1000, s30;
	s18 =	sadd.s32 s0, s16;
	[dreg:$0xd] =	wrdreg s17  }
0xf: {  	s20 =	sor.u32 $0x1400, s30;
	s21 =	sadd.s32 s6, s19;
	[dreg:$0xe] =	wrdreg s18  }
0x10: {  	s24 =	sor.u32 $0x1800, s30;
	s22 =	sadd.s32 s6, s20;
	[dreg:$0xf] =	wrdreg s21  }
0x11: {  	s26 =	sshrl.u32 s7, $0x1;
	s23 =	sadd.s32 s0, s20;
	[dreg:$0x11] =	wrdreg s22  }
0x12: {  	s28 =	sshrl.u32 s8, $0x2;
	s25 =	sadd.s32 s6, s24;
	[dreg:$0x12] =	wrdreg s23  }
0x13: {  	s8 =	sor.u32 $0x1C00, s30;
	s5 =	sadd.s32 s0, s15;
	[dreg:$0x13] =	wrdreg s25  }
0x14: {  	s3 =	ssub.s32 s7, s26;
	s26 =	sadd.s32 s6, s8;
	[dreg:$0xc] =	wrdreg s5  }
0x15: {  	s22 =	sadd.s32 $0x400, s11;
	[dreg:$0x15] =	wrdreg s26  }
0x16: {  	s23 =	sadd.s32 $0x800, s11;
	[smem:$0x7F7] =	sst s22  }
0x17: {  	s25 =	sadd.s32 $0x1000, s11;
	[smem:$0x7F8] =	sst s23  }
0x18: {  	s7 =	sadd.s32 s28, s2;
	s5 =	sadd.s32 s0, s19;
	[smem:$0x7FA] =	sst s25  }
0x19: {  	s28 =	sadd.s32 $0x1400, s7;
	[dreg:$0x10] =	wrdreg s5  }
0x1a: {  	s30 =	smax.u32 s3, $0x1;
	[dreg:$0x17] =	wrdreg s28  }
0x1b: {  	s3 =	sadd.s32 $0x2800, s7;
	[dreg:$0x18] =	wrdreg s30  }
0x1c: {  	s6 =	sadd.s32 $0x5000, s7;
	[dreg:$0x19] =	wrdreg s3  }
0x1d: {  	s9 =	sadd.s32 $0x7800, s7;
	[dreg:$0x1b] =	wrdreg s6  }
0x1e: {  	s12 =	sadd.s32 $0x8C00, s7;
	[dreg:$0x1d] =	wrdreg s9  }
0x1f: {  	s29 =	simm.s32 $0x2;
	s13 =	sadd.s32 $0xA000, s7;
	[dreg:$0x1e] =	wrdreg s12  }
0x20: {  	s31 =	simm.s32 $0x6;
	s14 =	sadd.s32 $0xB400, s7;
	[dreg:$0x1f] =	wrdreg s13  }
0x21: {  	s21 =	smul.u32 $0x2800, s10;
	s15 =	sadd.s32 $0xC800, s7;
	[smem:$0x7EF] =	sst s14  }
0x22: {  	s10 =	simm.s32 $0x2100;
	s16 =	sadd.s32 $0xDC00, s7;
	[smem:$0x7F0] =	sst s15  }
0x23: {  	s17 =	sadd.s32 $0xF000, s7;
	s18 =	sadd.s32 $0x10400, s7;
	[smem:$0x7F1] =	sst s16  }
0x24: {  	s19 =	sadd.s32 $0x11800, s7;
	s20 =	sadd.s32 $0x12C00, s7;
	[smem:$0x7F2] =	sst s17  }
0x25: {  	s26 =	sadd.s32 $0x1400, s11;
	s23 =	simm.s32 $0x4000;
	[smem:$0x7F3] =	sst s18  }
0x26: {  	s22 =	simm.s32 $0x6800;
	s25 =	simm.s32 $0x1;
	[smem:$0x7F4] =	sst s19  }
0x27: {  	s5 =	sadd.s32 s0, s24;
	s0 =	sadd.s32 s0, s8;
	[smem:$0x7F5] =	sst s20  }
0x28: {  	s8 =	sadd.s32 $0x6400, s7;
	[smem:$0x7F6] =	sst s21;
	s24 =	sadd.s32 $0xC00, s11  }
0x29: {  	[smem:$0x7FB] =	sst s26;
	s28 =	sadd.s32 $0x1800, s11;
	s30 =	sadd.s32 $0x1C00, s11  }
0x2a: {  	s6 =	simm.s32 $0x9;
	s17 =	simm.s32 $0x2000;
	s18 =	simm.s32 $0x28  }
0x2b: {  	s20 =	simm.s32 $0x5400;
	s26 =	simm.s32 $0x5;
	s9 =	simm.s32 $0x3  }
0x2c: {  	s11 =	simm.s32 $0x7;
	s12 =	simm.s32 $0x300;
	[dreg:$0x14] =	wrdreg s5  }
0x2d: {  	s13 =	simm.s32 $0x4;
	s14 =	simm.s32 $0x2180;
	[dreg:$0x16] =	wrdreg s0  }
.Ltmp0:
0x2e: {  	s15 =	simm.s32 $0x8;
	[dreg:$0x1c] =	wrdreg s8;
	(pc) =	sbr.rel .LBB2_1-.Ltmp0, $4  }
0x2f: {  	s16 =	simm.s32 $0x3E00;
	s19 =	simm.s32 $0x3F00;
	[smem:$0x7F9] =	sst s24  }
0x30: {  	s21 =	simm.s32 $0x3F80;
	s5 =	sadd.s32 $0x3C00, s7;
	[smem:$0x7FC] =	sst s28  }
0x31: {  	[smem:$0x7FD] =	sst s30;
	s24 =	simm.s32 $0x7C00;
	s0 =	simm.s32 $0x280  }
0x32: {  	v0 =	vimm.f32 $0.0e+00;
	v1 =	vimm.f32 $1.000000000e+00;
	s8 =	simm.s32 $0x3E80;
	[dreg:$0x1a] =	wrdreg s5;
	s5 =	simm.s32 $0x1F80  }
.LBB2_20:
0x33: {  	[spmem:s2] =	stream.indirect.scatter.add.f32 [tilespmem:s24], [sflag:$0x8], $0x80, s28, s18, $0xb8;
	[tilespmem:$0x1D000] =	vst v63  }
0x34: {  	_ =	swait.ge [sflag:s15], $0x1400  }
0x35: {  	[sflag:s15] =	ssyncset.done $0x0  }
0x36: {  	[sflag:s15] =	ssyncadd.s32 $0xFFFFEC00  }
0x37: {  	[tilespmem:s24], [sflag:$0x4] =	stream.indirect.gather [hbm4b:s1+s18], $0x80, s5, s18, $0xb8;
	[tilespmem:$0x1D000] =	vst v63  }
0x38: {  	_ =	swait.ge [sflag:s25], $0x1400  }
0x39: {  	[sflag:s25] =	ssyncset.done $0x0  }
0x3a: {  	[sflag:s25] =	ssyncadd.s32 $0xFFFFEC00  }
0x3b: {  	[spmem:s2] =	stream.indirect.scatter.add.f32 [tilespmem:s23], [sflag:$0x5], $0x80, s16, s18, $0xb8;
	[tilespmem:$0x1D000] =	vst v63  }
0x3c: {  	_ =	swait.ge [sflag:s29], $0x1400  }
0x3d: {  	[sflag:s29] =	ssyncset.done $0x0  }
0x3e: {  	[sflag:s29] =	ssyncadd.s32 $0xFFFFEC00  }
0x3f: {  	[spmem:s2] =	stream.indirect.scatter.add.f32 [tilespmem:s20], [sflag:$0x6], $0x80, s8, s18, $0xb8;
	[tilespmem:$0x1D000] =	vst v63  }
0x40: {  	_ =	swait.ge [sflag:s9], $0x1400  }
0x41: {  	[sflag:s9] =	ssyncset.done $0x0  }
0x42: {  	[sflag:s9] =	ssyncadd.s32 $0xFFFFEC00  }
0x43: {  	[spmem:s2] =	stream.indirect.scatter.add.f32 [tilespmem:s22], [sflag:$0x7], $0x80, s19, s18, $0xb8;
	[tilespmem:$0x1D000] =	vst v63  }
0x44: {  	_ =	swait.ge [sflag:s13], $0x1400  }
0x45: {  	[sflag:s13] =	ssyncset.done $0x0  }
0x46: {  	[sflag:s13] =	ssyncadd.s32 $0xFFFFEC00  }
0x47: {  	[spmem:s2] =	stream.indirect.scatter.add.f32 [tilespmem:s24], [sflag:$0x8], $0x80, s21, s18, $0xb8;
	[tilespmem:$0x1D000] =	vst v63  }
0x48: {  	_ =	swait.ge [sflag:s26], $0x1400  }
0x49: {  	[sflag:s26] =	ssyncset.done $0x0  }
0x4a: {  	[sflag:s26] =	ssyncadd.s32 $0xFFFFEC00  }
0x4b: {  	_ =	swait.ge [sflag:s31], $0x1400  }
0x4c: {  	[sflag:s31] =	ssyncset.done $0x0  }
0x4d: {  	[sflag:s31] =	ssyncadd.s32 $0xFFFFEC00  }
0x4e: {  	_ =	swait.ge [sflag:s11], $0x1400  }
0x4f: {  	[sflag:s11] =	ssyncset.done $0x0  }
0x50: {  	[sflag:s11] =	ssyncadd.s32 $0xFFFFEC00  }
0x51: {  	_ =	swait.ge [sflag:s15], $0x1400  }
0x52: {  	[sflag:s15] =	ssyncset.done $0x0  }
0x53: {  	s3 =	rddreg [dreg:$0x5];
	[sflag:s15] =	ssyncadd.s32 $0xFFFFEC00  }
.LBB2_40:
0x54: {  	s28 =	sld [smem:$0x7F6];
	_ =	sdelay $0x1  }
0x55: {  	s30 =	stileid.u32  }
0x56: {  	s3 =	sadd.s32 s3, s28;
	s28 =	sshll.u32 s30, $0x6  }
0x57: {  	[bflag:$0x0] =	sbarrier.arrive $0xFFFF;
	s30 =	sshrl.u32 s7, $0x3;
	s28 =	sor.u32 $0x1C09, s28  }
0x58: {  	[hbm:s3], [sflag:s28] =	dma.local [spmem:s30], $0x2800  }
0x59: {  	_ =	swait.ge [sflag:s6], $0x2800  }
0x5a: {  	s4 =	sadd.s32 $0x1, s4;
	s30 =	rddreg [dreg:$0x18]  }
0x5b: {  	p1 =	sne.s32 s4, s30  }
.Ltmp1:
0x5c: {  	_ = 	snop;
	(pc) =	sbr.rel @!p1 .LBB2_41-.Ltmp1, $3  }
0x5d: {  	_ =	sdelay $0x1  }
0x5e: {  	[sflag:s6] =	ssyncset.done $0x0  }
0x5f: {  	[sflag:s6] =	ssyncadd.s32 $0xFFFFD800  }
.LBB2_1:
0x60: {  	s3 =	simm.s32 $0x0;
	s28 =	simm.s32 $0x200  }
.LBB2_2:
0x61: {  	p1 =	sne.s32 s28, $0x4E00;
	[tilespmem:s3+$0x4070] =	vst v0  }
0x62: {  	[tilespmem:s3+$0x4000] =	vst v0  }
0x63: {  	[tilespmem:s3+$0x4010] =	vst v0  }
.Ltmp2:
0x64: {  	[tilespmem:s3+$0x4020] =	vst v0;
	(pc) =	sbr.rel @p1 .LBB2_2-.Ltmp2, $4  }
0x65: {  	[tilespmem:s3+$0x4030] =	vst v0  }
0x66: {  	[tilespmem:s3+$0x4040] =	vst v0  }
0x67: {  	[tilespmem:s3+$0x4050] =	vst v0  }
0x68: {  	[tilespmem:s3+$0x4060] =	vst v0;
	s3 =	sshra.s32 s28, $0x2;
	s28 =	sadd.s32 $0x200, s28  }
0x69: {  	[tilespmem:s3+$0x4070] =	vst v0  }
0x6a: {  	[tilespmem:s3+$0x4000] =	vst v0  }
0x6b: {  	[tilespmem:s3+$0x4010] =	vst v0  }
0x6c: {  	[tilespmem:s3+$0x4020] =	vst v0  }
0x6d: {  	[tilespmem:s3+$0x4030] =	vst v0  }
0x6e: {  	[tilespmem:s3+$0x4040] =	vst v0  }
0x6f: {  	[tilespmem:s3+$0x4050] =	vst v0  }
0x70: {  	[tilespmem:s3+$0x4060] =	vst v0  }
0x71: {  	[spmem:s7] =	stream.linear.scatter [tilespmem:s23], [sflag:$0x9], $0x1400, $0x38;
	[tilespmem:$0x1D000] =	vst v63  }
0x72: {  	_ =	swait.ge [sflag:s6], $0x1400  }
0x73: {  	[sflag:s6] =	ssyncset.done $0x0  }
0x74: {  	s30 =	rddreg [dreg:$0x17];
	[sflag:s6] =	ssyncadd.s32 $0xFFFFEC00  }
0x75: {  	[spmem:s30] =	stream.linear.scatter [tilespmem:s23], [sflag:$0x9], $0x1400, $0x38;
	[tilespmem:$0x1D000] =	vst v63  }
0x76: {  	_ =	swait.ge [sflag:s6], $0x1400  }
0x77: {  	[sflag:s6] =	ssyncset.done $0x0  }
0x78: {  	s30 =	rddreg [dreg:$0x19];
	[sflag:s6] =	ssyncadd.s32 $0xFFFFEC00  }
0x79: {  	[spmem:s30] =	stream.linear.scatter [tilespmem:s23], [sflag:$0x9], $0x1400, $0x38;
	[tilespmem:$0x1D000] =	vst v63  }
0x7a: {  	_ =	swait.ge [sflag:s6], $0x1400  }
0x7b: {  	[sflag:s6] =	ssyncset.done $0x0  }
0x7c: {  	s30 =	rddreg [dreg:$0x1a];
	[sflag:s6] =	ssyncadd.s32 $0xFFFFEC00  }
0x7d: {  	[spmem:s30] =	stream.linear.scatter [tilespmem:s23], [sflag:$0x9], $0x1400, $0x38;
	[tilespmem:$0x1D000] =	vst v63  }
0x7e: {  	_ =	swait.ge [sflag:s6], $0x1400  }
0x7f: {  	[sflag:s6] =	ssyncset.done $0x0  }
0x80: {  	s30 =	rddreg [dreg:$0x1b];
	[sflag:s6] =	ssyncadd.s32 $0xFFFFEC00  }
0x81: {  	[spmem:s30] =	stream.linear.scatter [tilespmem:s23], [sflag:$0x9], $0x1400, $0x38;
	[tilespmem:$0x1D000] =	vst v63  }
0x82: {  	_ =	swait.ge [sflag:s6], $0x1400  }
0x83: {  	[sflag:s6] =	ssyncset.done $0x0  }
0x84: {  	s30 =	rddreg [dreg:$0x1c];
	[sflag:s6] =	ssyncadd.s32 $0xFFFFEC00  }
0x85: {  	[spmem:s30] =	stream.linear.scatter [tilespmem:s23], [sflag:$0x9], $0x1400, $0x38;
	[tilespmem:$0x1D000] =	vst v63  }
0x86: {  	_ =	swait.ge [sflag:s6], $0x1400  }
0x87: {  	[sflag:s6] =	ssyncset.done $0x0  }
0x88: {  	s30 =	rddreg [dreg:$0x1d];
	[sflag:s6] =	ssyncadd.s32 $0xFFFFEC00  }
0x89: {  	[spmem:s30] =	stream.linear.scatter [tilespmem:s23], [sflag:$0x9], $0x1400, $0x38;
	[tilespmem:$0x1D000] =	vst v63  }
0x8a: {  	_ =	swait.ge [sflag:s6], $0x1400  }
0x8b: {  	[sflag:s6] =	ssyncset.done $0x0  }
0x8c: {  	s30 =	rddreg [dreg:$0x1e];
	[sflag:s6] =	ssyncadd.s32 $0xFFFFEC00  }
0x8d: {  	[spmem:s30] =	stream.linear.scatter [tilespmem:s23], [sflag:$0x9], $0x1400, $0x38;
	[tilespmem:$0x1D000] =	vst v63  }
0x8e: {  	_ =	swait.ge [sflag:s6], $0x1400  }
0x8f: {  	[sflag:s6] =	ssyncset.done $0x0  }
0x90: {  	s30 =	rddreg [dreg:$0x1f];
	[sflag:s6] =	ssyncadd.s32 $0xFFFFEC00  }
0x91: {  	[spmem:s30] =	stream.linear.scatter [tilespmem:s23], [sflag:$0x9], $0x1400, $0x38;
	[tilespmem:$0x1D000] =	vst v63  }
0x92: {  	_ =	swait.ge [sflag:s6], $0x1400  }
0x93: {  	s30 =	sld [smem:$0x7EF]  }
0x94: {  	[sflag:s6] =	ssyncset.done $0x0  }
0x95: {  	[sflag:s6] =	ssyncadd.s32 $0xFFFFEC00  }
0x96: {  	[spmem:s30] =	stream.linear.scatter [tilespmem:s23], [sflag:$0x9], $0x1400, $0x38;
	[tilespmem:$0x1D000] =	vst v63  }
0x97: {  	_ =	swait.ge [sflag:s6], $0x1400  }
0x98: {  	s30 =	sld [smem:$0x7F0]  }
0x99: {  	[sflag:s6] =	ssyncset.done $0x0  }
0x9a: {  	[sflag:s6] =	ssyncadd.s32 $0xFFFFEC00  }
0x9b: {  	[spmem:s30] =	stream.linear.scatter [tilespmem:s23], [sflag:$0x9], $0x1400, $0x38;
	[tilespmem:$0x1D000] =	vst v63  }
0x9c: {  	_ =	swait.ge [sflag:s6], $0x1400  }
0x9d: {  	s30 =	sld [smem:$0x7F1]  }
0x9e: {  	[sflag:s6] =	ssyncset.done $0x0  }
0x9f: {  	[sflag:s6] =	ssyncadd.s32 $0xFFFFEC00  }
0xa0: {  	[spmem:s30] =	stream.linear.scatter [tilespmem:s23], [sflag:$0x9], $0x1400, $0x38;
	[tilespmem:$0x1D000] =	vst v63  }
0xa1: {  	_ =	swait.ge [sflag:s6], $0x1400  }
0xa2: {  	s30 =	sld [smem:$0x7F2]  }
0xa3: {  	[sflag:s6] =	ssyncset.done $0x0  }
0xa4: {  	[sflag:s6] =	ssyncadd.s32 $0xFFFFEC00  }
0xa5: {  	[spmem:s30] =	stream.linear.scatter [tilespmem:s23], [sflag:$0x9], $0x1400, $0x38;
	[tilespmem:$0x1D000] =	vst v63  }
0xa6: {  	_ =	swait.ge [sflag:s6], $0x1400  }
0xa7: {  	s30 =	sld [smem:$0x7F3]  }
0xa8: {  	[sflag:s6] =	ssyncset.done $0x0  }
0xa9: {  	[sflag:s6] =	ssyncadd.s32 $0xFFFFEC00  }
0xaa: {  	[spmem:s30] =	stream.linear.scatter [tilespmem:s23], [sflag:$0x9], $0x1400, $0x38;
	[tilespmem:$0x1D000] =	vst v63  }
0xab: {  	_ =	swait.ge [sflag:s6], $0x1400  }
0xac: {  	s30 =	sld [smem:$0x7F4]  }
0xad: {  	[sflag:s6] =	ssyncset.done $0x0  }
0xae: {  	[sflag:s6] =	ssyncadd.s32 $0xFFFFEC00  }
0xaf: {  	[spmem:s30] =	stream.linear.scatter [tilespmem:s23], [sflag:$0x9], $0x1400, $0x38;
	[tilespmem:$0x1D000] =	vst v63  }
0xb0: {  	_ =	swait.ge [sflag:s6], $0x1400  }
0xb1: {  	s30 =	sld [smem:$0x7F5]  }
0xb2: {  	[sflag:s6] =	ssyncset.done $0x0  }
0xb3: {  	[sflag:s6] =	ssyncadd.s32 $0xFFFFEC00  }
0xb4: {  	[spmem:s30] =	stream.linear.scatter [tilespmem:s23], [sflag:$0x9], $0x1400, $0x38;
	[tilespmem:$0x1D000] =	vst v63  }
.Ltmp3:
0xb5: {  	_ =	swait.ge [sflag:s6], $0x1400;
	(pc) =	sbr.rel @!p0 .LBB2_4-.Ltmp3, $4  }
0xb6: {  	[sflag:s6] =	ssyncset.done $0x0  }
0xb7: {  	[sflag:s6] =	ssyncadd.s32 $0xFFFFEC00  }
0xb8: {  	[bflag:$0x0] =	sbarrier.arrive $0xFFFF  }
0xb9: {  	s28 =	simm.s32 $0x0  }
0xba: {  	s3 =	sshra.s32 s28, $0x2;
	s28 =	sadd.s32 $0x200, s28  }
.LBB2_22:
0xbb: {  	p1 =	sne.s32 s28, $0x4E00;
	[tilespmem:s3+$0x4070] =	vst v1  }
0xbc: {  	[tilespmem:s3+$0x4000] =	vst v1  }
0xbd: {  	[tilespmem:s3+$0x4010] =	vst v1  }
.Ltmp4:
0xbe: {  	[tilespmem:s3+$0x4020] =	vst v1;
	(pc) =	sbr.rel @p1 .LBB2_22-.Ltmp4, $4  }
0xbf: {  	[tilespmem:s3+$0x4030] =	vst v1  }
0xc0: {  	[tilespmem:s3+$0x4040] =	vst v1  }
0xc1: {  	[tilespmem:s3+$0x4050] =	vst v1  }
0xc2: {  	[tilespmem:s3+$0x4060] =	vst v1;
	s3 =	sshra.s32 s28, $0x2;
	s28 =	sadd.s32 $0x200, s28  }
0xc3: {  	[tilespmem:s3+$0x4070] =	vst v1  }
0xc4: {  	[tilespmem:s3+$0x4000] =	vst v1  }
0xc5: {  	[tilespmem:s3+$0x4010] =	vst v1  }
0xc6: {  	[tilespmem:s3+$0x4020] =	vst v1  }
0xc7: {  	[tilespmem:s3+$0x4030] =	vst v1  }
0xc8: {  	[tilespmem:s3+$0x4040] =	vst v1  }
0xc9: {  	[tilespmem:s3+$0x4050] =	vst v1  }
0xca: {  	[tilespmem:s3+$0x4060] =	vst v1;
	s30 =	simm.s32 $0x0;
	s28 =	rddreg [dreg:$0x7]  }
0xcb: {  	[tilespmem:s17], [sflag:$0x9] =	stream.linear.gather [hbm4b:s28+s30], $0x2000, $0x38;
	[tilespmem:$0x1D000] =	vst v63  }
0xcc: {  	_ =	swait.ge [sflag:s6], $0x2000  }
0xcd: {  	[sflag:s6] =	ssyncset.done $0x0  }
0xce: {  	s30 =	simm.s32 $0x2000;
	[sflag:s6] =	ssyncadd.s32 $0xFFFFE000  }
0xcf: {  	[spmem:s2] =	stream.indirect.scatter.add.f32 [tilespmem:s23], [sflag:$0x9], $0x80, s30, s18, $0xb8;
	[tilespmem:$0x1D000] =	vst v63  }
0xd0: {  	s3 =	simm.s32 $0x200;
	_ =	swait.ge [sflag:s6], $0x1400  }
.LBB2_24:
0xd1: {  	s28 =	sshra.s32 s3, $0x2;
	[sflag:s6] =	ssyncset.done $0x0;
	p1 =	sne.s32 s3, $0x7E00  }
.Ltmp5:
0xd2: {  	s28 =	sadd.s32 $0x2000, s28;
	[sflag:s6] =	ssyncadd.s32 $0xFFFFEC00;
	(pc) =	sbr.rel @p1 .LBB2_24-.Ltmp5, $3  }
0xd3: {  	[spmem:s2] =	stream.indirect.scatter.add.f32 [tilespmem:s23], [sflag:$0x9], $0x80, s28, s18, $0xb8;
	[tilespmem:$0x1D000] =	vst v63  }
0xd4: {  	s3 =	sadd.s32 $0x200, s3;
	_ =	sdelay $0x1  }
0xd5: {  	_ =	swait.ge [sflag:s6], $0x1400  }
0xd6: {  	s28 =	sld [smem:$0x7F7]  }
0xd7: {  	[sflag:s6] =	ssyncset.done $0x0  }
0xd8: {  	s3 =	simm.s32 $0x0;
	[sflag:s6] =	ssyncadd.s32 $0xFFFFEC00  }
0xd9: {  	[tilespmem:s17], [sflag:$0x9] =	stream.linear.gather [hbm4b:s28+s3], $0x2000, $0x38;
	[tilespmem:$0x1D000] =	vst v63  }
0xda: {  	_ =	swait.ge [sflag:s6], $0x2000  }
0xdb: {  	[sflag:s6] =	ssyncset.done $0x0  }
0xdc: {  	s30 =	simm.s32 $0x2000;
	[sflag:s6] =	ssyncadd.s32 $0xFFFFE000  }
0xdd: {  	[spmem:s2] =	stream.indirect.scatter.add.f32 [tilespmem:s23], [sflag:$0x9], $0x80, s30, s18, $0xb8;
	[tilespmem:$0x1D000] =	vst v63  }
0xde: {  	s3 =	simm.s32 $0x200;
	_ =	swait.ge [sflag:s6], $0x1400  }
.LBB2_26:
0xdf: {  	s28 =	sshra.s32 s3, $0x2;
	[sflag:s6] =	ssyncset.done $0x0;
	p1 =	sne.s32 s3, $0x7E00  }
.Ltmp6:
0xe0: {  	s28 =	sadd.s32 $0x2000, s28;
	[sflag:s6] =	ssyncadd.s32 $0xFFFFEC00;
	(pc) =	sbr.rel @p1 .LBB2_26-.Ltmp6, $3  }
0xe1: {  	[spmem:s2] =	stream.indirect.scatter.add.f32 [tilespmem:s23], [sflag:$0x9], $0x80, s28, s18, $0xb8;
	[tilespmem:$0x1D000] =	vst v63  }
0xe2: {  	s3 =	sadd.s32 $0x200, s3;
	_ =	sdelay $0x1  }
0xe3: {  	_ =	swait.ge [sflag:s6], $0x1400  }
0xe4: {  	s28 =	sld [smem:$0x7F8]  }
0xe5: {  	[sflag:s6] =	ssyncset.done $0x0  }
0xe6: {  	s3 =	simm.s32 $0x0;
	[sflag:s6] =	ssyncadd.s32 $0xFFFFEC00  }
0xe7: {  	[tilespmem:s17], [sflag:$0x9] =	stream.linear.gather [hbm4b:s28+s3], $0x2000, $0x38;
	[tilespmem:$0x1D000] =	vst v63  }
0xe8: {  	_ =	swait.ge [sflag:s6], $0x2000  }
0xe9: {  	[sflag:s6] =	ssyncset.done $0x0  }
0xea: {  	s30 =	simm.s32 $0x2000;
	[sflag:s6] =	ssyncadd.s32 $0xFFFFE000  }
0xeb: {  	[spmem:s2] =	stream.indirect.scatter.add.f32 [tilespmem:s23], [sflag:$0x9], $0x80, s30, s18, $0xb8;
	[tilespmem:$0x1D000] =	vst v63  }
0xec: {  	s3 =	simm.s32 $0x200;
	_ =	swait.ge [sflag:s6], $0x1400  }
.LBB2_28:
0xed: {  	s28 =	sshra.s32 s3, $0x2;
	[sflag:s6] =	ssyncset.done $0x0;
	p1 =	sne.s32 s3, $0x7E00  }
.Ltmp7:
0xee: {  	s28 =	sadd.s32 $0x2000, s28;
	[sflag:s6] =	ssyncadd.s32 $0xFFFFEC00;
	(pc) =	sbr.rel @p1 .LBB2_28-.Ltmp7, $3  }
0xef: {  	[spmem:s2] =	stream.indirect.scatter.add.f32 [tilespmem:s23], [sflag:$0x9], $0x80, s28, s18, $0xb8;
	[tilespmem:$0x1D000] =	vst v63  }
0xf0: {  	s3 =	sadd.s32 $0x200, s3;
	_ =	sdelay $0x1  }
0xf1: {  	_ =	swait.ge [sflag:s6], $0x1400  }
0xf2: {  	s28 =	sld [smem:$0x7F9]  }
0xf3: {  	[sflag:s6] =	ssyncset.done $0x0  }
0xf4: {  	s3 =	simm.s32 $0x0;
	[sflag:s6] =	ssyncadd.s32 $0xFFFFEC00  }
0xf5: {  	[tilespmem:s17], [sflag:$0x9] =	stream.linear.gather [hbm4b:s28+s3], $0x2000, $0x38;
	[tilespmem:$0x1D000] =	vst v63  }
0xf6: {  	_ =	swait.ge [sflag:s6], $0x2000  }
0xf7: {  	[sflag:s6] =	ssyncset.done $0x0  }
0xf8: {  	s30 =	simm.s32 $0x2000;
	[sflag:s6] =	ssyncadd.s32 $0xFFFFE000  }
0xf9: {  	[spmem:s2] =	stream.indirect.scatter.add.f32 [tilespmem:s23], [sflag:$0x9], $0x80, s30, s18, $0xb8;
	[tilespmem:$0x1D000] =	vst v63  }
0xfa: {  	s3 =	simm.s32 $0x200;
	_ =	swait.ge [sflag:s6], $0x1400  }
.LBB2_30:
0xfb: {  	s28 =	sshra.s32 s3, $0x2;
	[sflag:s6] =	ssyncset.done $0x0;
	p1 =	sne.s32 s3, $0x7E00  }
.Ltmp8:
0xfc: {  	s28 =	sadd.s32 $0x2000, s28;
	[sflag:s6] =	ssyncadd.s32 $0xFFFFEC00;
	(pc) =	sbr.rel @p1 .LBB2_30-.Ltmp8, $3  }
0xfd: {  	[spmem:s2] =	stream.indirect.scatter.add.f32 [tilespmem:s23], [sflag:$0x9], $0x80, s28, s18, $0xb8;
	[tilespmem:$0x1D000] =	vst v63  }
0xfe: {  	s3 =	sadd.s32 $0x200, s3;
	_ =	sdelay $0x1  }
0xff: {  	_ =	swait.ge [sflag:s6], $0x1400  }
0x100: {  	s28 =	sld [smem:$0x7FA]  }
0x101: {  	[sflag:s6] =	ssyncset.done $0x0  }
0x102: {  	s3 =	simm.s32 $0x0;
	[sflag:s6] =	ssyncadd.s32 $0xFFFFEC00  }
0x103: {  	[tilespmem:s17], [sflag:$0x9] =	stream.linear.gather [hbm4b:s28+s3], $0x2000, $0x38;
	[tilespmem:$0x1D000] =	vst v63  }
0x104: {  	_ =	swait.ge [sflag:s6], $0x2000  }
0x105: {  	[sflag:s6] =	ssyncset.done $0x0  }
0x106: {  	s30 =	simm.s32 $0x2000;
	[sflag:s6] =	ssyncadd.s32 $0xFFFFE000  }
0x107: {  	[spmem:s2] =	stream.indirect.scatter.add.f32 [tilespmem:s23], [sflag:$0x9], $0x80, s30, s18, $0xb8;
	[tilespmem:$0x1D000] =	vst v63  }
0x108: {  	s3 =	simm.s32 $0x200;
	_ =	swait.ge [sflag:s6], $0x1400  }
.LBB2_32:
0x109: {  	s28 =	sshra.s32 s3, $0x2;
	[sflag:s6] =	ssyncset.done $0x0;
	p1 =	sne.s32 s3, $0x7E00  }
.Ltmp9:
0x10a: {  	s28 =	sadd.s32 $0x2000, s28;
	[sflag:s6] =	ssyncadd.s32 $0xFFFFEC00;
	(pc) =	sbr.rel @p1 .LBB2_32-.Ltmp9, $3  }
0x10b: {  	[spmem:s2] =	stream.indirect.scatter.add.f32 [tilespmem:s23], [sflag:$0x9], $0x80, s28, s18, $0xb8;
	[tilespmem:$0x1D000] =	vst v63  }
0x10c: {  	s3 =	sadd.s32 $0x200, s3;
	_ =	sdelay $0x1  }
0x10d: {  	_ =	swait.ge [sflag:s6], $0x1400  }
0x10e: {  	s28 =	sld [smem:$0x7FB]  }
0x10f: {  	[sflag:s6] =	ssyncset.done $0x0  }
0x110: {  	s3 =	simm.s32 $0x0;
	[sflag:s6] =	ssyncadd.s32 $0xFFFFEC00  }
0x111: {  	[tilespmem:s17], [sflag:$0x9] =	stream.linear.gather [hbm4b:s28+s3], $0x2000, $0x38;
	[tilespmem:$0x1D000] =	vst v63  }
0x112: {  	_ =	swait.ge [sflag:s6], $0x2000  }
0x113: {  	[sflag:s6] =	ssyncset.done $0x0  }
0x114: {  	s30 =	simm.s32 $0x2000;
	[sflag:s6] =	ssyncadd.s32 $0xFFFFE000  }
0x115: {  	[spmem:s2] =	stream.indirect.scatter.add.f32 [tilespmem:s23], [sflag:$0x9], $0x80, s30, s18, $0xb8;
	[tilespmem:$0x1D000] =	vst v63  }
0x116: {  	s3 =	simm.s32 $0x200;
	_ =	swait.ge [sflag:s6], $0x1400  }
.LBB2_34:
0x117: {  	s28 =	sshra.s32 s3, $0x2;
	[sflag:s6] =	ssyncset.done $0x0;
	p1 =	sne.s32 s3, $0x7E00  }
.Ltmp10:
0x118: {  	s28 =	sadd.s32 $0x2000, s28;
	[sflag:s6] =	ssyncadd.s32 $0xFFFFEC00;
	(pc) =	sbr.rel @p1 .LBB2_34-.Ltmp10, $3  }
0x119: {  	[spmem:s2] =	stream.indirect.scatter.add.f32 [tilespmem:s23], [sflag:$0x9], $0x80, s28, s18, $0xb8;
	[tilespmem:$0x1D000] =	vst v63  }
0x11a: {  	s3 =	sadd.s32 $0x200, s3;
	_ =	sdelay $0x1  }
0x11b: {  	_ =	swait.ge [sflag:s6], $0x1400  }
0x11c: {  	s28 =	sld [smem:$0x7FC]  }
0x11d: {  	[sflag:s6] =	ssyncset.done $0x0  }
0x11e: {  	s3 =	simm.s32 $0x0;
	[sflag:s6] =	ssyncadd.s32 $0xFFFFEC00  }
0x11f: {  	[tilespmem:s17], [sflag:$0x9] =	stream.linear.gather [hbm4b:s28+s3], $0x2000, $0x38;
	[tilespmem:$0x1D000] =	vst v63  }
0x120: {  	_ =	swait.ge [sflag:s6], $0x2000  }
0x121: {  	[sflag:s6] =	ssyncset.done $0x0  }
0x122: {  	s30 =	simm.s32 $0x2000;
	[sflag:s6] =	ssyncadd.s32 $0xFFFFE000  }
0x123: {  	[spmem:s2] =	stream.indirect.scatter.add.f32 [tilespmem:s23], [sflag:$0x9], $0x80, s30, s18, $0xb8;
	[tilespmem:$0x1D000] =	vst v63  }
0x124: {  	s3 =	simm.s32 $0x200;
	_ =	swait.ge [sflag:s6], $0x1400  }
.LBB2_36:
0x125: {  	s28 =	sshra.s32 s3, $0x2;
	[sflag:s6] =	ssyncset.done $0x0;
	p1 =	sne.s32 s3, $0x7E00  }
.Ltmp11:
0x126: {  	s28 =	sadd.s32 $0x2000, s28;
	[sflag:s6] =	ssyncadd.s32 $0xFFFFEC00;
	(pc) =	sbr.rel @p1 .LBB2_36-.Ltmp11, $3  }
0x127: {  	[spmem:s2] =	stream.indirect.scatter.add.f32 [tilespmem:s23], [sflag:$0x9], $0x80, s28, s18, $0xb8;
	[tilespmem:$0x1D000] =	vst v63  }
0x128: {  	s3 =	sadd.s32 $0x200, s3;
	_ =	sdelay $0x1  }
0x129: {  	_ =	swait.ge [sflag:s6], $0x1400  }
0x12a: {  	s28 =	sld [smem:$0x7FD]  }
0x12b: {  	[sflag:s6] =	ssyncset.done $0x0  }
0x12c: {  	s3 =	simm.s32 $0x0;
	[sflag:s6] =	ssyncadd.s32 $0xFFFFEC00  }
0x12d: {  	[tilespmem:s17], [sflag:$0x9] =	stream.linear.gather [hbm4b:s28+s3], $0x2000, $0x38;
	[tilespmem:$0x1D000] =	vst v63  }
0x12e: {  	_ =	swait.ge [sflag:s6], $0x2000  }
0x12f: {  	[sflag:s6] =	ssyncset.done $0x0  }
0x130: {  	s30 =	simm.s32 $0x2000;
	[sflag:s6] =	ssyncadd.s32 $0xFFFFE000  }
0x131: {  	[spmem:s2] =	stream.indirect.scatter.add.f32 [tilespmem:s23], [sflag:$0x9], $0x80, s30, s18, $0xb8;
	[tilespmem:$0x1D000] =	vst v63  }
0x132: {  	s3 =	simm.s32 $0x200;
	_ =	swait.ge [sflag:s6], $0x1400  }
.LBB2_38:
0x133: {  	s28 =	sshra.s32 s3, $0x2;
	[sflag:s6] =	ssyncset.done $0x0;
	p1 =	sne.s32 s3, $0x7E00  }
.Ltmp12:
0x134: {  	s28 =	sadd.s32 $0x2000, s28;
	[sflag:s6] =	ssyncadd.s32 $0xFFFFEC00;
	(pc) =	sbr.rel @p1 .LBB2_38-.Ltmp12, $3  }
0x135: {  	[spmem:s2] =	stream.indirect.scatter.add.f32 [tilespmem:s23], [sflag:$0x9], $0x80, s28, s18, $0xb8;
	[tilespmem:$0x1D000] =	vst v63  }
0x136: {  	s3 =	sadd.s32 $0x200, s3;
	_ =	sdelay $0x1  }
0x137: {  	_ =	swait.ge [sflag:s6], $0x1400  }
.Ltmp13:
0x138: {  	(pc) =	sbr.rel .LBB2_40-.Ltmp13, $3  }
0x139: {  	_ =	sdelay $0x1  }
0x13a: {  	[sflag:s6] =	ssyncset.done $0x0  }
0x13b: {  	s3 =	rddreg [dreg:$0x6];
	[sflag:s6] =	ssyncadd.s32 $0xFFFFEC00  }
.LBB2_4:
0x13c: {  	s3 =	simm.s32 $0x0;
	s28 =	rddreg [dreg:$0x7]  }
0x13d: {  	[tilespmem:s17], [sflag:$0x9] =	stream.linear.gather [hbm4b:s28+s3], $0x2000, $0x38;
	[tilespmem:$0x1D000] =	vst v63  }
0x13e: {  	_ =	swait.ge [sflag:s6], $0x2000  }
0x13f: {  	[sflag:s6] =	ssyncset.done $0x0  }
0x140: {  	s28 =	rddreg [dreg:$0x8];
	[sflag:s6] =	ssyncadd.s32 $0xFFFFE000  }
0x141: {  	[tilespmem:s3], [sflag:$0x9] =	stream.linear.gather [hbm4b:s28+s3], $0x2000, $0x38;
	[tilespmem:$0x1D000] =	vst v63  }
0x142: {  	_ =	swait.ge [sflag:s6], $0x2000  }
0x143: {  	[sflag:s6] =	ssyncset.done $0x0  }
0x144: {  	[sflag:s6] =	ssyncadd.s32 $0xFFFFE000  }
0x145: {  	[tilespmem:s23], [sflag:$0x1] =	stream.indirect.gather [hbm4b:s1+s18], $0x80, s3, s18, $0xb8;
	[tilespmem:$0x1D000] =	vst v63  }
0x146: {  	s30 =	simm.s32 $0x80  }
0x147: {  	[tilespmem:s20], [sflag:$0x2] =	stream.indirect.gather [hbm4b:s1+s18], $0x80, s30, s18, $0xb8;
	[tilespmem:$0x1D000] =	vst v63  }
0x148: {  	s30 =	simm.s32 $0x100  }
0x149: {  	[tilespmem:s22], [sflag:$0x3] =	stream.indirect.gather [hbm4b:s1+s18], $0x80, s30, s18, $0xb8;
	[tilespmem:$0x1D000] =	vst v63  }
0x14a: {  	s30 =	simm.s32 $0x180  }
0x14b: {  	[tilespmem:s24], [sflag:$0x4] =	stream.indirect.gather [hbm4b:s1+s18], $0x80, s30, s18, $0xb8;
	[tilespmem:$0x1D000] =	vst v63  }
0x14c: {  	_ =	swait.ge [sflag:s25], $0x1400  }
0x14d: {  	[sflag:s25] =	ssyncset.done $0x0  }
0x14e: {  	[sflag:s25] =	ssyncadd.s32 $0xFFFFEC00  }
0x14f: {  	[spmem:s2] =	stream.indirect.scatter.add.f32 [tilespmem:s23], [sflag:$0x5], $0x80, s17, s18, $0xb8;
	[tilespmem:$0x1D000] =	vst v63  }
0x150: {  	_ =	swait.ge [sflag:s26], $0x1400  }
0x151: {  	[sflag:s26] =	ssyncset.done $0x0  }
0x152: {  	s30 =	simm.s32 $0x200;
	[sflag:s26] =	ssyncadd.s32 $0xFFFFEC00  }
0x153: {  	[tilespmem:s23], [sflag:$0x1] =	stream.indirect.gather [hbm4b:s1+s18], $0x80, s30, s18, $0xb8;
	[tilespmem:$0x1D000] =	vst v63  }
0x154: {  	_ =	swait.ge [sflag:s29], $0x1400  }
0x155: {  	[sflag:s29] =	ssyncset.done $0x0  }
0x156: {  	s30 =	simm.s32 $0x2080;
	[sflag:s29] =	ssyncadd.s32 $0xFFFFEC00  }
0x157: {  	[spmem:s2] =	stream.indirect.scatter.add.f32 [tilespmem:s20], [sflag:$0x6], $0x80, s30, s18, $0xb8;
	[tilespmem:$0x1D000] =	vst v63  }
0x158: {  	_ =	swait.ge [sflag:s31], $0x1400  }
0x159: {  	[sflag:s31] =	ssyncset.done $0x0  }
0x15a: {  	[sflag:s31] =	ssyncadd.s32 $0xFFFFEC00  }
0x15b: {  	[tilespmem:s20], [sflag:$0x2] =	stream.indirect.gather [hbm4b:s1+s18], $0x80, s0, s18, $0xb8;
	[tilespmem:$0x1D000] =	vst v63  }
0x15c: {  	_ =	swait.ge [sflag:s9], $0x1400  }
0x15d: {  	[sflag:s9] =	ssyncset.done $0x0  }
0x15e: {  	[sflag:s9] =	ssyncadd.s32 $0xFFFFEC00  }
0x15f: {  	[spmem:s2] =	stream.indirect.scatter.add.f32 [tilespmem:s22], [sflag:$0x7], $0x80, s10, s18, $0xb8;
	[tilespmem:$0x1D000] =	vst v63  }
0x160: {  	_ =	swait.ge [sflag:s11], $0x1400  }
0x161: {  	[sflag:s11] =	ssyncset.done $0x0  }
0x162: {  	[sflag:s11] =	ssyncadd.s32 $0xFFFFEC00  }
0x163: {  	[tilespmem:s22], [sflag:$0x3] =	stream.indirect.gather [hbm4b:s1+s18], $0x80, s12, s18, $0xb8;
	[tilespmem:$0x1D000] =	vst v63  }
0x164: {  	_ =	swait.ge [sflag:s13], $0x1400  }
0x165: {  	[sflag:s13] =	ssyncset.done $0x0  }
0x166: {  	[sflag:s13] =	ssyncadd.s32 $0xFFFFEC00  }
0x167: {  	[spmem:s2] =	stream.indirect.scatter.add.f32 [tilespmem:s24], [sflag:$0x8], $0x80, s14, s18, $0xb8;
	[tilespmem:$0x1D000] =	vst v63  }
0x168: {  	_ =	swait.ge [sflag:s15], $0x1400  }
0x169: {  	[sflag:s15] =	ssyncset.done $0x0  }
0x16a: {  	s30 =	simm.s32 $0x380;
	[sflag:s15] =	ssyncadd.s32 $0xFFFFEC00  }
0x16b: {  	[tilespmem:s24], [sflag:$0x4] =	stream.indirect.gather [hbm4b:s1+s18], $0x80, s30, s18, $0xb8;
	[tilespmem:$0x1D000] =	vst v63  }
0x16c: {  	_ =	swait.ge [sflag:s25], $0x1400  }
0x16d: {  	[sflag:s25] =	ssyncset.done $0x0  }
0x16e: {  	s30 =	simm.s32 $0x2200;
	[sflag:s25] =	ssyncadd.s32 $0xFFFFEC00  }
0x16f: {  	[spmem:s2] =	stream.indirect.scatter.add.f32 [tilespmem:s23], [sflag:$0x5], $0x80, s30, s18, $0xb8;
	[tilespmem:$0x1D000] =	vst v63  }
0x170: {  	_ =	swait.ge [sflag:s26], $0x1400  }
0x171: {  	[sflag:s26] =	ssyncset.done $0x0  }
0x172: {  	s30 =	simm.s32 $0x400;
	[sflag:s26] =	ssyncadd.s32 $0xFFFFEC00  }
0x173: {  	[tilespmem:s23], [sflag:$0x1] =	stream.indirect.gather [hbm4b:s1+s18], $0x80, s30, s18, $0xb8;
	[tilespmem:$0x1D000] =	vst v63  }
0x174: {  	_ =	swait.ge [sflag:s29], $0x1400  }
0x175: {  	[sflag:s29] =	ssyncset.done $0x0  }
0x176: {  	s30 =	simm.s32 $0x2280;
	[sflag:s29] =	ssyncadd.s32 $0xFFFFEC00  }
0x177: {  	[spmem:s2] =	stream.indirect.scatter.add.f32 [tilespmem:s20], [sflag:$0x6], $0x80, s30, s18, $0xb8;
	[tilespmem:$0x1D000] =	vst v63  }
0x178: {  	_ =	swait.ge [sflag:s31], $0x1400  }
0x179: {  	[sflag:s31] =	ssyncset.done $0x0  }
0x17a: {  	s30 =	simm.s32 $0x480;
	[sflag:s31] =	ssyncadd.s32 $0xFFFFEC00  }
0x17b: {  	[tilespmem:s20], [sflag:$0x2] =	stream.indirect.gather [hbm4b:s1+s18], $0x80, s30, s18, $0xb8;
	[tilespmem:$0x1D000] =	vst v63  }
0x17c: {  	_ =	swait.ge [sflag:s9], $0x1400  }
0x17d: {  	[sflag:s9] =	ssyncset.done $0x0  }
0x17e: {  	s30 =	simm.s32 $0x2300;
	[sflag:s9] =	ssyncadd.s32 $0xFFFFEC00  }
0x17f: {  	[spmem:s2] =	stream.indirect.scatter.add.f32 [tilespmem:s22], [sflag:$0x7], $0x80, s30, s18, $0xb8;
	[tilespmem:$0x1D000] =	vst v63  }
0x180: {  	_ =	swait.ge [sflag:s11], $0x1400  }
0x181: {  	[sflag:s11] =	ssyncset.done $0x0  }
0x182: {  	s30 =	simm.s32 $0x500;
	[sflag:s11] =	ssyncadd.s32 $0xFFFFEC00  }
0x183: {  	[tilespmem:s22], [sflag:$0x3] =	stream.indirect.gather [hbm4b:s1+s18], $0x80, s30, s18, $0xb8;
	[tilespmem:$0x1D000] =	vst v63  }
0x184: {  	_ =	swait.ge [sflag:s13], $0x1400  }
0x185: {  	[sflag:s13] =	ssyncset.done $0x0  }
0x186: {  	s28 =	simm.s32 $0x2380;
	s3 =	simm.s32 $0x800;
	[sflag:s13] =	ssyncadd.s32 $0xFFFFEC00  }
.LBB2_5:
0x187: {  	[spmem:s2] =	stream.indirect.scatter.add.f32 [tilespmem:s24], [sflag:$0x8], $0x80, s28, s18, $0xb8;
	[tilespmem:$0x1D000] =	vst v63  }
0x188: {  	s28 =	smov.u32 s3  }
0x189: {  	p1 =	sne.s32 s3, $0x6800;
	s3 =	sadd.s32 $0x800, s3;
	_ =	swait.ge [sflag:s15], $0x1400  }
0x18a: {  	s28 =	sshra.s32 s28, $0x2;
	[sflag:s15] =	ssyncset.done $0x0  }
0x18b: {  	s30 =	sadd.s32 $0x380, s28;
	[sflag:s15] =	ssyncadd.s32 $0xFFFFEC00  }
0x18c: {  	[tilespmem:s24], [sflag:$0x4] =	stream.indirect.gather [hbm4b:s1+s18], $0x80, s30, s18, $0xb8;
	[tilespmem:$0x1D000] =	vst v63  }
0x18d: {  	_ =	swait.ge [sflag:s25], $0x1400  }
0x18e: {  	[sflag:s25] =	ssyncset.done $0x0  }
0x18f: {  	s30 =	sadd.s32 $0x2200, s28;
	[sflag:s25] =	ssyncadd.s32 $0xFFFFEC00  }
0x190: {  	[spmem:s2] =	stream.indirect.scatter.add.f32 [tilespmem:s23], [sflag:$0x5], $0x80, s30, s18, $0xb8;
	[tilespmem:$0x1D000] =	vst v63  }
0x191: {  	_ =	swait.ge [sflag:s26], $0x1400  }
0x192: {  	[sflag:s26] =	ssyncset.done $0x0  }
0x193: {  	s30 =	sadd.s32 $0x400, s28;
	[sflag:s26] =	ssyncadd.s32 $0xFFFFEC00  }
0x194: {  	[tilespmem:s23], [sflag:$0x1] =	stream.indirect.gather [hbm4b:s1+s18], $0x80, s30, s18, $0xb8;
	[tilespmem:$0x1D000] =	vst v63  }
0x195: {  	_ =	swait.ge [sflag:s29], $0x1400  }
0x196: {  	[sflag:s29] =	ssyncset.done $0x0  }
0x197: {  	s30 =	sadd.s32 $0x2280, s28;
	[sflag:s29] =	ssyncadd.s32 $0xFFFFEC00  }
0x198: {  	[spmem:s2] =	stream.indirect.scatter.add.f32 [tilespmem:s20], [sflag:$0x6], $0x80, s30, s18, $0xb8;
	[tilespmem:$0x1D000] =	vst v63  }
0x199: {  	_ =	swait.ge [sflag:s31], $0x1400  }
0x19a: {  	[sflag:s31] =	ssyncset.done $0x0  }
0x19b: {  	s30 =	sadd.s32 $0x480, s28;
	[sflag:s31] =	ssyncadd.s32 $0xFFFFEC00  }
0x19c: {  	[tilespmem:s20], [sflag:$0x2] =	stream.indirect.gather [hbm4b:s1+s18], $0x80, s30, s18, $0xb8;
	[tilespmem:$0x1D000] =	vst v63  }
0x19d: {  	_ =	swait.ge [sflag:s9], $0x1400  }
0x19e: {  	[sflag:s9] =	ssyncset.done $0x0  }
0x19f: {  	s30 =	sadd.s32 $0x2300, s28;
	[sflag:s9] =	ssyncadd.s32 $0xFFFFEC00  }
0x1a0: {  	[spmem:s2] =	stream.indirect.scatter.add.f32 [tilespmem:s22], [sflag:$0x7], $0x80, s30, s18, $0xb8;
	[tilespmem:$0x1D000] =	vst v63  }
0x1a1: {  	_ =	swait.ge [sflag:s11], $0x1400  }
0x1a2: {  	[sflag:s11] =	ssyncset.done $0x0  }
.Ltmp14:
0x1a3: {  	s30 =	sadd.s32 $0x500, s28;
	[sflag:s11] =	ssyncadd.s32 $0xFFFFEC00;
	(pc) =	sbr.rel @p1 .LBB2_5-.Ltmp14, $4  }
0x1a4: {  	[tilespmem:s22], [sflag:$0x3] =	stream.indirect.gather [hbm4b:s1+s18], $0x80, s30, s18, $0xb8;
	[tilespmem:$0x1D000] =	vst v63  }
0x1a5: {  	_ =	swait.ge [sflag:s13], $0x1400  }
0x1a6: {  	[sflag:s13] =	ssyncset.done $0x0  }
0x1a7: {  	s28 =	sadd.s32 $0x2380, s28;
	[sflag:s13] =	ssyncadd.s32 $0xFFFFEC00  }
0x1a8: {  	[spmem:s2] =	stream.indirect.scatter.add.f32 [tilespmem:s24], [sflag:$0x8], $0x80, s28, s18, $0xb8;
	[tilespmem:$0x1D000] =	vst v63  }
0x1a9: {  	_ =	swait.ge [sflag:s15], $0x1400  }
0x1aa: {  	[sflag:s15] =	ssyncset.done $0x0  }
0x1ab: {  	[sflag:s15] =	ssyncadd.s32 $0xFFFFEC00  }
0x1ac: {  	[tilespmem:s24], [sflag:$0x4] =	stream.indirect.gather [hbm4b:s1+s18], $0x80, s5, s18, $0xb8;
	[tilespmem:$0x1D000] =	vst v63  }
0x1ad: {  	_ =	swait.ge [sflag:s25], $0x1400  }
0x1ae: {  	[sflag:s25] =	ssyncset.done $0x0  }
0x1af: {  	[sflag:s25] =	ssyncadd.s32 $0xFFFFEC00  }
0x1b0: {  	[spmem:s2] =	stream.indirect.scatter.add.f32 [tilespmem:s23], [sflag:$0x5], $0x80, s16, s18, $0xb8;
	[tilespmem:$0x1D000] =	vst v63  }
0x1b1: {  	_ =	swait.ge [sflag:s29], $0x1400  }
0x1b2: {  	[sflag:s29] =	ssyncset.done $0x0  }
0x1b3: {  	[sflag:s29] =	ssyncadd.s32 $0xFFFFEC00  }
0x1b4: {  	[spmem:s2] =	stream.indirect.scatter.add.f32 [tilespmem:s20], [sflag:$0x6], $0x80, s8, s18, $0xb8;
	[tilespmem:$0x1D000] =	vst v63  }
0x1b5: {  	_ =	swait.ge [sflag:s9], $0x1400  }
0x1b6: {  	[sflag:s9] =	ssyncset.done $0x0  }
0x1b7: {  	[sflag:s9] =	ssyncadd.s32 $0xFFFFEC00  }
0x1b8: {  	[spmem:s2] =	stream.indirect.scatter.add.f32 [tilespmem:s22], [sflag:$0x7], $0x80, s19, s18, $0xb8;
	[tilespmem:$0x1D000] =	vst v63  }
0x1b9: {  	_ =	swait.ge [sflag:s13], $0x1400  }
0x1ba: {  	[sflag:s13] =	ssyncset.done $0x0  }
0x1bb: {  	[sflag:s13] =	ssyncadd.s32 $0xFFFFEC00  }
0x1bc: {  	[spmem:s2] =	stream.indirect.scatter.add.f32 [tilespmem:s24], [sflag:$0x8], $0x80, s21, s18, $0xb8;
	[tilespmem:$0x1D000] =	vst v63  }
0x1bd: {  	_ =	swait.ge [sflag:s26], $0x1400  }
0x1be: {  	[sflag:s26] =	ssyncset.done $0x0  }
0x1bf: {  	[sflag:s26] =	ssyncadd.s32 $0xFFFFEC00  }
0x1c0: {  	_ =	swait.ge [sflag:s31], $0x1400  }
0x1c1: {  	[sflag:s31] =	ssyncset.done $0x0  }
0x1c2: {  	[sflag:s31] =	ssyncadd.s32 $0xFFFFEC00  }
0x1c3: {  	_ =	swait.ge [sflag:s11], $0x1400  }
0x1c4: {  	[sflag:s11] =	ssyncset.done $0x0  }
0x1c5: {  	[sflag:s11] =	ssyncadd.s32 $0xFFFFEC00  }
0x1c6: {  	_ =	swait.ge [sflag:s15], $0x1400  }
0x1c7: {  	[sflag:s15] =	ssyncset.done $0x0  }
0x1c8: {  	s3 =	simm.s32 $0x0;
	s28 =	rddreg [dreg:$0x9];
	[sflag:s15] =	ssyncadd.s32 $0xFFFFEC00  }
0x1c9: {  	[tilespmem:s17], [sflag:$0x9] =	stream.linear.gather [hbm4b:s28+s3], $0x2000, $0x38;
	[tilespmem:$0x1D000] =	vst v63  }
0x1ca: {  	_ =	swait.ge [sflag:s6], $0x2000  }
0x1cb: {  	[sflag:s6] =	ssyncset.done $0x0  }
0x1cc: {  	s28 =	rddreg [dreg:$0xa];
	[sflag:s6] =	ssyncadd.s32 $0xFFFFE000  }
0x1cd: {  	[tilespmem:s3], [sflag:$0x9] =	stream.linear.gather [hbm4b:s28+s3], $0x2000, $0x38;
	[tilespmem:$0x1D000] =	vst v63  }
0x1ce: {  	_ =	swait.ge [sflag:s6], $0x2000  }
0x1cf: {  	[sflag:s6] =	ssyncset.done $0x0  }
0x1d0: {  	[sflag:s6] =	ssyncadd.s32 $0xFFFFE000  }
0x1d1: {  	[tilespmem:s23], [sflag:$0x1] =	stream.indirect.gather [hbm4b:s1+s18], $0x80, s3, s18, $0xb8;
	[tilespmem:$0x1D000] =	vst v63  }
0x1d2: {  	s30 =	simm.s32 $0x80  }
0x1d3: {  	[tilespmem:s20], [sflag:$0x2] =	stream.indirect.gather [hbm4b:s1+s18], $0x80, s30, s18, $0xb8;
	[tilespmem:$0x1D000] =	vst v63  }
0x1d4: {  	s30 =	simm.s32 $0x100  }
0x1d5: {  	[tilespmem:s22], [sflag:$0x3] =	stream.indirect.gather [hbm4b:s1+s18], $0x80, s30, s18, $0xb8;
	[tilespmem:$0x1D000] =	vst v63  }
0x1d6: {  	s30 =	simm.s32 $0x180  }
0x1d7: {  	[tilespmem:s24], [sflag:$0x4] =	stream.indirect.gather [hbm4b:s1+s18], $0x80, s30, s18, $0xb8;
	[tilespmem:$0x1D000] =	vst v63  }
0x1d8: {  	_ =	swait.ge [sflag:s25], $0x1400  }
0x1d9: {  	[sflag:s25] =	ssyncset.done $0x0  }
0x1da: {  	[sflag:s25] =	ssyncadd.s32 $0xFFFFEC00  }
0x1db: {  	[spmem:s2] =	stream.indirect.scatter.add.f32 [tilespmem:s23], [sflag:$0x5], $0x80, s17, s18, $0xb8;
	[tilespmem:$0x1D000] =	vst v63  }
0x1dc: {  	_ =	swait.ge [sflag:s26], $0x1400  }
0x1dd: {  	[sflag:s26] =	ssyncset.done $0x0  }
0x1de: {  	s30 =	simm.s32 $0x200;
	[sflag:s26] =	ssyncadd.s32 $0xFFFFEC00  }
0x1df: {  	[tilespmem:s23], [sflag:$0x1] =	stream.indirect.gather [hbm4b:s1+s18], $0x80, s30, s18, $0xb8;
	[tilespmem:$0x1D000] =	vst v63  }
0x1e0: {  	_ =	swait.ge [sflag:s29], $0x1400  }
0x1e1: {  	[sflag:s29] =	ssyncset.done $0x0  }
0x1e2: {  	s30 =	simm.s32 $0x2080;
	[sflag:s29] =	ssyncadd.s32 $0xFFFFEC00  }
0x1e3: {  	[spmem:s2] =	stream.indirect.scatter.add.f32 [tilespmem:s20], [sflag:$0x6], $0x80, s30, s18, $0xb8;
	[tilespmem:$0x1D000] =	vst v63  }
0x1e4: {  	_ =	swait.ge [sflag:s31], $0x1400  }
0x1e5: {  	[sflag:s31] =	ssyncset.done $0x0  }
0x1e6: {  	[sflag:s31] =	ssyncadd.s32 $0xFFFFEC00  }
0x1e7: {  	[tilespmem:s20], [sflag:$0x2] =	stream.indirect.gather [hbm4b:s1+s18], $0x80, s0, s18, $0xb8;
	[tilespmem:$0x1D000] =	vst v63  }
0x1e8: {  	_ =	swait.ge [sflag:s9], $0x1400  }
0x1e9: {  	[sflag:s9] =	ssyncset.done $0x0  }
0x1ea: {  	[sflag:s9] =	ssyncadd.s32 $0xFFFFEC00  }
0x1eb: {  	[spmem:s2] =	stream.indirect.scatter.add.f32 [tilespmem:s22], [sflag:$0x7], $0x80, s10, s18, $0xb8;
	[tilespmem:$0x1D000] =	vst v63  }
0x1ec: {  	_ =	swait.ge [sflag:s11], $0x1400  }
0x1ed: {  	[sflag:s11] =	ssyncset.done $0x0  }
0x1ee: {  	[sflag:s11] =	ssyncadd.s32 $0xFFFFEC00  }
0x1ef: {  	[tilespmem:s22], [sflag:$0x3] =	stream.indirect.gather [hbm4b:s1+s18], $0x80, s12, s18, $0xb8;
	[tilespmem:$0x1D000] =	vst v63  }
0x1f0: {  	_ =	swait.ge [sflag:s13], $0x1400  }
0x1f1: {  	[sflag:s13] =	ssyncset.done $0x0  }
0x1f2: {  	[sflag:s13] =	ssyncadd.s32 $0xFFFFEC00  }
0x1f3: {  	[spmem:s2] =	stream.indirect.scatter.add.f32 [tilespmem:s24], [sflag:$0x8], $0x80, s14, s18, $0xb8;
	[tilespmem:$0x1D000] =	vst v63  }
0x1f4: {  	_ =	swait.ge [sflag:s15], $0x1400  }
0x1f5: {  	[sflag:s15] =	ssyncset.done $0x0  }
0x1f6: {  	s30 =	simm.s32 $0x380;
	[sflag:s15] =	ssyncadd.s32 $0xFFFFEC00  }
0x1f7: {  	[tilespmem:s24], [sflag:$0x4] =	stream.indirect.gather [hbm4b:s1+s18], $0x80, s30, s18, $0xb8;
	[tilespmem:$0x1D000] =	vst v63  }
0x1f8: {  	_ =	swait.ge [sflag:s25], $0x1400  }
0x1f9: {  	[sflag:s25] =	ssyncset.done $0x0  }
0x1fa: {  	s30 =	simm.s32 $0x2200;
	[sflag:s25] =	ssyncadd.s32 $0xFFFFEC00  }
0x1fb: {  	[spmem:s2] =	stream.indirect.scatter.add.f32 [tilespmem:s23], [sflag:$0x5], $0x80, s30, s18, $0xb8;
	[tilespmem:$0x1D000] =	vst v63  }
0x1fc: {  	_ =	swait.ge [sflag:s26], $0x1400  }
0x1fd: {  	[sflag:s26] =	ssyncset.done $0x0  }
0x1fe: {  	s30 =	simm.s32 $0x400;
	[sflag:s26] =	ssyncadd.s32 $0xFFFFEC00  }
0x1ff: {  	[tilespmem:s23], [sflag:$0x1] =	stream.indirect.gather [hbm4b:s1+s18], $0x80, s30, s18, $0xb8;
	[tilespmem:$0x1D000] =	vst v63  }
0x200: {  	_ =	swait.ge [sflag:s29], $0x1400  }
0x201: {  	[sflag:s29] =	ssyncset.done $0x0  }
0x202: {  	s30 =	simm.s32 $0x2280;
	[sflag:s29] =	ssyncadd.s32 $0xFFFFEC00  }
0x203: {  	[spmem:s2] =	stream.indirect.scatter.add.f32 [tilespmem:s20], [sflag:$0x6], $0x80, s30, s18, $0xb8;
	[tilespmem:$0x1D000] =	vst v63  }
0x204: {  	_ =	swait.ge [sflag:s31], $0x1400  }
0x205: {  	[sflag:s31] =	ssyncset.done $0x0  }
0x206: {  	s30 =	simm.s32 $0x480;
	[sflag:s31] =	ssyncadd.s32 $0xFFFFEC00  }
0x207: {  	[tilespmem:s20], [sflag:$0x2] =	stream.indirect.gather [hbm4b:s1+s18], $0x80, s30, s18, $0xb8;
	[tilespmem:$0x1D000] =	vst v63  }
0x208: {  	_ =	swait.ge [sflag:s9], $0x1400  }
0x209: {  	[sflag:s9] =	ssyncset.done $0x0  }
0x20a: {  	s30 =	simm.s32 $0x2300;
	[sflag:s9] =	ssyncadd.s32 $0xFFFFEC00  }
0x20b: {  	[spmem:s2] =	stream.indirect.scatter.add.f32 [tilespmem:s22], [sflag:$0x7], $0x80, s30, s18, $0xb8;
	[tilespmem:$0x1D000] =	vst v63  }
0x20c: {  	_ =	swait.ge [sflag:s11], $0x1400  }
0x20d: {  	[sflag:s11] =	ssyncset.done $0x0  }
0x20e: {  	s30 =	simm.s32 $0x500;
	[sflag:s11] =	ssyncadd.s32 $0xFFFFEC00  }
0x20f: {  	[tilespmem:s22], [sflag:$0x3] =	stream.indirect.gather [hbm4b:s1+s18], $0x80, s30, s18, $0xb8;
	[tilespmem:$0x1D000] =	vst v63  }
0x210: {  	_ =	swait.ge [sflag:s13], $0x1400  }
0x211: {  	[sflag:s13] =	ssyncset.done $0x0  }
0x212: {  	s28 =	simm.s32 $0x2380;
	s3 =	simm.s32 $0x800;
	[sflag:s13] =	ssyncadd.s32 $0xFFFFEC00  }
.LBB2_7:
0x213: {  	[spmem:s2] =	stream.indirect.scatter.add.f32 [tilespmem:s24], [sflag:$0x8], $0x80, s28, s18, $0xb8;
	[tilespmem:$0x1D000] =	vst v63  }
0x214: {  	s28 =	smov.u32 s3  }
0x215: {  	p1 =	sne.s32 s3, $0x6800;
	s3 =	sadd.s32 $0x800, s3;
	_ =	swait.ge [sflag:s15], $0x1400  }
0x216: {  	s28 =	sshra.s32 s28, $0x2;
	[sflag:s15] =	ssyncset.done $0x0  }
0x217: {  	s30 =	sadd.s32 $0x380, s28;
	[sflag:s15] =	ssyncadd.s32 $0xFFFFEC00  }
0x218: {  	[tilespmem:s24], [sflag:$0x4] =	stream.indirect.gather [hbm4b:s1+s18], $0x80, s30, s18, $0xb8;
	[tilespmem:$0x1D000] =	vst v63  }
0x219: {  	_ =	swait.ge [sflag:s25], $0x1400  }
0x21a: {  	[sflag:s25] =	ssyncset.done $0x0  }
0x21b: {  	s30 =	sadd.s32 $0x2200, s28;
	[sflag:s25] =	ssyncadd.s32 $0xFFFFEC00  }
0x21c: {  	[spmem:s2] =	stream.indirect.scatter.add.f32 [tilespmem:s23], [sflag:$0x5], $0x80, s30, s18, $0xb8;
	[tilespmem:$0x1D000] =	vst v63  }
0x21d: {  	_ =	swait.ge [sflag:s26], $0x1400  }
0x21e: {  	[sflag:s26] =	ssyncset.done $0x0  }
0x21f: {  	s30 =	sadd.s32 $0x400, s28;
	[sflag:s26] =	ssyncadd.s32 $0xFFFFEC00  }
0x220: {  	[tilespmem:s23], [sflag:$0x1] =	stream.indirect.gather [hbm4b:s1+s18], $0x80, s30, s18, $0xb8;
	[tilespmem:$0x1D000] =	vst v63  }
0x221: {  	_ =	swait.ge [sflag:s29], $0x1400  }
0x222: {  	[sflag:s29] =	ssyncset.done $0x0  }
0x223: {  	s30 =	sadd.s32 $0x2280, s28;
	[sflag:s29] =	ssyncadd.s32 $0xFFFFEC00  }
0x224: {  	[spmem:s2] =	stream.indirect.scatter.add.f32 [tilespmem:s20], [sflag:$0x6], $0x80, s30, s18, $0xb8;
	[tilespmem:$0x1D000] =	vst v63  }
0x225: {  	_ =	swait.ge [sflag:s31], $0x1400  }
0x226: {  	[sflag:s31] =	ssyncset.done $0x0  }
0x227: {  	s30 =	sadd.s32 $0x480, s28;
	[sflag:s31] =	ssyncadd.s32 $0xFFFFEC00  }
0x228: {  	[tilespmem:s20], [sflag:$0x2] =	stream.indirect.gather [hbm4b:s1+s18], $0x80, s30, s18, $0xb8;
	[tilespmem:$0x1D000] =	vst v63  }
0x229: {  	_ =	swait.ge [sflag:s9], $0x1400  }
0x22a: {  	[sflag:s9] =	ssyncset.done $0x0  }
0x22b: {  	s30 =	sadd.s32 $0x2300, s28;
	[sflag:s9] =	ssyncadd.s32 $0xFFFFEC00  }
0x22c: {  	[spmem:s2] =	stream.indirect.scatter.add.f32 [tilespmem:s22], [sflag:$0x7], $0x80, s30, s18, $0xb8;
	[tilespmem:$0x1D000] =	vst v63  }
0x22d: {  	_ =	swait.ge [sflag:s11], $0x1400  }
0x22e: {  	[sflag:s11] =	ssyncset.done $0x0  }
.Ltmp15:
0x22f: {  	s30 =	sadd.s32 $0x500, s28;
	[sflag:s11] =	ssyncadd.s32 $0xFFFFEC00;
	(pc) =	sbr.rel @p1 .LBB2_7-.Ltmp15, $4  }
0x230: {  	[tilespmem:s22], [sflag:$0x3] =	stream.indirect.gather [hbm4b:s1+s18], $0x80, s30, s18, $0xb8;
	[tilespmem:$0x1D000] =	vst v63  }
0x231: {  	_ =	swait.ge [sflag:s13], $0x1400  }
0x232: {  	[sflag:s13] =	ssyncset.done $0x0  }
0x233: {  	s28 =	sadd.s32 $0x2380, s28;
	[sflag:s13] =	ssyncadd.s32 $0xFFFFEC00  }
0x234: {  	[spmem:s2] =	stream.indirect.scatter.add.f32 [tilespmem:s24], [sflag:$0x8], $0x80, s28, s18, $0xb8;
	[tilespmem:$0x1D000] =	vst v63  }
0x235: {  	_ =	swait.ge [sflag:s15], $0x1400  }
0x236: {  	[sflag:s15] =	ssyncset.done $0x0  }
0x237: {  	[sflag:s15] =	ssyncadd.s32 $0xFFFFEC00  }
0x238: {  	[tilespmem:s24], [sflag:$0x4] =	stream.indirect.gather [hbm4b:s1+s18], $0x80, s5, s18, $0xb8;
	[tilespmem:$0x1D000] =	vst v63  }
0x239: {  	_ =	swait.ge [sflag:s25], $0x1400  }
0x23a: {  	[sflag:s25] =	ssyncset.done $0x0  }
0x23b: {  	[sflag:s25] =	ssyncadd.s32 $0xFFFFEC00  }
0x23c: {  	[spmem:s2] =	stream.indirect.scatter.add.f32 [tilespmem:s23], [sflag:$0x5], $0x80, s16, s18, $0xb8;
	[tilespmem:$0x1D000] =	vst v63  }
0x23d: {  	_ =	swait.ge [sflag:s29], $0x1400  }
0x23e: {  	[sflag:s29] =	ssyncset.done $0x0  }
0x23f: {  	[sflag:s29] =	ssyncadd.s32 $0xFFFFEC00  }
0x240: {  	[spmem:s2] =	stream.indirect.scatter.add.f32 [tilespmem:s20], [sflag:$0x6], $0x80, s8, s18, $0xb8;
	[tilespmem:$0x1D000] =	vst v63  }
0x241: {  	_ =	swait.ge [sflag:s9], $0x1400  }
0x242: {  	[sflag:s9] =	ssyncset.done $0x0  }
0x243: {  	[sflag:s9] =	ssyncadd.s32 $0xFFFFEC00  }
0x244: {  	[spmem:s2] =	stream.indirect.scatter.add.f32 [tilespmem:s22], [sflag:$0x7], $0x80, s19, s18, $0xb8;
	[tilespmem:$0x1D000] =	vst v63  }
0x245: {  	_ =	swait.ge [sflag:s13], $0x1400  }
0x246: {  	[sflag:s13] =	ssyncset.done $0x0  }
0x247: {  	[sflag:s13] =	ssyncadd.s32 $0xFFFFEC00  }
0x248: {  	[spmem:s2] =	stream.indirect.scatter.add.f32 [tilespmem:s24], [sflag:$0x8], $0x80, s21, s18, $0xb8;
	[tilespmem:$0x1D000] =	vst v63  }
0x249: {  	_ =	swait.ge [sflag:s26], $0x1400  }
0x24a: {  	[sflag:s26] =	ssyncset.done $0x0  }
0x24b: {  	[sflag:s26] =	ssyncadd.s32 $0xFFFFEC00  }
0x24c: {  	_ =	swait.ge [sflag:s31], $0x1400  }
0x24d: {  	[sflag:s31] =	ssyncset.done $0x0  }
0x24e: {  	[sflag:s31] =	ssyncadd.s32 $0xFFFFEC00  }
0x24f: {  	_ =	swait.ge [sflag:s11], $0x1400  }
0x250: {  	[sflag:s11] =	ssyncset.done $0x0  }
0x251: {  	[sflag:s11] =	ssyncadd.s32 $0xFFFFEC00  }
0x252: {  	_ =	swait.ge [sflag:s15], $0x1400  }
0x253: {  	[sflag:s15] =	ssyncset.done $0x0  }
0x254: {  	s3 =	simm.s32 $0x0;
	s28 =	rddreg [dreg:$0xb];
	[sflag:s15] =	ssyncadd.s32 $0xFFFFEC00  }
0x255: {  	[tilespmem:s17], [sflag:$0x9] =	stream.linear.gather [hbm4b:s28+s3], $0x2000, $0x38;
	[tilespmem:$0x1D000] =	vst v63  }
0x256: {  	_ =	swait.ge [sflag:s6], $0x2000  }
0x257: {  	[sflag:s6] =	ssyncset.done $0x0  }
0x258: {  	s28 =	rddreg [dreg:$0xc];
	[sflag:s6] =	ssyncadd.s32 $0xFFFFE000  }
0x259: {  	[tilespmem:s3], [sflag:$0x9] =	stream.linear.gather [hbm4b:s28+s3], $0x2000, $0x38;
	[tilespmem:$0x1D000] =	vst v63  }
0x25a: {  	_ =	swait.ge [sflag:s6], $0x2000  }
0x25b: {  	[sflag:s6] =	ssyncset.done $0x0  }
0x25c: {  	[sflag:s6] =	ssyncadd.s32 $0xFFFFE000  }
0x25d: {  	[tilespmem:s23], [sflag:$0x1] =	stream.indirect.gather [hbm4b:s1+s18], $0x80, s3, s18, $0xb8;
	[tilespmem:$0x1D000] =	vst v63  }
0x25e: {  	s30 =	simm.s32 $0x80  }
0x25f: {  	[tilespmem:s20], [sflag:$0x2] =	stream.indirect.gather [hbm4b:s1+s18], $0x80, s30, s18, $0xb8;
	[tilespmem:$0x1D000] =	vst v63  }
0x260: {  	s30 =	simm.s32 $0x100  }
0x261: {  	[tilespmem:s22], [sflag:$0x3] =	stream.indirect.gather [hbm4b:s1+s18], $0x80, s30, s18, $0xb8;
	[tilespmem:$0x1D000] =	vst v63  }
0x262: {  	s30 =	simm.s32 $0x180  }
0x263: {  	[tilespmem:s24], [sflag:$0x4] =	stream.indirect.gather [hbm4b:s1+s18], $0x80, s30, s18, $0xb8;
	[tilespmem:$0x1D000] =	vst v63  }
0x264: {  	_ =	swait.ge [sflag:s25], $0x1400  }
0x265: {  	[sflag:s25] =	ssyncset.done $0x0  }
0x266: {  	[sflag:s25] =	ssyncadd.s32 $0xFFFFEC00  }
0x267: {  	[spmem:s2] =	stream.indirect.scatter.add.f32 [tilespmem:s23], [sflag:$0x5], $0x80, s17, s18, $0xb8;
	[tilespmem:$0x1D000] =	vst v63  }
0x268: {  	_ =	swait.ge [sflag:s26], $0x1400  }
0x269: {  	[sflag:s26] =	ssyncset.done $0x0  }
0x26a: {  	s30 =	simm.s32 $0x200;
	[sflag:s26] =	ssyncadd.s32 $0xFFFFEC00  }
0x26b: {  	[tilespmem:s23], [sflag:$0x1] =	stream.indirect.gather [hbm4b:s1+s18], $0x80, s30, s18, $0xb8;
	[tilespmem:$0x1D000] =	vst v63  }
0x26c: {  	_ =	swait.ge [sflag:s29], $0x1400  }
0x26d: {  	[sflag:s29] =	ssyncset.done $0x0  }
0x26e: {  	s30 =	simm.s32 $0x2080;
	[sflag:s29] =	ssyncadd.s32 $0xFFFFEC00  }
0x26f: {  	[spmem:s2] =	stream.indirect.scatter.add.f32 [tilespmem:s20], [sflag:$0x6], $0x80, s30, s18, $0xb8;
	[tilespmem:$0x1D000] =	vst v63  }
0x270: {  	_ =	swait.ge [sflag:s31], $0x1400  }
0x271: {  	[sflag:s31] =	ssyncset.done $0x0  }
0x272: {  	[sflag:s31] =	ssyncadd.s32 $0xFFFFEC00  }
0x273: {  	[tilespmem:s20], [sflag:$0x2] =	stream.indirect.gather [hbm4b:s1+s18], $0x80, s0, s18, $0xb8;
	[tilespmem:$0x1D000] =	vst v63  }
0x274: {  	_ =	swait.ge [sflag:s9], $0x1400  }
0x275: {  	[sflag:s9] =	ssyncset.done $0x0  }
0x276: {  	[sflag:s9] =	ssyncadd.s32 $0xFFFFEC00  }
0x277: {  	[spmem:s2] =	stream.indirect.scatter.add.f32 [tilespmem:s22], [sflag:$0x7], $0x80, s10, s18, $0xb8;
	[tilespmem:$0x1D000] =	vst v63  }
0x278: {  	_ =	swait.ge [sflag:s11], $0x1400  }
0x279: {  	[sflag:s11] =	ssyncset.done $0x0  }
0x27a: {  	[sflag:s11] =	ssyncadd.s32 $0xFFFFEC00  }
0x27b: {  	[tilespmem:s22], [sflag:$0x3] =	stream.indirect.gather [hbm4b:s1+s18], $0x80, s12, s18, $0xb8;
	[tilespmem:$0x1D000] =	vst v63  }
0x27c: {  	_ =	swait.ge [sflag:s13], $0x1400  }
0x27d: {  	[sflag:s13] =	ssyncset.done $0x0  }
0x27e: {  	[sflag:s13] =	ssyncadd.s32 $0xFFFFEC00  }
0x27f: {  	[spmem:s2] =	stream.indirect.scatter.add.f32 [tilespmem:s24], [sflag:$0x8], $0x80, s14, s18, $0xb8;
	[tilespmem:$0x1D000] =	vst v63  }
0x280: {  	_ =	swait.ge [sflag:s15], $0x1400  }
0x281: {  	[sflag:s15] =	ssyncset.done $0x0  }
0x282: {  	s30 =	simm.s32 $0x380;
	[sflag:s15] =	ssyncadd.s32 $0xFFFFEC00  }
0x283: {  	[tilespmem:s24], [sflag:$0x4] =	stream.indirect.gather [hbm4b:s1+s18], $0x80, s30, s18, $0xb8;
	[tilespmem:$0x1D000] =	vst v63  }
0x284: {  	_ =	swait.ge [sflag:s25], $0x1400  }
0x285: {  	[sflag:s25] =	ssyncset.done $0x0  }
0x286: {  	s30 =	simm.s32 $0x2200;
	[sflag:s25] =	ssyncadd.s32 $0xFFFFEC00  }
0x287: {  	[spmem:s2] =	stream.indirect.scatter.add.f32 [tilespmem:s23], [sflag:$0x5], $0x80, s30, s18, $0xb8;
	[tilespmem:$0x1D000] =	vst v63  }
0x288: {  	_ =	swait.ge [sflag:s26], $0x1400  }
0x289: {  	[sflag:s26] =	ssyncset.done $0x0  }
0x28a: {  	s30 =	simm.s32 $0x400;
	[sflag:s26] =	ssyncadd.s32 $0xFFFFEC00  }
0x28b: {  	[tilespmem:s23], [sflag:$0x1] =	stream.indirect.gather [hbm4b:s1+s18], $0x80, s30, s18, $0xb8;
	[tilespmem:$0x1D000] =	vst v63  }
0x28c: {  	_ =	swait.ge [sflag:s29], $0x1400  }
0x28d: {  	[sflag:s29] =	ssyncset.done $0x0  }
0x28e: {  	s30 =	simm.s32 $0x2280;
	[sflag:s29] =	ssyncadd.s32 $0xFFFFEC00  }
0x28f: {  	[spmem:s2] =	stream.indirect.scatter.add.f32 [tilespmem:s20], [sflag:$0x6], $0x80, s30, s18, $0xb8;
	[tilespmem:$0x1D000] =	vst v63  }
0x290: {  	_ =	swait.ge [sflag:s31], $0x1400  }
0x291: {  	[sflag:s31] =	ssyncset.done $0x0  }
0x292: {  	s30 =	simm.s32 $0x480;
	[sflag:s31] =	ssyncadd.s32 $0xFFFFEC00  }
0x293: {  	[tilespmem:s20], [sflag:$0x2] =	stream.indirect.gather [hbm4b:s1+s18], $0x80, s30, s18, $0xb8;
	[tilespmem:$0x1D000] =	vst v63  }
0x294: {  	_ =	swait.ge [sflag:s9], $0x1400  }
0x295: {  	[sflag:s9] =	ssyncset.done $0x0  }
0x296: {  	s30 =	simm.s32 $0x2300;
	[sflag:s9] =	ssyncadd.s32 $0xFFFFEC00  }
0x297: {  	[spmem:s2] =	stream.indirect.scatter.add.f32 [tilespmem:s22], [sflag:$0x7], $0x80, s30, s18, $0xb8;
	[tilespmem:$0x1D000] =	vst v63  }
0x298: {  	_ =	swait.ge [sflag:s11], $0x1400  }
0x299: {  	[sflag:s11] =	ssyncset.done $0x0  }
0x29a: {  	s30 =	simm.s32 $0x500;
	[sflag:s11] =	ssyncadd.s32 $0xFFFFEC00  }
0x29b: {  	[tilespmem:s22], [sflag:$0x3] =	stream.indirect.gather [hbm4b:s1+s18], $0x80, s30, s18, $0xb8;
	[tilespmem:$0x1D000] =	vst v63  }
0x29c: {  	_ =	swait.ge [sflag:s13], $0x1400  }
0x29d: {  	[sflag:s13] =	ssyncset.done $0x0  }
0x29e: {  	s28 =	simm.s32 $0x2380;
	s3 =	simm.s32 $0x800;
	[sflag:s13] =	ssyncadd.s32 $0xFFFFEC00  }
.LBB2_9:
0x29f: {  	[spmem:s2] =	stream.indirect.scatter.add.f32 [tilespmem:s24], [sflag:$0x8], $0x80, s28, s18, $0xb8;
	[tilespmem:$0x1D000] =	vst v63  }
0x2a0: {  	s28 =	smov.u32 s3  }
0x2a1: {  	p1 =	sne.s32 s3, $0x6800;
	s3 =	sadd.s32 $0x800, s3;
	_ =	swait.ge [sflag:s15], $0x1400  }
0x2a2: {  	s28 =	sshra.s32 s28, $0x2;
	[sflag:s15] =	ssyncset.done $0x0  }
0x2a3: {  	s30 =	sadd.s32 $0x380, s28;
	[sflag:s15] =	ssyncadd.s32 $0xFFFFEC00  }
0x2a4: {  	[tilespmem:s24], [sflag:$0x4] =	stream.indirect.gather [hbm4b:s1+s18], $0x80, s30, s18, $0xb8;
	[tilespmem:$0x1D000] =	vst v63  }
0x2a5: {  	_ =	swait.ge [sflag:s25], $0x1400  }
0x2a6: {  	[sflag:s25] =	ssyncset.done $0x0  }
0x2a7: {  	s30 =	sadd.s32 $0x2200, s28;
	[sflag:s25] =	ssyncadd.s32 $0xFFFFEC00  }
0x2a8: {  	[spmem:s2] =	stream.indirect.scatter.add.f32 [tilespmem:s23], [sflag:$0x5], $0x80, s30, s18, $0xb8;
	[tilespmem:$0x1D000] =	vst v63  }
0x2a9: {  	_ =	swait.ge [sflag:s26], $0x1400  }
0x2aa: {  	[sflag:s26] =	ssyncset.done $0x0  }
0x2ab: {  	s30 =	sadd.s32 $0x400, s28;
	[sflag:s26] =	ssyncadd.s32 $0xFFFFEC00  }
0x2ac: {  	[tilespmem:s23], [sflag:$0x1] =	stream.indirect.gather [hbm4b:s1+s18], $0x80, s30, s18, $0xb8;
	[tilespmem:$0x1D000] =	vst v63  }
0x2ad: {  	_ =	swait.ge [sflag:s29], $0x1400  }
0x2ae: {  	[sflag:s29] =	ssyncset.done $0x0  }
0x2af: {  	s30 =	sadd.s32 $0x2280, s28;
	[sflag:s29] =	ssyncadd.s32 $0xFFFFEC00  }
0x2b0: {  	[spmem:s2] =	stream.indirect.scatter.add.f32 [tilespmem:s20], [sflag:$0x6], $0x80, s30, s18, $0xb8;
	[tilespmem:$0x1D000] =	vst v63  }
0x2b1: {  	_ =	swait.ge [sflag:s31], $0x1400  }
0x2b2: {  	[sflag:s31] =	ssyncset.done $0x0  }
0x2b3: {  	s30 =	sadd.s32 $0x480, s28;
	[sflag:s31] =	ssyncadd.s32 $0xFFFFEC00  }
0x2b4: {  	[tilespmem:s20], [sflag:$0x2] =	stream.indirect.gather [hbm4b:s1+s18], $0x80, s30, s18, $0xb8;
	[tilespmem:$0x1D000] =	vst v63  }
0x2b5: {  	_ =	swait.ge [sflag:s9], $0x1400  }
0x2b6: {  	[sflag:s9] =	ssyncset.done $0x0  }
0x2b7: {  	s30 =	sadd.s32 $0x2300, s28;
	[sflag:s9] =	ssyncadd.s32 $0xFFFFEC00  }
0x2b8: {  	[spmem:s2] =	stream.indirect.scatter.add.f32 [tilespmem:s22], [sflag:$0x7], $0x80, s30, s18, $0xb8;
	[tilespmem:$0x1D000] =	vst v63  }
0x2b9: {  	_ =	swait.ge [sflag:s11], $0x1400  }
0x2ba: {  	[sflag:s11] =	ssyncset.done $0x0  }
.Ltmp16:
0x2bb: {  	s30 =	sadd.s32 $0x500, s28;
	[sflag:s11] =	ssyncadd.s32 $0xFFFFEC00;
	(pc) =	sbr.rel @p1 .LBB2_9-.Ltmp16, $4  }
0x2bc: {  	[tilespmem:s22], [sflag:$0x3] =	stream.indirect.gather [hbm4b:s1+s18], $0x80, s30, s18, $0xb8;
	[tilespmem:$0x1D000] =	vst v63  }
0x2bd: {  	_ =	swait.ge [sflag:s13], $0x1400  }
0x2be: {  	[sflag:s13] =	ssyncset.done $0x0  }
0x2bf: {  	s28 =	sadd.s32 $0x2380, s28;
	[sflag:s13] =	ssyncadd.s32 $0xFFFFEC00  }
0x2c0: {  	[spmem:s2] =	stream.indirect.scatter.add.f32 [tilespmem:s24], [sflag:$0x8], $0x80, s28, s18, $0xb8;
	[tilespmem:$0x1D000] =	vst v63  }
0x2c1: {  	_ =	swait.ge [sflag:s15], $0x1400  }
0x2c2: {  	[sflag:s15] =	ssyncset.done $0x0  }
0x2c3: {  	[sflag:s15] =	ssyncadd.s32 $0xFFFFEC00  }
0x2c4: {  	[tilespmem:s24], [sflag:$0x4] =	stream.indirect.gather [hbm4b:s1+s18], $0x80, s5, s18, $0xb8;
	[tilespmem:$0x1D000] =	vst v63  }
0x2c5: {  	_ =	swait.ge [sflag:s25], $0x1400  }
0x2c6: {  	[sflag:s25] =	ssyncset.done $0x0  }
0x2c7: {  	[sflag:s25] =	ssyncadd.s32 $0xFFFFEC00  }
0x2c8: {  	[spmem:s2] =	stream.indirect.scatter.add.f32 [tilespmem:s23], [sflag:$0x5], $0x80, s16, s18, $0xb8;
	[tilespmem:$0x1D000] =	vst v63  }
0x2c9: {  	_ =	swait.ge [sflag:s29], $0x1400  }
0x2ca: {  	[sflag:s29] =	ssyncset.done $0x0  }
0x2cb: {  	[sflag:s29] =	ssyncadd.s32 $0xFFFFEC00  }
0x2cc: {  	[spmem:s2] =	stream.indirect.scatter.add.f32 [tilespmem:s20], [sflag:$0x6], $0x80, s8, s18, $0xb8;
	[tilespmem:$0x1D000] =	vst v63  }
0x2cd: {  	_ =	swait.ge [sflag:s9], $0x1400  }
0x2ce: {  	[sflag:s9] =	ssyncset.done $0x0  }
0x2cf: {  	[sflag:s9] =	ssyncadd.s32 $0xFFFFEC00  }
0x2d0: {  	[spmem:s2] =	stream.indirect.scatter.add.f32 [tilespmem:s22], [sflag:$0x7], $0x80, s19, s18, $0xb8;
	[tilespmem:$0x1D000] =	vst v63  }
0x2d1: {  	_ =	swait.ge [sflag:s13], $0x1400  }
0x2d2: {  	[sflag:s13] =	ssyncset.done $0x0  }
0x2d3: {  	[sflag:s13] =	ssyncadd.s32 $0xFFFFEC00  }
0x2d4: {  	[spmem:s2] =	stream.indirect.scatter.add.f32 [tilespmem:s24], [sflag:$0x8], $0x80, s21, s18, $0xb8;
	[tilespmem:$0x1D000] =	vst v63  }
0x2d5: {  	_ =	swait.ge [sflag:s26], $0x1400  }
0x2d6: {  	[sflag:s26] =	ssyncset.done $0x0  }
0x2d7: {  	[sflag:s26] =	ssyncadd.s32 $0xFFFFEC00  }
0x2d8: {  	_ =	swait.ge [sflag:s31], $0x1400  }
0x2d9: {  	[sflag:s31] =	ssyncset.done $0x0  }
0x2da: {  	[sflag:s31] =	ssyncadd.s32 $0xFFFFEC00  }
0x2db: {  	_ =	swait.ge [sflag:s11], $0x1400  }
0x2dc: {  	[sflag:s11] =	ssyncset.done $0x0  }
0x2dd: {  	[sflag:s11] =	ssyncadd.s32 $0xFFFFEC00  }
0x2de: {  	_ =	swait.ge [sflag:s15], $0x1400  }
0x2df: {  	[sflag:s15] =	ssyncset.done $0x0  }
0x2e0: {  	s3 =	simm.s32 $0x0;
	s28 =	rddreg [dreg:$0xd];
	[sflag:s15] =	ssyncadd.s32 $0xFFFFEC00  }
0x2e1: {  	[tilespmem:s17], [sflag:$0x9] =	stream.linear.gather [hbm4b:s28+s3], $0x2000, $0x38;
	[tilespmem:$0x1D000] =	vst v63  }
0x2e2: {  	_ =	swait.ge [sflag:s6], $0x2000  }
0x2e3: {  	[sflag:s6] =	ssyncset.done $0x0  }
0x2e4: {  	s28 =	rddreg [dreg:$0xe];
	[sflag:s6] =	ssyncadd.s32 $0xFFFFE000  }
0x2e5: {  	[tilespmem:s3], [sflag:$0x9] =	stream.linear.gather [hbm4b:s28+s3], $0x2000, $0x38;
	[tilespmem:$0x1D000] =	vst v63  }
0x2e6: {  	_ =	swait.ge [sflag:s6], $0x2000  }
0x2e7: {  	[sflag:s6] =	ssyncset.done $0x0  }
0x2e8: {  	[sflag:s6] =	ssyncadd.s32 $0xFFFFE000  }
0x2e9: {  	[tilespmem:s23], [sflag:$0x1] =	stream.indirect.gather [hbm4b:s1+s18], $0x80, s3, s18, $0xb8;
	[tilespmem:$0x1D000] =	vst v63  }
0x2ea: {  	s30 =	simm.s32 $0x80  }
0x2eb: {  	[tilespmem:s20], [sflag:$0x2] =	stream.indirect.gather [hbm4b:s1+s18], $0x80, s30, s18, $0xb8;
	[tilespmem:$0x1D000] =	vst v63  }
0x2ec: {  	s30 =	simm.s32 $0x100  }
0x2ed: {  	[tilespmem:s22], [sflag:$0x3] =	stream.indirect.gather [hbm4b:s1+s18], $0x80, s30, s18, $0xb8;
	[tilespmem:$0x1D000] =	vst v63  }
0x2ee: {  	s30 =	simm.s32 $0x180  }
0x2ef: {  	[tilespmem:s24], [sflag:$0x4] =	stream.indirect.gather [hbm4b:s1+s18], $0x80, s30, s18, $0xb8;
	[tilespmem:$0x1D000] =	vst v63  }
0x2f0: {  	_ =	swait.ge [sflag:s25], $0x1400  }
0x2f1: {  	[sflag:s25] =	ssyncset.done $0x0  }
0x2f2: {  	[sflag:s25] =	ssyncadd.s32 $0xFFFFEC00  }
0x2f3: {  	[spmem:s2] =	stream.indirect.scatter.add.f32 [tilespmem:s23], [sflag:$0x5], $0x80, s17, s18, $0xb8;
	[tilespmem:$0x1D000] =	vst v63  }
0x2f4: {  	_ =	swait.ge [sflag:s26], $0x1400  }
0x2f5: {  	[sflag:s26] =	ssyncset.done $0x0  }
0x2f6: {  	s30 =	simm.s32 $0x200;
	[sflag:s26] =	ssyncadd.s32 $0xFFFFEC00  }
0x2f7: {  	[tilespmem:s23], [sflag:$0x1] =	stream.indirect.gather [hbm4b:s1+s18], $0x80, s30, s18, $0xb8;
	[tilespmem:$0x1D000] =	vst v63  }
0x2f8: {  	_ =	swait.ge [sflag:s29], $0x1400  }
0x2f9: {  	[sflag:s29] =	ssyncset.done $0x0  }
0x2fa: {  	s30 =	simm.s32 $0x2080;
	[sflag:s29] =	ssyncadd.s32 $0xFFFFEC00  }
0x2fb: {  	[spmem:s2] =	stream.indirect.scatter.add.f32 [tilespmem:s20], [sflag:$0x6], $0x80, s30, s18, $0xb8;
	[tilespmem:$0x1D000] =	vst v63  }
0x2fc: {  	_ =	swait.ge [sflag:s31], $0x1400  }
0x2fd: {  	[sflag:s31] =	ssyncset.done $0x0  }
0x2fe: {  	[sflag:s31] =	ssyncadd.s32 $0xFFFFEC00  }
0x2ff: {  	[tilespmem:s20], [sflag:$0x2] =	stream.indirect.gather [hbm4b:s1+s18], $0x80, s0, s18, $0xb8;
	[tilespmem:$0x1D000] =	vst v63  }
0x300: {  	_ =	swait.ge [sflag:s9], $0x1400  }
0x301: {  	[sflag:s9] =	ssyncset.done $0x0  }
0x302: {  	[sflag:s9] =	ssyncadd.s32 $0xFFFFEC00  }
0x303: {  	[spmem:s2] =	stream.indirect.scatter.add.f32 [tilespmem:s22], [sflag:$0x7], $0x80, s10, s18, $0xb8;
	[tilespmem:$0x1D000] =	vst v63  }
0x304: {  	_ =	swait.ge [sflag:s11], $0x1400  }
0x305: {  	[sflag:s11] =	ssyncset.done $0x0  }
0x306: {  	[sflag:s11] =	ssyncadd.s32 $0xFFFFEC00  }
0x307: {  	[tilespmem:s22], [sflag:$0x3] =	stream.indirect.gather [hbm4b:s1+s18], $0x80, s12, s18, $0xb8;
	[tilespmem:$0x1D000] =	vst v63  }
0x308: {  	_ =	swait.ge [sflag:s13], $0x1400  }
0x309: {  	[sflag:s13] =	ssyncset.done $0x0  }
0x30a: {  	[sflag:s13] =	ssyncadd.s32 $0xFFFFEC00  }
0x30b: {  	[spmem:s2] =	stream.indirect.scatter.add.f32 [tilespmem:s24], [sflag:$0x8], $0x80, s14, s18, $0xb8;
	[tilespmem:$0x1D000] =	vst v63  }
0x30c: {  	_ =	swait.ge [sflag:s15], $0x1400  }
0x30d: {  	[sflag:s15] =	ssyncset.done $0x0  }
0x30e: {  	s30 =	simm.s32 $0x380;
	[sflag:s15] =	ssyncadd.s32 $0xFFFFEC00  }
0x30f: {  	[tilespmem:s24], [sflag:$0x4] =	stream.indirect.gather [hbm4b:s1+s18], $0x80, s30, s18, $0xb8;
	[tilespmem:$0x1D000] =	vst v63  }
0x310: {  	_ =	swait.ge [sflag:s25], $0x1400  }
0x311: {  	[sflag:s25] =	ssyncset.done $0x0  }
0x312: {  	s30 =	simm.s32 $0x2200;
	[sflag:s25] =	ssyncadd.s32 $0xFFFFEC00  }
0x313: {  	[spmem:s2] =	stream.indirect.scatter.add.f32 [tilespmem:s23], [sflag:$0x5], $0x80, s30, s18, $0xb8;
	[tilespmem:$0x1D000] =	vst v63  }
0x314: {  	_ =	swait.ge [sflag:s26], $0x1400  }
0x315: {  	[sflag:s26] =	ssyncset.done $0x0  }
0x316: {  	s30 =	simm.s32 $0x400;
	[sflag:s26] =	ssyncadd.s32 $0xFFFFEC00  }
0x317: {  	[tilespmem:s23], [sflag:$0x1] =	stream.indirect.gather [hbm4b:s1+s18], $0x80, s30, s18, $0xb8;
	[tilespmem:$0x1D000] =	vst v63  }
0x318: {  	_ =	swait.ge [sflag:s29], $0x1400  }
0x319: {  	[sflag:s29] =	ssyncset.done $0x0  }
0x31a: {  	s30 =	simm.s32 $0x2280;
	[sflag:s29] =	ssyncadd.s32 $0xFFFFEC00  }
0x31b: {  	[spmem:s2] =	stream.indirect.scatter.add.f32 [tilespmem:s20], [sflag:$0x6], $0x80, s30, s18, $0xb8;
	[tilespmem:$0x1D000] =	vst v63  }
0x31c: {  	_ =	swait.ge [sflag:s31], $0x1400  }
0x31d: {  	[sflag:s31] =	ssyncset.done $0x0  }
0x31e: {  	s30 =	simm.s32 $0x480;
	[sflag:s31] =	ssyncadd.s32 $0xFFFFEC00  }
0x31f: {  	[tilespmem:s20], [sflag:$0x2] =	stream.indirect.gather [hbm4b:s1+s18], $0x80, s30, s18, $0xb8;
	[tilespmem:$0x1D000] =	vst v63  }
0x320: {  	_ =	swait.ge [sflag:s9], $0x1400  }
0x321: {  	[sflag:s9] =	ssyncset.done $0x0  }
0x322: {  	s30 =	simm.s32 $0x2300;
	[sflag:s9] =	ssyncadd.s32 $0xFFFFEC00  }
0x323: {  	[spmem:s2] =	stream.indirect.scatter.add.f32 [tilespmem:s22], [sflag:$0x7], $0x80, s30, s18, $0xb8;
	[tilespmem:$0x1D000] =	vst v63  }
0x324: {  	_ =	swait.ge [sflag:s11], $0x1400  }
0x325: {  	[sflag:s11] =	ssyncset.done $0x0  }
0x326: {  	s30 =	simm.s32 $0x500;
	[sflag:s11] =	ssyncadd.s32 $0xFFFFEC00  }
0x327: {  	[tilespmem:s22], [sflag:$0x3] =	stream.indirect.gather [hbm4b:s1+s18], $0x80, s30, s18, $0xb8;
	[tilespmem:$0x1D000] =	vst v63  }
0x328: {  	_ =	swait.ge [sflag:s13], $0x1400  }
0x329: {  	[sflag:s13] =	ssyncset.done $0x0  }
0x32a: {  	s28 =	simm.s32 $0x2380;
	s3 =	simm.s32 $0x800;
	[sflag:s13] =	ssyncadd.s32 $0xFFFFEC00  }
.LBB2_11:
0x32b: {  	[spmem:s2] =	stream.indirect.scatter.add.f32 [tilespmem:s24], [sflag:$0x8], $0x80, s28, s18, $0xb8;
	[tilespmem:$0x1D000] =	vst v63  }
0x32c: {  	s28 =	smov.u32 s3  }
0x32d: {  	p1 =	sne.s32 s3, $0x6800;
	s3 =	sadd.s32 $0x800, s3;
	_ =	swait.ge [sflag:s15], $0x1400  }
0x32e: {  	s28 =	sshra.s32 s28, $0x2;
	[sflag:s15] =	ssyncset.done $0x0  }
0x32f: {  	s30 =	sadd.s32 $0x380, s28;
	[sflag:s15] =	ssyncadd.s32 $0xFFFFEC00  }
0x330: {  	[tilespmem:s24], [sflag:$0x4] =	stream.indirect.gather [hbm4b:s1+s18], $0x80, s30, s18, $0xb8;
	[tilespmem:$0x1D000] =	vst v63  }
0x331: {  	_ =	swait.ge [sflag:s25], $0x1400  }
0x332: {  	[sflag:s25] =	ssyncset.done $0x0  }
0x333: {  	s30 =	sadd.s32 $0x2200, s28;
	[sflag:s25] =	ssyncadd.s32 $0xFFFFEC00  }
0x334: {  	[spmem:s2] =	stream.indirect.scatter.add.f32 [tilespmem:s23], [sflag:$0x5], $0x80, s30, s18, $0xb8;
	[tilespmem:$0x1D000] =	vst v63  }
0x335: {  	_ =	swait.ge [sflag:s26], $0x1400  }
0x336: {  	[sflag:s26] =	ssyncset.done $0x0  }
0x337: {  	s30 =	sadd.s32 $0x400, s28;
	[sflag:s26] =	ssyncadd.s32 $0xFFFFEC00  }
0x338: {  	[tilespmem:s23], [sflag:$0x1] =	stream.indirect.gather [hbm4b:s1+s18], $0x80, s30, s18, $0xb8;
	[tilespmem:$0x1D000] =	vst v63  }
0x339: {  	_ =	swait.ge [sflag:s29], $0x1400  }
0x33a: {  	[sflag:s29] =	ssyncset.done $0x0  }
0x33b: {  	s30 =	sadd.s32 $0x2280, s28;
	[sflag:s29] =	ssyncadd.s32 $0xFFFFEC00  }
0x33c: {  	[spmem:s2] =	stream.indirect.scatter.add.f32 [tilespmem:s20], [sflag:$0x6], $0x80, s30, s18, $0xb8;
	[tilespmem:$0x1D000] =	vst v63  }
0x33d: {  	_ =	swait.ge [sflag:s31], $0x1400  }
0x33e: {  	[sflag:s31] =	ssyncset.done $0x0  }
0x33f: {  	s30 =	sadd.s32 $0x480, s28;
	[sflag:s31] =	ssyncadd.s32 $0xFFFFEC00  }
0x340: {  	[tilespmem:s20], [sflag:$0x2] =	stream.indirect.gather [hbm4b:s1+s18], $0x80, s30, s18, $0xb8;
	[tilespmem:$0x1D000] =	vst v63  }
0x341: {  	_ =	swait.ge [sflag:s9], $0x1400  }
0x342: {  	[sflag:s9] =	ssyncset.done $0x0  }
0x343: {  	s30 =	sadd.s32 $0x2300, s28;
	[sflag:s9] =	ssyncadd.s32 $0xFFFFEC00  }
0x344: {  	[spmem:s2] =	stream.indirect.scatter.add.f32 [tilespmem:s22], [sflag:$0x7], $0x80, s30, s18, $0xb8;
	[tilespmem:$0x1D000] =	vst v63  }
0x345: {  	_ =	swait.ge [sflag:s11], $0x1400  }
0x346: {  	[sflag:s11] =	ssyncset.done $0x0  }
.Ltmp17:
0x347: {  	s30 =	sadd.s32 $0x500, s28;
	[sflag:s11] =	ssyncadd.s32 $0xFFFFEC00;
	(pc) =	sbr.rel @p1 .LBB2_11-.Ltmp17, $4  }
0x348: {  	[tilespmem:s22], [sflag:$0x3] =	stream.indirect.gather [hbm4b:s1+s18], $0x80, s30, s18, $0xb8;
	[tilespmem:$0x1D000] =	vst v63  }
0x349: {  	_ =	swait.ge [sflag:s13], $0x1400  }
0x34a: {  	[sflag:s13] =	ssyncset.done $0x0  }
0x34b: {  	s28 =	sadd.s32 $0x2380, s28;
	[sflag:s13] =	ssyncadd.s32 $0xFFFFEC00  }
0x34c: {  	[spmem:s2] =	stream.indirect.scatter.add.f32 [tilespmem:s24], [sflag:$0x8], $0x80, s28, s18, $0xb8;
	[tilespmem:$0x1D000] =	vst v63  }
0x34d: {  	_ =	swait.ge [sflag:s15], $0x1400  }
0x34e: {  	[sflag:s15] =	ssyncset.done $0x0  }
0x34f: {  	[sflag:s15] =	ssyncadd.s32 $0xFFFFEC00  }
0x350: {  	[tilespmem:s24], [sflag:$0x4] =	stream.indirect.gather [hbm4b:s1+s18], $0x80, s5, s18, $0xb8;
	[tilespmem:$0x1D000] =	vst v63  }
0x351: {  	_ =	swait.ge [sflag:s25], $0x1400  }
0x352: {  	[sflag:s25] =	ssyncset.done $0x0  }
0x353: {  	[sflag:s25] =	ssyncadd.s32 $0xFFFFEC00  }
0x354: {  	[spmem:s2] =	stream.indirect.scatter.add.f32 [tilespmem:s23], [sflag:$0x5], $0x80, s16, s18, $0xb8;
	[tilespmem:$0x1D000] =	vst v63  }
0x355: {  	_ =	swait.ge [sflag:s29], $0x1400  }
0x356: {  	[sflag:s29] =	ssyncset.done $0x0  }
0x357: {  	[sflag:s29] =	ssyncadd.s32 $0xFFFFEC00  }
0x358: {  	[spmem:s2] =	stream.indirect.scatter.add.f32 [tilespmem:s20], [sflag:$0x6], $0x80, s8, s18, $0xb8;
	[tilespmem:$0x1D000] =	vst v63  }
0x359: {  	_ =	swait.ge [sflag:s9], $0x1400  }
0x35a: {  	[sflag:s9] =	ssyncset.done $0x0  }
0x35b: {  	[sflag:s9] =	ssyncadd.s32 $0xFFFFEC00  }
0x35c: {  	[spmem:s2] =	stream.indirect.scatter.add.f32 [tilespmem:s22], [sflag:$0x7], $0x80, s19, s18, $0xb8;
	[tilespmem:$0x1D000] =	vst v63  }
0x35d: {  	_ =	swait.ge [sflag:s13], $0x1400  }
0x35e: {  	[sflag:s13] =	ssyncset.done $0x0  }
0x35f: {  	[sflag:s13] =	ssyncadd.s32 $0xFFFFEC00  }
0x360: {  	[spmem:s2] =	stream.indirect.scatter.add.f32 [tilespmem:s24], [sflag:$0x8], $0x80, s21, s18, $0xb8;
	[tilespmem:$0x1D000] =	vst v63  }
0x361: {  	_ =	swait.ge [sflag:s26], $0x1400  }
0x362: {  	[sflag:s26] =	ssyncset.done $0x0  }
0x363: {  	[sflag:s26] =	ssyncadd.s32 $0xFFFFEC00  }
0x364: {  	_ =	swait.ge [sflag:s31], $0x1400  }
0x365: {  	[sflag:s31] =	ssyncset.done $0x0  }
0x366: {  	[sflag:s31] =	ssyncadd.s32 $0xFFFFEC00  }
0x367: {  	_ =	swait.ge [sflag:s11], $0x1400  }
0x368: {  	[sflag:s11] =	ssyncset.done $0x0  }
0x369: {  	[sflag:s11] =	ssyncadd.s32 $0xFFFFEC00  }
0x36a: {  	_ =	swait.ge [sflag:s15], $0x1400  }
0x36b: {  	[sflag:s15] =	ssyncset.done $0x0  }
0x36c: {  	s3 =	simm.s32 $0x0;
	s28 =	rddreg [dreg:$0xf];
	[sflag:s15] =	ssyncadd.s32 $0xFFFFEC00  }
0x36d: {  	[tilespmem:s17], [sflag:$0x9] =	stream.linear.gather [hbm4b:s28+s3], $0x2000, $0x38;
	[tilespmem:$0x1D000] =	vst v63  }
0x36e: {  	_ =	swait.ge [sflag:s6], $0x2000  }
0x36f: {  	[sflag:s6] =	ssyncset.done $0x0  }
0x370: {  	s28 =	rddreg [dreg:$0x10];
	[sflag:s6] =	ssyncadd.s32 $0xFFFFE000  }
0x371: {  	[tilespmem:s3], [sflag:$0x9] =	stream.linear.gather [hbm4b:s28+s3], $0x2000, $0x38;
	[tilespmem:$0x1D000] =	vst v63  }
0x372: {  	_ =	swait.ge [sflag:s6], $0x2000  }
0x373: {  	[sflag:s6] =	ssyncset.done $0x0  }
0x374: {  	[sflag:s6] =	ssyncadd.s32 $0xFFFFE000  }
0x375: {  	[tilespmem:s23], [sflag:$0x1] =	stream.indirect.gather [hbm4b:s1+s18], $0x80, s3, s18, $0xb8;
	[tilespmem:$0x1D000] =	vst v63  }
0x376: {  	s30 =	simm.s32 $0x80  }
0x377: {  	[tilespmem:s20], [sflag:$0x2] =	stream.indirect.gather [hbm4b:s1+s18], $0x80, s30, s18, $0xb8;
	[tilespmem:$0x1D000] =	vst v63  }
0x378: {  	s30 =	simm.s32 $0x100  }
0x379: {  	[tilespmem:s22], [sflag:$0x3] =	stream.indirect.gather [hbm4b:s1+s18], $0x80, s30, s18, $0xb8;
	[tilespmem:$0x1D000] =	vst v63  }
0x37a: {  	s30 =	simm.s32 $0x180  }
0x37b: {  	[tilespmem:s24], [sflag:$0x4] =	stream.indirect.gather [hbm4b:s1+s18], $0x80, s30, s18, $0xb8;
	[tilespmem:$0x1D000] =	vst v63  }
0x37c: {  	_ =	swait.ge [sflag:s25], $0x1400  }
0x37d: {  	[sflag:s25] =	ssyncset.done $0x0  }
0x37e: {  	[sflag:s25] =	ssyncadd.s32 $0xFFFFEC00  }
0x37f: {  	[spmem:s2] =	stream.indirect.scatter.add.f32 [tilespmem:s23], [sflag:$0x5], $0x80, s17, s18, $0xb8;
	[tilespmem:$0x1D000] =	vst v63  }
0x380: {  	_ =	swait.ge [sflag:s26], $0x1400  }
0x381: {  	[sflag:s26] =	ssyncset.done $0x0  }
0x382: {  	s30 =	simm.s32 $0x200;
	[sflag:s26] =	ssyncadd.s32 $0xFFFFEC00  }
0x383: {  	[tilespmem:s23], [sflag:$0x1] =	stream.indirect.gather [hbm4b:s1+s18], $0x80, s30, s18, $0xb8;
	[tilespmem:$0x1D000] =	vst v63  }
0x384: {  	_ =	swait.ge [sflag:s29], $0x1400  }
0x385: {  	[sflag:s29] =	ssyncset.done $0x0  }
0x386: {  	s30 =	simm.s32 $0x2080;
	[sflag:s29] =	ssyncadd.s32 $0xFFFFEC00  }
0x387: {  	[spmem:s2] =	stream.indirect.scatter.add.f32 [tilespmem:s20], [sflag:$0x6], $0x80, s30, s18, $0xb8;
	[tilespmem:$0x1D000] =	vst v63  }
0x388: {  	_ =	swait.ge [sflag:s31], $0x1400  }
0x389: {  	[sflag:s31] =	ssyncset.done $0x0  }
0x38a: {  	[sflag:s31] =	ssyncadd.s32 $0xFFFFEC00  }
0x38b: {  	[tilespmem:s20], [sflag:$0x2] =	stream.indirect.gather [hbm4b:s1+s18], $0x80, s0, s18, $0xb8;
	[tilespmem:$0x1D000] =	vst v63  }
0x38c: {  	_ =	swait.ge [sflag:s9], $0x1400  }
0x38d: {  	[sflag:s9] =	ssyncset.done $0x0  }
0x38e: {  	[sflag:s9] =	ssyncadd.s32 $0xFFFFEC00  }
0x38f: {  	[spmem:s2] =	stream.indirect.scatter.add.f32 [tilespmem:s22], [sflag:$0x7], $0x80, s10, s18, $0xb8;
	[tilespmem:$0x1D000] =	vst v63  }
0x390: {  	_ =	swait.ge [sflag:s11], $0x1400  }
0x391: {  	[sflag:s11] =	ssyncset.done $0x0  }
0x392: {  	[sflag:s11] =	ssyncadd.s32 $0xFFFFEC00  }
0x393: {  	[tilespmem:s22], [sflag:$0x3] =	stream.indirect.gather [hbm4b:s1+s18], $0x80, s12, s18, $0xb8;
	[tilespmem:$0x1D000] =	vst v63  }
0x394: {  	_ =	swait.ge [sflag:s13], $0x1400  }
0x395: {  	[sflag:s13] =	ssyncset.done $0x0  }
0x396: {  	[sflag:s13] =	ssyncadd.s32 $0xFFFFEC00  }
0x397: {  	[spmem:s2] =	stream.indirect.scatter.add.f32 [tilespmem:s24], [sflag:$0x8], $0x80, s14, s18, $0xb8;
	[tilespmem:$0x1D000] =	vst v63  }
0x398: {  	_ =	swait.ge [sflag:s15], $0x1400  }
0x399: {  	[sflag:s15] =	ssyncset.done $0x0  }
0x39a: {  	s30 =	simm.s32 $0x380;
	[sflag:s15] =	ssyncadd.s32 $0xFFFFEC00  }
0x39b: {  	[tilespmem:s24], [sflag:$0x4] =	stream.indirect.gather [hbm4b:s1+s18], $0x80, s30, s18, $0xb8;
	[tilespmem:$0x1D000] =	vst v63  }
0x39c: {  	_ =	swait.ge [sflag:s25], $0x1400  }
0x39d: {  	[sflag:s25] =	ssyncset.done $0x0  }
0x39e: {  	s30 =	simm.s32 $0x2200;
	[sflag:s25] =	ssyncadd.s32 $0xFFFFEC00  }
0x39f: {  	[spmem:s2] =	stream.indirect.scatter.add.f32 [tilespmem:s23], [sflag:$0x5], $0x80, s30, s18, $0xb8;
	[tilespmem:$0x1D000] =	vst v63  }
0x3a0: {  	_ =	swait.ge [sflag:s26], $0x1400  }
0x3a1: {  	[sflag:s26] =	ssyncset.done $0x0  }
0x3a2: {  	s30 =	simm.s32 $0x400;
	[sflag:s26] =	ssyncadd.s32 $0xFFFFEC00  }
0x3a3: {  	[tilespmem:s23], [sflag:$0x1] =	stream.indirect.gather [hbm4b:s1+s18], $0x80, s30, s18, $0xb8;
	[tilespmem:$0x1D000] =	vst v63  }
0x3a4: {  	_ =	swait.ge [sflag:s29], $0x1400  }
0x3a5: {  	[sflag:s29] =	ssyncset.done $0x0  }
0x3a6: {  	s30 =	simm.s32 $0x2280;
	[sflag:s29] =	ssyncadd.s32 $0xFFFFEC00  }
0x3a7: {  	[spmem:s2] =	stream.indirect.scatter.add.f32 [tilespmem:s20], [sflag:$0x6], $0x80, s30, s18, $0xb8;
	[tilespmem:$0x1D000] =	vst v63  }
0x3a8: {  	_ =	swait.ge [sflag:s31], $0x1400  }
0x3a9: {  	[sflag:s31] =	ssyncset.done $0x0  }
0x3aa: {  	s30 =	simm.s32 $0x480;
	[sflag:s31] =	ssyncadd.s32 $0xFFFFEC00  }
0x3ab: {  	[tilespmem:s20], [sflag:$0x2] =	stream.indirect.gather [hbm4b:s1+s18], $0x80, s30, s18, $0xb8;
	[tilespmem:$0x1D000] =	vst v63  }
0x3ac: {  	_ =	swait.ge [sflag:s9], $0x1400  }
0x3ad: {  	[sflag:s9] =	ssyncset.done $0x0  }
0x3ae: {  	s30 =	simm.s32 $0x2300;
	[sflag:s9] =	ssyncadd.s32 $0xFFFFEC00  }
0x3af: {  	[spmem:s2] =	stream.indirect.scatter.add.f32 [tilespmem:s22], [sflag:$0x7], $0x80, s30, s18, $0xb8;
	[tilespmem:$0x1D000] =	vst v63  }
0x3b0: {  	_ =	swait.ge [sflag:s11], $0x1400  }
0x3b1: {  	[sflag:s11] =	ssyncset.done $0x0  }
0x3b2: {  	s30 =	simm.s32 $0x500;
	[sflag:s11] =	ssyncadd.s32 $0xFFFFEC00  }
0x3b3: {  	[tilespmem:s22], [sflag:$0x3] =	stream.indirect.gather [hbm4b:s1+s18], $0x80, s30, s18, $0xb8;
	[tilespmem:$0x1D000] =	vst v63  }
0x3b4: {  	_ =	swait.ge [sflag:s13], $0x1400  }
0x3b5: {  	[sflag:s13] =	ssyncset.done $0x0  }
0x3b6: {  	s28 =	simm.s32 $0x2380;
	s3 =	simm.s32 $0x800;
	[sflag:s13] =	ssyncadd.s32 $0xFFFFEC00  }
.LBB2_13:
0x3b7: {  	[spmem:s2] =	stream.indirect.scatter.add.f32 [tilespmem:s24], [sflag:$0x8], $0x80, s28, s18, $0xb8;
	[tilespmem:$0x1D000] =	vst v63  }
0x3b8: {  	s28 =	smov.u32 s3  }
0x3b9: {  	p1 =	sne.s32 s3, $0x6800;
	s3 =	sadd.s32 $0x800, s3;
	_ =	swait.ge [sflag:s15], $0x1400  }
0x3ba: {  	s28 =	sshra.s32 s28, $0x2;
	[sflag:s15] =	ssyncset.done $0x0  }
0x3bb: {  	s30 =	sadd.s32 $0x380, s28;
	[sflag:s15] =	ssyncadd.s32 $0xFFFFEC00  }
0x3bc: {  	[tilespmem:s24], [sflag:$0x4] =	stream.indirect.gather [hbm4b:s1+s18], $0x80, s30, s18, $0xb8;
	[tilespmem:$0x1D000] =	vst v63  }
0x3bd: {  	_ =	swait.ge [sflag:s25], $0x1400  }
0x3be: {  	[sflag:s25] =	ssyncset.done $0x0  }
0x3bf: {  	s30 =	sadd.s32 $0x2200, s28;
	[sflag:s25] =	ssyncadd.s32 $0xFFFFEC00  }
0x3c0: {  	[spmem:s2] =	stream.indirect.scatter.add.f32 [tilespmem:s23], [sflag:$0x5], $0x80, s30, s18, $0xb8;
	[tilespmem:$0x1D000] =	vst v63  }
0x3c1: {  	_ =	swait.ge [sflag:s26], $0x1400  }
0x3c2: {  	[sflag:s26] =	ssyncset.done $0x0  }
0x3c3: {  	s30 =	sadd.s32 $0x400, s28;
	[sflag:s26] =	ssyncadd.s32 $0xFFFFEC00  }
0x3c4: {  	[tilespmem:s23], [sflag:$0x1] =	stream.indirect.gather [hbm4b:s1+s18], $0x80, s30, s18, $0xb8;
	[tilespmem:$0x1D000] =	vst v63  }
0x3c5: {  	_ =	swait.ge [sflag:s29], $0x1400  }
0x3c6: {  	[sflag:s29] =	ssyncset.done $0x0  }
0x3c7: {  	s30 =	sadd.s32 $0x2280, s28;
	[sflag:s29] =	ssyncadd.s32 $0xFFFFEC00  }
0x3c8: {  	[spmem:s2] =	stream.indirect.scatter.add.f32 [tilespmem:s20], [sflag:$0x6], $0x80, s30, s18, $0xb8;
	[tilespmem:$0x1D000] =	vst v63  }
0x3c9: {  	_ =	swait.ge [sflag:s31], $0x1400  }
0x3ca: {  	[sflag:s31] =	ssyncset.done $0x0  }
0x3cb: {  	s30 =	sadd.s32 $0x480, s28;
	[sflag:s31] =	ssyncadd.s32 $0xFFFFEC00  }
0x3cc: {  	[tilespmem:s20], [sflag:$0x2] =	stream.indirect.gather [hbm4b:s1+s18], $0x80, s30, s18, $0xb8;
	[tilespmem:$0x1D000] =	vst v63  }
0x3cd: {  	_ =	swait.ge [sflag:s9], $0x1400  }
0x3ce: {  	[sflag:s9] =	ssyncset.done $0x0  }
0x3cf: {  	s30 =	sadd.s32 $0x2300, s28;
	[sflag:s9] =	ssyncadd.s32 $0xFFFFEC00  }
0x3d0: {  	[spmem:s2] =	stream.indirect.scatter.add.f32 [tilespmem:s22], [sflag:$0x7], $0x80, s30, s18, $0xb8;
	[tilespmem:$0x1D000] =	vst v63  }
0x3d1: {  	_ =	swait.ge [sflag:s11], $0x1400  }
0x3d2: {  	[sflag:s11] =	ssyncset.done $0x0  }
.Ltmp18:
0x3d3: {  	s30 =	sadd.s32 $0x500, s28;
	[sflag:s11] =	ssyncadd.s32 $0xFFFFEC00;
	(pc) =	sbr.rel @p1 .LBB2_13-.Ltmp18, $4  }
0x3d4: {  	[tilespmem:s22], [sflag:$0x3] =	stream.indirect.gather [hbm4b:s1+s18], $0x80, s30, s18, $0xb8;
	[tilespmem:$0x1D000] =	vst v63  }
0x3d5: {  	_ =	swait.ge [sflag:s13], $0x1400  }
0x3d6: {  	[sflag:s13] =	ssyncset.done $0x0  }
0x3d7: {  	s28 =	sadd.s32 $0x2380, s28;
	[sflag:s13] =	ssyncadd.s32 $0xFFFFEC00  }
0x3d8: {  	[spmem:s2] =	stream.indirect.scatter.add.f32 [tilespmem:s24], [sflag:$0x8], $0x80, s28, s18, $0xb8;
	[tilespmem:$0x1D000] =	vst v63  }
0x3d9: {  	_ =	swait.ge [sflag:s15], $0x1400  }
0x3da: {  	[sflag:s15] =	ssyncset.done $0x0  }
0x3db: {  	[sflag:s15] =	ssyncadd.s32 $0xFFFFEC00  }
0x3dc: {  	[tilespmem:s24], [sflag:$0x4] =	stream.indirect.gather [hbm4b:s1+s18], $0x80, s5, s18, $0xb8;
	[tilespmem:$0x1D000] =	vst v63  }
0x3dd: {  	_ =	swait.ge [sflag:s25], $0x1400  }
0x3de: {  	[sflag:s25] =	ssyncset.done $0x0  }
0x3df: {  	[sflag:s25] =	ssyncadd.s32 $0xFFFFEC00  }
0x3e0: {  	[spmem:s2] =	stream.indirect.scatter.add.f32 [tilespmem:s23], [sflag:$0x5], $0x80, s16, s18, $0xb8;
	[tilespmem:$0x1D000] =	vst v63  }
0x3e1: {  	_ =	swait.ge [sflag:s29], $0x1400  }
0x3e2: {  	[sflag:s29] =	ssyncset.done $0x0  }
0x3e3: {  	[sflag:s29] =	ssyncadd.s32 $0xFFFFEC00  }
0x3e4: {  	[spmem:s2] =	stream.indirect.scatter.add.f32 [tilespmem:s20], [sflag:$0x6], $0x80, s8, s18, $0xb8;
	[tilespmem:$0x1D000] =	vst v63  }
0x3e5: {  	_ =	swait.ge [sflag:s9], $0x1400  }
0x3e6: {  	[sflag:s9] =	ssyncset.done $0x0  }
0x3e7: {  	[sflag:s9] =	ssyncadd.s32 $0xFFFFEC00  }
0x3e8: {  	[spmem:s2] =	stream.indirect.scatter.add.f32 [tilespmem:s22], [sflag:$0x7], $0x80, s19, s18, $0xb8;
	[tilespmem:$0x1D000] =	vst v63  }
0x3e9: {  	_ =	swait.ge [sflag:s13], $0x1400  }
0x3ea: {  	[sflag:s13] =	ssyncset.done $0x0  }
0x3eb: {  	[sflag:s13] =	ssyncadd.s32 $0xFFFFEC00  }
0x3ec: {  	[spmem:s2] =	stream.indirect.scatter.add.f32 [tilespmem:s24], [sflag:$0x8], $0x80, s21, s18, $0xb8;
	[tilespmem:$0x1D000] =	vst v63  }
0x3ed: {  	_ =	swait.ge [sflag:s26], $0x1400  }
0x3ee: {  	[sflag:s26] =	ssyncset.done $0x0  }
0x3ef: {  	[sflag:s26] =	ssyncadd.s32 $0xFFFFEC00  }
0x3f0: {  	_ =	swait.ge [sflag:s31], $0x1400  }
0x3f1: {  	[sflag:s31] =	ssyncset.done $0x0  }
0x3f2: {  	[sflag:s31] =	ssyncadd.s32 $0xFFFFEC00  }
0x3f3: {  	_ =	swait.ge [sflag:s11], $0x1400  }
0x3f4: {  	[sflag:s11] =	ssyncset.done $0x0  }
0x3f5: {  	[sflag:s11] =	ssyncadd.s32 $0xFFFFEC00  }
0x3f6: {  	_ =	swait.ge [sflag:s15], $0x1400  }
0x3f7: {  	[sflag:s15] =	ssyncset.done $0x0  }
0x3f8: {  	s3 =	simm.s32 $0x0;
	s28 =	rddreg [dreg:$0x11];
	[sflag:s15] =	ssyncadd.s32 $0xFFFFEC00  }
0x3f9: {  	[tilespmem:s17], [sflag:$0x9] =	stream.linear.gather [hbm4b:s28+s3], $0x2000, $0x38;
	[tilespmem:$0x1D000] =	vst v63  }
0x3fa: {  	_ =	swait.ge [sflag:s6], $0x2000  }
0x3fb: {  	[sflag:s6] =	ssyncset.done $0x0  }
0x3fc: {  	s28 =	rddreg [dreg:$0x12];
	[sflag:s6] =	ssyncadd.s32 $0xFFFFE000  }
0x3fd: {  	[tilespmem:s3], [sflag:$0x9] =	stream.linear.gather [hbm4b:s28+s3], $0x2000, $0x38;
	[tilespmem:$0x1D000] =	vst v63  }
0x3fe: {  	_ =	swait.ge [sflag:s6], $0x2000  }
0x3ff: {  	[sflag:s6] =	ssyncset.done $0x0  }
0x400: {  	[sflag:s6] =	ssyncadd.s32 $0xFFFFE000  }
0x401: {  	[tilespmem:s23], [sflag:$0x1] =	stream.indirect.gather [hbm4b:s1+s18], $0x80, s3, s18, $0xb8;
	[tilespmem:$0x1D000] =	vst v63  }
0x402: {  	s30 =	simm.s32 $0x80  }
0x403: {  	[tilespmem:s20], [sflag:$0x2] =	stream.indirect.gather [hbm4b:s1+s18], $0x80, s30, s18, $0xb8;
	[tilespmem:$0x1D000] =	vst v63  }
0x404: {  	s30 =	simm.s32 $0x100  }
0x405: {  	[tilespmem:s22], [sflag:$0x3] =	stream.indirect.gather [hbm4b:s1+s18], $0x80, s30, s18, $0xb8;
	[tilespmem:$0x1D000] =	vst v63  }
0x406: {  	s30 =	simm.s32 $0x180  }
0x407: {  	[tilespmem:s24], [sflag:$0x4] =	stream.indirect.gather [hbm4b:s1+s18], $0x80, s30, s18, $0xb8;
	[tilespmem:$0x1D000] =	vst v63  }
0x408: {  	_ =	swait.ge [sflag:s25], $0x1400  }
0x409: {  	[sflag:s25] =	ssyncset.done $0x0  }
0x40a: {  	[sflag:s25] =	ssyncadd.s32 $0xFFFFEC00  }
0x40b: {  	[spmem:s2] =	stream.indirect.scatter.add.f32 [tilespmem:s23], [sflag:$0x5], $0x80, s17, s18, $0xb8;
	[tilespmem:$0x1D000] =	vst v63  }
0x40c: {  	_ =	swait.ge [sflag:s26], $0x1400  }
0x40d: {  	[sflag:s26] =	ssyncset.done $0x0  }
0x40e: {  	s30 =	simm.s32 $0x200;
	[sflag:s26] =	ssyncadd.s32 $0xFFFFEC00  }
0x40f: {  	[tilespmem:s23], [sflag:$0x1] =	stream.indirect.gather [hbm4b:s1+s18], $0x80, s30, s18, $0xb8;
	[tilespmem:$0x1D000] =	vst v63  }
0x410: {  	_ =	swait.ge [sflag:s29], $0x1400  }
0x411: {  	[sflag:s29] =	ssyncset.done $0x0  }
0x412: {  	s30 =	simm.s32 $0x2080;
	[sflag:s29] =	ssyncadd.s32 $0xFFFFEC00  }
0x413: {  	[spmem:s2] =	stream.indirect.scatter.add.f32 [tilespmem:s20], [sflag:$0x6], $0x80, s30, s18, $0xb8;
	[tilespmem:$0x1D000] =	vst v63  }
0x414: {  	_ =	swait.ge [sflag:s31], $0x1400  }
0x415: {  	[sflag:s31] =	ssyncset.done $0x0  }
0x416: {  	[sflag:s31] =	ssyncadd.s32 $0xFFFFEC00  }
0x417: {  	[tilespmem:s20], [sflag:$0x2] =	stream.indirect.gather [hbm4b:s1+s18], $0x80, s0, s18, $0xb8;
	[tilespmem:$0x1D000] =	vst v63  }
0x418: {  	_ =	swait.ge [sflag:s9], $0x1400  }
0x419: {  	[sflag:s9] =	ssyncset.done $0x0  }
0x41a: {  	[sflag:s9] =	ssyncadd.s32 $0xFFFFEC00  }
0x41b: {  	[spmem:s2] =	stream.indirect.scatter.add.f32 [tilespmem:s22], [sflag:$0x7], $0x80, s10, s18, $0xb8;
	[tilespmem:$0x1D000] =	vst v63  }
0x41c: {  	_ =	swait.ge [sflag:s11], $0x1400  }
0x41d: {  	[sflag:s11] =	ssyncset.done $0x0  }
0x41e: {  	[sflag:s11] =	ssyncadd.s32 $0xFFFFEC00  }
0x41f: {  	[tilespmem:s22], [sflag:$0x3] =	stream.indirect.gather [hbm4b:s1+s18], $0x80, s12, s18, $0xb8;
	[tilespmem:$0x1D000] =	vst v63  }
0x420: {  	_ =	swait.ge [sflag:s13], $0x1400  }
0x421: {  	[sflag:s13] =	ssyncset.done $0x0  }
0x422: {  	[sflag:s13] =	ssyncadd.s32 $0xFFFFEC00  }
0x423: {  	[spmem:s2] =	stream.indirect.scatter.add.f32 [tilespmem:s24], [sflag:$0x8], $0x80, s14, s18, $0xb8;
	[tilespmem:$0x1D000] =	vst v63  }
0x424: {  	_ =	swait.ge [sflag:s15], $0x1400  }
0x425: {  	[sflag:s15] =	ssyncset.done $0x0  }
0x426: {  	s30 =	simm.s32 $0x380;
	[sflag:s15] =	ssyncadd.s32 $0xFFFFEC00  }
0x427: {  	[tilespmem:s24], [sflag:$0x4] =	stream.indirect.gather [hbm4b:s1+s18], $0x80, s30, s18, $0xb8;
	[tilespmem:$0x1D000] =	vst v63  }
0x428: {  	_ =	swait.ge [sflag:s25], $0x1400  }
0x429: {  	[sflag:s25] =	ssyncset.done $0x0  }
0x42a: {  	s30 =	simm.s32 $0x2200;
	[sflag:s25] =	ssyncadd.s32 $0xFFFFEC00  }
0x42b: {  	[spmem:s2] =	stream.indirect.scatter.add.f32 [tilespmem:s23], [sflag:$0x5], $0x80, s30, s18, $0xb8;
	[tilespmem:$0x1D000] =	vst v63  }
0x42c: {  	_ =	swait.ge [sflag:s26], $0x1400  }
0x42d: {  	[sflag:s26] =	ssyncset.done $0x0  }
0x42e: {  	s30 =	simm.s32 $0x400;
	[sflag:s26] =	ssyncadd.s32 $0xFFFFEC00  }
0x42f: {  	[tilespmem:s23], [sflag:$0x1] =	stream.indirect.gather [hbm4b:s1+s18], $0x80, s30, s18, $0xb8;
	[tilespmem:$0x1D000] =	vst v63  }
0x430: {  	_ =	swait.ge [sflag:s29], $0x1400  }
0x431: {  	[sflag:s29] =	ssyncset.done $0x0  }
0x432: {  	s30 =	simm.s32 $0x2280;
	[sflag:s29] =	ssyncadd.s32 $0xFFFFEC00  }
0x433: {  	[spmem:s2] =	stream.indirect.scatter.add.f32 [tilespmem:s20], [sflag:$0x6], $0x80, s30, s18, $0xb8;
	[tilespmem:$0x1D000] =	vst v63  }
0x434: {  	_ =	swait.ge [sflag:s31], $0x1400  }
0x435: {  	[sflag:s31] =	ssyncset.done $0x0  }
0x436: {  	s30 =	simm.s32 $0x480;
	[sflag:s31] =	ssyncadd.s32 $0xFFFFEC00  }
0x437: {  	[tilespmem:s20], [sflag:$0x2] =	stream.indirect.gather [hbm4b:s1+s18], $0x80, s30, s18, $0xb8;
	[tilespmem:$0x1D000] =	vst v63  }
0x438: {  	_ =	swait.ge [sflag:s9], $0x1400  }
0x439: {  	[sflag:s9] =	ssyncset.done $0x0  }
0x43a: {  	s30 =	simm.s32 $0x2300;
	[sflag:s9] =	ssyncadd.s32 $0xFFFFEC00  }
0x43b: {  	[spmem:s2] =	stream.indirect.scatter.add.f32 [tilespmem:s22], [sflag:$0x7], $0x80, s30, s18, $0xb8;
	[tilespmem:$0x1D000] =	vst v63  }
0x43c: {  	_ =	swait.ge [sflag:s11], $0x1400  }
0x43d: {  	[sflag:s11] =	ssyncset.done $0x0  }
0x43e: {  	s30 =	simm.s32 $0x500;
	[sflag:s11] =	ssyncadd.s32 $0xFFFFEC00  }
0x43f: {  	[tilespmem:s22], [sflag:$0x3] =	stream.indirect.gather [hbm4b:s1+s18], $0x80, s30, s18, $0xb8;
	[tilespmem:$0x1D000] =	vst v63  }
0x440: {  	_ =	swait.ge [sflag:s13], $0x1400  }
0x441: {  	[sflag:s13] =	ssyncset.done $0x0  }
0x442: {  	s28 =	simm.s32 $0x2380;
	s3 =	simm.s32 $0x800;
	[sflag:s13] =	ssyncadd.s32 $0xFFFFEC00  }
.LBB2_15:
0x443: {  	[spmem:s2] =	stream.indirect.scatter.add.f32 [tilespmem:s24], [sflag:$0x8], $0x80, s28, s18, $0xb8;
	[tilespmem:$0x1D000] =	vst v63  }
0x444: {  	s28 =	smov.u32 s3  }
0x445: {  	p1 =	sne.s32 s3, $0x6800;
	s3 =	sadd.s32 $0x800, s3;
	_ =	swait.ge [sflag:s15], $0x1400  }
0x446: {  	s28 =	sshra.s32 s28, $0x2;
	[sflag:s15] =	ssyncset.done $0x0  }
0x447: {  	s30 =	sadd.s32 $0x380, s28;
	[sflag:s15] =	ssyncadd.s32 $0xFFFFEC00  }
0x448: {  	[tilespmem:s24], [sflag:$0x4] =	stream.indirect.gather [hbm4b:s1+s18], $0x80, s30, s18, $0xb8;
	[tilespmem:$0x1D000] =	vst v63  }
0x449: {  	_ =	swait.ge [sflag:s25], $0x1400  }
0x44a: {  	[sflag:s25] =	ssyncset.done $0x0  }
0x44b: {  	s30 =	sadd.s32 $0x2200, s28;
	[sflag:s25] =	ssyncadd.s32 $0xFFFFEC00  }
0x44c: {  	[spmem:s2] =	stream.indirect.scatter.add.f32 [tilespmem:s23], [sflag:$0x5], $0x80, s30, s18, $0xb8;
	[tilespmem:$0x1D000] =	vst v63  }
0x44d: {  	_ =	swait.ge [sflag:s26], $0x1400  }
0x44e: {  	[sflag:s26] =	ssyncset.done $0x0  }
0x44f: {  	s30 =	sadd.s32 $0x400, s28;
	[sflag:s26] =	ssyncadd.s32 $0xFFFFEC00  }
0x450: {  	[tilespmem:s23], [sflag:$0x1] =	stream.indirect.gather [hbm4b:s1+s18], $0x80, s30, s18, $0xb8;
	[tilespmem:$0x1D000] =	vst v63  }
0x451: {  	_ =	swait.ge [sflag:s29], $0x1400  }
0x452: {  	[sflag:s29] =	ssyncset.done $0x0  }
0x453: {  	s30 =	sadd.s32 $0x2280, s28;
	[sflag:s29] =	ssyncadd.s32 $0xFFFFEC00  }
0x454: {  	[spmem:s2] =	stream.indirect.scatter.add.f32 [tilespmem:s20], [sflag:$0x6], $0x80, s30, s18, $0xb8;
	[tilespmem:$0x1D000] =	vst v63  }
0x455: {  	_ =	swait.ge [sflag:s31], $0x1400  }
0x456: {  	[sflag:s31] =	ssyncset.done $0x0  }
0x457: {  	s30 =	sadd.s32 $0x480, s28;
	[sflag:s31] =	ssyncadd.s32 $0xFFFFEC00  }
0x458: {  	[tilespmem:s20], [sflag:$0x2] =	stream.indirect.gather [hbm4b:s1+s18], $0x80, s30, s18, $0xb8;
	[tilespmem:$0x1D000] =	vst v63  }
0x459: {  	_ =	swait.ge [sflag:s9], $0x1400  }
0x45a: {  	[sflag:s9] =	ssyncset.done $0x0  }
0x45b: {  	s30 =	sadd.s32 $0x2300, s28;
	[sflag:s9] =	ssyncadd.s32 $0xFFFFEC00  }
0x45c: {  	[spmem:s2] =	stream.indirect.scatter.add.f32 [tilespmem:s22], [sflag:$0x7], $0x80, s30, s18, $0xb8;
	[tilespmem:$0x1D000] =	vst v63  }
0x45d: {  	_ =	swait.ge [sflag:s11], $0x1400  }
0x45e: {  	[sflag:s11] =	ssyncset.done $0x0  }
.Ltmp19:
0x45f: {  	s30 =	sadd.s32 $0x500, s28;
	[sflag:s11] =	ssyncadd.s32 $0xFFFFEC00;
	(pc) =	sbr.rel @p1 .LBB2_15-.Ltmp19, $4  }
0x460: {  	[tilespmem:s22], [sflag:$0x3] =	stream.indirect.gather [hbm4b:s1+s18], $0x80, s30, s18, $0xb8;
	[tilespmem:$0x1D000] =	vst v63  }
0x461: {  	_ =	swait.ge [sflag:s13], $0x1400  }
0x462: {  	[sflag:s13] =	ssyncset.done $0x0  }
0x463: {  	s28 =	sadd.s32 $0x2380, s28;
	[sflag:s13] =	ssyncadd.s32 $0xFFFFEC00  }
0x464: {  	[spmem:s2] =	stream.indirect.scatter.add.f32 [tilespmem:s24], [sflag:$0x8], $0x80, s28, s18, $0xb8;
	[tilespmem:$0x1D000] =	vst v63  }
0x465: {  	_ =	swait.ge [sflag:s15], $0x1400  }
0x466: {  	[sflag:s15] =	ssyncset.done $0x0  }
0x467: {  	[sflag:s15] =	ssyncadd.s32 $0xFFFFEC00  }
0x468: {  	[tilespmem:s24], [sflag:$0x4] =	stream.indirect.gather [hbm4b:s1+s18], $0x80, s5, s18, $0xb8;
	[tilespmem:$0x1D000] =	vst v63  }
0x469: {  	_ =	swait.ge [sflag:s25], $0x1400  }
0x46a: {  	[sflag:s25] =	ssyncset.done $0x0  }
0x46b: {  	[sflag:s25] =	ssyncadd.s32 $0xFFFFEC00  }
0x46c: {  	[spmem:s2] =	stream.indirect.scatter.add.f32 [tilespmem:s23], [sflag:$0x5], $0x80, s16, s18, $0xb8;
	[tilespmem:$0x1D000] =	vst v63  }
0x46d: {  	_ =	swait.ge [sflag:s29], $0x1400  }
0x46e: {  	[sflag:s29] =	ssyncset.done $0x0  }
0x46f: {  	[sflag:s29] =	ssyncadd.s32 $0xFFFFEC00  }
0x470: {  	[spmem:s2] =	stream.indirect.scatter.add.f32 [tilespmem:s20], [sflag:$0x6], $0x80, s8, s18, $0xb8;
	[tilespmem:$0x1D000] =	vst v63  }
0x471: {  	_ =	swait.ge [sflag:s9], $0x1400  }
0x472: {  	[sflag:s9] =	ssyncset.done $0x0  }
0x473: {  	[sflag:s9] =	ssyncadd.s32 $0xFFFFEC00  }
0x474: {  	[spmem:s2] =	stream.indirect.scatter.add.f32 [tilespmem:s22], [sflag:$0x7], $0x80, s19, s18, $0xb8;
	[tilespmem:$0x1D000] =	vst v63  }
0x475: {  	_ =	swait.ge [sflag:s13], $0x1400  }
0x476: {  	[sflag:s13] =	ssyncset.done $0x0  }
0x477: {  	[sflag:s13] =	ssyncadd.s32 $0xFFFFEC00  }
0x478: {  	[spmem:s2] =	stream.indirect.scatter.add.f32 [tilespmem:s24], [sflag:$0x8], $0x80, s21, s18, $0xb8;
	[tilespmem:$0x1D000] =	vst v63  }
0x479: {  	_ =	swait.ge [sflag:s26], $0x1400  }
0x47a: {  	[sflag:s26] =	ssyncset.done $0x0  }
0x47b: {  	[sflag:s26] =	ssyncadd.s32 $0xFFFFEC00  }
0x47c: {  	_ =	swait.ge [sflag:s31], $0x1400  }
0x47d: {  	[sflag:s31] =	ssyncset.done $0x0  }
0x47e: {  	[sflag:s31] =	ssyncadd.s32 $0xFFFFEC00  }
0x47f: {  	_ =	swait.ge [sflag:s11], $0x1400  }
0x480: {  	[sflag:s11] =	ssyncset.done $0x0  }
0x481: {  	[sflag:s11] =	ssyncadd.s32 $0xFFFFEC00  }
0x482: {  	_ =	swait.ge [sflag:s15], $0x1400  }
0x483: {  	[sflag:s15] =	ssyncset.done $0x0  }
0x484: {  	s3 =	simm.s32 $0x0;
	s28 =	rddreg [dreg:$0x13];
	[sflag:s15] =	ssyncadd.s32 $0xFFFFEC00  }
0x485: {  	[tilespmem:s17], [sflag:$0x9] =	stream.linear.gather [hbm4b:s28+s3], $0x2000, $0x38;
	[tilespmem:$0x1D000] =	vst v63  }
0x486: {  	_ =	swait.ge [sflag:s6], $0x2000  }
0x487: {  	[sflag:s6] =	ssyncset.done $0x0  }
0x488: {  	s28 =	rddreg [dreg:$0x14];
	[sflag:s6] =	ssyncadd.s32 $0xFFFFE000  }
0x489: {  	[tilespmem:s3], [sflag:$0x9] =	stream.linear.gather [hbm4b:s28+s3], $0x2000, $0x38;
	[tilespmem:$0x1D000] =	vst v63  }
0x48a: {  	_ =	swait.ge [sflag:s6], $0x2000  }
0x48b: {  	[sflag:s6] =	ssyncset.done $0x0  }
0x48c: {  	[sflag:s6] =	ssyncadd.s32 $0xFFFFE000  }
0x48d: {  	[tilespmem:s23], [sflag:$0x1] =	stream.indirect.gather [hbm4b:s1+s18], $0x80, s3, s18, $0xb8;
	[tilespmem:$0x1D000] =	vst v63  }
0x48e: {  	s30 =	simm.s32 $0x80  }
0x48f: {  	[tilespmem:s20], [sflag:$0x2] =	stream.indirect.gather [hbm4b:s1+s18], $0x80, s30, s18, $0xb8;
	[tilespmem:$0x1D000] =	vst v63  }
0x490: {  	s30 =	simm.s32 $0x100  }
0x491: {  	[tilespmem:s22], [sflag:$0x3] =	stream.indirect.gather [hbm4b:s1+s18], $0x80, s30, s18, $0xb8;
	[tilespmem:$0x1D000] =	vst v63  }
0x492: {  	s30 =	simm.s32 $0x180  }
0x493: {  	[tilespmem:s24], [sflag:$0x4] =	stream.indirect.gather [hbm4b:s1+s18], $0x80, s30, s18, $0xb8;
	[tilespmem:$0x1D000] =	vst v63  }
0x494: {  	_ =	swait.ge [sflag:s25], $0x1400  }
0x495: {  	[sflag:s25] =	ssyncset.done $0x0  }
0x496: {  	[sflag:s25] =	ssyncadd.s32 $0xFFFFEC00  }
0x497: {  	[spmem:s2] =	stream.indirect.scatter.add.f32 [tilespmem:s23], [sflag:$0x5], $0x80, s17, s18, $0xb8;
	[tilespmem:$0x1D000] =	vst v63  }
0x498: {  	_ =	swait.ge [sflag:s26], $0x1400  }
0x499: {  	[sflag:s26] =	ssyncset.done $0x0  }
0x49a: {  	s30 =	simm.s32 $0x200;
	[sflag:s26] =	ssyncadd.s32 $0xFFFFEC00  }
0x49b: {  	[tilespmem:s23], [sflag:$0x1] =	stream.indirect.gather [hbm4b:s1+s18], $0x80, s30, s18, $0xb8;
	[tilespmem:$0x1D000] =	vst v63  }
0x49c: {  	_ =	swait.ge [sflag:s29], $0x1400  }
0x49d: {  	[sflag:s29] =	ssyncset.done $0x0  }
0x49e: {  	s30 =	simm.s32 $0x2080;
	[sflag:s29] =	ssyncadd.s32 $0xFFFFEC00  }
0x49f: {  	[spmem:s2] =	stream.indirect.scatter.add.f32 [tilespmem:s20], [sflag:$0x6], $0x80, s30, s18, $0xb8;
	[tilespmem:$0x1D000] =	vst v63  }
0x4a0: {  	_ =	swait.ge [sflag:s31], $0x1400  }
0x4a1: {  	[sflag:s31] =	ssyncset.done $0x0  }
0x4a2: {  	[sflag:s31] =	ssyncadd.s32 $0xFFFFEC00  }
0x4a3: {  	[tilespmem:s20], [sflag:$0x2] =	stream.indirect.gather [hbm4b:s1+s18], $0x80, s0, s18, $0xb8;
	[tilespmem:$0x1D000] =	vst v63  }
0x4a4: {  	_ =	swait.ge [sflag:s9], $0x1400  }
0x4a5: {  	[sflag:s9] =	ssyncset.done $0x0  }
0x4a6: {  	[sflag:s9] =	ssyncadd.s32 $0xFFFFEC00  }
0x4a7: {  	[spmem:s2] =	stream.indirect.scatter.add.f32 [tilespmem:s22], [sflag:$0x7], $0x80, s10, s18, $0xb8;
	[tilespmem:$0x1D000] =	vst v63  }
0x4a8: {  	_ =	swait.ge [sflag:s11], $0x1400  }
0x4a9: {  	[sflag:s11] =	ssyncset.done $0x0  }
0x4aa: {  	[sflag:s11] =	ssyncadd.s32 $0xFFFFEC00  }
0x4ab: {  	[tilespmem:s22], [sflag:$0x3] =	stream.indirect.gather [hbm4b:s1+s18], $0x80, s12, s18, $0xb8;
	[tilespmem:$0x1D000] =	vst v63  }
0x4ac: {  	_ =	swait.ge [sflag:s13], $0x1400  }
0x4ad: {  	[sflag:s13] =	ssyncset.done $0x0  }
0x4ae: {  	[sflag:s13] =	ssyncadd.s32 $0xFFFFEC00  }
0x4af: {  	[spmem:s2] =	stream.indirect.scatter.add.f32 [tilespmem:s24], [sflag:$0x8], $0x80, s14, s18, $0xb8;
	[tilespmem:$0x1D000] =	vst v63  }
0x4b0: {  	_ =	swait.ge [sflag:s15], $0x1400  }
0x4b1: {  	[sflag:s15] =	ssyncset.done $0x0  }
0x4b2: {  	s30 =	simm.s32 $0x380;
	[sflag:s15] =	ssyncadd.s32 $0xFFFFEC00  }
0x4b3: {  	[tilespmem:s24], [sflag:$0x4] =	stream.indirect.gather [hbm4b:s1+s18], $0x80, s30, s18, $0xb8;
	[tilespmem:$0x1D000] =	vst v63  }
0x4b4: {  	_ =	swait.ge [sflag:s25], $0x1400  }
0x4b5: {  	[sflag:s25] =	ssyncset.done $0x0  }
0x4b6: {  	s30 =	simm.s32 $0x2200;
	[sflag:s25] =	ssyncadd.s32 $0xFFFFEC00  }
0x4b7: {  	[spmem:s2] =	stream.indirect.scatter.add.f32 [tilespmem:s23], [sflag:$0x5], $0x80, s30, s18, $0xb8;
	[tilespmem:$0x1D000] =	vst v63  }
0x4b8: {  	_ =	swait.ge [sflag:s26], $0x1400  }
0x4b9: {  	[sflag:s26] =	ssyncset.done $0x0  }
0x4ba: {  	s30 =	simm.s32 $0x400;
	[sflag:s26] =	ssyncadd.s32 $0xFFFFEC00  }
0x4bb: {  	[tilespmem:s23], [sflag:$0x1] =	stream.indirect.gather [hbm4b:s1+s18], $0x80, s30, s18, $0xb8;
	[tilespmem:$0x1D000] =	vst v63  }
0x4bc: {  	_ =	swait.ge [sflag:s29], $0x1400  }
0x4bd: {  	[sflag:s29] =	ssyncset.done $0x0  }
0x4be: {  	s30 =	simm.s32 $0x2280;
	[sflag:s29] =	ssyncadd.s32 $0xFFFFEC00  }
0x4bf: {  	[spmem:s2] =	stream.indirect.scatter.add.f32 [tilespmem:s20], [sflag:$0x6], $0x80, s30, s18, $0xb8;
	[tilespmem:$0x1D000] =	vst v63  }
0x4c0: {  	_ =	swait.ge [sflag:s31], $0x1400  }
0x4c1: {  	[sflag:s31] =	ssyncset.done $0x0  }
0x4c2: {  	s30 =	simm.s32 $0x480;
	[sflag:s31] =	ssyncadd.s32 $0xFFFFEC00  }
0x4c3: {  	[tilespmem:s20], [sflag:$0x2] =	stream.indirect.gather [hbm4b:s1+s18], $0x80, s30, s18, $0xb8;
	[tilespmem:$0x1D000] =	vst v63  }
0x4c4: {  	_ =	swait.ge [sflag:s9], $0x1400  }
0x4c5: {  	[sflag:s9] =	ssyncset.done $0x0  }
0x4c6: {  	s30 =	simm.s32 $0x2300;
	[sflag:s9] =	ssyncadd.s32 $0xFFFFEC00  }
0x4c7: {  	[spmem:s2] =	stream.indirect.scatter.add.f32 [tilespmem:s22], [sflag:$0x7], $0x80, s30, s18, $0xb8;
	[tilespmem:$0x1D000] =	vst v63  }
0x4c8: {  	_ =	swait.ge [sflag:s11], $0x1400  }
0x4c9: {  	[sflag:s11] =	ssyncset.done $0x0  }
0x4ca: {  	s30 =	simm.s32 $0x500;
	[sflag:s11] =	ssyncadd.s32 $0xFFFFEC00  }
0x4cb: {  	[tilespmem:s22], [sflag:$0x3] =	stream.indirect.gather [hbm4b:s1+s18], $0x80, s30, s18, $0xb8;
	[tilespmem:$0x1D000] =	vst v63  }
0x4cc: {  	_ =	swait.ge [sflag:s13], $0x1400  }
0x4cd: {  	[sflag:s13] =	ssyncset.done $0x0  }
0x4ce: {  	s28 =	simm.s32 $0x2380;
	s3 =	simm.s32 $0x800;
	[sflag:s13] =	ssyncadd.s32 $0xFFFFEC00  }
.LBB2_17:
0x4cf: {  	[spmem:s2] =	stream.indirect.scatter.add.f32 [tilespmem:s24], [sflag:$0x8], $0x80, s28, s18, $0xb8;
	[tilespmem:$0x1D000] =	vst v63  }
0x4d0: {  	s28 =	smov.u32 s3  }
0x4d1: {  	p1 =	sne.s32 s3, $0x6800;
	s3 =	sadd.s32 $0x800, s3;
	_ =	swait.ge [sflag:s15], $0x1400  }
0x4d2: {  	s28 =	sshra.s32 s28, $0x2;
	[sflag:s15] =	ssyncset.done $0x0  }
0x4d3: {  	s30 =	sadd.s32 $0x380, s28;
	[sflag:s15] =	ssyncadd.s32 $0xFFFFEC00  }
0x4d4: {  	[tilespmem:s24], [sflag:$0x4] =	stream.indirect.gather [hbm4b:s1+s18], $0x80, s30, s18, $0xb8;
	[tilespmem:$0x1D000] =	vst v63  }
0x4d5: {  	_ =	swait.ge [sflag:s25], $0x1400  }
0x4d6: {  	[sflag:s25] =	ssyncset.done $0x0  }
0x4d7: {  	s30 =	sadd.s32 $0x2200, s28;
	[sflag:s25] =	ssyncadd.s32 $0xFFFFEC00  }
0x4d8: {  	[spmem:s2] =	stream.indirect.scatter.add.f32 [tilespmem:s23], [sflag:$0x5], $0x80, s30, s18, $0xb8;
	[tilespmem:$0x1D000] =	vst v63  }
0x4d9: {  	_ =	swait.ge [sflag:s26], $0x1400  }
0x4da: {  	[sflag:s26] =	ssyncset.done $0x0  }
0x4db: {  	s30 =	sadd.s32 $0x400, s28;
	[sflag:s26] =	ssyncadd.s32 $0xFFFFEC00  }
0x4dc: {  	[tilespmem:s23], [sflag:$0x1] =	stream.indirect.gather [hbm4b:s1+s18], $0x80, s30, s18, $0xb8;
	[tilespmem:$0x1D000] =	vst v63  }
0x4dd: {  	_ =	swait.ge [sflag:s29], $0x1400  }
0x4de: {  	[sflag:s29] =	ssyncset.done $0x0  }
0x4df: {  	s30 =	sadd.s32 $0x2280, s28;
	[sflag:s29] =	ssyncadd.s32 $0xFFFFEC00  }
0x4e0: {  	[spmem:s2] =	stream.indirect.scatter.add.f32 [tilespmem:s20], [sflag:$0x6], $0x80, s30, s18, $0xb8;
	[tilespmem:$0x1D000] =	vst v63  }
0x4e1: {  	_ =	swait.ge [sflag:s31], $0x1400  }
0x4e2: {  	[sflag:s31] =	ssyncset.done $0x0  }
0x4e3: {  	s30 =	sadd.s32 $0x480, s28;
	[sflag:s31] =	ssyncadd.s32 $0xFFFFEC00  }
0x4e4: {  	[tilespmem:s20], [sflag:$0x2] =	stream.indirect.gather [hbm4b:s1+s18], $0x80, s30, s18, $0xb8;
	[tilespmem:$0x1D000] =	vst v63  }
0x4e5: {  	_ =	swait.ge [sflag:s9], $0x1400  }
0x4e6: {  	[sflag:s9] =	ssyncset.done $0x0  }
0x4e7: {  	s30 =	sadd.s32 $0x2300, s28;
	[sflag:s9] =	ssyncadd.s32 $0xFFFFEC00  }
0x4e8: {  	[spmem:s2] =	stream.indirect.scatter.add.f32 [tilespmem:s22], [sflag:$0x7], $0x80, s30, s18, $0xb8;
	[tilespmem:$0x1D000] =	vst v63  }
0x4e9: {  	_ =	swait.ge [sflag:s11], $0x1400  }
0x4ea: {  	[sflag:s11] =	ssyncset.done $0x0  }
.Ltmp20:
0x4eb: {  	s30 =	sadd.s32 $0x500, s28;
	[sflag:s11] =	ssyncadd.s32 $0xFFFFEC00;
	(pc) =	sbr.rel @p1 .LBB2_17-.Ltmp20, $4  }
0x4ec: {  	[tilespmem:s22], [sflag:$0x3] =	stream.indirect.gather [hbm4b:s1+s18], $0x80, s30, s18, $0xb8;
	[tilespmem:$0x1D000] =	vst v63  }
0x4ed: {  	_ =	swait.ge [sflag:s13], $0x1400  }
0x4ee: {  	[sflag:s13] =	ssyncset.done $0x0  }
0x4ef: {  	s28 =	sadd.s32 $0x2380, s28;
	[sflag:s13] =	ssyncadd.s32 $0xFFFFEC00  }
0x4f0: {  	[spmem:s2] =	stream.indirect.scatter.add.f32 [tilespmem:s24], [sflag:$0x8], $0x80, s28, s18, $0xb8;
	[tilespmem:$0x1D000] =	vst v63  }
0x4f1: {  	_ =	swait.ge [sflag:s15], $0x1400  }
0x4f2: {  	[sflag:s15] =	ssyncset.done $0x0  }
0x4f3: {  	[sflag:s15] =	ssyncadd.s32 $0xFFFFEC00  }
0x4f4: {  	[tilespmem:s24], [sflag:$0x4] =	stream.indirect.gather [hbm4b:s1+s18], $0x80, s5, s18, $0xb8;
	[tilespmem:$0x1D000] =	vst v63  }
0x4f5: {  	_ =	swait.ge [sflag:s25], $0x1400  }
0x4f6: {  	[sflag:s25] =	ssyncset.done $0x0  }
0x4f7: {  	[sflag:s25] =	ssyncadd.s32 $0xFFFFEC00  }
0x4f8: {  	[spmem:s2] =	stream.indirect.scatter.add.f32 [tilespmem:s23], [sflag:$0x5], $0x80, s16, s18, $0xb8;
	[tilespmem:$0x1D000] =	vst v63  }
0x4f9: {  	_ =	swait.ge [sflag:s29], $0x1400  }
0x4fa: {  	[sflag:s29] =	ssyncset.done $0x0  }
0x4fb: {  	[sflag:s29] =	ssyncadd.s32 $0xFFFFEC00  }
0x4fc: {  	[spmem:s2] =	stream.indirect.scatter.add.f32 [tilespmem:s20], [sflag:$0x6], $0x80, s8, s18, $0xb8;
	[tilespmem:$0x1D000] =	vst v63  }
0x4fd: {  	_ =	swait.ge [sflag:s9], $0x1400  }
0x4fe: {  	[sflag:s9] =	ssyncset.done $0x0  }
0x4ff: {  	[sflag:s9] =	ssyncadd.s32 $0xFFFFEC00  }
0x500: {  	[spmem:s2] =	stream.indirect.scatter.add.f32 [tilespmem:s22], [sflag:$0x7], $0x80, s19, s18, $0xb8;
	[tilespmem:$0x1D000] =	vst v63  }
0x501: {  	_ =	swait.ge [sflag:s13], $0x1400  }
0x502: {  	[sflag:s13] =	ssyncset.done $0x0  }
0x503: {  	[sflag:s13] =	ssyncadd.s32 $0xFFFFEC00  }
0x504: {  	[spmem:s2] =	stream.indirect.scatter.add.f32 [tilespmem:s24], [sflag:$0x8], $0x80, s21, s18, $0xb8;
	[tilespmem:$0x1D000] =	vst v63  }
0x505: {  	_ =	swait.ge [sflag:s26], $0x1400  }
0x506: {  	[sflag:s26] =	ssyncset.done $0x0  }
0x507: {  	[sflag:s26] =	ssyncadd.s32 $0xFFFFEC00  }
0x508: {  	_ =	swait.ge [sflag:s31], $0x1400  }
0x509: {  	[sflag:s31] =	ssyncset.done $0x0  }
0x50a: {  	[sflag:s31] =	ssyncadd.s32 $0xFFFFEC00  }
0x50b: {  	_ =	swait.ge [sflag:s11], $0x1400  }
0x50c: {  	[sflag:s11] =	ssyncset.done $0x0  }
0x50d: {  	[sflag:s11] =	ssyncadd.s32 $0xFFFFEC00  }
0x50e: {  	_ =	swait.ge [sflag:s15], $0x1400  }
0x50f: {  	[sflag:s15] =	ssyncset.done $0x0  }
0x510: {  	s3 =	simm.s32 $0x0;
	s28 =	rddreg [dreg:$0x15];
	[sflag:s15] =	ssyncadd.s32 $0xFFFFEC00  }
0x511: {  	[tilespmem:s17], [sflag:$0x9] =	stream.linear.gather [hbm4b:s28+s3], $0x2000, $0x38;
	[tilespmem:$0x1D000] =	vst v63  }
0x512: {  	_ =	swait.ge [sflag:s6], $0x2000  }
0x513: {  	[sflag:s6] =	ssyncset.done $0x0  }
0x514: {  	s28 =	rddreg [dreg:$0x16];
	[sflag:s6] =	ssyncadd.s32 $0xFFFFE000  }
0x515: {  	[tilespmem:s3], [sflag:$0x9] =	stream.linear.gather [hbm4b:s28+s3], $0x2000, $0x38;
	[tilespmem:$0x1D000] =	vst v63  }
0x516: {  	_ =	swait.ge [sflag:s6], $0x2000  }
0x517: {  	[sflag:s6] =	ssyncset.done $0x0  }
0x518: {  	[sflag:s6] =	ssyncadd.s32 $0xFFFFE000  }
0x519: {  	[tilespmem:s23], [sflag:$0x1] =	stream.indirect.gather [hbm4b:s1+s18], $0x80, s3, s18, $0xb8;
	[tilespmem:$0x1D000] =	vst v63  }
0x51a: {  	s30 =	simm.s32 $0x80  }
0x51b: {  	[tilespmem:s20], [sflag:$0x2] =	stream.indirect.gather [hbm4b:s1+s18], $0x80, s30, s18, $0xb8;
	[tilespmem:$0x1D000] =	vst v63  }
0x51c: {  	s30 =	simm.s32 $0x100  }
0x51d: {  	[tilespmem:s22], [sflag:$0x3] =	stream.indirect.gather [hbm4b:s1+s18], $0x80, s30, s18, $0xb8;
	[tilespmem:$0x1D000] =	vst v63  }
0x51e: {  	s30 =	simm.s32 $0x180  }
0x51f: {  	[tilespmem:s24], [sflag:$0x4] =	stream.indirect.gather [hbm4b:s1+s18], $0x80, s30, s18, $0xb8;
	[tilespmem:$0x1D000] =	vst v63  }
0x520: {  	_ =	swait.ge [sflag:s25], $0x1400  }
0x521: {  	[sflag:s25] =	ssyncset.done $0x0  }
0x522: {  	[sflag:s25] =	ssyncadd.s32 $0xFFFFEC00  }
0x523: {  	[spmem:s2] =	stream.indirect.scatter.add.f32 [tilespmem:s23], [sflag:$0x5], $0x80, s17, s18, $0xb8;
	[tilespmem:$0x1D000] =	vst v63  }
0x524: {  	_ =	swait.ge [sflag:s26], $0x1400  }
0x525: {  	[sflag:s26] =	ssyncset.done $0x0  }
0x526: {  	s30 =	simm.s32 $0x200;
	[sflag:s26] =	ssyncadd.s32 $0xFFFFEC00  }
0x527: {  	[tilespmem:s23], [sflag:$0x1] =	stream.indirect.gather [hbm4b:s1+s18], $0x80, s30, s18, $0xb8;
	[tilespmem:$0x1D000] =	vst v63  }
0x528: {  	_ =	swait.ge [sflag:s29], $0x1400  }
0x529: {  	[sflag:s29] =	ssyncset.done $0x0  }
0x52a: {  	s30 =	simm.s32 $0x2080;
	[sflag:s29] =	ssyncadd.s32 $0xFFFFEC00  }
0x52b: {  	[spmem:s2] =	stream.indirect.scatter.add.f32 [tilespmem:s20], [sflag:$0x6], $0x80, s30, s18, $0xb8;
	[tilespmem:$0x1D000] =	vst v63  }
0x52c: {  	_ =	swait.ge [sflag:s31], $0x1400  }
0x52d: {  	[sflag:s31] =	ssyncset.done $0x0  }
0x52e: {  	[sflag:s31] =	ssyncadd.s32 $0xFFFFEC00  }
0x52f: {  	[tilespmem:s20], [sflag:$0x2] =	stream.indirect.gather [hbm4b:s1+s18], $0x80, s0, s18, $0xb8;
	[tilespmem:$0x1D000] =	vst v63  }
0x530: {  	_ =	swait.ge [sflag:s9], $0x1400  }
0x531: {  	[sflag:s9] =	ssyncset.done $0x0  }
0x532: {  	[sflag:s9] =	ssyncadd.s32 $0xFFFFEC00  }
0x533: {  	[spmem:s2] =	stream.indirect.scatter.add.f32 [tilespmem:s22], [sflag:$0x7], $0x80, s10, s18, $0xb8;
	[tilespmem:$0x1D000] =	vst v63  }
0x534: {  	_ =	swait.ge [sflag:s11], $0x1400  }
0x535: {  	[sflag:s11] =	ssyncset.done $0x0  }
0x536: {  	[sflag:s11] =	ssyncadd.s32 $0xFFFFEC00  }
0x537: {  	[tilespmem:s22], [sflag:$0x3] =	stream.indirect.gather [hbm4b:s1+s18], $0x80, s12, s18, $0xb8;
	[tilespmem:$0x1D000] =	vst v63  }
0x538: {  	_ =	swait.ge [sflag:s13], $0x1400  }
0x539: {  	[sflag:s13] =	ssyncset.done $0x0  }
0x53a: {  	[sflag:s13] =	ssyncadd.s32 $0xFFFFEC00  }
0x53b: {  	[spmem:s2] =	stream.indirect.scatter.add.f32 [tilespmem:s24], [sflag:$0x8], $0x80, s14, s18, $0xb8;
	[tilespmem:$0x1D000] =	vst v63  }
0x53c: {  	_ =	swait.ge [sflag:s15], $0x1400  }
0x53d: {  	[sflag:s15] =	ssyncset.done $0x0  }
0x53e: {  	s30 =	simm.s32 $0x380;
	[sflag:s15] =	ssyncadd.s32 $0xFFFFEC00  }
0x53f: {  	[tilespmem:s24], [sflag:$0x4] =	stream.indirect.gather [hbm4b:s1+s18], $0x80, s30, s18, $0xb8;
	[tilespmem:$0x1D000] =	vst v63  }
0x540: {  	_ =	swait.ge [sflag:s25], $0x1400  }
0x541: {  	[sflag:s25] =	ssyncset.done $0x0  }
0x542: {  	s30 =	simm.s32 $0x2200;
	[sflag:s25] =	ssyncadd.s32 $0xFFFFEC00  }
0x543: {  	[spmem:s2] =	stream.indirect.scatter.add.f32 [tilespmem:s23], [sflag:$0x5], $0x80, s30, s18, $0xb8;
	[tilespmem:$0x1D000] =	vst v63  }
0x544: {  	_ =	swait.ge [sflag:s26], $0x1400  }
0x545: {  	[sflag:s26] =	ssyncset.done $0x0  }
0x546: {  	s30 =	simm.s32 $0x400;
	[sflag:s26] =	ssyncadd.s32 $0xFFFFEC00  }
0x547: {  	[tilespmem:s23], [sflag:$0x1] =	stream.indirect.gather [hbm4b:s1+s18], $0x80, s30, s18, $0xb8;
	[tilespmem:$0x1D000] =	vst v63  }
0x548: {  	_ =	swait.ge [sflag:s29], $0x1400  }
0x549: {  	[sflag:s29] =	ssyncset.done $0x0  }
0x54a: {  	s30 =	simm.s32 $0x2280;
	[sflag:s29] =	ssyncadd.s32 $0xFFFFEC00  }
0x54b: {  	[spmem:s2] =	stream.indirect.scatter.add.f32 [tilespmem:s20], [sflag:$0x6], $0x80, s30, s18, $0xb8;
	[tilespmem:$0x1D000] =	vst v63  }
0x54c: {  	_ =	swait.ge [sflag:s31], $0x1400  }
0x54d: {  	[sflag:s31] =	ssyncset.done $0x0  }
0x54e: {  	s30 =	simm.s32 $0x480;
	[sflag:s31] =	ssyncadd.s32 $0xFFFFEC00  }
0x54f: {  	[tilespmem:s20], [sflag:$0x2] =	stream.indirect.gather [hbm4b:s1+s18], $0x80, s30, s18, $0xb8;
	[tilespmem:$0x1D000] =	vst v63  }
0x550: {  	_ =	swait.ge [sflag:s9], $0x1400  }
0x551: {  	[sflag:s9] =	ssyncset.done $0x0  }
0x552: {  	s30 =	simm.s32 $0x2300;
	[sflag:s9] =	ssyncadd.s32 $0xFFFFEC00  }
0x553: {  	[spmem:s2] =	stream.indirect.scatter.add.f32 [tilespmem:s22], [sflag:$0x7], $0x80, s30, s18, $0xb8;
	[tilespmem:$0x1D000] =	vst v63  }
0x554: {  	_ =	swait.ge [sflag:s11], $0x1400  }
0x555: {  	[sflag:s11] =	ssyncset.done $0x0  }
0x556: {  	s30 =	simm.s32 $0x500;
	[sflag:s11] =	ssyncadd.s32 $0xFFFFEC00  }
0x557: {  	[tilespmem:s22], [sflag:$0x3] =	stream.indirect.gather [hbm4b:s1+s18], $0x80, s30, s18, $0xb8;
	[tilespmem:$0x1D000] =	vst v63  }
0x558: {  	_ =	swait.ge [sflag:s13], $0x1400  }
0x559: {  	[sflag:s13] =	ssyncset.done $0x0  }
0x55a: {  	s28 =	simm.s32 $0x2380;
	s3 =	simm.s32 $0x800;
	[sflag:s13] =	ssyncadd.s32 $0xFFFFEC00  }
.LBB2_19:
0x55b: {  	[spmem:s2] =	stream.indirect.scatter.add.f32 [tilespmem:s24], [sflag:$0x8], $0x80, s28, s18, $0xb8;
	[tilespmem:$0x1D000] =	vst v63  }
0x55c: {  	s28 =	smov.u32 s3  }
0x55d: {  	p1 =	sne.s32 s3, $0x6800;
	s3 =	sadd.s32 $0x800, s3;
	_ =	swait.ge [sflag:s15], $0x1400  }
0x55e: {  	s28 =	sshra.s32 s28, $0x2;
	[sflag:s15] =	ssyncset.done $0x0  }
0x55f: {  	s30 =	sadd.s32 $0x380, s28;
	[sflag:s15] =	ssyncadd.s32 $0xFFFFEC00  }
0x560: {  	[tilespmem:s24], [sflag:$0x4] =	stream.indirect.gather [hbm4b:s1+s18], $0x80, s30, s18, $0xb8;
	[tilespmem:$0x1D000] =	vst v63  }
0x561: {  	_ =	swait.ge [sflag:s25], $0x1400  }
0x562: {  	[sflag:s25] =	ssyncset.done $0x0  }
0x563: {  	s30 =	sadd.s32 $0x2200, s28;
	[sflag:s25] =	ssyncadd.s32 $0xFFFFEC00  }
0x564: {  	[spmem:s2] =	stream.indirect.scatter.add.f32 [tilespmem:s23], [sflag:$0x5], $0x80, s30, s18, $0xb8;
	[tilespmem:$0x1D000] =	vst v63  }
0x565: {  	_ =	swait.ge [sflag:s26], $0x1400  }
0x566: {  	[sflag:s26] =	ssyncset.done $0x0  }
0x567: {  	s30 =	sadd.s32 $0x400, s28;
	[sflag:s26] =	ssyncadd.s32 $0xFFFFEC00  }
0x568: {  	[tilespmem:s23], [sflag:$0x1] =	stream.indirect.gather [hbm4b:s1+s18], $0x80, s30, s18, $0xb8;
	[tilespmem:$0x1D000] =	vst v63  }
0x569: {  	_ =	swait.ge [sflag:s29], $0x1400  }
0x56a: {  	[sflag:s29] =	ssyncset.done $0x0  }
0x56b: {  	s30 =	sadd.s32 $0x2280, s28;
	[sflag:s29] =	ssyncadd.s32 $0xFFFFEC00  }
0x56c: {  	[spmem:s2] =	stream.indirect.scatter.add.f32 [tilespmem:s20], [sflag:$0x6], $0x80, s30, s18, $0xb8;
	[tilespmem:$0x1D000] =	vst v63  }
0x56d: {  	_ =	swait.ge [sflag:s31], $0x1400  }
0x56e: {  	[sflag:s31] =	ssyncset.done $0x0  }
0x56f: {  	s30 =	sadd.s32 $0x480, s28;
	[sflag:s31] =	ssyncadd.s32 $0xFFFFEC00  }
0x570: {  	[tilespmem:s20], [sflag:$0x2] =	stream.indirect.gather [hbm4b:s1+s18], $0x80, s30, s18, $0xb8;
	[tilespmem:$0x1D000] =	vst v63  }
0x571: {  	_ =	swait.ge [sflag:s9], $0x1400  }
0x572: {  	[sflag:s9] =	ssyncset.done $0x0  }
0x573: {  	s30 =	sadd.s32 $0x2300, s28;
	[sflag:s9] =	ssyncadd.s32 $0xFFFFEC00  }
0x574: {  	[spmem:s2] =	stream.indirect.scatter.add.f32 [tilespmem:s22], [sflag:$0x7], $0x80, s30, s18, $0xb8;
	[tilespmem:$0x1D000] =	vst v63  }
0x575: {  	_ =	swait.ge [sflag:s11], $0x1400  }
0x576: {  	[sflag:s11] =	ssyncset.done $0x0  }
.Ltmp21:
0x577: {  	s30 =	sadd.s32 $0x500, s28;
	[sflag:s11] =	ssyncadd.s32 $0xFFFFEC00;
	(pc) =	sbr.rel @p1 .LBB2_19-.Ltmp21, $4  }
0x578: {  	[tilespmem:s22], [sflag:$0x3] =	stream.indirect.gather [hbm4b:s1+s18], $0x80, s30, s18, $0xb8;
	[tilespmem:$0x1D000] =	vst v63  }
0x579: {  	_ =	swait.ge [sflag:s13], $0x1400  }
0x57a: {  	[sflag:s13] =	ssyncset.done $0x0  }
0x57b: {  	s28 =	sadd.s32 $0x2380, s28;
	[sflag:s13] =	ssyncadd.s32 $0xFFFFEC00  }
.Ltmp22:
0x57c: {  	_ = 	snop;
	(pc) =	sbr.rel .LBB2_20-.Ltmp22, $1  }
0x57d: {  	_ =	sdelay $0x3  }
.LBB2_41:
0x57e: {  	_ =	sfence.sel $0x180000  }
0x57f: {  	[bflag:$0x0] =	sbarrier.arrive $0xFFFF  }
0x580: {  	_ =	strace $0x90000047  }
0x581: {  	s0 =	stileid.u32;
	[bflag:$0x2] =	sbarrier.arrive $0xFFFF  }
0x582: {  	p0 =	sne.s32 s0, $0x0;
	s0 =	rddreg [dreg:$0x4]  }
0x583: {  	s0 =	sadd.s32 @!p0 $0x100000, s0  }
0x584: {  	[sflag:s0] =	ssyncadd.tile.s32 @!p0 $0x1;
	_ =	shalt  }
.Lfunc_end2:
_tile_overlayer_lowered:
.L_overlay_start_2:
0x585: {  	(tag) =	ssettag $0x2  }
0x586: {  	s0 =	rddreg [dreg:$0x0];
	s2 =	stileid.u32  }
0x587: {  	s1 =	rddreg [dreg:$0x1];
	p0 =	sne.s32 s2, $0x0  }
0x588: {  	s3 =	rddreg [dreg:$0x2];
	[bflag:$0x3] =	sbarrier.arrive $0xFFFF;
	s2 =	simm.s32 @!p0 $0x1C09  }
0x589: {  	[timem:s3], [sflag:s2] =	dma.local @!p0 [hbm:s0], s1  }
0x58a: {  	s0 =	simm.s32 @!p0 $0x9  }
0x58b: {  	_ =	swait.ge @!p0 [sflag:s0], s1  }
0x58c: {  	s1 =	ssub.s32 @!p0 $0x0, s1;
	[sflag:s0] =	ssyncset.done @!p0 $0x0  }
0x58d: {  	[sflag:s0] =	ssyncadd.s32 @!p0 s1  }
0x58e: {  	[bflag:$0x3] =	sbarrier.arrive $0xFFFF  }
0x58f: {  	_ =	shalt  }

</sc_bundles>
